<compile_context>
chip_gen: v7x
topology: tpu7x:2x2x1
jax: 0.10.2.dev20260603
libtpu: 0.0.44.dev20260713+nightly
codegen_flags: <defaults>
</compile_context>

<pallas_src>
import functools

import jax
import jax.numpy as jnp
from jax import lax
from jax.experimental import pallas as pl
from jax.experimental.pallas import tpu as pltpu
from jax.experimental.pallas import tpu_sc as plsc

NC = 2
NS = 16
CH = 128
D = 128


NB = 3


@functools.lru_cache(maxsize=None)
def _make_segsum(n, e, d):
    tch = e // CH
    q = tch // (NC * NS)
    xr = tch - q * NC * NS
    rpt = (n // NS) // 8 * 8
    rem = n - NS * rpt
    zf = rpt // CH
    zr = rpt - zf * CH
    assert e % CH == 0 and q % NB == 0 and q >= 2 * NB
    assert 0 <= rem <= CH and rem % 8 == 0 and zr % 8 == 0

    mesh = plsc.VectorSubcoreMesh(core_axis_name="c", subcore_axis_name="s")

    scratch = [
        pltpu.VMEM((NB, 2, CH), jnp.int32),
        pltpu.VMEM((NB, CH, d), jnp.float32),
        pltpu.VMEM_SHARED((n, d), jnp.float32),
        pltpu.SemaphoreType.DMA,
        pltpu.SemaphoreType.DMA,
        pltpu.SemaphoreType.DMA,
        pltpu.SemaphoreType.DMA,
        pltpu.SemaphoreType.DMA,
        pltpu.SemaphoreType.DMA,
    ]

    @functools.partial(
        pl.kernel,
        out_type=jax.ShapeDtypeStruct((2 * n, d), jnp.float32),
        mesh=mesh,
        scratch_types=scratch,
    )
    def segsum(y_hbm, ec_hbm, out_hbm, idx_v, rows_v, acc_sh,
               sg0, sg1, sg2, ss0, ss1, ss2):
        cid = lax.axis_index("c")
        sid = lax.axis_index("s")
        wid = cid * NS + sid
        semg = (sg0, sg1, sg2)
        sems = (ss0, ss1, ss2)
        tbl = y_hbm

        def idx_load(t, b):
            pltpu.sync_copy(ec_hbm.at[t], idx_v.at[b % NB])

        def gather_start(b):
            b = b % NB
            pltpu.async_copy(tbl.at[idx_v.at[b, 0]], rows_v.at[b], semg[b])

        def gather_wait(b):
            b = b % NB
            pltpu.make_async_copy(tbl.at[idx_v.at[b, 0]], rows_v.at[b],
                                  semg[b]).wait()

        def scatter_start(b):
            b = b % NB
            pltpu.async_copy(rows_v.at[b], acc_sh.at[idx_v.at[b, 1]],
                             sems[b], add=True)

        def scatter_wait(b):
            b = b % NB
            pltpu.make_async_copy(rows_v.at[b], acc_sh.at[idx_v.at[b, 1]],
                                  sems[b]).wait()

        def zfill(r, _):
            for j in range(d // 16):
                rows_v[0, r, pl.ds(j * 16, 16)] = jnp.zeros((16,),
                                                            jnp.float32)
            return _
        lax.fori_loop(0, CH, zfill, 0)
        zbase = sid * rpt

        def zcopy(t, _):
            pltpu.sync_copy(rows_v.at[0], acc_sh.at[pl.ds(zbase + t * CH,
                                                          CH)])
            return _
        lax.fori_loop(0, zf, zcopy, 0)
        if zr:
            pltpu.sync_copy(rows_v.at[0, pl.ds(0, zr)],
                            acc_sh.at[pl.ds(zbase + zf * CH, zr)])
        if rem:
            @pl.when(sid == NS - 1)
            def _zrem():
                pltpu.sync_copy(rows_v.at[0, pl.ds(0, rem)],
                                acc_sh.at[pl.ds(NS * rpt, rem)])
        plsc.subcore_barrier()

        c0 = wid * q

        def visit(t, k, swt=True, pref=True):
            if swt:
                scatter_wait(k - 1)
            if pref:
                idx_load(c0 + t + 2, k + 2)
                gather_start(k + 2)
            gather_wait(k)
            scatter_start(k)

        idx_load(c0 + 0, 0)
        gather_start(0)
        idx_load(c0 + 1, 1)
        gather_start(1)
        visit(0, 0, swt=False)
        visit(1, 1)
        visit(2, 2)

        def group(g, _):
            for k3 in range(NB):
                visit(NB + g * NB + k3, k3)
            return _
        lax.fori_loop(0, (q - 2 * NB) // NB, group, 0)

        visit(q - 3, q - 3)
        visit(q - 2, q - 2, pref=False)
        visit(q - 1, q - 1, pref=False)
        scatter_wait(q - 1)

        if xr:
            @pl.when(wid < xr)
            def _extra():
                idx_load(tch - xr + wid, 0)
                gather_start(0)
                gather_wait(0)
                scatter_start(0)
                scatter_wait(0)

        plsc.subcore_barrier()
        pltpu.sync_copy(acc_sh.at[pl.ds(sid * rpt, rpt)],
                        out_hbm.at[pl.ds(cid * n + sid * rpt, rpt)])
        if rem:
            @pl.when(sid == NS - 1)
            def _orem():
                pltpu.sync_copy(acc_sh.at[pl.ds(NS * rpt, rem)],
                                out_hbm.at[pl.ds(cid * n + NS * rpt, rem)])

    return segsum


def _lin_body(x_ref, w_ref, b_ref, o_ref):
    o_ref[...] = (jnp.dot(x_ref[...], w_ref[...],
                          preferred_element_type=jnp.float32) + b_ref[...])


def _make_mid_body(d_hid):
    def _mid_body(p0_ref, p1_ref, xr1_ref, w1l_ref, hp_ref):
        agg = p0_ref[...] + p1_ref[...]
        h = jnp.maximum(
            jnp.dot(agg, w1l_ref[...], preferred_element_type=jnp.float32)
            + xr1_ref[...],
            0.0)
        hp_ref[...] = jnp.concatenate([h, jnp.zeros_like(h)], axis=1)
    return _mid_body


def _make_r2_body(d_hid):
    def _r2_body(hp_ref, w2r_ref, b2_ref, o_ref):
        o_ref[...] = (jnp.dot(hp_ref[...][:, :d_hid], w2r_ref[...],
                              preferred_element_type=jnp.float32)
                      + b2_ref[...])
    return _r2_body


def _make_out_body(d_hid):
    def _out_body(q0_ref, q1_ref, r2_ref, w2l_ref, o_ref):
        agg = (q0_ref[...] + q1_ref[...])[:, :d_hid]
        z = jnp.dot(agg, w2l_ref[...],
                    preferred_element_type=jnp.float32) + r2_ref[...]
        m = jnp.max(z, axis=1, keepdims=True)
        lse = m + jnp.log(jnp.sum(jnp.exp(z - m), axis=1, keepdims=True))
        o_ref[...] = z - lse
    return _out_body


def _row_spec(rb, cols, row_off=0):
    return pl.BlockSpec((rb, cols), lambda i, _o=row_off: (i + _o, 0))


def _full_spec(shape):
    return pl.BlockSpec(shape, lambda i: (0,) * len(shape))


@jax.jit
def kernel(x, edge_index, W1l, W1r, b1, W2l, W2r, b2):
    n, d_in = x.shape
    e = edge_index.shape[1]
    d_hid = W1l.shape[1]
    c = W2l.shape[1]
    assert d_in == D and 2 * d_hid == D

    ec = edge_index.reshape(2, e // CH, CH).transpose(1, 0, 2)
    b1_r = b1.reshape(1, d_hid)
    b2_r = b2.reshape(1, c)

    rb = 2000
    grid = (n // rb,)

    segsum = _make_segsum(n, e, D)

    agg1 = segsum(x, ec)

    xr1 = pl.pallas_call(
        _lin_body,
        grid=grid,
        in_specs=[_row_spec(rb, D), _full_spec((d_in, d_hid)),
                  _full_spec((1, d_hid))],
        out_specs=_row_spec(rb, d_hid),
        out_shape=jax.ShapeDtypeStruct((n, d_hid), jnp.float32),
    )(x, W1r, b1_r)

    hp = pl.pallas_call(
        _make_mid_body(d_hid),
        grid=grid,
        in_specs=[_row_spec(rb, D), _row_spec(rb, D, n // rb),
                  _row_spec(rb, d_hid), _full_spec((d_in, d_hid))],
        out_specs=_row_spec(rb, D),
        out_shape=jax.ShapeDtypeStruct((n, D), jnp.float32),
    )(agg1, agg1, xr1, W1l)

    agg2 = segsum(hp, ec)

    r2 = pl.pallas_call(
        _make_r2_body(d_hid),
        grid=grid,
        in_specs=[_row_spec(rb, D), _full_spec((d_hid, c)),
                  _full_spec((1, c))],
        out_specs=_row_spec(rb, c),
        out_shape=jax.ShapeDtypeStruct((n, c), jnp.float32),
    )(hp, W2r, b2_r)

    out = pl.pallas_call(
        _make_out_body(d_hid),
        grid=grid,
        in_specs=[_row_spec(rb, D), _row_spec(rb, D, n // rb),
                  _row_spec(rb, c), _full_spec((d_hid, c))],
        out_specs=_row_spec(rb, c),
        out_shape=jax.ShapeDtypeStruct((n, c), jnp.float32),
    )(agg2, agg2, r2, W2l)

    return out

# --- scband reference (transcript-rebuilt; emitter-appended) ---
"""Pipeline reference for scband-net0-72791105732853 (READ-ONLY COPY).

The authoritative reference and input builder live on the scoring server;
editing this copy changes nothing except your own understanding.
"""

import jax, jax.numpy as jnp
import numpy as np

N = 10000
E = 320000
D_IN = 128
D_HID = 64
N_CLASSES = 41


def setup_inputs(seed: int = 0) -> dict:
    key = jax.random.key(seed)
    ks = jax.random.split(key, 9)
    x = jax.random.normal(ks[0], (N, D_IN), dtype=jnp.float32)
    edge_index = jax.random.randint(ks[1], (2, E), 0, N, dtype=jnp.int32)
    # SAGEConv layer 1: lin_l (applied to aggregated neighbors, with bias), lin_r (root, no bias)
    s1 = 1.0 / np.sqrt(D_IN)
    W1l = jax.random.uniform(ks[2], (D_IN, D_HID), dtype=jnp.float32, minval=-s1, maxval=s1)
    W1r = jax.random.uniform(ks[3], (D_IN, D_HID), dtype=jnp.float32, minval=-s1, maxval=s1)
    b1 = jax.random.uniform(ks[4], (D_HID,), dtype=jnp.float32, minval=-s1, maxval=s1)
    # SAGEConv layer 2
    s2 = 1.0 / np.sqrt(D_HID)
    W2l = jax.random.uniform(ks[5], (D_HID, N_CLASSES), dtype=jnp.float32, minval=-s2, maxval=s2)
    W2r = jax.random.uniform(ks[6], (D_HID, N_CLASSES), dtype=jnp.float32, minval=-s2, maxval=s2)
    b2 = jax.random.uniform(ks[7], (N_CLASSES,), dtype=jnp.float32, minval=-s2, maxval=s2)
    return {"x": x, "edge_index": edge_index, "W1l": W1l, "W1r": W1r, "b1": b1,
            "W2l": W2l, "W2r": W2r, "b2": b2}


def _sage_conv(x, src, dst, Wl, Wr, b):
    # aggr='sum': sum_{j in N(i)} x_j via gather + scatter-add (segment_sum)
    msgs = jnp.take(x, src, axis=0)
    agg = jax.ops.segment_sum(msgs, dst, num_segments=N)
    return agg @ Wl + b + x @ Wr


def reference(x, edge_index, W1l, W1r, b1, W2l, W2r, b2):
    src = edge_index[0]
    dst = edge_index[1]
    h = _sage_conv(x, src, dst, W1l, W1r, b1)
    h = jax.nn.relu(h)
    # F.dropout(training=self.training) is identity in eval mode
    out = _sage_conv(h, src, dst, W2l, W2r, b2)
    return jax.nn.log_softmax(out, axis=1)

if __name__ == "__main__":
    import jax
    _d = setup_inputs()
    print(jax.jit(kernel)(*tuple(_d.values())))

</pallas_src>

<mosaic_0001>
#map = affine_map<(d0, d1) -> (0, 0)>
#map1 = affine_map<(d0, d1) -> (0, 0, 0)>
module attributes {stable_mosaic.version = 14 : i64} {
  func.func @segsum(%arg0: i32, %arg1: i32, %arg2: memref<10000x128xf32, #tpu.memory_space<hbm>>, %arg3: memref<2500x2x128xi32, #tpu.memory_space<hbm>>, %arg4: memref<20000x128xf32, #tpu.memory_space<hbm>>, %arg5: memref<3x2x128xi32, #tpu.memory_space<vmem>>, %arg6: memref<3x128x128xf32, #tpu.memory_space<vmem>>, %arg7: memref<10000x128xf32, #tpu.memory_space<vmem_shared>>, %arg8: memref<!tpu.dma_semaphore, #tpu.memory_space<semaphore_mem>>, %arg9: memref<!tpu.dma_semaphore, #tpu.memory_space<semaphore_mem>>, %arg10: memref<!tpu.dma_semaphore, #tpu.memory_space<semaphore_mem>>, %arg11: memref<!tpu.dma_semaphore, #tpu.memory_space<semaphore_mem>>, %arg12: memref<!tpu.dma_semaphore, #tpu.memory_space<semaphore_mem>>, %arg13: memref<!tpu.dma_semaphore, #tpu.memory_space<semaphore_mem>>) attributes {dimension_semantics = [#tpu.dimension_semantics<core_parallel>, #tpu.dimension_semantics<subcore_parallel>], iteration_bounds = array<i64: 2, 16>, scalar_prefetch = 0 : i64, scratch_operands = 9 : i64, tpu.core_type = #tpu.core_type<sc_vector_subcore>, window_params = [{transform_indices = #map}, {transform_indices = #map1}, {transform_indices = #map}]} {
    %mul3A = arith.constant 16 : i32
    %mul3A_0 = arith.muli %arg0, %mul3A : i32
    %add3A = arith.addi %mul3A_0, %arg1 : i32
    %scan3A = arith.constant 0 : i32
    %scan3A_1 = arith.constant 0 : i32
    %scan3A_2 = arith.constant 128 : i32
    %scan3A_3 = arith.addi %scan3A_1, %scan3A_2 : i32
    %scan3A_4 = arith.constant 1 : i32
    scf.for %scan3A_379 = %scan3A_1 to %scan3A_3 step %scan3A_4  : i32 {
      %broadcast_in_dim3A = arith.constant 0.000000e+00 : f32
      %broadcast_in_dim3A_380 = vector.broadcast %broadcast_in_dim3A : f32 to vector<16xf32>
      %swap3A = arith.constant 0 : i32
      %swap3A_381 = arith.index_cast %swap3A : i32 to index
      %swap3A_382 = arith.index_cast %scan3A_379 : i32 to index
      %swap3A_383 = arith.constant 0 : index
      %swap3A_384 = tpu.vector_load %arg6[%swap3A_381, %swap3A_382, %swap3A_383] {strides = array<i32>} : memref<3x128x128xf32, #tpu.memory_space<vmem>>, vector<1x1x16xf32>,
      %swap3A_385 = vector.shape_cast %swap3A_384 : vector<1x1x16xf32> to vector<16xf32>
      %swap3A_386 = vector.shape_cast %broadcast_in_dim3A_380 : vector<16xf32> to vector<1x1x16xf32>
      tpu.vector_store %arg6[%swap3A_381, %swap3A_382, %swap3A_383], %swap3A_386 {strides = array<i32>} : memref<3x128x128xf32, #tpu.memory_space<vmem>>, vector<1x1x16xf32>,
      %broadcast_in_dim3A_387 = arith.constant 0.000000e+00 : f32
      %broadcast_in_dim3A_388 = vector.broadcast %broadcast_in_dim3A_387 : f32 to vector<16xf32>
      %swap3A_389 = arith.constant 0 : i32
      %swap3A_390 = arith.index_cast %swap3A_389 : i32 to index
      %swap3A_391 = arith.index_cast %scan3A_379 : i32 to index
      %swap3A_392 = arith.constant 16 : index
      %swap3A_393 = tpu.vector_load %arg6[%swap3A_390, %swap3A_391, %swap3A_392] {strides = array<i32>} : memref<3x128x128xf32, #tpu.memory_space<vmem>>, vector<1x1x16xf32>,
      %swap3A_394 = vector.shape_cast %swap3A_393 : vector<1x1x16xf32> to vector<16xf32>
      %swap3A_395 = vector.shape_cast %broadcast_in_dim3A_388 : vector<16xf32> to vector<1x1x16xf32>
      tpu.vector_store %arg6[%swap3A_390, %swap3A_391, %swap3A_392], %swap3A_395 {strides = array<i32>} : memref<3x128x128xf32, #tpu.memory_space<vmem>>, vector<1x1x16xf32>,
      %broadcast_in_dim3A_396 = arith.constant 0.000000e+00 : f32
      %broadcast_in_dim3A_397 = vector.broadcast %broadcast_in_dim3A_396 : f32 to vector<16xf32>
      %swap3A_398 = arith.constant 0 : i32
      %swap3A_399 = arith.index_cast %swap3A_398 : i32 to index
      %swap3A_400 = arith.index_cast %scan3A_379 : i32 to index
      %swap3A_401 = arith.constant 32 : index
      %swap3A_402 = tpu.vector_load %arg6[%swap3A_399, %swap3A_400, %swap3A_401] {strides = array<i32>} : memref<3x128x128xf32, #tpu.memory_space<vmem>>, vector<1x1x16xf32>,
      %swap3A_403 = vector.shape_cast %swap3A_402 : vector<1x1x16xf32> to vector<16xf32>
      %swap3A_404 = vector.shape_cast %broadcast_in_dim3A_397 : vector<16xf32> to vector<1x1x16xf32>
      tpu.vector_store %arg6[%swap3A_399, %swap3A_400, %swap3A_401], %swap3A_404 {strides = array<i32>} : memref<3x128x128xf32, #tpu.memory_space<vmem>>, vector<1x1x16xf32>,
      %broadcast_in_dim3A_405 = arith.constant 0.000000e+00 : f32
      %broadcast_in_dim3A_406 = vector.broadcast %broadcast_in_dim3A_405 : f32 to vector<16xf32>
      %swap3A_407 = arith.constant 0 : i32
      %swap3A_408 = arith.index_cast %swap3A_407 : i32 to index
      %swap3A_409 = arith.index_cast %scan3A_379 : i32 to index
      %swap3A_410 = arith.constant 48 : index
      %swap3A_411 = tpu.vector_load %arg6[%swap3A_408, %swap3A_409, %swap3A_410] {strides = array<i32>} : memref<3x128x128xf32, #tpu.memory_space<vmem>>, vector<1x1x16xf32>,
      %swap3A_412 = vector.shape_cast %swap3A_411 : vector<1x1x16xf32> to vector<16xf32>
      %swap3A_413 = vector.shape_cast %broadcast_in_dim3A_406 : vector<16xf32> to vector<1x1x16xf32>
      tpu.vector_store %arg6[%swap3A_408, %swap3A_409, %swap3A_410], %swap3A_413 {strides = array<i32>} : memref<3x128x128xf32, #tpu.memory_space<vmem>>, vector<1x1x16xf32>,
      %broadcast_in_dim3A_414 = arith.constant 0.000000e+00 : f32
      %broadcast_in_dim3A_415 = vector.broadcast %broadcast_in_dim3A_414 : f32 to vector<16xf32>
      %swap3A_416 = arith.constant 0 : i32
      %swap3A_417 = arith.index_cast %swap3A_416 : i32 to index
      %swap3A_418 = arith.index_cast %scan3A_379 : i32 to index
      %swap3A_419 = arith.constant 64 : index
      %swap3A_420 = tpu.vector_load %arg6[%swap3A_417, %swap3A_418, %swap3A_419] {strides = array<i32>} : memref<3x128x128xf32, #tpu.memory_space<vmem>>, vector<1x1x16xf32>,
      %swap3A_421 = vector.shape_cast %swap3A_420 : vector<1x1x16xf32> to vector<16xf32>
      %swap3A_422 = vector.shape_cast %broadcast_in_dim3A_415 : vector<16xf32> to vector<1x1x16xf32>
      tpu.vector_store %arg6[%swap3A_417, %swap3A_418, %swap3A_419], %swap3A_422 {strides = array<i32>} : memref<3x128x128xf32, #tpu.memory_space<vmem>>, vector<1x1x16xf32>,
      %broadcast_in_dim3A_423 = arith.constant 0.000000e+00 : f32
      %broadcast_in_dim3A_424 = vector.broadcast %broadcast_in_dim3A_423 : f32 to vector<16xf32>
      %swap3A_425 = arith.constant 0 : i32
      %swap3A_426 = arith.index_cast %swap3A_425 : i32 to index
      %swap3A_427 = arith.index_cast %scan3A_379 : i32 to index
      %swap3A_428 = arith.constant 80 : index
      %swap3A_429 = tpu.vector_load %arg6[%swap3A_426, %swap3A_427, %swap3A_428] {strides = array<i32>} : memref<3x128x128xf32, #tpu.memory_space<vmem>>, vector<1x1x16xf32>,
      %swap3A_430 = vector.shape_cast %swap3A_429 : vector<1x1x16xf32> to vector<16xf32>
      %swap3A_431 = vector.shape_cast %broadcast_in_dim3A_424 : vector<16xf32> to vector<1x1x16xf32>
      tpu.vector_store %arg6[%swap3A_426, %swap3A_427, %swap3A_428], %swap3A_431 {strides = array<i32>} : memref<3x128x128xf32, #tpu.memory_space<vmem>>, vector<1x1x16xf32>,
      %broadcast_in_dim3A_432 = arith.constant 0.000000e+00 : f32
      %broadcast_in_dim3A_433 = vector.broadcast %broadcast_in_dim3A_432 : f32 to vector<16xf32>
      %swap3A_434 = arith.constant 0 : i32
      %swap3A_435 = arith.index_cast %swap3A_434 : i32 to index
      %swap3A_436 = arith.index_cast %scan3A_379 : i32 to index
      %swap3A_437 = arith.constant 96 : index
      %swap3A_438 = tpu.vector_load %arg6[%swap3A_435, %swap3A_436, %swap3A_437] {strides = array<i32>} : memref<3x128x128xf32, #tpu.memory_space<vmem>>, vector<1x1x16xf32>,
      %swap3A_439 = vector.shape_cast %swap3A_438 : vector<1x1x16xf32> to vector<16xf32>
      %swap3A_440 = vector.shape_cast %broadcast_in_dim3A_433 : vector<16xf32> to vector<1x1x16xf32>
      tpu.vector_store %arg6[%swap3A_435, %swap3A_436, %swap3A_437], %swap3A_440 {strides = array<i32>} : memref<3x128x128xf32, #tpu.memory_space<vmem>>, vector<1x1x16xf32>,
      %broadcast_in_dim3A_441 = arith.constant 0.000000e+00 : f32
      %broadcast_in_dim3A_442 = vector.broadcast %broadcast_in_dim3A_441 : f32 to vector<16xf32>
      %swap3A_443 = arith.constant 0 : i32
      %swap3A_444 = arith.index_cast %swap3A_443 : i32 to index
      %swap3A_445 = arith.index_cast %scan3A_379 : i32 to index
      %swap3A_446 = arith.constant 112 : index
      %swap3A_447 = tpu.vector_load %arg6[%swap3A_444, %swap3A_445, %swap3A_446] {strides = array<i32>} : memref<3x128x128xf32, #tpu.memory_space<vmem>>, vector<1x1x16xf32>,
      %swap3A_448 = vector.shape_cast %swap3A_447 : vector<1x1x16xf32> to vector<16xf32>
      %swap3A_449 = vector.shape_cast %broadcast_in_dim3A_442 : vector<16xf32> to vector<1x1x16xf32>
      tpu.vector_store %arg6[%swap3A_444, %swap3A_445, %swap3A_446], %swap3A_449 {strides = array<i32>} : memref<3x128x128xf32, #tpu.memory_space<vmem>>, vector<1x1x16xf32>,
    }
    %scan3A_5 = arith.constant 128 : i32
    %mul3A_6 = arith.constant 624 : i32
    %mul3A_7 = arith.muli %arg1, %mul3A_6 : i32
    %scan3A_8 = arith.constant 0 : i32
    %scan3A_9 = arith.constant 0 : i32
    %scan3A_10 = arith.constant 4 : i32
    %scan3A_11 = arith.addi %scan3A_9, %scan3A_10 : i32
    %scan3A_12 = arith.constant 1 : i32
    scf.for %scan3A_379 = %scan3A_9 to %scan3A_11 step %scan3A_12  : i32 {
      %mul3A_380 = arith.constant 128 : i32
      %mul3A_381 = arith.muli %scan3A_379, %mul3A_380 : i32
      %add3A_382 = arith.addi %mul3A_7, %mul3A_381 : i32
      %run_scoped3A_383 = arith.constant 0 : i32
      "tpu.region"() ({
        %run_scoped3A_384 = tpu.sem_alloc : memref<!tpu.dma_semaphore, #tpu.memory_space<semaphore_mem>>
        %dma_start3A_385 = arith.constant 0 : i32
        %dma_start3A_386 = arith.constant 0 : i32
        %dma_start3A_387 = tpu.memref_slice %arg6[%run_scoped3A_383, %dma_start3A_385, %dma_start3A_386] : memref<3x128x128xf32, #tpu.memory_space<vmem>> -> memref<1x128x128xf32, #tpu.memory_space<vmem>>
        %dma_start3A_388 = tpu.memref_squeeze %dma_start3A_387 : memref<1x128x128xf32, #tpu.memory_space<vmem>> -> memref<128x128xf32, #tpu.memory_space<vmem>>
        %dma_start3A_389 = arith.constant 0 : i32
        %dma_start3A_390 = tpu.memref_slice %arg7[%add3A_382, %dma_start3A_389] : memref<10000x128xf32, #tpu.memory_space<vmem_shared>> -> memref<128x128xf32, #tpu.memory_space<vmem_shared>>
        %dma_start3A_391 = arith.constant 0 : i32
        %dma_start3A_392 = tpu.memref_slice %arg7[%add3A_382, %dma_start3A_391] : memref<10000x128xf32, #tpu.memory_space<vmem_shared>> -> memref<128x128xf32, #tpu.memory_space<vmem_shared>>
        %dma_start3A_393 = arith.constant 0 : i32
        %dma_start3A_394 = arith.constant 0 : i32
        %dma_start3A_395 = tpu.memref_slice %arg6[%run_scoped3A_383, %dma_start3A_393, %dma_start3A_394] : memref<3x128x128xf32, #tpu.memory_space<vmem>> -> memref<1x128x128xf32, #tpu.memory_space<vmem>>
        %dma_start3A_396 = tpu.memref_squeeze %dma_start3A_395 : memref<1x128x128xf32, #tpu.memory_space<vmem>> -> memref<128x128xf32, #tpu.memory_space<vmem>>
        tpu.enqueue_dma source(%dma_start3A_396 : memref<128x128xf32, #tpu.memory_space<vmem>>) target(%dma_start3A_392 : memref<128x128xf32, #tpu.memory_space<vmem_shared>>) target_semaphore(%run_scoped3A_384 : memref<!tpu.dma_semaphore, #tpu.memory_space<semaphore_mem>>)
        %dma_wait3A_397 = arith.constant 0 : i32
        %dma_wait3A_398 = arith.constant 0 : i32
        %dma_wait3A_399 = tpu.memref_slice %arg6[%run_scoped3A_383, %dma_wait3A_397, %dma_wait3A_398] : memref<3x128x128xf32, #tpu.memory_space<vmem>> -> memref<1x128x128xf32, #tpu.memory_space<vmem>>
        %dma_wait3A_400 = tpu.memref_squeeze %dma_wait3A_399 : memref<1x128x128xf32, #tpu.memory_space<vmem>> -> memref<128x128xf32, #tpu.memory_space<vmem>>
        %dma_wait3A_401 = arith.constant 0 : i32
        %dma_wait3A_402 = tpu.memref_slice %arg7[%add3A_382, %dma_wait3A_401] : memref<10000x128xf32, #tpu.memory_space<vmem_shared>> -> memref<128x128xf32, #tpu.memory_space<vmem_shared>>
        %dma_wait3A_403 = arith.constant 0 : i32
        %dma_wait3A_404 = tpu.memref_slice %arg7[%add3A_382, %dma_wait3A_403] : memref<10000x128xf32, #tpu.memory_space<vmem_shared>> -> memref<128x128xf32, #tpu.memory_space<vmem_shared>>
        %dma_wait3A_405 = arith.constant 0 : i32
        %dma_wait3A_406 = arith.constant 0 : i32
        %dma_wait3A_407 = tpu.memref_slice %arg6[%run_scoped3A_383, %dma_wait3A_405, %dma_wait3A_406] : memref<3x128x128xf32, #tpu.memory_space<vmem>> -> memref<1x128x128xf32, #tpu.memory_space<vmem>>
        %dma_wait3A_408 = tpu.memref_squeeze %dma_wait3A_407 : memref<1x128x128xf32, #tpu.memory_space<vmem>> -> memref<128x128xf32, #tpu.memory_space<vmem>>
        tpu.wait_dma2 semaphore(%run_scoped3A_384 : memref<!tpu.dma_semaphore, #tpu.memory_space<semaphore_mem>>) src(%dma_wait3A_408 : memref<128x128xf32, #tpu.memory_space<vmem>>) dst(%dma_wait3A_404 : memref<128x128xf32, #tpu.memory_space<vmem_shared>>)
        tpu.yield
      }) : () -> ()
    }
    %scan3A_13 = arith.constant 4 : i32
    %add3A_14 = arith.constant 512 : i32
    %add3A_15 = arith.addi %mul3A_7, %add3A_14 : i32
    %run_scoped3A = arith.constant 0 : i32
    "tpu.region"() ({
      %run_scoped3A_379 = tpu.sem_alloc : memref<!tpu.dma_semaphore, #tpu.memory_space<semaphore_mem>>
      %dma_start3A_380 = arith.constant 0 : i32
      %dma_start3A_381 = arith.constant 0 : i32
      %dma_start3A_382 = tpu.memref_slice %arg6[%run_scoped3A, %dma_start3A_380, %dma_start3A_381] : memref<3x128x128xf32, #tpu.memory_space<vmem>> -> memref<1x112x128xf32, #tpu.memory_space<vmem>>
      %dma_start3A_383 = tpu.memref_squeeze %dma_start3A_382 : memref<1x112x128xf32, #tpu.memory_space<vmem>> -> memref<112x128xf32, #tpu.memory_space<vmem>>
      %dma_start3A_384 = arith.constant 0 : i32
      %dma_start3A_385 = tpu.memref_slice %arg7[%add3A_15, %dma_start3A_384] : memref<10000x128xf32, #tpu.memory_space<vmem_shared>> -> memref<112x128xf32, #tpu.memory_space<vmem_shared>>
      %dma_start3A_386 = arith.constant 0 : i32
      %dma_start3A_387 = tpu.memref_slice %arg7[%add3A_15, %dma_start3A_386] : memref<10000x128xf32, #tpu.memory_space<vmem_shared>> -> memref<112x128xf32, #tpu.memory_space<vmem_shared>>
      %dma_start3A_388 = arith.constant 0 : i32
      %dma_start3A_389 = arith.constant 0 : i32
      %dma_start3A_390 = tpu.memref_slice %arg6[%run_scoped3A, %dma_start3A_388, %dma_start3A_389] : memref<3x128x128xf32, #tpu.memory_space<vmem>> -> memref<1x112x128xf32, #tpu.memory_space<vmem>>
      %dma_start3A_391 = tpu.memref_squeeze %dma_start3A_390 : memref<1x112x128xf32, #tpu.memory_space<vmem>> -> memref<112x128xf32, #tpu.memory_space<vmem>>
      tpu.enqueue_dma source(%dma_start3A_391 : memref<112x128xf32, #tpu.memory_space<vmem>>) target(%dma_start3A_387 : memref<112x128xf32, #tpu.memory_space<vmem_shared>>) target_semaphore(%run_scoped3A_379 : memref<!tpu.dma_semaphore, #tpu.memory_space<semaphore_mem>>)
      %dma_wait3A_392 = arith.constant 0 : i32
      %dma_wait3A_393 = arith.constant 0 : i32
      %dma_wait3A_394 = tpu.memref_slice %arg6[%run_scoped3A, %dma_wait3A_392, %dma_wait3A_393] : memref<3x128x128xf32, #tpu.memory_space<vmem>> -> memref<1x112x128xf32, #tpu.memory_space<vmem>>
      %dma_wait3A_395 = tpu.memref_squeeze %dma_wait3A_394 : memref<1x112x128xf32, #tpu.memory_space<vmem>> -> memref<112x128xf32, #tpu.memory_space<vmem>>
      %dma_wait3A_396 = arith.constant 0 : i32
      %dma_wait3A_397 = tpu.memref_slice %arg7[%add3A_15, %dma_wait3A_396] : memref<10000x128xf32, #tpu.memory_space<vmem_shared>> -> memref<112x128xf32, #tpu.memory_space<vmem_shared>>
      %dma_wait3A_398 = arith.constant 0 : i32
      %dma_wait3A_399 = tpu.memref_slice %arg7[%add3A_15, %dma_wait3A_398] : memref<10000x128xf32, #tpu.memory_space<vmem_shared>> -> memref<112x128xf32, #tpu.memory_space<vmem_shared>>
      %dma_wait3A_400 = arith.constant 0 : i32
      %dma_wait3A_401 = arith.constant 0 : i32
      %dma_wait3A_402 = tpu.memref_slice %arg6[%run_scoped3A, %dma_wait3A_400, %dma_wait3A_401] : memref<3x128x128xf32, #tpu.memory_space<vmem>> -> memref<1x112x128xf32, #tpu.memory_space<vmem>>
      %dma_wait3A_403 = tpu.memref_squeeze %dma_wait3A_402 : memref<1x112x128xf32, #tpu.memory_space<vmem>> -> memref<112x128xf32, #tpu.memory_space<vmem>>
      tpu.wait_dma2 semaphore(%run_scoped3A_379 : memref<!tpu.dma_semaphore, #tpu.memory_space<semaphore_mem>>) src(%dma_wait3A_403 : memref<112x128xf32, #tpu.memory_space<vmem>>) dst(%dma_wait3A_399 : memref<112x128xf32, #tpu.memory_space<vmem_shared>>)
      tpu.yield
    }) : () -> ()
    %eq3A = arith.constant 15 : i32
    %eq3A_16 = arith.cmpi eq, %arg1, %eq3A : i32
    %convert_element_type3A = arith.extui %eq3A_16 : i1 to i32
    %cond3A = arith.constant 0 : i32
    %cond3A_17 = arith.cmpi ne, %convert_element_type3A, %cond3A : i32
    scf.if %cond3A_17 {
      %run_scoped3A_379 = arith.constant 0 : i32
      "tpu.region"() ({
        %run_scoped3A_380 = tpu.sem_alloc : memref<!tpu.dma_semaphore, #tpu.memory_space<semaphore_mem>>
        %dma_start3A_381 = arith.constant 0 : i32
        %dma_start3A_382 = arith.constant 0 : i32
        %dma_start3A_383 = tpu.memref_slice %arg6[%run_scoped3A_379, %dma_start3A_381, %dma_start3A_382] : memref<3x128x128xf32, #tpu.memory_space<vmem>> -> memref<1x16x128xf32, #tpu.memory_space<vmem>>
        %dma_start3A_384 = tpu.memref_squeeze %dma_start3A_383 : memref<1x16x128xf32, #tpu.memory_space<vmem>> -> memref<16x128xf32, #tpu.memory_space<vmem>>
        %dma_start3A_385 = arith.constant 9984 : i32
        %dma_start3A_386 = arith.constant 0 : i32
        %dma_start3A_387 = tpu.memref_slice %arg7[%dma_start3A_385, %dma_start3A_386] : memref<10000x128xf32, #tpu.memory_space<vmem_shared>> -> memref<16x128xf32, #tpu.memory_space<vmem_shared>>
        %dma_start3A_388 = arith.constant 9984 : i32
        %dma_start3A_389 = arith.constant 0 : i32
        %dma_start3A_390 = tpu.memref_slice %arg7[%dma_start3A_388, %dma_start3A_389] : memref<10000x128xf32, #tpu.memory_space<vmem_shared>> -> memref<16x128xf32, #tpu.memory_space<vmem_shared>>
        %dma_start3A_391 = arith.constant 0 : i32
        %dma_start3A_392 = arith.constant 0 : i32
        %dma_start3A_393 = tpu.memref_slice %arg6[%run_scoped3A_379, %dma_start3A_391, %dma_start3A_392] : memref<3x128x128xf32, #tpu.memory_space<vmem>> -> memref<1x16x128xf32, #tpu.memory_space<vmem>>
        %dma_start3A_394 = tpu.memref_squeeze %dma_start3A_393 : memref<1x16x128xf32, #tpu.memory_space<vmem>> -> memref<16x128xf32, #tpu.memory_space<vmem>>
        tpu.enqueue_dma source(%dma_start3A_394 : memref<16x128xf32, #tpu.memory_space<vmem>>) target(%dma_start3A_390 : memref<16x128xf32, #tpu.memory_space<vmem_shared>>) target_semaphore(%run_scoped3A_380 : memref<!tpu.dma_semaphore, #tpu.memory_space<semaphore_mem>>)
        %dma_wait3A_395 = arith.constant 0 : i32
        %dma_wait3A_396 = arith.constant 0 : i32
        %dma_wait3A_397 = tpu.memref_slice %arg6[%run_scoped3A_379, %dma_wait3A_395, %dma_wait3A_396] : memref<3x128x128xf32, #tpu.memory_space<vmem>> -> memref<1x16x128xf32, #tpu.memory_space<vmem>>
        %dma_wait3A_398 = tpu.memref_squeeze %dma_wait3A_397 : memref<1x16x128xf32, #tpu.memory_space<vmem>> -> memref<16x128xf32, #tpu.memory_space<vmem>>
        %dma_wait3A_399 = arith.constant 9984 : i32
        %dma_wait3A_400 = arith.constant 0 : i32
        %dma_wait3A_401 = tpu.memref_slice %arg7[%dma_wait3A_399, %dma_wait3A_400] : memref<10000x128xf32, #tpu.memory_space<vmem_shared>> -> memref<16x128xf32, #tpu.memory_space<vmem_shared>>
        %dma_wait3A_402 = arith.constant 9984 : i32
        %dma_wait3A_403 = arith.constant 0 : i32
        %dma_wait3A_404 = tpu.memref_slice %arg7[%dma_wait3A_402, %dma_wait3A_403] : memref<10000x128xf32, #tpu.memory_space<vmem_shared>> -> memref<16x128xf32, #tpu.memory_space<vmem_shared>>
        %dma_wait3A_405 = arith.constant 0 : i32
        %dma_wait3A_406 = arith.constant 0 : i32
        %dma_wait3A_407 = tpu.memref_slice %arg6[%run_scoped3A_379, %dma_wait3A_405, %dma_wait3A_406] : memref<3x128x128xf32, #tpu.memory_space<vmem>> -> memref<1x16x128xf32, #tpu.memory_space<vmem>>
        %dma_wait3A_408 = tpu.memref_squeeze %dma_wait3A_407 : memref<1x16x128xf32, #tpu.memory_space<vmem>> -> memref<16x128xf32, #tpu.memory_space<vmem>>
        tpu.wait_dma2 semaphore(%run_scoped3A_380 : memref<!tpu.dma_semaphore, #tpu.memory_space<semaphore_mem>>) src(%dma_wait3A_408 : memref<16x128xf32, #tpu.memory_space<vmem>>) dst(%dma_wait3A_404 : memref<16x128xf32, #tpu.memory_space<vmem_shared>>)
        tpu.yield
      }) : () -> ()
    } else {
    }
    %barrier3A = arith.constant 0 : index
    tpu.barrier barrier_id(%barrier3A)
    %mul3A_18 = arith.constant 78 : i32
    %mul3A_19 = arith.muli %add3A, %mul3A_18 : i32
    %add3A_20 = arith.constant 0 : i32
    %add3A_21 = arith.addi %mul3A_19, %add3A_20 : i32
    %run_scoped3A_22 = arith.constant 0 : i32
    "tpu.region"() ({
      %run_scoped3A_379 = tpu.sem_alloc : memref<!tpu.dma_semaphore, #tpu.memory_space<semaphore_mem>>
      %dma_start3A_380 = arith.constant 0 : i32
      %dma_start3A_381 = arith.constant 0 : i32
      %dma_start3A_382 = tpu.memref_slice %arg5[%run_scoped3A_22, %dma_start3A_380, %dma_start3A_381] : memref<3x2x128xi32, #tpu.memory_space<vmem>> -> memref<1x2x128xi32, #tpu.memory_space<vmem>>
      %dma_start3A_383 = tpu.memref_squeeze %dma_start3A_382 : memref<1x2x128xi32, #tpu.memory_space<vmem>> -> memref<2x128xi32, #tpu.memory_space<vmem>>
      %dma_start3A_384 = arith.constant 0 : i32
      %dma_start3A_385 = arith.constant 0 : i32
      %dma_start3A_386 = tpu.memref_slice %arg3[%add3A_21, %dma_start3A_384, %dma_start3A_385] : memref<2500x2x128xi32, #tpu.memory_space<hbm>> -> memref<1x2x128xi32, #tpu.memory_space<hbm>>
      %dma_start3A_387 = tpu.memref_squeeze %dma_start3A_386 : memref<1x2x128xi32, #tpu.memory_space<hbm>> -> memref<2x128xi32, #tpu.memory_space<hbm>>
      %dma_start3A_388 = arith.constant 0 : i32
      %dma_start3A_389 = arith.constant 0 : i32
      %dma_start3A_390 = tpu.memref_slice %arg5[%run_scoped3A_22, %dma_start3A_388, %dma_start3A_389] : memref<3x2x128xi32, #tpu.memory_space<vmem>> -> memref<1x2x128xi32, #tpu.memory_space<vmem>>
      %dma_start3A_391 = tpu.memref_squeeze %dma_start3A_390 : memref<1x2x128xi32, #tpu.memory_space<vmem>> -> memref<2x128xi32, #tpu.memory_space<vmem>>
      %dma_start3A_392 = arith.constant 0 : i32
      %dma_start3A_393 = arith.constant 0 : i32
      %dma_start3A_394 = tpu.memref_slice %arg3[%add3A_21, %dma_start3A_392, %dma_start3A_393] : memref<2500x2x128xi32, #tpu.memory_space<hbm>> -> memref<1x2x128xi32, #tpu.memory_space<hbm>>
      %dma_start3A_395 = tpu.memref_squeeze %dma_start3A_394 : memref<1x2x128xi32, #tpu.memory_space<hbm>> -> memref<2x128xi32, #tpu.memory_space<hbm>>
      tpu.enqueue_dma source(%dma_start3A_395 : memref<2x128xi32, #tpu.memory_space<hbm>>) target(%dma_start3A_391 : memref<2x128xi32, #tpu.memory_space<vmem>>) target_semaphore(%run_scoped3A_379 : memref<!tpu.dma_semaphore, #tpu.memory_space<semaphore_mem>>)
      %dma_wait3A_396 = arith.constant 0 : i32
      %dma_wait3A_397 = arith.constant 0 : i32
      %dma_wait3A_398 = tpu.memref_slice %arg5[%run_scoped3A_22, %dma_wait3A_396, %dma_wait3A_397] : memref<3x2x128xi32, #tpu.memory_space<vmem>> -> memref<1x2x128xi32, #tpu.memory_space<vmem>>
      %dma_wait3A_399 = tpu.memref_squeeze %dma_wait3A_398 : memref<1x2x128xi32, #tpu.memory_space<vmem>> -> memref<2x128xi32, #tpu.memory_space<vmem>>
      %dma_wait3A_400 = arith.constant 0 : i32
      %dma_wait3A_401 = arith.constant 0 : i32
      %dma_wait3A_402 = tpu.memref_slice %arg3[%add3A_21, %dma_wait3A_400, %dma_wait3A_401] : memref<2500x2x128xi32, #tpu.memory_space<hbm>> -> memref<1x2x128xi32, #tpu.memory_space<hbm>>
      %dma_wait3A_403 = tpu.memref_squeeze %dma_wait3A_402 : memref<1x2x128xi32, #tpu.memory_space<hbm>> -> memref<2x128xi32, #tpu.memory_space<hbm>>
      %dma_wait3A_404 = arith.constant 0 : i32
      %dma_wait3A_405 = arith.constant 0 : i32
      %dma_wait3A_406 = tpu.memref_slice %arg5[%run_scoped3A_22, %dma_wait3A_404, %dma_wait3A_405] : memref<3x2x128xi32, #tpu.memory_space<vmem>> -> memref<1x2x128xi32, #tpu.memory_space<vmem>>
      %dma_wait3A_407 = tpu.memref_squeeze %dma_wait3A_406 : memref<1x2x128xi32, #tpu.memory_space<vmem>> -> memref<2x128xi32, #tpu.memory_space<vmem>>
      %dma_wait3A_408 = arith.constant 0 : i32
      %dma_wait3A_409 = arith.constant 0 : i32
      %dma_wait3A_410 = tpu.memref_slice %arg3[%add3A_21, %dma_wait3A_408, %dma_wait3A_409] : memref<2500x2x128xi32, #tpu.memory_space<hbm>> -> memref<1x2x128xi32, #tpu.memory_space<hbm>>
      %dma_wait3A_411 = tpu.memref_squeeze %dma_wait3A_410 : memref<1x2x128xi32, #tpu.memory_space<hbm>> -> memref<2x128xi32, #tpu.memory_space<hbm>>
      tpu.wait_dma2 semaphore(%run_scoped3A_379 : memref<!tpu.dma_semaphore, #tpu.memory_space<semaphore_mem>>) src(%dma_wait3A_411 : memref<2x128xi32, #tpu.memory_space<hbm>>) dst(%dma_wait3A_407 : memref<2x128xi32, #tpu.memory_space<vmem>>)
      tpu.yield
    }) : () -> ()
    %dma_start3A = arith.constant 0 : i32
    %dma_start3A_23 = arith.constant 0 : i32
    %dma_start3A_24 = arith.constant 0 : i32
    %dma_start3A_25 = arith.constant 0 : i32
    %dma_start3A_26 = arith.constant 0 : i32
    %dma_start3A_27 = tpu.memref_slice %arg6[%dma_start3A_24, %dma_start3A_25, %dma_start3A_26] : memref<3x128x128xf32, #tpu.memory_space<vmem>> -> memref<1x128x128xf32, #tpu.memory_space<vmem>>
    %dma_start3A_28 = tpu.memref_squeeze %dma_start3A_27 : memref<1x128x128xf32, #tpu.memory_space<vmem>> -> memref<128x128xf32, #tpu.memory_space<vmem>>
    %dma_start3A_29 = arith.constant 0 : i32
    %dma_start3A_30 = tpu.memref_slice %arg5[%dma_start3A, %dma_start3A_23, %dma_start3A_29] : memref<3x2x128xi32, #tpu.memory_space<vmem>> -> memref<1x1x128xi32, #tpu.memory_space<vmem>>
    %dma_start3A_31 = tpu.memref_squeeze %dma_start3A_30 : memref<1x1x128xi32, #tpu.memory_space<vmem>> -> memref<128xi32, #tpu.memory_space<vmem>>
    %dma_start3A_32 = arith.constant 0 : i32
    %dma_start3A_33 = arith.constant 0 : i32
    %dma_start3A_34 = tpu.memref_slice %arg2[%dma_start3A_32, %dma_start3A_33] : memref<10000x128xf32, #tpu.memory_space<hbm>> -> memref<10000x128xf32, #tpu.memory_space<hbm>>
    tpu.enqueue_indirect_dma source(%dma_start3A_34 : memref<10000x128xf32, #tpu.memory_space<hbm>>) target(%dma_start3A_28 : memref<128x128xf32, #tpu.memory_space<vmem>>) offsets(%dma_start3A_31 : memref<128xi32, #tpu.memory_space<vmem>>) semaphore(%arg8 : memref<!tpu.dma_semaphore, #tpu.memory_space<semaphore_mem>>)
    %add3A_35 = arith.constant 1 : i32
    %add3A_36 = arith.addi %mul3A_19, %add3A_35 : i32
    %run_scoped3A_37 = arith.constant 1 : i32
    "tpu.region"() ({
      %run_scoped3A_379 = tpu.sem_alloc : memref<!tpu.dma_semaphore, #tpu.memory_space<semaphore_mem>>
      %dma_start3A_380 = arith.constant 0 : i32
      %dma_start3A_381 = arith.constant 0 : i32
      %dma_start3A_382 = tpu.memref_slice %arg5[%run_scoped3A_37, %dma_start3A_380, %dma_start3A_381] : memref<3x2x128xi32, #tpu.memory_space<vmem>> -> memref<1x2x128xi32, #tpu.memory_space<vmem>>
      %dma_start3A_383 = tpu.memref_squeeze %dma_start3A_382 : memref<1x2x128xi32, #tpu.memory_space<vmem>> -> memref<2x128xi32, #tpu.memory_space<vmem>>
      %dma_start3A_384 = arith.constant 0 : i32
      %dma_start3A_385 = arith.constant 0 : i32
      %dma_start3A_386 = tpu.memref_slice %arg3[%add3A_36, %dma_start3A_384, %dma_start3A_385] : memref<2500x2x128xi32, #tpu.memory_space<hbm>> -> memref<1x2x128xi32, #tpu.memory_space<hbm>>
      %dma_start3A_387 = tpu.memref_squeeze %dma_start3A_386 : memref<1x2x128xi32, #tpu.memory_space<hbm>> -> memref<2x128xi32, #tpu.memory_space<hbm>>
      %dma_start3A_388 = arith.constant 0 : i32
      %dma_start3A_389 = arith.constant 0 : i32
      %dma_start3A_390 = tpu.memref_slice %arg5[%run_scoped3A_37, %dma_start3A_388, %dma_start3A_389] : memref<3x2x128xi32, #tpu.memory_space<vmem>> -> memref<1x2x128xi32, #tpu.memory_space<vmem>>
      %dma_start3A_391 = tpu.memref_squeeze %dma_start3A_390 : memref<1x2x128xi32, #tpu.memory_space<vmem>> -> memref<2x128xi32, #tpu.memory_space<vmem>>
      %dma_start3A_392 = arith.constant 0 : i32
      %dma_start3A_393 = arith.constant 0 : i32
      %dma_start3A_394 = tpu.memref_slice %arg3[%add3A_36, %dma_start3A_392, %dma_start3A_393] : memref<2500x2x128xi32, #tpu.memory_space<hbm>> -> memref<1x2x128xi32, #tpu.memory_space<hbm>>
      %dma_start3A_395 = tpu.memref_squeeze %dma_start3A_394 : memref<1x2x128xi32, #tpu.memory_space<hbm>> -> memref<2x128xi32, #tpu.memory_space<hbm>>
      tpu.enqueue_dma source(%dma_start3A_395 : memref<2x128xi32, #tpu.memory_space<hbm>>) target(%dma_start3A_391 : memref<2x128xi32, #tpu.memory_space<vmem>>) target_semaphore(%run_scoped3A_379 : memref<!tpu.dma_semaphore, #tpu.memory_space<semaphore_mem>>)
      %dma_wait3A_396 = arith.constant 0 : i32
      %dma_wait3A_397 = arith.constant 0 : i32
      %dma_wait3A_398 = tpu.memref_slice %arg5[%run_scoped3A_37, %dma_wait3A_396, %dma_wait3A_397] : memref<3x2x128xi32, #tpu.memory_space<vmem>> -> memref<1x2x128xi32, #tpu.memory_space<vmem>>
      %dma_wait3A_399 = tpu.memref_squeeze %dma_wait3A_398 : memref<1x2x128xi32, #tpu.memory_space<vmem>> -> memref<2x128xi32, #tpu.memory_space<vmem>>
      %dma_wait3A_400 = arith.constant 0 : i32
      %dma_wait3A_401 = arith.constant 0 : i32
      %dma_wait3A_402 = tpu.memref_slice %arg3[%add3A_36, %dma_wait3A_400, %dma_wait3A_401] : memref<2500x2x128xi32, #tpu.memory_space<hbm>> -> memref<1x2x128xi32, #tpu.memory_space<hbm>>
      %dma_wait3A_403 = tpu.memref_squeeze %dma_wait3A_402 : memref<1x2x128xi32, #tpu.memory_space<hbm>> -> memref<2x128xi32, #tpu.memory_space<hbm>>
      %dma_wait3A_404 = arith.constant 0 : i32
      %dma_wait3A_405 = arith.constant 0 : i32
      %dma_wait3A_406 = tpu.memref_slice %arg5[%run_scoped3A_37, %dma_wait3A_404, %dma_wait3A_405] : memref<3x2x128xi32, #tpu.memory_space<vmem>> -> memref<1x2x128xi32, #tpu.memory_space<vmem>>
      %dma_wait3A_407 = tpu.memref_squeeze %dma_wait3A_406 : memref<1x2x128xi32, #tpu.memory_space<vmem>> -> memref<2x128xi32, #tpu.memory_space<vmem>>
      %dma_wait3A_408 = arith.constant 0 : i32
      %dma_wait3A_409 = arith.constant 0 : i32
      %dma_wait3A_410 = tpu.memref_slice %arg3[%add3A_36, %dma_wait3A_408, %dma_wait3A_409] : memref<2500x2x128xi32, #tpu.memory_space<hbm>> -> memref<1x2x128xi32, #tpu.memory_space<hbm>>
      %dma_wait3A_411 = tpu.memref_squeeze %dma_wait3A_410 : memref<1x2x128xi32, #tpu.memory_space<hbm>> -> memref<2x128xi32, #tpu.memory_space<hbm>>
      tpu.wait_dma2 semaphore(%run_scoped3A_379 : memref<!tpu.dma_semaphore, #tpu.memory_space<semaphore_mem>>) src(%dma_wait3A_411 : memref<2x128xi32, #tpu.memory_space<hbm>>) dst(%dma_wait3A_407 : memref<2x128xi32, #tpu.memory_space<vmem>>)
      tpu.yield
    }) : () -> ()
    %dma_start3A_38 = arith.constant 1 : i32
    %dma_start3A_39 = arith.constant 0 : i32
    %dma_start3A_40 = arith.constant 1 : i32
    %dma_start3A_41 = arith.constant 0 : i32
    %dma_start3A_42 = arith.constant 0 : i32
    %dma_start3A_43 = tpu.memref_slice %arg6[%dma_start3A_40, %dma_start3A_41, %dma_start3A_42] : memref<3x128x128xf32, #tpu.memory_space<vmem>> -> memref<1x128x128xf32, #tpu.memory_space<vmem>>
    %dma_start3A_44 = tpu.memref_squeeze %dma_start3A_43 : memref<1x128x128xf32, #tpu.memory_space<vmem>> -> memref<128x128xf32, #tpu.memory_space<vmem>>
    %dma_start3A_45 = arith.constant 0 : i32
    %dma_start3A_46 = tpu.memref_slice %arg5[%dma_start3A_38, %dma_start3A_39, %dma_start3A_45] : memref<3x2x128xi32, #tpu.memory_space<vmem>> -> memref<1x1x128xi32, #tpu.memory_space<vmem>>
    %dma_start3A_47 = tpu.memref_squeeze %dma_start3A_46 : memref<1x1x128xi32, #tpu.memory_space<vmem>> -> memref<128xi32, #tpu.memory_space<vmem>>
    %dma_start3A_48 = arith.constant 0 : i32
    %dma_start3A_49 = arith.constant 0 : i32
    %dma_start3A_50 = tpu.memref_slice %arg2[%dma_start3A_48, %dma_start3A_49] : memref<10000x128xf32, #tpu.memory_space<hbm>> -> memref<10000x128xf32, #tpu.memory_space<hbm>>
    tpu.enqueue_indirect_dma source(%dma_start3A_50 : memref<10000x128xf32, #tpu.memory_space<hbm>>) target(%dma_start3A_44 : memref<128x128xf32, #tpu.memory_space<vmem>>) offsets(%dma_start3A_47 : memref<128xi32, #tpu.memory_space<vmem>>) semaphore(%arg9 : memref<!tpu.dma_semaphore, #tpu.memory_space<semaphore_mem>>)
    %add3A_51 = arith.constant 0 : i32
    %add3A_52 = arith.addi %mul3A_19, %add3A_51 : i32
    %add3A_53 = arith.constant 2 : i32
    %add3A_54 = arith.addi %add3A_52, %add3A_53 : i32
    %run_scoped3A_55 = arith.constant 2 : i32
    "tpu.region"() ({
      %run_scoped3A_379 = tpu.sem_alloc : memref<!tpu.dma_semaphore, #tpu.memory_space<semaphore_mem>>
      %dma_start3A_380 = arith.constant 0 : i32
      %dma_start3A_381 = arith.constant 0 : i32
      %dma_start3A_382 = tpu.memref_slice %arg5[%run_scoped3A_55, %dma_start3A_380, %dma_start3A_381] : memref<3x2x128xi32, #tpu.memory_space<vmem>> -> memref<1x2x128xi32, #tpu.memory_space<vmem>>
      %dma_start3A_383 = tpu.memref_squeeze %dma_start3A_382 : memref<1x2x128xi32, #tpu.memory_space<vmem>> -> memref<2x128xi32, #tpu.memory_space<vmem>>
      %dma_start3A_384 = arith.constant 0 : i32
      %dma_start3A_385 = arith.constant 0 : i32
      %dma_start3A_386 = tpu.memref_slice %arg3[%add3A_54, %dma_start3A_384, %dma_start3A_385] : memref<2500x2x128xi32, #tpu.memory_space<hbm>> -> memref<1x2x128xi32, #tpu.memory_space<hbm>>
      %dma_start3A_387 = tpu.memref_squeeze %dma_start3A_386 : memref<1x2x128xi32, #tpu.memory_space<hbm>> -> memref<2x128xi32, #tpu.memory_space<hbm>>
      %dma_start3A_388 = arith.constant 0 : i32
      %dma_start3A_389 = arith.constant 0 : i32
      %dma_start3A_390 = tpu.memref_slice %arg5[%run_scoped3A_55, %dma_start3A_388, %dma_start3A_389] : memref<3x2x128xi32, #tpu.memory_space<vmem>> -> memref<1x2x128xi32, #tpu.memory_space<vmem>>
      %dma_start3A_391 = tpu.memref_squeeze %dma_start3A_390 : memref<1x2x128xi32, #tpu.memory_space<vmem>> -> memref<2x128xi32, #tpu.memory_space<vmem>>
      %dma_start3A_392 = arith.constant 0 : i32
      %dma_start3A_393 = arith.constant 0 : i32
      %dma_start3A_394 = tpu.memref_slice %arg3[%add3A_54, %dma_start3A_392, %dma_start3A_393] : memref<2500x2x128xi32, #tpu.memory_space<hbm>> -> memref<1x2x128xi32, #tpu.memory_space<hbm>>
      %dma_start3A_395 = tpu.memref_squeeze %dma_start3A_394 : memref<1x2x128xi32, #tpu.memory_space<hbm>> -> memref<2x128xi32, #tpu.memory_space<hbm>>
      tpu.enqueue_dma source(%dma_start3A_395 : memref<2x128xi32, #tpu.memory_space<hbm>>) target(%dma_start3A_391 : memref<2x128xi32, #tpu.memory_space<vmem>>) target_semaphore(%run_scoped3A_379 : memref<!tpu.dma_semaphore, #tpu.memory_space<semaphore_mem>>)
      %dma_wait3A_396 = arith.constant 0 : i32
      %dma_wait3A_397 = arith.constant 0 : i32
      %dma_wait3A_398 = tpu.memref_slice %arg5[%run_scoped3A_55, %dma_wait3A_396, %dma_wait3A_397] : memref<3x2x128xi32, #tpu.memory_space<vmem>> -> memref<1x2x128xi32, #tpu.memory_space<vmem>>
      %dma_wait3A_399 = tpu.memref_squeeze %dma_wait3A_398 : memref<1x2x128xi32, #tpu.memory_space<vmem>> -> memref<2x128xi32, #tpu.memory_space<vmem>>
      %dma_wait3A_400 = arith.constant 0 : i32
      %dma_wait3A_401 = arith.constant 0 : i32
      %dma_wait3A_402 = tpu.memref_slice %arg3[%add3A_54, %dma_wait3A_400, %dma_wait3A_401] : memref<2500x2x128xi32, #tpu.memory_space<hbm>> -> memref<1x2x128xi32, #tpu.memory_space<hbm>>
      %dma_wait3A_403 = tpu.memref_squeeze %dma_wait3A_402 : memref<1x2x128xi32, #tpu.memory_space<hbm>> -> memref<2x128xi32, #tpu.memory_space<hbm>>
      %dma_wait3A_404 = arith.constant 0 : i32
      %dma_wait3A_405 = arith.constant 0 : i32
      %dma_wait3A_406 = tpu.memref_slice %arg5[%run_scoped3A_55, %dma_wait3A_404, %dma_wait3A_405] : memref<3x2x128xi32, #tpu.memory_space<vmem>> -> memref<1x2x128xi32, #tpu.memory_space<vmem>>
      %dma_wait3A_407 = tpu.memref_squeeze %dma_wait3A_406 : memref<1x2x128xi32, #tpu.memory_space<vmem>> -> memref<2x128xi32, #tpu.memory_space<vmem>>
      %dma_wait3A_408 = arith.constant 0 : i32
      %dma_wait3A_409 = arith.constant 0 : i32
      %dma_wait3A_410 = tpu.memref_slice %arg3[%add3A_54, %dma_wait3A_408, %dma_wait3A_409] : memref<2500x2x128xi32, #tpu.memory_space<hbm>> -> memref<1x2x128xi32, #tpu.memory_space<hbm>>
      %dma_wait3A_411 = tpu.memref_squeeze %dma_wait3A_410 : memref<1x2x128xi32, #tpu.memory_space<hbm>> -> memref<2x128xi32, #tpu.memory_space<hbm>>
      tpu.wait_dma2 semaphore(%run_scoped3A_379 : memref<!tpu.dma_semaphore, #tpu.memory_space<semaphore_mem>>) src(%dma_wait3A_411 : memref<2x128xi32, #tpu.memory_space<hbm>>) dst(%dma_wait3A_407 : memref<2x128xi32, #tpu.memory_space<vmem>>)
      tpu.yield
    }) : () -> ()
    %dma_start3A_56 = arith.constant 2 : i32
    %dma_start3A_57 = arith.constant 0 : i32
    %dma_start3A_58 = arith.constant 2 : i32
    %dma_start3A_59 = arith.constant 0 : i32
    %dma_start3A_60 = arith.constant 0 : i32
    %dma_start3A_61 = tpu.memref_slice %arg6[%dma_start3A_58, %dma_start3A_59, %dma_start3A_60] : memref<3x128x128xf32, #tpu.memory_space<vmem>> -> memref<1x128x128xf32, #tpu.memory_space<vmem>>
    %dma_start3A_62 = tpu.memref_squeeze %dma_start3A_61 : memref<1x128x128xf32, #tpu.memory_space<vmem>> -> memref<128x128xf32, #tpu.memory_space<vmem>>
    %dma_start3A_63 = arith.constant 0 : i32
    %dma_start3A_64 = tpu.memref_slice %arg5[%dma_start3A_56, %dma_start3A_57, %dma_start3A_63] : memref<3x2x128xi32, #tpu.memory_space<vmem>> -> memref<1x1x128xi32, #tpu.memory_space<vmem>>
    %dma_start3A_65 = tpu.memref_squeeze %dma_start3A_64 : memref<1x1x128xi32, #tpu.memory_space<vmem>> -> memref<128xi32, #tpu.memory_space<vmem>>
    %dma_start3A_66 = arith.constant 0 : i32
    %dma_start3A_67 = arith.constant 0 : i32
    %dma_start3A_68 = tpu.memref_slice %arg2[%dma_start3A_66, %dma_start3A_67] : memref<10000x128xf32, #tpu.memory_space<hbm>> -> memref<10000x128xf32, #tpu.memory_space<hbm>>
    tpu.enqueue_indirect_dma source(%dma_start3A_68 : memref<10000x128xf32, #tpu.memory_space<hbm>>) target(%dma_start3A_62 : memref<128x128xf32, #tpu.memory_space<vmem>>) offsets(%dma_start3A_65 : memref<128xi32, #tpu.memory_space<vmem>>) semaphore(%arg10 : memref<!tpu.dma_semaphore, #tpu.memory_space<semaphore_mem>>)
    %dma_wait3A = arith.constant 0 : i32
    %dma_wait3A_69 = arith.constant 0 : i32
    %dma_wait3A_70 = arith.constant 0 : i32
    %dma_wait3A_71 = arith.constant 0 : i32
    %dma_wait3A_72 = arith.constant 0 : i32
    %dma_wait3A_73 = tpu.memref_slice %arg6[%dma_wait3A_70, %dma_wait3A_71, %dma_wait3A_72] : memref<3x128x128xf32, #tpu.memory_space<vmem>> -> memref<1x128x128xf32, #tpu.memory_space<vmem>>
    %dma_wait3A_74 = tpu.memref_squeeze %dma_wait3A_73 : memref<1x128x128xf32, #tpu.memory_space<vmem>> -> memref<128x128xf32, #tpu.memory_space<vmem>>
    %dma_wait3A_75 = arith.constant 0 : i32
    %dma_wait3A_76 = tpu.memref_slice %arg5[%dma_wait3A, %dma_wait3A_69, %dma_wait3A_75] : memref<3x2x128xi32, #tpu.memory_space<vmem>> -> memref<1x1x128xi32, #tpu.memory_space<vmem>>
    %dma_wait3A_77 = tpu.memref_squeeze %dma_wait3A_76 : memref<1x1x128xi32, #tpu.memory_space<vmem>> -> memref<128xi32, #tpu.memory_space<vmem>>
    %dma_wait3A_78 = arith.constant 0 : i32
    %dma_wait3A_79 = arith.constant 0 : i32
    %dma_wait3A_80 = tpu.memref_slice %arg2[%dma_wait3A_78, %dma_wait3A_79] : memref<10000x128xf32, #tpu.memory_space<hbm>> -> memref<10000x128xf32, #tpu.memory_space<hbm>>
    tpu.wait_indirect_dma semaphore(%arg8 : memref<!tpu.dma_semaphore, #tpu.memory_space<semaphore_mem>>) src(%dma_wait3A_80 : memref<10000x128xf32, #tpu.memory_space<hbm>>) dst(%dma_wait3A_74 : memref<128x128xf32, #tpu.memory_space<vmem>>)
    %dma_start3A_81 = arith.constant 0 : i32
    %dma_start3A_82 = arith.constant 0 : i32
    %dma_start3A_83 = arith.constant 1 : i32
    %dma_start3A_84 = arith.constant 0 : i32
    %dma_start3A_85 = arith.constant 0 : i32
    %dma_start3A_86 = tpu.memref_slice %arg6[%dma_start3A_81, %dma_start3A_84, %dma_start3A_85] : memref<3x128x128xf32, #tpu.memory_space<vmem>> -> memref<1x128x128xf32, #tpu.memory_space<vmem>>
    %dma_start3A_87 = tpu.memref_squeeze %dma_start3A_86 : memref<1x128x128xf32, #tpu.memory_space<vmem>> -> memref<128x128xf32, #tpu.memory_space<vmem>>
    %dma_start3A_88 = arith.constant 0 : i32
    %dma_start3A_89 = tpu.memref_slice %arg5[%dma_start3A_82, %dma_start3A_83, %dma_start3A_88] : memref<3x2x128xi32, #tpu.memory_space<vmem>> -> memref<1x1x128xi32, #tpu.memory_space<vmem>>
    %dma_start3A_90 = tpu.memref_squeeze %dma_start3A_89 : memref<1x1x128xi32, #tpu.memory_space<vmem>> -> memref<128xi32, #tpu.memory_space<vmem>>
    %dma_start3A_91 = arith.constant 0 : i32
    %dma_start3A_92 = arith.constant 0 : i32
    %dma_start3A_93 = tpu.memref_slice %arg7[%dma_start3A_91, %dma_start3A_92] : memref<10000x128xf32, #tpu.memory_space<vmem_shared>> -> memref<10000x128xf32, #tpu.memory_space<vmem_shared>>
    tpu.enqueue_indirect_dma source(%dma_start3A_87 : memref<128x128xf32, #tpu.memory_space<vmem>>) target(%dma_start3A_93 : memref<10000x128xf32, #tpu.memory_space<vmem_shared>>) offsets(%dma_start3A_90 : memref<128xi32, #tpu.memory_space<vmem>>) semaphore(%arg11 : memref<!tpu.dma_semaphore, #tpu.memory_space<semaphore_mem>>) {add = true}
    %dma_wait3A_94 = arith.constant 0 : i32
    %dma_wait3A_95 = arith.constant 0 : i32
    %dma_wait3A_96 = arith.constant 1 : i32
    %dma_wait3A_97 = arith.constant 0 : i32
    %dma_wait3A_98 = arith.constant 0 : i32
    %dma_wait3A_99 = tpu.memref_slice %arg6[%dma_wait3A_94, %dma_wait3A_97, %dma_wait3A_98] : memref<3x128x128xf32, #tpu.memory_space<vmem>> -> memref<1x128x128xf32, #tpu.memory_space<vmem>>
    %dma_wait3A_100 = tpu.memref_squeeze %dma_wait3A_99 : memref<1x128x128xf32, #tpu.memory_space<vmem>> -> memref<128x128xf32, #tpu.memory_space<vmem>>
    %dma_wait3A_101 = arith.constant 0 : i32
    %dma_wait3A_102 = tpu.memref_slice %arg5[%dma_wait3A_95, %dma_wait3A_96, %dma_wait3A_101] : memref<3x2x128xi32, #tpu.memory_space<vmem>> -> memref<1x1x128xi32, #tpu.memory_space<vmem>>
    %dma_wait3A_103 = tpu.memref_squeeze %dma_wait3A_102 : memref<1x1x128xi32, #tpu.memory_space<vmem>> -> memref<128xi32, #tpu.memory_space<vmem>>
    %dma_wait3A_104 = arith.constant 0 : i32
    %dma_wait3A_105 = arith.constant 0 : i32
    %dma_wait3A_106 = tpu.memref_slice %arg7[%dma_wait3A_104, %dma_wait3A_105] : memref<10000x128xf32, #tpu.memory_space<vmem_shared>> -> memref<10000x128xf32, #tpu.memory_space<vmem_shared>>
    tpu.wait_indirect_dma semaphore(%arg11 : memref<!tpu.dma_semaphore, #tpu.memory_space<semaphore_mem>>) src(%dma_wait3A_100 : memref<128x128xf32, #tpu.memory_space<vmem>>) dst(%dma_wait3A_106 : memref<10000x128xf32, #tpu.memory_space<vmem_shared>>)
    %add3A_107 = arith.constant 1 : i32
    %add3A_108 = arith.addi %mul3A_19, %add3A_107 : i32
    %add3A_109 = arith.constant 2 : i32
    %add3A_110 = arith.addi %add3A_108, %add3A_109 : i32
    %run_scoped3A_111 = arith.constant 0 : i32
    "tpu.region"() ({
      %run_scoped3A_379 = tpu.sem_alloc : memref<!tpu.dma_semaphore, #tpu.memory_space<semaphore_mem>>
      %dma_start3A_380 = arith.constant 0 : i32
      %dma_start3A_381 = arith.constant 0 : i32
      %dma_start3A_382 = tpu.memref_slice %arg5[%run_scoped3A_111, %dma_start3A_380, %dma_start3A_381] : memref<3x2x128xi32, #tpu.memory_space<vmem>> -> memref<1x2x128xi32, #tpu.memory_space<vmem>>
      %dma_start3A_383 = tpu.memref_squeeze %dma_start3A_382 : memref<1x2x128xi32, #tpu.memory_space<vmem>> -> memref<2x128xi32, #tpu.memory_space<vmem>>
      %dma_start3A_384 = arith.constant 0 : i32
      %dma_start3A_385 = arith.constant 0 : i32
      %dma_start3A_386 = tpu.memref_slice %arg3[%add3A_110, %dma_start3A_384, %dma_start3A_385] : memref<2500x2x128xi32, #tpu.memory_space<hbm>> -> memref<1x2x128xi32, #tpu.memory_space<hbm>>
      %dma_start3A_387 = tpu.memref_squeeze %dma_start3A_386 : memref<1x2x128xi32, #tpu.memory_space<hbm>> -> memref<2x128xi32, #tpu.memory_space<hbm>>
      %dma_start3A_388 = arith.constant 0 : i32
      %dma_start3A_389 = arith.constant 0 : i32
      %dma_start3A_390 = tpu.memref_slice %arg5[%run_scoped3A_111, %dma_start3A_388, %dma_start3A_389] : memref<3x2x128xi32, #tpu.memory_space<vmem>> -> memref<1x2x128xi32, #tpu.memory_space<vmem>>
      %dma_start3A_391 = tpu.memref_squeeze %dma_start3A_390 : memref<1x2x128xi32, #tpu.memory_space<vmem>> -> memref<2x128xi32, #tpu.memory_space<vmem>>
      %dma_start3A_392 = arith.constant 0 : i32
      %dma_start3A_393 = arith.constant 0 : i32
      %dma_start3A_394 = tpu.memref_slice %arg3[%add3A_110, %dma_start3A_392, %dma_start3A_393] : memref<2500x2x128xi32, #tpu.memory_space<hbm>> -> memref<1x2x128xi32, #tpu.memory_space<hbm>>
      %dma_start3A_395 = tpu.memref_squeeze %dma_start3A_394 : memref<1x2x128xi32, #tpu.memory_space<hbm>> -> memref<2x128xi32, #tpu.memory_space<hbm>>
      tpu.enqueue_dma source(%dma_start3A_395 : memref<2x128xi32, #tpu.memory_space<hbm>>) target(%dma_start3A_391 : memref<2x128xi32, #tpu.memory_space<vmem>>) target_semaphore(%run_scoped3A_379 : memref<!tpu.dma_semaphore, #tpu.memory_space<semaphore_mem>>)
      %dma_wait3A_396 = arith.constant 0 : i32
      %dma_wait3A_397 = arith.constant 0 : i32
      %dma_wait3A_398 = tpu.memref_slice %arg5[%run_scoped3A_111, %dma_wait3A_396, %dma_wait3A_397] : memref<3x2x128xi32, #tpu.memory_space<vmem>> -> memref<1x2x128xi32, #tpu.memory_space<vmem>>
      %dma_wait3A_399 = tpu.memref_squeeze %dma_wait3A_398 : memref<1x2x128xi32, #tpu.memory_space<vmem>> -> memref<2x128xi32, #tpu.memory_space<vmem>>
      %dma_wait3A_400 = arith.constant 0 : i32
      %dma_wait3A_401 = arith.constant 0 : i32
      %dma_wait3A_402 = tpu.memref_slice %arg3[%add3A_110, %dma_wait3A_400, %dma_wait3A_401] : memref<2500x2x128xi32, #tpu.memory_space<hbm>> -> memref<1x2x128xi32, #tpu.memory_space<hbm>>
      %dma_wait3A_403 = tpu.memref_squeeze %dma_wait3A_402 : memref<1x2x128xi32, #tpu.memory_space<hbm>> -> memref<2x128xi32, #tpu.memory_space<hbm>>
      %dma_wait3A_404 = arith.constant 0 : i32
      %dma_wait3A_405 = arith.constant 0 : i32
      %dma_wait3A_406 = tpu.memref_slice %arg5[%run_scoped3A_111, %dma_wait3A_404, %dma_wait3A_405] : memref<3x2x128xi32, #tpu.memory_space<vmem>> -> memref<1x2x128xi32, #tpu.memory_space<vmem>>
      %dma_wait3A_407 = tpu.memref_squeeze %dma_wait3A_406 : memref<1x2x128xi32, #tpu.memory_space<vmem>> -> memref<2x128xi32, #tpu.memory_space<vmem>>
      %dma_wait3A_408 = arith.constant 0 : i32
      %dma_wait3A_409 = arith.constant 0 : i32
      %dma_wait3A_410 = tpu.memref_slice %arg3[%add3A_110, %dma_wait3A_408, %dma_wait3A_409] : memref<2500x2x128xi32, #tpu.memory_space<hbm>> -> memref<1x2x128xi32, #tpu.memory_space<hbm>>
      %dma_wait3A_411 = tpu.memref_squeeze %dma_wait3A_410 : memref<1x2x128xi32, #tpu.memory_space<hbm>> -> memref<2x128xi32, #tpu.memory_space<hbm>>
      tpu.wait_dma2 semaphore(%run_scoped3A_379 : memref<!tpu.dma_semaphore, #tpu.memory_space<semaphore_mem>>) src(%dma_wait3A_411 : memref<2x128xi32, #tpu.memory_space<hbm>>) dst(%dma_wait3A_407 : memref<2x128xi32, #tpu.memory_space<vmem>>)
      tpu.yield
    }) : () -> ()
    %dma_start3A_112 = arith.constant 0 : i32
    %dma_start3A_113 = arith.constant 0 : i32
    %dma_start3A_114 = arith.constant 0 : i32
    %dma_start3A_115 = arith.constant 0 : i32
    %dma_start3A_116 = arith.constant 0 : i32
    %dma_start3A_117 = tpu.memref_slice %arg6[%dma_start3A_114, %dma_start3A_115, %dma_start3A_116] : memref<3x128x128xf32, #tpu.memory_space<vmem>> -> memref<1x128x128xf32, #tpu.memory_space<vmem>>
    %dma_start3A_118 = tpu.memref_squeeze %dma_start3A_117 : memref<1x128x128xf32, #tpu.memory_space<vmem>> -> memref<128x128xf32, #tpu.memory_space<vmem>>
    %dma_start3A_119 = arith.constant 0 : i32
    %dma_start3A_120 = tpu.memref_slice %arg5[%dma_start3A_112, %dma_start3A_113, %dma_start3A_119] : memref<3x2x128xi32, #tpu.memory_space<vmem>> -> memref<1x1x128xi32, #tpu.memory_space<vmem>>
    %dma_start3A_121 = tpu.memref_squeeze %dma_start3A_120 : memref<1x1x128xi32, #tpu.memory_space<vmem>> -> memref<128xi32, #tpu.memory_space<vmem>>
    %dma_start3A_122 = arith.constant 0 : i32
    %dma_start3A_123 = arith.constant 0 : i32
    %dma_start3A_124 = tpu.memref_slice %arg2[%dma_start3A_122, %dma_start3A_123] : memref<10000x128xf32, #tpu.memory_space<hbm>> -> memref<10000x128xf32, #tpu.memory_space<hbm>>
    tpu.enqueue_indirect_dma source(%dma_start3A_124 : memref<10000x128xf32, #tpu.memory_space<hbm>>) target(%dma_start3A_118 : memref<128x128xf32, #tpu.memory_space<vmem>>) offsets(%dma_start3A_121 : memref<128xi32, #tpu.memory_space<vmem>>) semaphore(%arg8 : memref<!tpu.dma_semaphore, #tpu.memory_space<semaphore_mem>>)
    %dma_wait3A_125 = arith.constant 1 : i32
    %dma_wait3A_126 = arith.constant 0 : i32
    %dma_wait3A_127 = arith.constant 1 : i32
    %dma_wait3A_128 = arith.constant 0 : i32
    %dma_wait3A_129 = arith.constant 0 : i32
    %dma_wait3A_130 = tpu.memref_slice %arg6[%dma_wait3A_127, %dma_wait3A_128, %dma_wait3A_129] : memref<3x128x128xf32, #tpu.memory_space<vmem>> -> memref<1x128x128xf32, #tpu.memory_space<vmem>>
    %dma_wait3A_131 = tpu.memref_squeeze %dma_wait3A_130 : memref<1x128x128xf32, #tpu.memory_space<vmem>> -> memref<128x128xf32, #tpu.memory_space<vmem>>
    %dma_wait3A_132 = arith.constant 0 : i32
    %dma_wait3A_133 = tpu.memref_slice %arg5[%dma_wait3A_125, %dma_wait3A_126, %dma_wait3A_132] : memref<3x2x128xi32, #tpu.memory_space<vmem>> -> memref<1x1x128xi32, #tpu.memory_space<vmem>>
    %dma_wait3A_134 = tpu.memref_squeeze %dma_wait3A_133 : memref<1x1x128xi32, #tpu.memory_space<vmem>> -> memref<128xi32, #tpu.memory_space<vmem>>
    %dma_wait3A_135 = arith.constant 0 : i32
    %dma_wait3A_136 = arith.constant 0 : i32
    %dma_wait3A_137 = tpu.memref_slice %arg2[%dma_wait3A_135, %dma_wait3A_136] : memref<10000x128xf32, #tpu.memory_space<hbm>> -> memref<10000x128xf32, #tpu.memory_space<hbm>>
    tpu.wait_indirect_dma semaphore(%arg9 : memref<!tpu.dma_semaphore, #tpu.memory_space<semaphore_mem>>) src(%dma_wait3A_137 : memref<10000x128xf32, #tpu.memory_space<hbm>>) dst(%dma_wait3A_131 : memref<128x128xf32, #tpu.memory_space<vmem>>)
    %dma_start3A_138 = arith.constant 1 : i32
    %dma_start3A_139 = arith.constant 1 : i32
    %dma_start3A_140 = arith.constant 1 : i32
    %dma_start3A_141 = arith.constant 0 : i32
    %dma_start3A_142 = arith.constant 0 : i32
    %dma_start3A_143 = tpu.memref_slice %arg6[%dma_start3A_138, %dma_start3A_141, %dma_start3A_142] : memref<3x128x128xf32, #tpu.memory_space<vmem>> -> memref<1x128x128xf32, #tpu.memory_space<vmem>>
    %dma_start3A_144 = tpu.memref_squeeze %dma_start3A_143 : memref<1x128x128xf32, #tpu.memory_space<vmem>> -> memref<128x128xf32, #tpu.memory_space<vmem>>
    %dma_start3A_145 = arith.constant 0 : i32
    %dma_start3A_146 = tpu.memref_slice %arg5[%dma_start3A_139, %dma_start3A_140, %dma_start3A_145] : memref<3x2x128xi32, #tpu.memory_space<vmem>> -> memref<1x1x128xi32, #tpu.memory_space<vmem>>
    %dma_start3A_147 = tpu.memref_squeeze %dma_start3A_146 : memref<1x1x128xi32, #tpu.memory_space<vmem>> -> memref<128xi32, #tpu.memory_space<vmem>>
    %dma_start3A_148 = arith.constant 0 : i32
    %dma_start3A_149 = arith.constant 0 : i32
    %dma_start3A_150 = tpu.memref_slice %arg7[%dma_start3A_148, %dma_start3A_149] : memref<10000x128xf32, #tpu.memory_space<vmem_shared>> -> memref<10000x128xf32, #tpu.memory_space<vmem_shared>>
    tpu.enqueue_indirect_dma source(%dma_start3A_144 : memref<128x128xf32, #tpu.memory_space<vmem>>) target(%dma_start3A_150 : memref<10000x128xf32, #tpu.memory_space<vmem_shared>>) offsets(%dma_start3A_147 : memref<128xi32, #tpu.memory_space<vmem>>) semaphore(%arg12 : memref<!tpu.dma_semaphore, #tpu.memory_space<semaphore_mem>>) {add = true}
    %dma_wait3A_151 = arith.constant 1 : i32
    %dma_wait3A_152 = arith.constant 1 : i32
    %dma_wait3A_153 = arith.constant 1 : i32
    %dma_wait3A_154 = arith.constant 0 : i32
    %dma_wait3A_155 = arith.constant 0 : i32
    %dma_wait3A_156 = tpu.memref_slice %arg6[%dma_wait3A_151, %dma_wait3A_154, %dma_wait3A_155] : memref<3x128x128xf32, #tpu.memory_space<vmem>> -> memref<1x128x128xf32, #tpu.memory_space<vmem>>
    %dma_wait3A_157 = tpu.memref_squeeze %dma_wait3A_156 : memref<1x128x128xf32, #tpu.memory_space<vmem>> -> memref<128x128xf32, #tpu.memory_space<vmem>>
    %dma_wait3A_158 = arith.constant 0 : i32
    %dma_wait3A_159 = tpu.memref_slice %arg5[%dma_wait3A_152, %dma_wait3A_153, %dma_wait3A_158] : memref<3x2x128xi32, #tpu.memory_space<vmem>> -> memref<1x1x128xi32, #tpu.memory_space<vmem>>
    %dma_wait3A_160 = tpu.memref_squeeze %dma_wait3A_159 : memref<1x1x128xi32, #tpu.memory_space<vmem>> -> memref<128xi32, #tpu.memory_space<vmem>>
    %dma_wait3A_161 = arith.constant 0 : i32
    %dma_wait3A_162 = arith.constant 0 : i32
    %dma_wait3A_163 = tpu.memref_slice %arg7[%dma_wait3A_161, %dma_wait3A_162] : memref<10000x128xf32, #tpu.memory_space<vmem_shared>> -> memref<10000x128xf32, #tpu.memory_space<vmem_shared>>
    tpu.wait_indirect_dma semaphore(%arg12 : memref<!tpu.dma_semaphore, #tpu.memory_space<semaphore_mem>>) src(%dma_wait3A_157 : memref<128x128xf32, #tpu.memory_space<vmem>>) dst(%dma_wait3A_163 : memref<10000x128xf32, #tpu.memory_space<vmem_shared>>)
    %add3A_164 = arith.constant 2 : i32
    %add3A_165 = arith.addi %mul3A_19, %add3A_164 : i32
    %add3A_166 = arith.constant 2 : i32
    %add3A_167 = arith.addi %add3A_165, %add3A_166 : i32
    %run_scoped3A_168 = arith.constant 1 : i32
    "tpu.region"() ({
      %run_scoped3A_379 = tpu.sem_alloc : memref<!tpu.dma_semaphore, #tpu.memory_space<semaphore_mem>>
      %dma_start3A_380 = arith.constant 0 : i32
      %dma_start3A_381 = arith.constant 0 : i32
      %dma_start3A_382 = tpu.memref_slice %arg5[%run_scoped3A_168, %dma_start3A_380, %dma_start3A_381] : memref<3x2x128xi32, #tpu.memory_space<vmem>> -> memref<1x2x128xi32, #tpu.memory_space<vmem>>
      %dma_start3A_383 = tpu.memref_squeeze %dma_start3A_382 : memref<1x2x128xi32, #tpu.memory_space<vmem>> -> memref<2x128xi32, #tpu.memory_space<vmem>>
      %dma_start3A_384 = arith.constant 0 : i32
      %dma_start3A_385 = arith.constant 0 : i32
      %dma_start3A_386 = tpu.memref_slice %arg3[%add3A_167, %dma_start3A_384, %dma_start3A_385] : memref<2500x2x128xi32, #tpu.memory_space<hbm>> -> memref<1x2x128xi32, #tpu.memory_space<hbm>>
      %dma_start3A_387 = tpu.memref_squeeze %dma_start3A_386 : memref<1x2x128xi32, #tpu.memory_space<hbm>> -> memref<2x128xi32, #tpu.memory_space<hbm>>
      %dma_start3A_388 = arith.constant 0 : i32
      %dma_start3A_389 = arith.constant 0 : i32
      %dma_start3A_390 = tpu.memref_slice %arg5[%run_scoped3A_168, %dma_start3A_388, %dma_start3A_389] : memref<3x2x128xi32, #tpu.memory_space<vmem>> -> memref<1x2x128xi32, #tpu.memory_space<vmem>>
      %dma_start3A_391 = tpu.memref_squeeze %dma_start3A_390 : memref<1x2x128xi32, #tpu.memory_space<vmem>> -> memref<2x128xi32, #tpu.memory_space<vmem>>
      %dma_start3A_392 = arith.constant 0 : i32
      %dma_start3A_393 = arith.constant 0 : i32
      %dma_start3A_394 = tpu.memref_slice %arg3[%add3A_167, %dma_start3A_392, %dma_start3A_393] : memref<2500x2x128xi32, #tpu.memory_space<hbm>> -> memref<1x2x128xi32, #tpu.memory_space<hbm>>
      %dma_start3A_395 = tpu.memref_squeeze %dma_start3A_394 : memref<1x2x128xi32, #tpu.memory_space<hbm>> -> memref<2x128xi32, #tpu.memory_space<hbm>>
      tpu.enqueue_dma source(%dma_start3A_395 : memref<2x128xi32, #tpu.memory_space<hbm>>) target(%dma_start3A_391 : memref<2x128xi32, #tpu.memory_space<vmem>>) target_semaphore(%run_scoped3A_379 : memref<!tpu.dma_semaphore, #tpu.memory_space<semaphore_mem>>)
      %dma_wait3A_396 = arith.constant 0 : i32
      %dma_wait3A_397 = arith.constant 0 : i32
      %dma_wait3A_398 = tpu.memref_slice %arg5[%run_scoped3A_168, %dma_wait3A_396, %dma_wait3A_397] : memref<3x2x128xi32, #tpu.memory_space<vmem>> -> memref<1x2x128xi32, #tpu.memory_space<vmem>>
      %dma_wait3A_399 = tpu.memref_squeeze %dma_wait3A_398 : memref<1x2x128xi32, #tpu.memory_space<vmem>> -> memref<2x128xi32, #tpu.memory_space<vmem>>
      %dma_wait3A_400 = arith.constant 0 : i32
      %dma_wait3A_401 = arith.constant 0 : i32
      %dma_wait3A_402 = tpu.memref_slice %arg3[%add3A_167, %dma_wait3A_400, %dma_wait3A_401] : memref<2500x2x128xi32, #tpu.memory_space<hbm>> -> memref<1x2x128xi32, #tpu.memory_space<hbm>>
      %dma_wait3A_403 = tpu.memref_squeeze %dma_wait3A_402 : memref<1x2x128xi32, #tpu.memory_space<hbm>> -> memref<2x128xi32, #tpu.memory_space<hbm>>
      %dma_wait3A_404 = arith.constant 0 : i32
      %dma_wait3A_405 = arith.constant 0 : i32
      %dma_wait3A_406 = tpu.memref_slice %arg5[%run_scoped3A_168, %dma_wait3A_404, %dma_wait3A_405] : memref<3x2x128xi32, #tpu.memory_space<vmem>> -> memref<1x2x128xi32, #tpu.memory_space<vmem>>
      %dma_wait3A_407 = tpu.memref_squeeze %dma_wait3A_406 : memref<1x2x128xi32, #tpu.memory_space<vmem>> -> memref<2x128xi32, #tpu.memory_space<vmem>>
      %dma_wait3A_408 = arith.constant 0 : i32
      %dma_wait3A_409 = arith.constant 0 : i32
      %dma_wait3A_410 = tpu.memref_slice %arg3[%add3A_167, %dma_wait3A_408, %dma_wait3A_409] : memref<2500x2x128xi32, #tpu.memory_space<hbm>> -> memref<1x2x128xi32, #tpu.memory_space<hbm>>
      %dma_wait3A_411 = tpu.memref_squeeze %dma_wait3A_410 : memref<1x2x128xi32, #tpu.memory_space<hbm>> -> memref<2x128xi32, #tpu.memory_space<hbm>>
      tpu.wait_dma2 semaphore(%run_scoped3A_379 : memref<!tpu.dma_semaphore, #tpu.memory_space<semaphore_mem>>) src(%dma_wait3A_411 : memref<2x128xi32, #tpu.memory_space<hbm>>) dst(%dma_wait3A_407 : memref<2x128xi32, #tpu.memory_space<vmem>>)
      tpu.yield
    }) : () -> ()
    %dma_start3A_169 = arith.constant 1 : i32
    %dma_start3A_170 = arith.constant 0 : i32
    %dma_start3A_171 = arith.constant 1 : i32
    %dma_start3A_172 = arith.constant 0 : i32
    %dma_start3A_173 = arith.constant 0 : i32
    %dma_start3A_174 = tpu.memref_slice %arg6[%dma_start3A_171, %dma_start3A_172, %dma_start3A_173] : memref<3x128x128xf32, #tpu.memory_space<vmem>> -> memref<1x128x128xf32, #tpu.memory_space<vmem>>
    %dma_start3A_175 = tpu.memref_squeeze %dma_start3A_174 : memref<1x128x128xf32, #tpu.memory_space<vmem>> -> memref<128x128xf32, #tpu.memory_space<vmem>>
    %dma_start3A_176 = arith.constant 0 : i32
    %dma_start3A_177 = tpu.memref_slice %arg5[%dma_start3A_169, %dma_start3A_170, %dma_start3A_176] : memref<3x2x128xi32, #tpu.memory_space<vmem>> -> memref<1x1x128xi32, #tpu.memory_space<vmem>>
    %dma_start3A_178 = tpu.memref_squeeze %dma_start3A_177 : memref<1x1x128xi32, #tpu.memory_space<vmem>> -> memref<128xi32, #tpu.memory_space<vmem>>
    %dma_start3A_179 = arith.constant 0 : i32
    %dma_start3A_180 = arith.constant 0 : i32
    %dma_start3A_181 = tpu.memref_slice %arg2[%dma_start3A_179, %dma_start3A_180] : memref<10000x128xf32, #tpu.memory_space<hbm>> -> memref<10000x128xf32, #tpu.memory_space<hbm>>
    tpu.enqueue_indirect_dma source(%dma_start3A_181 : memref<10000x128xf32, #tpu.memory_space<hbm>>) target(%dma_start3A_175 : memref<128x128xf32, #tpu.memory_space<vmem>>) offsets(%dma_start3A_178 : memref<128xi32, #tpu.memory_space<vmem>>) semaphore(%arg9 : memref<!tpu.dma_semaphore, #tpu.memory_space<semaphore_mem>>)
    %dma_wait3A_182 = arith.constant 2 : i32
    %dma_wait3A_183 = arith.constant 0 : i32
    %dma_wait3A_184 = arith.constant 2 : i32
    %dma_wait3A_185 = arith.constant 0 : i32
    %dma_wait3A_186 = arith.constant 0 : i32
    %dma_wait3A_187 = tpu.memref_slice %arg6[%dma_wait3A_184, %dma_wait3A_185, %dma_wait3A_186] : memref<3x128x128xf32, #tpu.memory_space<vmem>> -> memref<1x128x128xf32, #tpu.memory_space<vmem>>
    %dma_wait3A_188 = tpu.memref_squeeze %dma_wait3A_187 : memref<1x128x128xf32, #tpu.memory_space<vmem>> -> memref<128x128xf32, #tpu.memory_space<vmem>>
    %dma_wait3A_189 = arith.constant 0 : i32
    %dma_wait3A_190 = tpu.memref_slice %arg5[%dma_wait3A_182, %dma_wait3A_183, %dma_wait3A_189] : memref<3x2x128xi32, #tpu.memory_space<vmem>> -> memref<1x1x128xi32, #tpu.memory_space<vmem>>
    %dma_wait3A_191 = tpu.memref_squeeze %dma_wait3A_190 : memref<1x1x128xi32, #tpu.memory_space<vmem>> -> memref<128xi32, #tpu.memory_space<vmem>>
    %dma_wait3A_192 = arith.constant 0 : i32
    %dma_wait3A_193 = arith.constant 0 : i32
    %dma_wait3A_194 = tpu.memref_slice %arg2[%dma_wait3A_192, %dma_wait3A_193] : memref<10000x128xf32, #tpu.memory_space<hbm>> -> memref<10000x128xf32, #tpu.memory_space<hbm>>
    tpu.wait_indirect_dma semaphore(%arg10 : memref<!tpu.dma_semaphore, #tpu.memory_space<semaphore_mem>>) src(%dma_wait3A_194 : memref<10000x128xf32, #tpu.memory_space<hbm>>) dst(%dma_wait3A_188 : memref<128x128xf32, #tpu.memory_space<vmem>>)
    %dma_start3A_195 = arith.constant 2 : i32
    %dma_start3A_196 = arith.constant 2 : i32
    %dma_start3A_197 = arith.constant 1 : i32
    %dma_start3A_198 = arith.constant 0 : i32
    %dma_start3A_199 = arith.constant 0 : i32
    %dma_start3A_200 = tpu.memref_slice %arg6[%dma_start3A_195, %dma_start3A_198, %dma_start3A_199] : memref<3x128x128xf32, #tpu.memory_space<vmem>> -> memref<1x128x128xf32, #tpu.memory_space<vmem>>
    %dma_start3A_201 = tpu.memref_squeeze %dma_start3A_200 : memref<1x128x128xf32, #tpu.memory_space<vmem>> -> memref<128x128xf32, #tpu.memory_space<vmem>>
    %dma_start3A_202 = arith.constant 0 : i32
    %dma_start3A_203 = tpu.memref_slice %arg5[%dma_start3A_196, %dma_start3A_197, %dma_start3A_202] : memref<3x2x128xi32, #tpu.memory_space<vmem>> -> memref<1x1x128xi32, #tpu.memory_space<vmem>>
    %dma_start3A_204 = tpu.memref_squeeze %dma_start3A_203 : memref<1x1x128xi32, #tpu.memory_space<vmem>> -> memref<128xi32, #tpu.memory_space<vmem>>
    %dma_start3A_205 = arith.constant 0 : i32
    %dma_start3A_206 = arith.constant 0 : i32
    %dma_start3A_207 = tpu.memref_slice %arg7[%dma_start3A_205, %dma_start3A_206] : memref<10000x128xf32, #tpu.memory_space<vmem_shared>> -> memref<10000x128xf32, #tpu.memory_space<vmem_shared>>
    tpu.enqueue_indirect_dma source(%dma_start3A_201 : memref<128x128xf32, #tpu.memory_space<vmem>>) target(%dma_start3A_207 : memref<10000x128xf32, #tpu.memory_space<vmem_shared>>) offsets(%dma_start3A_204 : memref<128xi32, #tpu.memory_space<vmem>>) semaphore(%arg13 : memref<!tpu.dma_semaphore, #tpu.memory_space<semaphore_mem>>) {add = true}
    %scan3A_208 = arith.constant 0 : i32
    %scan3A_209 = arith.constant 0 : i32
    %scan3A_210 = arith.constant 24 : i32
    %scan3A_211 = arith.addi %scan3A_209, %scan3A_210 : i32
    %scan3A_212 = arith.constant 1 : i32
    scf.for %scan3A_379 = %scan3A_209 to %scan3A_211 step %scan3A_212  : i32 {
      %mul3A_380 = arith.constant 3 : i32
      %mul3A_381 = arith.muli %scan3A_379, %mul3A_380 : i32
      %add3A_382 = arith.constant 3 : i32
      %add3A_383 = arith.addi %add3A_382, %mul3A_381 : i32
      %add3A_384 = arith.constant 0 : i32
      %add3A_385 = arith.addi %add3A_383, %add3A_384 : i32
      %dma_wait3A_386 = arith.constant 2 : i32
      %dma_wait3A_387 = arith.constant 2 : i32
      %dma_wait3A_388 = arith.constant 1 : i32
      %dma_wait3A_389 = arith.constant 0 : i32
      %dma_wait3A_390 = arith.constant 0 : i32
      %dma_wait3A_391 = tpu.memref_slice %arg6[%dma_wait3A_386, %dma_wait3A_389, %dma_wait3A_390] : memref<3x128x128xf32, #tpu.memory_space<vmem>> -> memref<1x128x128xf32, #tpu.memory_space<vmem>>
      %dma_wait3A_392 = tpu.memref_squeeze %dma_wait3A_391 : memref<1x128x128xf32, #tpu.memory_space<vmem>> -> memref<128x128xf32, #tpu.memory_space<vmem>>
      %dma_wait3A_393 = arith.constant 0 : i32
      %dma_wait3A_394 = tpu.memref_slice %arg5[%dma_wait3A_387, %dma_wait3A_388, %dma_wait3A_393] : memref<3x2x128xi32, #tpu.memory_space<vmem>> -> memref<1x1x128xi32, #tpu.memory_space<vmem>>
      %dma_wait3A_395 = tpu.memref_squeeze %dma_wait3A_394 : memref<1x1x128xi32, #tpu.memory_space<vmem>> -> memref<128xi32, #tpu.memory_space<vmem>>
      %dma_wait3A_396 = arith.constant 0 : i32
      %dma_wait3A_397 = arith.constant 0 : i32
      %dma_wait3A_398 = tpu.memref_slice %arg7[%dma_wait3A_396, %dma_wait3A_397] : memref<10000x128xf32, #tpu.memory_space<vmem_shared>> -> memref<10000x128xf32, #tpu.memory_space<vmem_shared>>
      tpu.wait_indirect_dma semaphore(%arg13 : memref<!tpu.dma_semaphore, #tpu.memory_space<semaphore_mem>>) src(%dma_wait3A_392 : memref<128x128xf32, #tpu.memory_space<vmem>>) dst(%dma_wait3A_398 : memref<10000x128xf32, #tpu.memory_space<vmem_shared>>)
      %add3A_399 = arith.addi %mul3A_19, %add3A_385 : i32
      %add3A_400 = arith.constant 2 : i32
      %add3A_401 = arith.addi %add3A_399, %add3A_400 : i32
      %run_scoped3A_402 = arith.constant 2 : i32
      "tpu.region"() ({
        %run_scoped3A_566 = tpu.sem_alloc : memref<!tpu.dma_semaphore, #tpu.memory_space<semaphore_mem>>
        %dma_start3A_567 = arith.constant 0 : i32
        %dma_start3A_568 = arith.constant 0 : i32
        %dma_start3A_569 = tpu.memref_slice %arg5[%run_scoped3A_402, %dma_start3A_567, %dma_start3A_568] : memref<3x2x128xi32, #tpu.memory_space<vmem>> -> memref<1x2x128xi32, #tpu.memory_space<vmem>>
        %dma_start3A_570 = tpu.memref_squeeze %dma_start3A_569 : memref<1x2x128xi32, #tpu.memory_space<vmem>> -> memref<2x128xi32, #tpu.memory_space<vmem>>
        %dma_start3A_571 = arith.constant 0 : i32
        %dma_start3A_572 = arith.constant 0 : i32
        %dma_start3A_573 = tpu.memref_slice %arg3[%add3A_401, %dma_start3A_571, %dma_start3A_572] : memref<2500x2x128xi32, #tpu.memory_space<hbm>> -> memref<1x2x128xi32, #tpu.memory_space<hbm>>
        %dma_start3A_574 = tpu.memref_squeeze %dma_start3A_573 : memref<1x2x128xi32, #tpu.memory_space<hbm>> -> memref<2x128xi32, #tpu.memory_space<hbm>>
        %dma_start3A_575 = arith.constant 0 : i32
        %dma_start3A_576 = arith.constant 0 : i32
        %dma_start3A_577 = tpu.memref_slice %arg5[%run_scoped3A_402, %dma_start3A_575, %dma_start3A_576] : memref<3x2x128xi32, #tpu.memory_space<vmem>> -> memref<1x2x128xi32, #tpu.memory_space<vmem>>
        %dma_start3A_578 = tpu.memref_squeeze %dma_start3A_577 : memref<1x2x128xi32, #tpu.memory_space<vmem>> -> memref<2x128xi32, #tpu.memory_space<vmem>>
        %dma_start3A_579 = arith.constant 0 : i32
        %dma_start3A_580 = arith.constant 0 : i32
        %dma_start3A_581 = tpu.memref_slice %arg3[%add3A_401, %dma_start3A_579, %dma_start3A_580] : memref<2500x2x128xi32, #tpu.memory_space<hbm>> -> memref<1x2x128xi32, #tpu.memory_space<hbm>>
        %dma_start3A_582 = tpu.memref_squeeze %dma_start3A_581 : memref<1x2x128xi32, #tpu.memory_space<hbm>> -> memref<2x128xi32, #tpu.memory_space<hbm>>
        tpu.enqueue_dma source(%dma_start3A_582 : memref<2x128xi32, #tpu.memory_space<hbm>>) target(%dma_start3A_578 : memref<2x128xi32, #tpu.memory_space<vmem>>) target_semaphore(%run_scoped3A_566 : memref<!tpu.dma_semaphore, #tpu.memory_space<semaphore_mem>>)
        %dma_wait3A_583 = arith.constant 0 : i32
        %dma_wait3A_584 = arith.constant 0 : i32
        %dma_wait3A_585 = tpu.memref_slice %arg5[%run_scoped3A_402, %dma_wait3A_583, %dma_wait3A_584] : memref<3x2x128xi32, #tpu.memory_space<vmem>> -> memref<1x2x128xi32, #tpu.memory_space<vmem>>
        %dma_wait3A_586 = tpu.memref_squeeze %dma_wait3A_585 : memref<1x2x128xi32, #tpu.memory_space<vmem>> -> memref<2x128xi32, #tpu.memory_space<vmem>>
        %dma_wait3A_587 = arith.constant 0 : i32
        %dma_wait3A_588 = arith.constant 0 : i32
        %dma_wait3A_589 = tpu.memref_slice %arg3[%add3A_401, %dma_wait3A_587, %dma_wait3A_588] : memref<2500x2x128xi32, #tpu.memory_space<hbm>> -> memref<1x2x128xi32, #tpu.memory_space<hbm>>
        %dma_wait3A_590 = tpu.memref_squeeze %dma_wait3A_589 : memref<1x2x128xi32, #tpu.memory_space<hbm>> -> memref<2x128xi32, #tpu.memory_space<hbm>>
        %dma_wait3A_591 = arith.constant 0 : i32
        %dma_wait3A_592 = arith.constant 0 : i32
        %dma_wait3A_593 = tpu.memref_slice %arg5[%run_scoped3A_402, %dma_wait3A_591, %dma_wait3A_592] : memref<3x2x128xi32, #tpu.memory_space<vmem>> -> memref<1x2x128xi32, #tpu.memory_space<vmem>>
        %dma_wait3A_594 = tpu.memref_squeeze %dma_wait3A_593 : memref<1x2x128xi32, #tpu.memory_space<vmem>> -> memref<2x128xi32, #tpu.memory_space<vmem>>
        %dma_wait3A_595 = arith.constant 0 : i32
        %dma_wait3A_596 = arith.constant 0 : i32
        %dma_wait3A_597 = tpu.memref_slice %arg3[%add3A_401, %dma_wait3A_595, %dma_wait3A_596] : memref<2500x2x128xi32, #tpu.memory_space<hbm>> -> memref<1x2x128xi32, #tpu.memory_space<hbm>>
        %dma_wait3A_598 = tpu.memref_squeeze %dma_wait3A_597 : memref<1x2x128xi32, #tpu.memory_space<hbm>> -> memref<2x128xi32, #tpu.memory_space<hbm>>
        tpu.wait_dma2 semaphore(%run_scoped3A_566 : memref<!tpu.dma_semaphore, #tpu.memory_space<semaphore_mem>>) src(%dma_wait3A_598 : memref<2x128xi32, #tpu.memory_space<hbm>>) dst(%dma_wait3A_594 : memref<2x128xi32, #tpu.memory_space<vmem>>)
        tpu.yield
      }) : () -> ()
      %dma_start3A_403 = arith.constant 2 : i32
      %dma_start3A_404 = arith.constant 0 : i32
      %dma_start3A_405 = arith.constant 2 : i32
      %dma_start3A_406 = arith.constant 0 : i32
      %dma_start3A_407 = arith.constant 0 : i32
      %dma_start3A_408 = tpu.memref_slice %arg6[%dma_start3A_405, %dma_start3A_406, %dma_start3A_407] : memref<3x128x128xf32, #tpu.memory_space<vmem>> -> memref<1x128x128xf32, #tpu.memory_space<vmem>>
      %dma_start3A_409 = tpu.memref_squeeze %dma_start3A_408 : memref<1x128x128xf32, #tpu.memory_space<vmem>> -> memref<128x128xf32, #tpu.memory_space<vmem>>
      %dma_start3A_410 = arith.constant 0 : i32
      %dma_start3A_411 = tpu.memref_slice %arg5[%dma_start3A_403, %dma_start3A_404, %dma_start3A_410] : memref<3x2x128xi32, #tpu.memory_space<vmem>> -> memref<1x1x128xi32, #tpu.memory_space<vmem>>
      %dma_start3A_412 = tpu.memref_squeeze %dma_start3A_411 : memref<1x1x128xi32, #tpu.memory_space<vmem>> -> memref<128xi32, #tpu.memory_space<vmem>>
      %dma_start3A_413 = arith.constant 0 : i32
      %dma_start3A_414 = arith.constant 0 : i32
      %dma_start3A_415 = tpu.memref_slice %arg2[%dma_start3A_413, %dma_start3A_414] : memref<10000x128xf32, #tpu.memory_space<hbm>> -> memref<10000x128xf32, #tpu.memory_space<hbm>>
      tpu.enqueue_indirect_dma source(%dma_start3A_415 : memref<10000x128xf32, #tpu.memory_space<hbm>>) target(%dma_start3A_409 : memref<128x128xf32, #tpu.memory_space<vmem>>) offsets(%dma_start3A_412 : memref<128xi32, #tpu.memory_space<vmem>>) semaphore(%arg10 : memref<!tpu.dma_semaphore, #tpu.memory_space<semaphore_mem>>)
      %dma_wait3A_416 = arith.constant 0 : i32
      %dma_wait3A_417 = arith.constant 0 : i32
      %dma_wait3A_418 = arith.constant 0 : i32
      %dma_wait3A_419 = arith.constant 0 : i32
      %dma_wait3A_420 = arith.constant 0 : i32
      %dma_wait3A_421 = tpu.memref_slice %arg6[%dma_wait3A_418, %dma_wait3A_419, %dma_wait3A_420] : memref<3x128x128xf32, #tpu.memory_space<vmem>> -> memref<1x128x128xf32, #tpu.memory_space<vmem>>
      %dma_wait3A_422 = tpu.memref_squeeze %dma_wait3A_421 : memref<1x128x128xf32, #tpu.memory_space<vmem>> -> memref<128x128xf32, #tpu.memory_space<vmem>>
      %dma_wait3A_423 = arith.constant 0 : i32
      %dma_wait3A_424 = tpu.memref_slice %arg5[%dma_wait3A_416, %dma_wait3A_417, %dma_wait3A_423] : memref<3x2x128xi32, #tpu.memory_space<vmem>> -> memref<1x1x128xi32, #tpu.memory_space<vmem>>
      %dma_wait3A_425 = tpu.memref_squeeze %dma_wait3A_424 : memref<1x1x128xi32, #tpu.memory_space<vmem>> -> memref<128xi32, #tpu.memory_space<vmem>>
      %dma_wait3A_426 = arith.constant 0 : i32
      %dma_wait3A_427 = arith.constant 0 : i32
      %dma_wait3A_428 = tpu.memref_slice %arg2[%dma_wait3A_426, %dma_wait3A_427] : memref<10000x128xf32, #tpu.memory_space<hbm>> -> memref<10000x128xf32, #tpu.memory_space<hbm>>
      tpu.wait_indirect_dma semaphore(%arg8 : memref<!tpu.dma_semaphore, #tpu.memory_space<semaphore_mem>>) src(%dma_wait3A_428 : memref<10000x128xf32, #tpu.memory_space<hbm>>) dst(%dma_wait3A_422 : memref<128x128xf32, #tpu.memory_space<vmem>>)
      %dma_start3A_429 = arith.constant 0 : i32
      %dma_start3A_430 = arith.constant 0 : i32
      %dma_start3A_431 = arith.constant 1 : i32
      %dma_start3A_432 = arith.constant 0 : i32
      %dma_start3A_433 = arith.constant 0 : i32
      %dma_start3A_434 = tpu.memref_slice %arg6[%dma_start3A_429, %dma_start3A_432, %dma_start3A_433] : memref<3x128x128xf32, #tpu.memory_space<vmem>> -> memref<1x128x128xf32, #tpu.memory_space<vmem>>
      %dma_start3A_435 = tpu.memref_squeeze %dma_start3A_434 : memref<1x128x128xf32, #tpu.memory_space<vmem>> -> memref<128x128xf32, #tpu.memory_space<vmem>>
      %dma_start3A_436 = arith.constant 0 : i32
      %dma_start3A_437 = tpu.memref_slice %arg5[%dma_start3A_430, %dma_start3A_431, %dma_start3A_436] : memref<3x2x128xi32, #tpu.memory_space<vmem>> -> memref<1x1x128xi32, #tpu.memory_space<vmem>>
      %dma_start3A_438 = tpu.memref_squeeze %dma_start3A_437 : memref<1x1x128xi32, #tpu.memory_space<vmem>> -> memref<128xi32, #tpu.memory_space<vmem>>
      %dma_start3A_439 = arith.constant 0 : i32
      %dma_start3A_440 = arith.constant 0 : i32
      %dma_start3A_441 = tpu.memref_slice %arg7[%dma_start3A_439, %dma_start3A_440] : memref<10000x128xf32, #tpu.memory_space<vmem_shared>> -> memref<10000x128xf32, #tpu.memory_space<vmem_shared>>
      tpu.enqueue_indirect_dma source(%dma_start3A_435 : memref<128x128xf32, #tpu.memory_space<vmem>>) target(%dma_start3A_441 : memref<10000x128xf32, #tpu.memory_space<vmem_shared>>) offsets(%dma_start3A_438 : memref<128xi32, #tpu.memory_space<vmem>>) semaphore(%arg11 : memref<!tpu.dma_semaphore, #tpu.memory_space<semaphore_mem>>) {add = true}
      %mul3A_442 = arith.constant 3 : i32
      %mul3A_443 = arith.muli %scan3A_379, %mul3A_442 : i32
      %add3A_444 = arith.constant 3 : i32
      %add3A_445 = arith.addi %add3A_444, %mul3A_443 : i32
      %add3A_446 = arith.constant 1 : i32
      %add3A_447 = arith.addi %add3A_445, %add3A_446 : i32
      %dma_wait3A_448 = arith.constant 0 : i32
      %dma_wait3A_449 = arith.constant 0 : i32
      %dma_wait3A_450 = arith.constant 1 : i32
      %dma_wait3A_451 = arith.constant 0 : i32
      %dma_wait3A_452 = arith.constant 0 : i32
      %dma_wait3A_453 = tpu.memref_slice %arg6[%dma_wait3A_448, %dma_wait3A_451, %dma_wait3A_452] : memref<3x128x128xf32, #tpu.memory_space<vmem>> -> memref<1x128x128xf32, #tpu.memory_space<vmem>>
      %dma_wait3A_454 = tpu.memref_squeeze %dma_wait3A_453 : memref<1x128x128xf32, #tpu.memory_space<vmem>> -> memref<128x128xf32, #tpu.memory_space<vmem>>
      %dma_wait3A_455 = arith.constant 0 : i32
      %dma_wait3A_456 = tpu.memref_slice %arg5[%dma_wait3A_449, %dma_wait3A_450, %dma_wait3A_455] : memref<3x2x128xi32, #tpu.memory_space<vmem>> -> memref<1x1x128xi32, #tpu.memory_space<vmem>>
      %dma_wait3A_457 = tpu.memref_squeeze %dma_wait3A_456 : memref<1x1x128xi32, #tpu.memory_space<vmem>> -> memref<128xi32, #tpu.memory_space<vmem>>
      %dma_wait3A_458 = arith.constant 0 : i32
      %dma_wait3A_459 = arith.constant 0 : i32
      %dma_wait3A_460 = tpu.memref_slice %arg7[%dma_wait3A_458, %dma_wait3A_459] : memref<10000x128xf32, #tpu.memory_space<vmem_shared>> -> memref<10000x128xf32, #tpu.memory_space<vmem_shared>>
      tpu.wait_indirect_dma semaphore(%arg11 : memref<!tpu.dma_semaphore, #tpu.memory_space<semaphore_mem>>) src(%dma_wait3A_454 : memref<128x128xf32, #tpu.memory_space<vmem>>) dst(%dma_wait3A_460 : memref<10000x128xf32, #tpu.memory_space<vmem_shared>>)
      %add3A_461 = arith.addi %mul3A_19, %add3A_447 : i32
      %add3A_462 = arith.constant 2 : i32
      %add3A_463 = arith.addi %add3A_461, %add3A_462 : i32
      %run_scoped3A_464 = arith.constant 0 : i32
      "tpu.region"() ({
        %run_scoped3A_566 = tpu.sem_alloc : memref<!tpu.dma_semaphore, #tpu.memory_space<semaphore_mem>>
        %dma_start3A_567 = arith.constant 0 : i32
        %dma_start3A_568 = arith.constant 0 : i32
        %dma_start3A_569 = tpu.memref_slice %arg5[%run_scoped3A_464, %dma_start3A_567, %dma_start3A_568] : memref<3x2x128xi32, #tpu.memory_space<vmem>> -> memref<1x2x128xi32, #tpu.memory_space<vmem>>
        %dma_start3A_570 = tpu.memref_squeeze %dma_start3A_569 : memref<1x2x128xi32, #tpu.memory_space<vmem>> -> memref<2x128xi32, #tpu.memory_space<vmem>>
        %dma_start3A_571 = arith.constant 0 : i32
        %dma_start3A_572 = arith.constant 0 : i32
        %dma_start3A_573 = tpu.memref_slice %arg3[%add3A_463, %dma_start3A_571, %dma_start3A_572] : memref<2500x2x128xi32, #tpu.memory_space<hbm>> -> memref<1x2x128xi32, #tpu.memory_space<hbm>>
        %dma_start3A_574 = tpu.memref_squeeze %dma_start3A_573 : memref<1x2x128xi32, #tpu.memory_space<hbm>> -> memref<2x128xi32, #tpu.memory_space<hbm>>
        %dma_start3A_575 = arith.constant 0 : i32
        %dma_start3A_576 = arith.constant 0 : i32
        %dma_start3A_577 = tpu.memref_slice %arg5[%run_scoped3A_464, %dma_start3A_575, %dma_start3A_576] : memref<3x2x128xi32, #tpu.memory_space<vmem>> -> memref<1x2x128xi32, #tpu.memory_space<vmem>>
        %dma_start3A_578 = tpu.memref_squeeze %dma_start3A_577 : memref<1x2x128xi32, #tpu.memory_space<vmem>> -> memref<2x128xi32, #tpu.memory_space<vmem>>
        %dma_start3A_579 = arith.constant 0 : i32
        %dma_start3A_580 = arith.constant 0 : i32
        %dma_start3A_581 = tpu.memref_slice %arg3[%add3A_463, %dma_start3A_579, %dma_start3A_580] : memref<2500x2x128xi32, #tpu.memory_space<hbm>> -> memref<1x2x128xi32, #tpu.memory_space<hbm>>
        %dma_start3A_582 = tpu.memref_squeeze %dma_start3A_581 : memref<1x2x128xi32, #tpu.memory_space<hbm>> -> memref<2x128xi32, #tpu.memory_space<hbm>>
        tpu.enqueue_dma source(%dma_start3A_582 : memref<2x128xi32, #tpu.memory_space<hbm>>) target(%dma_start3A_578 : memref<2x128xi32, #tpu.memory_space<vmem>>) target_semaphore(%run_scoped3A_566 : memref<!tpu.dma_semaphore, #tpu.memory_space<semaphore_mem>>)
        %dma_wait3A_583 = arith.constant 0 : i32
        %dma_wait3A_584 = arith.constant 0 : i32
        %dma_wait3A_585 = tpu.memref_slice %arg5[%run_scoped3A_464, %dma_wait3A_583, %dma_wait3A_584] : memref<3x2x128xi32, #tpu.memory_space<vmem>> -> memref<1x2x128xi32, #tpu.memory_space<vmem>>
        %dma_wait3A_586 = tpu.memref_squeeze %dma_wait3A_585 : memref<1x2x128xi32, #tpu.memory_space<vmem>> -> memref<2x128xi32, #tpu.memory_space<vmem>>
        %dma_wait3A_587 = arith.constant 0 : i32
        %dma_wait3A_588 = arith.constant 0 : i32
        %dma_wait3A_589 = tpu.memref_slice %arg3[%add3A_463, %dma_wait3A_587, %dma_wait3A_588] : memref<2500x2x128xi32, #tpu.memory_space<hbm>> -> memref<1x2x128xi32, #tpu.memory_space<hbm>>
        %dma_wait3A_590 = tpu.memref_squeeze %dma_wait3A_589 : memref<1x2x128xi32, #tpu.memory_space<hbm>> -> memref<2x128xi32, #tpu.memory_space<hbm>>
        %dma_wait3A_591 = arith.constant 0 : i32
        %dma_wait3A_592 = arith.constant 0 : i32
        %dma_wait3A_593 = tpu.memref_slice %arg5[%run_scoped3A_464, %dma_wait3A_591, %dma_wait3A_592] : memref<3x2x128xi32, #tpu.memory_space<vmem>> -> memref<1x2x128xi32, #tpu.memory_space<vmem>>
        %dma_wait3A_594 = tpu.memref_squeeze %dma_wait3A_593 : memref<1x2x128xi32, #tpu.memory_space<vmem>> -> memref<2x128xi32, #tpu.memory_space<vmem>>
        %dma_wait3A_595 = arith.constant 0 : i32
        %dma_wait3A_596 = arith.constant 0 : i32
        %dma_wait3A_597 = tpu.memref_slice %arg3[%add3A_463, %dma_wait3A_595, %dma_wait3A_596] : memref<2500x2x128xi32, #tpu.memory_space<hbm>> -> memref<1x2x128xi32, #tpu.memory_space<hbm>>
        %dma_wait3A_598 = tpu.memref_squeeze %dma_wait3A_597 : memref<1x2x128xi32, #tpu.memory_space<hbm>> -> memref<2x128xi32, #tpu.memory_space<hbm>>
        tpu.wait_dma2 semaphore(%run_scoped3A_566 : memref<!tpu.dma_semaphore, #tpu.memory_space<semaphore_mem>>) src(%dma_wait3A_598 : memref<2x128xi32, #tpu.memory_space<hbm>>) dst(%dma_wait3A_594 : memref<2x128xi32, #tpu.memory_space<vmem>>)
        tpu.yield
      }) : () -> ()
      %dma_start3A_465 = arith.constant 0 : i32
      %dma_start3A_466 = arith.constant 0 : i32
      %dma_start3A_467 = arith.constant 0 : i32
      %dma_start3A_468 = arith.constant 0 : i32
      %dma_start3A_469 = arith.constant 0 : i32
      %dma_start3A_470 = tpu.memref_slice %arg6[%dma_start3A_467, %dma_start3A_468, %dma_start3A_469] : memref<3x128x128xf32, #tpu.memory_space<vmem>> -> memref<1x128x128xf32, #tpu.memory_space<vmem>>
      %dma_start3A_471 = tpu.memref_squeeze %dma_start3A_470 : memref<1x128x128xf32, #tpu.memory_space<vmem>> -> memref<128x128xf32, #tpu.memory_space<vmem>>
      %dma_start3A_472 = arith.constant 0 : i32
      %dma_start3A_473 = tpu.memref_slice %arg5[%dma_start3A_465, %dma_start3A_466, %dma_start3A_472] : memref<3x2x128xi32, #tpu.memory_space<vmem>> -> memref<1x1x128xi32, #tpu.memory_space<vmem>>
      %dma_start3A_474 = tpu.memref_squeeze %dma_start3A_473 : memref<1x1x128xi32, #tpu.memory_space<vmem>> -> memref<128xi32, #tpu.memory_space<vmem>>
      %dma_start3A_475 = arith.constant 0 : i32
      %dma_start3A_476 = arith.constant 0 : i32
      %dma_start3A_477 = tpu.memref_slice %arg2[%dma_start3A_475, %dma_start3A_476] : memref<10000x128xf32, #tpu.memory_space<hbm>> -> memref<10000x128xf32, #tpu.memory_space<hbm>>
      tpu.enqueue_indirect_dma source(%dma_start3A_477 : memref<10000x128xf32, #tpu.memory_space<hbm>>) target(%dma_start3A_471 : memref<128x128xf32, #tpu.memory_space<vmem>>) offsets(%dma_start3A_474 : memref<128xi32, #tpu.memory_space<vmem>>) semaphore(%arg8 : memref<!tpu.dma_semaphore, #tpu.memory_space<semaphore_mem>>)
      %dma_wait3A_478 = arith.constant 1 : i32
      %dma_wait3A_479 = arith.constant 0 : i32
      %dma_wait3A_480 = arith.constant 1 : i32
      %dma_wait3A_481 = arith.constant 0 : i32
      %dma_wait3A_482 = arith.constant 0 : i32
      %dma_wait3A_483 = tpu.memref_slice %arg6[%dma_wait3A_480, %dma_wait3A_481, %dma_wait3A_482] : memref<3x128x128xf32, #tpu.memory_space<vmem>> -> memref<1x128x128xf32, #tpu.memory_space<vmem>>
      %dma_wait3A_484 = tpu.memref_squeeze %dma_wait3A_483 : memref<1x128x128xf32, #tpu.memory_space<vmem>> -> memref<128x128xf32, #tpu.memory_space<vmem>>
      %dma_wait3A_485 = arith.constant 0 : i32
      %dma_wait3A_486 = tpu.memref_slice %arg5[%dma_wait3A_478, %dma_wait3A_479, %dma_wait3A_485] : memref<3x2x128xi32, #tpu.memory_space<vmem>> -> memref<1x1x128xi32, #tpu.memory_space<vmem>>
      %dma_wait3A_487 = tpu.memref_squeeze %dma_wait3A_486 : memref<1x1x128xi32, #tpu.memory_space<vmem>> -> memref<128xi32, #tpu.memory_space<vmem>>
      %dma_wait3A_488 = arith.constant 0 : i32
      %dma_wait3A_489 = arith.constant 0 : i32
      %dma_wait3A_490 = tpu.memref_slice %arg2[%dma_wait3A_488, %dma_wait3A_489] : memref<10000x128xf32, #tpu.memory_space<hbm>> -> memref<10000x128xf32, #tpu.memory_space<hbm>>
      tpu.wait_indirect_dma semaphore(%arg9 : memref<!tpu.dma_semaphore, #tpu.memory_space<semaphore_mem>>) src(%dma_wait3A_490 : memref<10000x128xf32, #tpu.memory_space<hbm>>) dst(%dma_wait3A_484 : memref<128x128xf32, #tpu.memory_space<vmem>>)
      %dma_start3A_491 = arith.constant 1 : i32
      %dma_start3A_492 = arith.constant 1 : i32
      %dma_start3A_493 = arith.constant 1 : i32
      %dma_start3A_494 = arith.constant 0 : i32
      %dma_start3A_495 = arith.constant 0 : i32
      %dma_start3A_496 = tpu.memref_slice %arg6[%dma_start3A_491, %dma_start3A_494, %dma_start3A_495] : memref<3x128x128xf32, #tpu.memory_space<vmem>> -> memref<1x128x128xf32, #tpu.memory_space<vmem>>
      %dma_start3A_497 = tpu.memref_squeeze %dma_start3A_496 : memref<1x128x128xf32, #tpu.memory_space<vmem>> -> memref<128x128xf32, #tpu.memory_space<vmem>>
      %dma_start3A_498 = arith.constant 0 : i32
      %dma_start3A_499 = tpu.memref_slice %arg5[%dma_start3A_492, %dma_start3A_493, %dma_start3A_498] : memref<3x2x128xi32, #tpu.memory_space<vmem>> -> memref<1x1x128xi32, #tpu.memory_space<vmem>>
      %dma_start3A_500 = tpu.memref_squeeze %dma_start3A_499 : memref<1x1x128xi32, #tpu.memory_space<vmem>> -> memref<128xi32, #tpu.memory_space<vmem>>
      %dma_start3A_501 = arith.constant 0 : i32
      %dma_start3A_502 = arith.constant 0 : i32
      %dma_start3A_503 = tpu.memref_slice %arg7[%dma_start3A_501, %dma_start3A_502] : memref<10000x128xf32, #tpu.memory_space<vmem_shared>> -> memref<10000x128xf32, #tpu.memory_space<vmem_shared>>
      tpu.enqueue_indirect_dma source(%dma_start3A_497 : memref<128x128xf32, #tpu.memory_space<vmem>>) target(%dma_start3A_503 : memref<10000x128xf32, #tpu.memory_space<vmem_shared>>) offsets(%dma_start3A_500 : memref<128xi32, #tpu.memory_space<vmem>>) semaphore(%arg12 : memref<!tpu.dma_semaphore, #tpu.memory_space<semaphore_mem>>) {add = true}
      %mul3A_504 = arith.constant 3 : i32
      %mul3A_505 = arith.muli %scan3A_379, %mul3A_504 : i32
      %add3A_506 = arith.constant 3 : i32
      %add3A_507 = arith.addi %add3A_506, %mul3A_505 : i32
      %add3A_508 = arith.constant 2 : i32
      %add3A_509 = arith.addi %add3A_507, %add3A_508 : i32
      %dma_wait3A_510 = arith.constant 1 : i32
      %dma_wait3A_511 = arith.constant 1 : i32
      %dma_wait3A_512 = arith.constant 1 : i32
      %dma_wait3A_513 = arith.constant 0 : i32
      %dma_wait3A_514 = arith.constant 0 : i32
      %dma_wait3A_515 = tpu.memref_slice %arg6[%dma_wait3A_510, %dma_wait3A_513, %dma_wait3A_514] : memref<3x128x128xf32, #tpu.memory_space<vmem>> -> memref<1x128x128xf32, #tpu.memory_space<vmem>>
      %dma_wait3A_516 = tpu.memref_squeeze %dma_wait3A_515 : memref<1x128x128xf32, #tpu.memory_space<vmem>> -> memref<128x128xf32, #tpu.memory_space<vmem>>
      %dma_wait3A_517 = arith.constant 0 : i32
      %dma_wait3A_518 = tpu.memref_slice %arg5[%dma_wait3A_511, %dma_wait3A_512, %dma_wait3A_517] : memref<3x2x128xi32, #tpu.memory_space<vmem>> -> memref<1x1x128xi32, #tpu.memory_space<vmem>>
      %dma_wait3A_519 = tpu.memref_squeeze %dma_wait3A_518 : memref<1x1x128xi32, #tpu.memory_space<vmem>> -> memref<128xi32, #tpu.memory_space<vmem>>
      %dma_wait3A_520 = arith.constant 0 : i32
      %dma_wait3A_521 = arith.constant 0 : i32
      %dma_wait3A_522 = tpu.memref_slice %arg7[%dma_wait3A_520, %dma_wait3A_521] : memref<10000x128xf32, #tpu.memory_space<vmem_shared>> -> memref<10000x128xf32, #tpu.memory_space<vmem_shared>>
      tpu.wait_indirect_dma semaphore(%arg12 : memref<!tpu.dma_semaphore, #tpu.memory_space<semaphore_mem>>) src(%dma_wait3A_516 : memref<128x128xf32, #tpu.memory_space<vmem>>) dst(%dma_wait3A_522 : memref<10000x128xf32, #tpu.memory_space<vmem_shared>>)
      %add3A_523 = arith.addi %mul3A_19, %add3A_509 : i32
      %add3A_524 = arith.constant 2 : i32
      %add3A_525 = arith.addi %add3A_523, %add3A_524 : i32
      %run_scoped3A_526 = arith.constant 1 : i32
      "tpu.region"() ({
        %run_scoped3A_566 = tpu.sem_alloc : memref<!tpu.dma_semaphore, #tpu.memory_space<semaphore_mem>>
        %dma_start3A_567 = arith.constant 0 : i32
        %dma_start3A_568 = arith.constant 0 : i32
        %dma_start3A_569 = tpu.memref_slice %arg5[%run_scoped3A_526, %dma_start3A_567, %dma_start3A_568] : memref<3x2x128xi32, #tpu.memory_space<vmem>> -> memref<1x2x128xi32, #tpu.memory_space<vmem>>
        %dma_start3A_570 = tpu.memref_squeeze %dma_start3A_569 : memref<1x2x128xi32, #tpu.memory_space<vmem>> -> memref<2x128xi32, #tpu.memory_space<vmem>>
        %dma_start3A_571 = arith.constant 0 : i32
        %dma_start3A_572 = arith.constant 0 : i32
        %dma_start3A_573 = tpu.memref_slice %arg3[%add3A_525, %dma_start3A_571, %dma_start3A_572] : memref<2500x2x128xi32, #tpu.memory_space<hbm>> -> memref<1x2x128xi32, #tpu.memory_space<hbm>>
        %dma_start3A_574 = tpu.memref_squeeze %dma_start3A_573 : memref<1x2x128xi32, #tpu.memory_space<hbm>> -> memref<2x128xi32, #tpu.memory_space<hbm>>
        %dma_start3A_575 = arith.constant 0 : i32
        %dma_start3A_576 = arith.constant 0 : i32
        %dma_start3A_577 = tpu.memref_slice %arg5[%run_scoped3A_526, %dma_start3A_575, %dma_start3A_576] : memref<3x2x128xi32, #tpu.memory_space<vmem>> -> memref<1x2x128xi32, #tpu.memory_space<vmem>>
        %dma_start3A_578 = tpu.memref_squeeze %dma_start3A_577 : memref<1x2x128xi32, #tpu.memory_space<vmem>> -> memref<2x128xi32, #tpu.memory_space<vmem>>
        %dma_start3A_579 = arith.constant 0 : i32
        %dma_start3A_580 = arith.constant 0 : i32
        %dma_start3A_581 = tpu.memref_slice %arg3[%add3A_525, %dma_start3A_579, %dma_start3A_580] : memref<2500x2x128xi32, #tpu.memory_space<hbm>> -> memref<1x2x128xi32, #tpu.memory_space<hbm>>
        %dma_start3A_582 = tpu.memref_squeeze %dma_start3A_581 : memref<1x2x128xi32, #tpu.memory_space<hbm>> -> memref<2x128xi32, #tpu.memory_space<hbm>>
        tpu.enqueue_dma source(%dma_start3A_582 : memref<2x128xi32, #tpu.memory_space<hbm>>) target(%dma_start3A_578 : memref<2x128xi32, #tpu.memory_space<vmem>>) target_semaphore(%run_scoped3A_566 : memref<!tpu.dma_semaphore, #tpu.memory_space<semaphore_mem>>)
        %dma_wait3A_583 = arith.constant 0 : i32
        %dma_wait3A_584 = arith.constant 0 : i32
        %dma_wait3A_585 = tpu.memref_slice %arg5[%run_scoped3A_526, %dma_wait3A_583, %dma_wait3A_584] : memref<3x2x128xi32, #tpu.memory_space<vmem>> -> memref<1x2x128xi32, #tpu.memory_space<vmem>>
        %dma_wait3A_586 = tpu.memref_squeeze %dma_wait3A_585 : memref<1x2x128xi32, #tpu.memory_space<vmem>> -> memref<2x128xi32, #tpu.memory_space<vmem>>
        %dma_wait3A_587 = arith.constant 0 : i32
        %dma_wait3A_588 = arith.constant 0 : i32
        %dma_wait3A_589 = tpu.memref_slice %arg3[%add3A_525, %dma_wait3A_587, %dma_wait3A_588] : memref<2500x2x128xi32, #tpu.memory_space<hbm>> -> memref<1x2x128xi32, #tpu.memory_space<hbm>>
        %dma_wait3A_590 = tpu.memref_squeeze %dma_wait3A_589 : memref<1x2x128xi32, #tpu.memory_space<hbm>> -> memref<2x128xi32, #tpu.memory_space<hbm>>
        %dma_wait3A_591 = arith.constant 0 : i32
        %dma_wait3A_592 = arith.constant 0 : i32
        %dma_wait3A_593 = tpu.memref_slice %arg5[%run_scoped3A_526, %dma_wait3A_591, %dma_wait3A_592] : memref<3x2x128xi32, #tpu.memory_space<vmem>> -> memref<1x2x128xi32, #tpu.memory_space<vmem>>
        %dma_wait3A_594 = tpu.memref_squeeze %dma_wait3A_593 : memref<1x2x128xi32, #tpu.memory_space<vmem>> -> memref<2x128xi32, #tpu.memory_space<vmem>>
        %dma_wait3A_595 = arith.constant 0 : i32
        %dma_wait3A_596 = arith.constant 0 : i32
        %dma_wait3A_597 = tpu.memref_slice %arg3[%add3A_525, %dma_wait3A_595, %dma_wait3A_596] : memref<2500x2x128xi32, #tpu.memory_space<hbm>> -> memref<1x2x128xi32, #tpu.memory_space<hbm>>
        %dma_wait3A_598 = tpu.memref_squeeze %dma_wait3A_597 : memref<1x2x128xi32, #tpu.memory_space<hbm>> -> memref<2x128xi32, #tpu.memory_space<hbm>>
        tpu.wait_dma2 semaphore(%run_scoped3A_566 : memref<!tpu.dma_semaphore, #tpu.memory_space<semaphore_mem>>) src(%dma_wait3A_598 : memref<2x128xi32, #tpu.memory_space<hbm>>) dst(%dma_wait3A_594 : memref<2x128xi32, #tpu.memory_space<vmem>>)
        tpu.yield
      }) : () -> ()
      %dma_start3A_527 = arith.constant 1 : i32
      %dma_start3A_528 = arith.constant 0 : i32
      %dma_start3A_529 = arith.constant 1 : i32
      %dma_start3A_530 = arith.constant 0 : i32
      %dma_start3A_531 = arith.constant 0 : i32
      %dma_start3A_532 = tpu.memref_slice %arg6[%dma_start3A_529, %dma_start3A_530, %dma_start3A_531] : memref<3x128x128xf32, #tpu.memory_space<vmem>> -> memref<1x128x128xf32, #tpu.memory_space<vmem>>
      %dma_start3A_533 = tpu.memref_squeeze %dma_start3A_532 : memref<1x128x128xf32, #tpu.memory_space<vmem>> -> memref<128x128xf32, #tpu.memory_space<vmem>>
      %dma_start3A_534 = arith.constant 0 : i32
      %dma_start3A_535 = tpu.memref_slice %arg5[%dma_start3A_527, %dma_start3A_528, %dma_start3A_534] : memref<3x2x128xi32, #tpu.memory_space<vmem>> -> memref<1x1x128xi32, #tpu.memory_space<vmem>>
      %dma_start3A_536 = tpu.memref_squeeze %dma_start3A_535 : memref<1x1x128xi32, #tpu.memory_space<vmem>> -> memref<128xi32, #tpu.memory_space<vmem>>
      %dma_start3A_537 = arith.constant 0 : i32
      %dma_start3A_538 = arith.constant 0 : i32
      %dma_start3A_539 = tpu.memref_slice %arg2[%dma_start3A_537, %dma_start3A_538] : memref<10000x128xf32, #tpu.memory_space<hbm>> -> memref<10000x128xf32, #tpu.memory_space<hbm>>
      tpu.enqueue_indirect_dma source(%dma_start3A_539 : memref<10000x128xf32, #tpu.memory_space<hbm>>) target(%dma_start3A_533 : memref<128x128xf32, #tpu.memory_space<vmem>>) offsets(%dma_start3A_536 : memref<128xi32, #tpu.memory_space<vmem>>) semaphore(%arg9 : memref<!tpu.dma_semaphore, #tpu.memory_space<semaphore_mem>>)
      %dma_wait3A_540 = arith.constant 2 : i32
      %dma_wait3A_541 = arith.constant 0 : i32
      %dma_wait3A_542 = arith.constant 2 : i32
      %dma_wait3A_543 = arith.constant 0 : i32
      %dma_wait3A_544 = arith.constant 0 : i32
      %dma_wait3A_545 = tpu.memref_slice %arg6[%dma_wait3A_542, %dma_wait3A_543, %dma_wait3A_544] : memref<3x128x128xf32, #tpu.memory_space<vmem>> -> memref<1x128x128xf32, #tpu.memory_space<vmem>>
      %dma_wait3A_546 = tpu.memref_squeeze %dma_wait3A_545 : memref<1x128x128xf32, #tpu.memory_space<vmem>> -> memref<128x128xf32, #tpu.memory_space<vmem>>
      %dma_wait3A_547 = arith.constant 0 : i32
      %dma_wait3A_548 = tpu.memref_slice %arg5[%dma_wait3A_540, %dma_wait3A_541, %dma_wait3A_547] : memref<3x2x128xi32, #tpu.memory_space<vmem>> -> memref<1x1x128xi32, #tpu.memory_space<vmem>>
      %dma_wait3A_549 = tpu.memref_squeeze %dma_wait3A_548 : memref<1x1x128xi32, #tpu.memory_space<vmem>> -> memref<128xi32, #tpu.memory_space<vmem>>
      %dma_wait3A_550 = arith.constant 0 : i32
      %dma_wait3A_551 = arith.constant 0 : i32
      %dma_wait3A_552 = tpu.memref_slice %arg2[%dma_wait3A_550, %dma_wait3A_551] : memref<10000x128xf32, #tpu.memory_space<hbm>> -> memref<10000x128xf32, #tpu.memory_space<hbm>>
      tpu.wait_indirect_dma semaphore(%arg10 : memref<!tpu.dma_semaphore, #tpu.memory_space<semaphore_mem>>) src(%dma_wait3A_552 : memref<10000x128xf32, #tpu.memory_space<hbm>>) dst(%dma_wait3A_546 : memref<128x128xf32, #tpu.memory_space<vmem>>)
      %dma_start3A_553 = arith.constant 2 : i32
      %dma_start3A_554 = arith.constant 2 : i32
      %dma_start3A_555 = arith.constant 1 : i32
      %dma_start3A_556 = arith.constant 0 : i32
      %dma_start3A_557 = arith.constant 0 : i32
      %dma_start3A_558 = tpu.memref_slice %arg6[%dma_start3A_553, %dma_start3A_556, %dma_start3A_557] : memref<3x128x128xf32, #tpu.memory_space<vmem>> -> memref<1x128x128xf32, #tpu.memory_space<vmem>>
      %dma_start3A_559 = tpu.memref_squeeze %dma_start3A_558 : memref<1x128x128xf32, #tpu.memory_space<vmem>> -> memref<128x128xf32, #tpu.memory_space<vmem>>
      %dma_start3A_560 = arith.constant 0 : i32
      %dma_start3A_561 = tpu.memref_slice %arg5[%dma_start3A_554, %dma_start3A_555, %dma_start3A_560] : memref<3x2x128xi32, #tpu.memory_space<vmem>> -> memref<1x1x128xi32, #tpu.memory_space<vmem>>
      %dma_start3A_562 = tpu.memref_squeeze %dma_start3A_561 : memref<1x1x128xi32, #tpu.memory_space<vmem>> -> memref<128xi32, #tpu.memory_space<vmem>>
      %dma_start3A_563 = arith.constant 0 : i32
      %dma_start3A_564 = arith.constant 0 : i32
      %dma_start3A_565 = tpu.memref_slice %arg7[%dma_start3A_563, %dma_start3A_564] : memref<10000x128xf32, #tpu.memory_space<vmem_shared>> -> memref<10000x128xf32, #tpu.memory_space<vmem_shared>>
      tpu.enqueue_indirect_dma source(%dma_start3A_559 : memref<128x128xf32, #tpu.memory_space<vmem>>) target(%dma_start3A_565 : memref<10000x128xf32, #tpu.memory_space<vmem_shared>>) offsets(%dma_start3A_562 : memref<128xi32, #tpu.memory_space<vmem>>) semaphore(%arg13 : memref<!tpu.dma_semaphore, #tpu.memory_space<semaphore_mem>>) {add = true}
    }
    %scan3A_213 = arith.constant 24 : i32
    %dma_wait3A_214 = arith.constant 2 : i32
    %dma_wait3A_215 = arith.constant 2 : i32
    %dma_wait3A_216 = arith.constant 1 : i32
    %dma_wait3A_217 = arith.constant 0 : i32
    %dma_wait3A_218 = arith.constant 0 : i32
    %dma_wait3A_219 = tpu.memref_slice %arg6[%dma_wait3A_214, %dma_wait3A_217, %dma_wait3A_218] : memref<3x128x128xf32, #tpu.memory_space<vmem>> -> memref<1x128x128xf32, #tpu.memory_space<vmem>>
    %dma_wait3A_220 = tpu.memref_squeeze %dma_wait3A_219 : memref<1x128x128xf32, #tpu.memory_space<vmem>> -> memref<128x128xf32, #tpu.memory_space<vmem>>
    %dma_wait3A_221 = arith.constant 0 : i32
    %dma_wait3A_222 = tpu.memref_slice %arg5[%dma_wait3A_215, %dma_wait3A_216, %dma_wait3A_221] : memref<3x2x128xi32, #tpu.memory_space<vmem>> -> memref<1x1x128xi32, #tpu.memory_space<vmem>>
    %dma_wait3A_223 = tpu.memref_squeeze %dma_wait3A_222 : memref<1x1x128xi32, #tpu.memory_space<vmem>> -> memref<128xi32, #tpu.memory_space<vmem>>
    %dma_wait3A_224 = arith.constant 0 : i32
    %dma_wait3A_225 = arith.constant 0 : i32
    %dma_wait3A_226 = tpu.memref_slice %arg7[%dma_wait3A_224, %dma_wait3A_225] : memref<10000x128xf32, #tpu.memory_space<vmem_shared>> -> memref<10000x128xf32, #tpu.memory_space<vmem_shared>>
    tpu.wait_indirect_dma semaphore(%arg13 : memref<!tpu.dma_semaphore, #tpu.memory_space<semaphore_mem>>) src(%dma_wait3A_220 : memref<128x128xf32, #tpu.memory_space<vmem>>) dst(%dma_wait3A_226 : memref<10000x128xf32, #tpu.memory_space<vmem_shared>>)
    %add3A_227 = arith.constant 75 : i32
    %add3A_228 = arith.addi %mul3A_19, %add3A_227 : i32
    %add3A_229 = arith.constant 2 : i32
    %add3A_230 = arith.addi %add3A_228, %add3A_229 : i32
    %run_scoped3A_231 = arith.constant 2 : i32
    "tpu.region"() ({
      %run_scoped3A_379 = tpu.sem_alloc : memref<!tpu.dma_semaphore, #tpu.memory_space<semaphore_mem>>
      %dma_start3A_380 = arith.constant 0 : i32
      %dma_start3A_381 = arith.constant 0 : i32
      %dma_start3A_382 = tpu.memref_slice %arg5[%run_scoped3A_231, %dma_start3A_380, %dma_start3A_381] : memref<3x2x128xi32, #tpu.memory_space<vmem>> -> memref<1x2x128xi32, #tpu.memory_space<vmem>>
      %dma_start3A_383 = tpu.memref_squeeze %dma_start3A_382 : memref<1x2x128xi32, #tpu.memory_space<vmem>> -> memref<2x128xi32, #tpu.memory_space<vmem>>
      %dma_start3A_384 = arith.constant 0 : i32
      %dma_start3A_385 = arith.constant 0 : i32
      %dma_start3A_386 = tpu.memref_slice %arg3[%add3A_230, %dma_start3A_384, %dma_start3A_385] : memref<2500x2x128xi32, #tpu.memory_space<hbm>> -> memref<1x2x128xi32, #tpu.memory_space<hbm>>
      %dma_start3A_387 = tpu.memref_squeeze %dma_start3A_386 : memref<1x2x128xi32, #tpu.memory_space<hbm>> -> memref<2x128xi32, #tpu.memory_space<hbm>>
      %dma_start3A_388 = arith.constant 0 : i32
      %dma_start3A_389 = arith.constant 0 : i32
      %dma_start3A_390 = tpu.memref_slice %arg5[%run_scoped3A_231, %dma_start3A_388, %dma_start3A_389] : memref<3x2x128xi32, #tpu.memory_space<vmem>> -> memref<1x2x128xi32, #tpu.memory_space<vmem>>
      %dma_start3A_391 = tpu.memref_squeeze %dma_start3A_390 : memref<1x2x128xi32, #tpu.memory_space<vmem>> -> memref<2x128xi32, #tpu.memory_space<vmem>>
      %dma_start3A_392 = arith.constant 0 : i32
      %dma_start3A_393 = arith.constant 0 : i32
      %dma_start3A_394 = tpu.memref_slice %arg3[%add3A_230, %dma_start3A_392, %dma_start3A_393] : memref<2500x2x128xi32, #tpu.memory_space<hbm>> -> memref<1x2x128xi32, #tpu.memory_space<hbm>>
      %dma_start3A_395 = tpu.memref_squeeze %dma_start3A_394 : memref<1x2x128xi32, #tpu.memory_space<hbm>> -> memref<2x128xi32, #tpu.memory_space<hbm>>
      tpu.enqueue_dma source(%dma_start3A_395 : memref<2x128xi32, #tpu.memory_space<hbm>>) target(%dma_start3A_391 : memref<2x128xi32, #tpu.memory_space<vmem>>) target_semaphore(%run_scoped3A_379 : memref<!tpu.dma_semaphore, #tpu.memory_space<semaphore_mem>>)
      %dma_wait3A_396 = arith.constant 0 : i32
      %dma_wait3A_397 = arith.constant 0 : i32
      %dma_wait3A_398 = tpu.memref_slice %arg5[%run_scoped3A_231, %dma_wait3A_396, %dma_wait3A_397] : memref<3x2x128xi32, #tpu.memory_space<vmem>> -> memref<1x2x128xi32, #tpu.memory_space<vmem>>
      %dma_wait3A_399 = tpu.memref_squeeze %dma_wait3A_398 : memref<1x2x128xi32, #tpu.memory_space<vmem>> -> memref<2x128xi32, #tpu.memory_space<vmem>>
      %dma_wait3A_400 = arith.constant 0 : i32
      %dma_wait3A_401 = arith.constant 0 : i32
      %dma_wait3A_402 = tpu.memref_slice %arg3[%add3A_230, %dma_wait3A_400, %dma_wait3A_401] : memref<2500x2x128xi32, #tpu.memory_space<hbm>> -> memref<1x2x128xi32, #tpu.memory_space<hbm>>
      %dma_wait3A_403 = tpu.memref_squeeze %dma_wait3A_402 : memref<1x2x128xi32, #tpu.memory_space<hbm>> -> memref<2x128xi32, #tpu.memory_space<hbm>>
      %dma_wait3A_404 = arith.constant 0 : i32
      %dma_wait3A_405 = arith.constant 0 : i32
      %dma_wait3A_406 = tpu.memref_slice %arg5[%run_scoped3A_231, %dma_wait3A_404, %dma_wait3A_405] : memref<3x2x128xi32, #tpu.memory_space<vmem>> -> memref<1x2x128xi32, #tpu.memory_space<vmem>>
      %dma_wait3A_407 = tpu.memref_squeeze %dma_wait3A_406 : memref<1x2x128xi32, #tpu.memory_space<vmem>> -> memref<2x128xi32, #tpu.memory_space<vmem>>
      %dma_wait3A_408 = arith.constant 0 : i32
      %dma_wait3A_409 = arith.constant 0 : i32
      %dma_wait3A_410 = tpu.memref_slice %arg3[%add3A_230, %dma_wait3A_408, %dma_wait3A_409] : memref<2500x2x128xi32, #tpu.memory_space<hbm>> -> memref<1x2x128xi32, #tpu.memory_space<hbm>>
      %dma_wait3A_411 = tpu.memref_squeeze %dma_wait3A_410 : memref<1x2x128xi32, #tpu.memory_space<hbm>> -> memref<2x128xi32, #tpu.memory_space<hbm>>
      tpu.wait_dma2 semaphore(%run_scoped3A_379 : memref<!tpu.dma_semaphore, #tpu.memory_space<semaphore_mem>>) src(%dma_wait3A_411 : memref<2x128xi32, #tpu.memory_space<hbm>>) dst(%dma_wait3A_407 : memref<2x128xi32, #tpu.memory_space<vmem>>)
      tpu.yield
    }) : () -> ()
    %dma_start3A_232 = arith.constant 2 : i32
    %dma_start3A_233 = arith.constant 0 : i32
    %dma_start3A_234 = arith.constant 2 : i32
    %dma_start3A_235 = arith.constant 0 : i32
    %dma_start3A_236 = arith.constant 0 : i32
    %dma_start3A_237 = tpu.memref_slice %arg6[%dma_start3A_234, %dma_start3A_235, %dma_start3A_236] : memref<3x128x128xf32, #tpu.memory_space<vmem>> -> memref<1x128x128xf32, #tpu.memory_space<vmem>>
    %dma_start3A_238 = tpu.memref_squeeze %dma_start3A_237 : memref<1x128x128xf32, #tpu.memory_space<vmem>> -> memref<128x128xf32, #tpu.memory_space<vmem>>
    %dma_start3A_239 = arith.constant 0 : i32
    %dma_start3A_240 = tpu.memref_slice %arg5[%dma_start3A_232, %dma_start3A_233, %dma_start3A_239] : memref<3x2x128xi32, #tpu.memory_space<vmem>> -> memref<1x1x128xi32, #tpu.memory_space<vmem>>
    %dma_start3A_241 = tpu.memref_squeeze %dma_start3A_240 : memref<1x1x128xi32, #tpu.memory_space<vmem>> -> memref<128xi32, #tpu.memory_space<vmem>>
    %dma_start3A_242 = arith.constant 0 : i32
    %dma_start3A_243 = arith.constant 0 : i32
    %dma_start3A_244 = tpu.memref_slice %arg2[%dma_start3A_242, %dma_start3A_243] : memref<10000x128xf32, #tpu.memory_space<hbm>> -> memref<10000x128xf32, #tpu.memory_space<hbm>>
    tpu.enqueue_indirect_dma source(%dma_start3A_244 : memref<10000x128xf32, #tpu.memory_space<hbm>>) target(%dma_start3A_238 : memref<128x128xf32, #tpu.memory_space<vmem>>) offsets(%dma_start3A_241 : memref<128xi32, #tpu.memory_space<vmem>>) semaphore(%arg10 : memref<!tpu.dma_semaphore, #tpu.memory_space<semaphore_mem>>)
    %dma_wait3A_245 = arith.constant 0 : i32
    %dma_wait3A_246 = arith.constant 0 : i32
    %dma_wait3A_247 = arith.constant 0 : i32
    %dma_wait3A_248 = arith.constant 0 : i32
    %dma_wait3A_249 = arith.constant 0 : i32
    %dma_wait3A_250 = tpu.memref_slice %arg6[%dma_wait3A_247, %dma_wait3A_248, %dma_wait3A_249] : memref<3x128x128xf32, #tpu.memory_space<vmem>> -> memref<1x128x128xf32, #tpu.memory_space<vmem>>
    %dma_wait3A_251 = tpu.memref_squeeze %dma_wait3A_250 : memref<1x128x128xf32, #tpu.memory_space<vmem>> -> memref<128x128xf32, #tpu.memory_space<vmem>>
    %dma_wait3A_252 = arith.constant 0 : i32
    %dma_wait3A_253 = tpu.memref_slice %arg5[%dma_wait3A_245, %dma_wait3A_246, %dma_wait3A_252] : memref<3x2x128xi32, #tpu.memory_space<vmem>> -> memref<1x1x128xi32, #tpu.memory_space<vmem>>
    %dma_wait3A_254 = tpu.memref_squeeze %dma_wait3A_253 : memref<1x1x128xi32, #tpu.memory_space<vmem>> -> memref<128xi32, #tpu.memory_space<vmem>>
    %dma_wait3A_255 = arith.constant 0 : i32
    %dma_wait3A_256 = arith.constant 0 : i32
    %dma_wait3A_257 = tpu.memref_slice %arg2[%dma_wait3A_255, %dma_wait3A_256] : memref<10000x128xf32, #tpu.memory_space<hbm>> -> memref<10000x128xf32, #tpu.memory_space<hbm>>
    tpu.wait_indirect_dma semaphore(%arg8 : memref<!tpu.dma_semaphore, #tpu.memory_space<semaphore_mem>>) src(%dma_wait3A_257 : memref<10000x128xf32, #tpu.memory_space<hbm>>) dst(%dma_wait3A_251 : memref<128x128xf32, #tpu.memory_space<vmem>>)
    %dma_start3A_258 = arith.constant 0 : i32
    %dma_start3A_259 = arith.constant 0 : i32
    %dma_start3A_260 = arith.constant 1 : i32
    %dma_start3A_261 = arith.constant 0 : i32
    %dma_start3A_262 = arith.constant 0 : i32
    %dma_start3A_263 = tpu.memref_slice %arg6[%dma_start3A_258, %dma_start3A_261, %dma_start3A_262] : memref<3x128x128xf32, #tpu.memory_space<vmem>> -> memref<1x128x128xf32, #tpu.memory_space<vmem>>
    %dma_start3A_264 = tpu.memref_squeeze %dma_start3A_263 : memref<1x128x128xf32, #tpu.memory_space<vmem>> -> memref<128x128xf32, #tpu.memory_space<vmem>>
    %dma_start3A_265 = arith.constant 0 : i32
    %dma_start3A_266 = tpu.memref_slice %arg5[%dma_start3A_259, %dma_start3A_260, %dma_start3A_265] : memref<3x2x128xi32, #tpu.memory_space<vmem>> -> memref<1x1x128xi32, #tpu.memory_space<vmem>>
    %dma_start3A_267 = tpu.memref_squeeze %dma_start3A_266 : memref<1x1x128xi32, #tpu.memory_space<vmem>> -> memref<128xi32, #tpu.memory_space<vmem>>
    %dma_start3A_268 = arith.constant 0 : i32
    %dma_start3A_269 = arith.constant 0 : i32
    %dma_start3A_270 = tpu.memref_slice %arg7[%dma_start3A_268, %dma_start3A_269] : memref<10000x128xf32, #tpu.memory_space<vmem_shared>> -> memref<10000x128xf32, #tpu.memory_space<vmem_shared>>
    tpu.enqueue_indirect_dma source(%dma_start3A_264 : memref<128x128xf32, #tpu.memory_space<vmem>>) target(%dma_start3A_270 : memref<10000x128xf32, #tpu.memory_space<vmem_shared>>) offsets(%dma_start3A_267 : memref<128xi32, #tpu.memory_space<vmem>>) semaphore(%arg11 : memref<!tpu.dma_semaphore, #tpu.memory_space<semaphore_mem>>) {add = true}
    %dma_wait3A_271 = arith.constant 0 : i32
    %dma_wait3A_272 = arith.constant 0 : i32
    %dma_wait3A_273 = arith.constant 1 : i32
    %dma_wait3A_274 = arith.constant 0 : i32
    %dma_wait3A_275 = arith.constant 0 : i32
    %dma_wait3A_276 = tpu.memref_slice %arg6[%dma_wait3A_271, %dma_wait3A_274, %dma_wait3A_275] : memref<3x128x128xf32, #tpu.memory_space<vmem>> -> memref<1x128x128xf32, #tpu.memory_space<vmem>>
    %dma_wait3A_277 = tpu.memref_squeeze %dma_wait3A_276 : memref<1x128x128xf32, #tpu.memory_space<vmem>> -> memref<128x128xf32, #tpu.memory_space<vmem>>
    %dma_wait3A_278 = arith.constant 0 : i32
    %dma_wait3A_279 = tpu.memref_slice %arg5[%dma_wait3A_272, %dma_wait3A_273, %dma_wait3A_278] : memref<3x2x128xi32, #tpu.memory_space<vmem>> -> memref<1x1x128xi32, #tpu.memory_space<vmem>>
    %dma_wait3A_280 = tpu.memref_squeeze %dma_wait3A_279 : memref<1x1x128xi32, #tpu.memory_space<vmem>> -> memref<128xi32, #tpu.memory_space<vmem>>
    %dma_wait3A_281 = arith.constant 0 : i32
    %dma_wait3A_282 = arith.constant 0 : i32
    %dma_wait3A_283 = tpu.memref_slice %arg7[%dma_wait3A_281, %dma_wait3A_282] : memref<10000x128xf32, #tpu.memory_space<vmem_shared>> -> memref<10000x128xf32, #tpu.memory_space<vmem_shared>>
    tpu.wait_indirect_dma semaphore(%arg11 : memref<!tpu.dma_semaphore, #tpu.memory_space<semaphore_mem>>) src(%dma_wait3A_277 : memref<128x128xf32, #tpu.memory_space<vmem>>) dst(%dma_wait3A_283 : memref<10000x128xf32, #tpu.memory_space<vmem_shared>>)
    %dma_wait3A_284 = arith.constant 1 : i32
    %dma_wait3A_285 = arith.constant 0 : i32
    %dma_wait3A_286 = arith.constant 1 : i32
    %dma_wait3A_287 = arith.constant 0 : i32
    %dma_wait3A_288 = arith.constant 0 : i32
    %dma_wait3A_289 = tpu.memref_slice %arg6[%dma_wait3A_286, %dma_wait3A_287, %dma_wait3A_288] : memref<3x128x128xf32, #tpu.memory_space<vmem>> -> memref<1x128x128xf32, #tpu.memory_space<vmem>>
    %dma_wait3A_290 = tpu.memref_squeeze %dma_wait3A_289 : memref<1x128x128xf32, #tpu.memory_space<vmem>> -> memref<128x128xf32, #tpu.memory_space<vmem>>
    %dma_wait3A_291 = arith.constant 0 : i32
    %dma_wait3A_292 = tpu.memref_slice %arg5[%dma_wait3A_284, %dma_wait3A_285, %dma_wait3A_291] : memref<3x2x128xi32, #tpu.memory_space<vmem>> -> memref<1x1x128xi32, #tpu.memory_space<vmem>>
    %dma_wait3A_293 = tpu.memref_squeeze %dma_wait3A_292 : memref<1x1x128xi32, #tpu.memory_space<vmem>> -> memref<128xi32, #tpu.memory_space<vmem>>
    %dma_wait3A_294 = arith.constant 0 : i32
    %dma_wait3A_295 = arith.constant 0 : i32
    %dma_wait3A_296 = tpu.memref_slice %arg2[%dma_wait3A_294, %dma_wait3A_295] : memref<10000x128xf32, #tpu.memory_space<hbm>> -> memref<10000x128xf32, #tpu.memory_space<hbm>>
    tpu.wait_indirect_dma semaphore(%arg9 : memref<!tpu.dma_semaphore, #tpu.memory_space<semaphore_mem>>) src(%dma_wait3A_296 : memref<10000x128xf32, #tpu.memory_space<hbm>>) dst(%dma_wait3A_290 : memref<128x128xf32, #tpu.memory_space<vmem>>)
    %dma_start3A_297 = arith.constant 1 : i32
    %dma_start3A_298 = arith.constant 1 : i32
    %dma_start3A_299 = arith.constant 1 : i32
    %dma_start3A_300 = arith.constant 0 : i32
    %dma_start3A_301 = arith.constant 0 : i32
    %dma_start3A_302 = tpu.memref_slice %arg6[%dma_start3A_297, %dma_start3A_300, %dma_start3A_301] : memref<3x128x128xf32, #tpu.memory_space<vmem>> -> memref<1x128x128xf32, #tpu.memory_space<vmem>>
    %dma_start3A_303 = tpu.memref_squeeze %dma_start3A_302 : memref<1x128x128xf32, #tpu.memory_space<vmem>> -> memref<128x128xf32, #tpu.memory_space<vmem>>
    %dma_start3A_304 = arith.constant 0 : i32
    %dma_start3A_305 = tpu.memref_slice %arg5[%dma_start3A_298, %dma_start3A_299, %dma_start3A_304] : memref<3x2x128xi32, #tpu.memory_space<vmem>> -> memref<1x1x128xi32, #tpu.memory_space<vmem>>
    %dma_start3A_306 = tpu.memref_squeeze %dma_start3A_305 : memref<1x1x128xi32, #tpu.memory_space<vmem>> -> memref<128xi32, #tpu.memory_space<vmem>>
    %dma_start3A_307 = arith.constant 0 : i32
    %dma_start3A_308 = arith.constant 0 : i32
    %dma_start3A_309 = tpu.memref_slice %arg7[%dma_start3A_307, %dma_start3A_308] : memref<10000x128xf32, #tpu.memory_space<vmem_shared>> -> memref<10000x128xf32, #tpu.memory_space<vmem_shared>>
    tpu.enqueue_indirect_dma source(%dma_start3A_303 : memref<128x128xf32, #tpu.memory_space<vmem>>) target(%dma_start3A_309 : memref<10000x128xf32, #tpu.memory_space<vmem_shared>>) offsets(%dma_start3A_306 : memref<128xi32, #tpu.memory_space<vmem>>) semaphore(%arg12 : memref<!tpu.dma_semaphore, #tpu.memory_space<semaphore_mem>>) {add = true}
    %dma_wait3A_310 = arith.constant 1 : i32
    %dma_wait3A_311 = arith.constant 1 : i32
    %dma_wait3A_312 = arith.constant 1 : i32
    %dma_wait3A_313 = arith.constant 0 : i32
    %dma_wait3A_314 = arith.constant 0 : i32
    %dma_wait3A_315 = tpu.memref_slice %arg6[%dma_wait3A_310, %dma_wait3A_313, %dma_wait3A_314] : memref<3x128x128xf32, #tpu.memory_space<vmem>> -> memref<1x128x128xf32, #tpu.memory_space<vmem>>
    %dma_wait3A_316 = tpu.memref_squeeze %dma_wait3A_315 : memref<1x128x128xf32, #tpu.memory_space<vmem>> -> memref<128x128xf32, #tpu.memory_space<vmem>>
    %dma_wait3A_317 = arith.constant 0 : i32
    %dma_wait3A_318 = tpu.memref_slice %arg5[%dma_wait3A_311, %dma_wait3A_312, %dma_wait3A_317] : memref<3x2x128xi32, #tpu.memory_space<vmem>> -> memref<1x1x128xi32, #tpu.memory_space<vmem>>
    %dma_wait3A_319 = tpu.memref_squeeze %dma_wait3A_318 : memref<1x1x128xi32, #tpu.memory_space<vmem>> -> memref<128xi32, #tpu.memory_space<vmem>>
    %dma_wait3A_320 = arith.constant 0 : i32
    %dma_wait3A_321 = arith.constant 0 : i32
    %dma_wait3A_322 = tpu.memref_slice %arg7[%dma_wait3A_320, %dma_wait3A_321] : memref<10000x128xf32, #tpu.memory_space<vmem_shared>> -> memref<10000x128xf32, #tpu.memory_space<vmem_shared>>
    tpu.wait_indirect_dma semaphore(%arg12 : memref<!tpu.dma_semaphore, #tpu.memory_space<semaphore_mem>>) src(%dma_wait3A_316 : memref<128x128xf32, #tpu.memory_space<vmem>>) dst(%dma_wait3A_322 : memref<10000x128xf32, #tpu.memory_space<vmem_shared>>)
    %dma_wait3A_323 = arith.constant 2 : i32
    %dma_wait3A_324 = arith.constant 0 : i32
    %dma_wait3A_325 = arith.constant 2 : i32
    %dma_wait3A_326 = arith.constant 0 : i32
    %dma_wait3A_327 = arith.constant 0 : i32
    %dma_wait3A_328 = tpu.memref_slice %arg6[%dma_wait3A_325, %dma_wait3A_326, %dma_wait3A_327] : memref<3x128x128xf32, #tpu.memory_space<vmem>> -> memref<1x128x128xf32, #tpu.memory_space<vmem>>
    %dma_wait3A_329 = tpu.memref_squeeze %dma_wait3A_328 : memref<1x128x128xf32, #tpu.memory_space<vmem>> -> memref<128x128xf32, #tpu.memory_space<vmem>>
    %dma_wait3A_330 = arith.constant 0 : i32
    %dma_wait3A_331 = tpu.memref_slice %arg5[%dma_wait3A_323, %dma_wait3A_324, %dma_wait3A_330] : memref<3x2x128xi32, #tpu.memory_space<vmem>> -> memref<1x1x128xi32, #tpu.memory_space<vmem>>
    %dma_wait3A_332 = tpu.memref_squeeze %dma_wait3A_331 : memref<1x1x128xi32, #tpu.memory_space<vmem>> -> memref<128xi32, #tpu.memory_space<vmem>>
    %dma_wait3A_333 = arith.constant 0 : i32
    %dma_wait3A_334 = arith.constant 0 : i32
    %dma_wait3A_335 = tpu.memref_slice %arg2[%dma_wait3A_333, %dma_wait3A_334] : memref<10000x128xf32, #tpu.memory_space<hbm>> -> memref<10000x128xf32, #tpu.memory_space<hbm>>
    tpu.wait_indirect_dma semaphore(%arg10 : memref<!tpu.dma_semaphore, #tpu.memory_space<semaphore_mem>>) src(%dma_wait3A_335 : memref<10000x128xf32, #tpu.memory_space<hbm>>) dst(%dma_wait3A_329 : memref<128x128xf32, #tpu.memory_space<vmem>>)
    %dma_start3A_336 = arith.constant 2 : i32
    %dma_start3A_337 = arith.constant 2 : i32
    %dma_start3A_338 = arith.constant 1 : i32
    %dma_start3A_339 = arith.constant 0 : i32
    %dma_start3A_340 = arith.constant 0 : i32
    %dma_start3A_341 = tpu.memref_slice %arg6[%dma_start3A_336, %dma_start3A_339, %dma_start3A_340] : memref<3x128x128xf32, #tpu.memory_space<vmem>> -> memref<1x128x128xf32, #tpu.memory_space<vmem>>
    %dma_start3A_342 = tpu.memref_squeeze %dma_start3A_341 : memref<1x128x128xf32, #tpu.memory_space<vmem>> -> memref<128x128xf32, #tpu.memory_space<vmem>>
    %dma_start3A_343 = arith.constant 0 : i32
    %dma_start3A_344 = tpu.memref_slice %arg5[%dma_start3A_337, %dma_start3A_338, %dma_start3A_343] : memref<3x2x128xi32, #tpu.memory_space<vmem>> -> memref<1x1x128xi32, #tpu.memory_space<vmem>>
    %dma_start3A_345 = tpu.memref_squeeze %dma_start3A_344 : memref<1x1x128xi32, #tpu.memory_space<vmem>> -> memref<128xi32, #tpu.memory_space<vmem>>
    %dma_start3A_346 = arith.constant 0 : i32
    %dma_start3A_347 = arith.constant 0 : i32
    %dma_start3A_348 = tpu.memref_slice %arg7[%dma_start3A_346, %dma_start3A_347] : memref<10000x128xf32, #tpu.memory_space<vmem_shared>> -> memref<10000x128xf32, #tpu.memory_space<vmem_shared>>
    tpu.enqueue_indirect_dma source(%dma_start3A_342 : memref<128x128xf32, #tpu.memory_space<vmem>>) target(%dma_start3A_348 : memref<10000x128xf32, #tpu.memory_space<vmem_shared>>) offsets(%dma_start3A_345 : memref<128xi32, #tpu.memory_space<vmem>>) semaphore(%arg13 : memref<!tpu.dma_semaphore, #tpu.memory_space<semaphore_mem>>) {add = true}
    %dma_wait3A_349 = arith.constant 2 : i32
    %dma_wait3A_350 = arith.constant 2 : i32
    %dma_wait3A_351 = arith.constant 1 : i32
    %dma_wait3A_352 = arith.constant 0 : i32
    %dma_wait3A_353 = arith.constant 0 : i32
    %dma_wait3A_354 = tpu.memref_slice %arg6[%dma_wait3A_349, %dma_wait3A_352, %dma_wait3A_353] : memref<3x128x128xf32, #tpu.memory_space<vmem>> -> memref<1x128x128xf32, #tpu.memory_space<vmem>>
    %dma_wait3A_355 = tpu.memref_squeeze %dma_wait3A_354 : memref<1x128x128xf32, #tpu.memory_space<vmem>> -> memref<128x128xf32, #tpu.memory_space<vmem>>
    %dma_wait3A_356 = arith.constant 0 : i32
    %dma_wait3A_357 = tpu.memref_slice %arg5[%dma_wait3A_350, %dma_wait3A_351, %dma_wait3A_356] : memref<3x2x128xi32, #tpu.memory_space<vmem>> -> memref<1x1x128xi32, #tpu.memory_space<vmem>>
    %dma_wait3A_358 = tpu.memref_squeeze %dma_wait3A_357 : memref<1x1x128xi32, #tpu.memory_space<vmem>> -> memref<128xi32, #tpu.memory_space<vmem>>
    %dma_wait3A_359 = arith.constant 0 : i32
    %dma_wait3A_360 = arith.constant 0 : i32
    %dma_wait3A_361 = tpu.memref_slice %arg7[%dma_wait3A_359, %dma_wait3A_360] : memref<10000x128xf32, #tpu.memory_space<vmem_shared>> -> memref<10000x128xf32, #tpu.memory_space<vmem_shared>>
    tpu.wait_indirect_dma semaphore(%arg13 : memref<!tpu.dma_semaphore, #tpu.memory_space<semaphore_mem>>) src(%dma_wait3A_355 : memref<128x128xf32, #tpu.memory_space<vmem>>) dst(%dma_wait3A_361 : memref<10000x128xf32, #tpu.memory_space<vmem_shared>>)
    %lt3A = arith.constant 4 : i32
    %lt3A_362 = arith.cmpi slt, %add3A, %lt3A : i32
    %convert_element_type3A_363 = arith.extui %lt3A_362 : i1 to i32
    %cond3A_364 = arith.constant 0 : i32
    %cond3A_365 = arith.cmpi ne, %convert_element_type3A_363, %cond3A_364 : i32
    scf.if %cond3A_365 {
      %add3A_379 = arith.constant 2496 : i32
      %add3A_380 = arith.addi %add3A_379, %add3A : i32
      %run_scoped3A_381 = arith.constant 0 : i32
      "tpu.region"() ({
        %run_scoped3A_434 = tpu.sem_alloc : memref<!tpu.dma_semaphore, #tpu.memory_space<semaphore_mem>>
        %dma_start3A_435 = arith.constant 0 : i32
        %dma_start3A_436 = arith.constant 0 : i32
        %dma_start3A_437 = tpu.memref_slice %arg5[%run_scoped3A_381, %dma_start3A_435, %dma_start3A_436] : memref<3x2x128xi32, #tpu.memory_space<vmem>> -> memref<1x2x128xi32, #tpu.memory_space<vmem>>
        %dma_start3A_438 = tpu.memref_squeeze %dma_start3A_437 : memref<1x2x128xi32, #tpu.memory_space<vmem>> -> memref<2x128xi32, #tpu.memory_space<vmem>>
        %dma_start3A_439 = arith.constant 0 : i32
        %dma_start3A_440 = arith.constant 0 : i32
        %dma_start3A_441 = tpu.memref_slice %arg3[%add3A_380, %dma_start3A_439, %dma_start3A_440] : memref<2500x2x128xi32, #tpu.memory_space<hbm>> -> memref<1x2x128xi32, #tpu.memory_space<hbm>>
        %dma_start3A_442 = tpu.memref_squeeze %dma_start3A_441 : memref<1x2x128xi32, #tpu.memory_space<hbm>> -> memref<2x128xi32, #tpu.memory_space<hbm>>
        %dma_start3A_443 = arith.constant 0 : i32
        %dma_start3A_444 = arith.constant 0 : i32
        %dma_start3A_445 = tpu.memref_slice %arg5[%run_scoped3A_381, %dma_start3A_443, %dma_start3A_444] : memref<3x2x128xi32, #tpu.memory_space<vmem>> -> memref<1x2x128xi32, #tpu.memory_space<vmem>>
        %dma_start3A_446 = tpu.memref_squeeze %dma_start3A_445 : memref<1x2x128xi32, #tpu.memory_space<vmem>> -> memref<2x128xi32, #tpu.memory_space<vmem>>
        %dma_start3A_447 = arith.constant 0 : i32
        %dma_start3A_448 = arith.constant 0 : i32
        %dma_start3A_449 = tpu.memref_slice %arg3[%add3A_380, %dma_start3A_447, %dma_start3A_448] : memref<2500x2x128xi32, #tpu.memory_space<hbm>> -> memref<1x2x128xi32, #tpu.memory_space<hbm>>
        %dma_start3A_450 = tpu.memref_squeeze %dma_start3A_449 : memref<1x2x128xi32, #tpu.memory_space<hbm>> -> memref<2x128xi32, #tpu.memory_space<hbm>>
        tpu.enqueue_dma source(%dma_start3A_450 : memref<2x128xi32, #tpu.memory_space<hbm>>) target(%dma_start3A_446 : memref<2x128xi32, #tpu.memory_space<vmem>>) target_semaphore(%run_scoped3A_434 : memref<!tpu.dma_semaphore, #tpu.memory_space<semaphore_mem>>)
        %dma_wait3A_451 = arith.constant 0 : i32
        %dma_wait3A_452 = arith.constant 0 : i32
        %dma_wait3A_453 = tpu.memref_slice %arg5[%run_scoped3A_381, %dma_wait3A_451, %dma_wait3A_452] : memref<3x2x128xi32, #tpu.memory_space<vmem>> -> memref<1x2x128xi32, #tpu.memory_space<vmem>>
        %dma_wait3A_454 = tpu.memref_squeeze %dma_wait3A_453 : memref<1x2x128xi32, #tpu.memory_space<vmem>> -> memref<2x128xi32, #tpu.memory_space<vmem>>
        %dma_wait3A_455 = arith.constant 0 : i32
        %dma_wait3A_456 = arith.constant 0 : i32
        %dma_wait3A_457 = tpu.memref_slice %arg3[%add3A_380, %dma_wait3A_455, %dma_wait3A_456] : memref<2500x2x128xi32, #tpu.memory_space<hbm>> -> memref<1x2x128xi32, #tpu.memory_space<hbm>>
        %dma_wait3A_458 = tpu.memref_squeeze %dma_wait3A_457 : memref<1x2x128xi32, #tpu.memory_space<hbm>> -> memref<2x128xi32, #tpu.memory_space<hbm>>
        %dma_wait3A_459 = arith.constant 0 : i32
        %dma_wait3A_460 = arith.constant 0 : i32
        %dma_wait3A_461 = tpu.memref_slice %arg5[%run_scoped3A_381, %dma_wait3A_459, %dma_wait3A_460] : memref<3x2x128xi32, #tpu.memory_space<vmem>> -> memref<1x2x128xi32, #tpu.memory_space<vmem>>
        %dma_wait3A_462 = tpu.memref_squeeze %dma_wait3A_461 : memref<1x2x128xi32, #tpu.memory_space<vmem>> -> memref<2x128xi32, #tpu.memory_space<vmem>>
        %dma_wait3A_463 = arith.constant 0 : i32
        %dma_wait3A_464 = arith.constant 0 : i32
        %dma_wait3A_465 = tpu.memref_slice %arg3[%add3A_380, %dma_wait3A_463, %dma_wait3A_464] : memref<2500x2x128xi32, #tpu.memory_space<hbm>> -> memref<1x2x128xi32, #tpu.memory_space<hbm>>
        %dma_wait3A_466 = tpu.memref_squeeze %dma_wait3A_465 : memref<1x2x128xi32, #tpu.memory_space<hbm>> -> memref<2x128xi32, #tpu.memory_space<hbm>>
        tpu.wait_dma2 semaphore(%run_scoped3A_434 : memref<!tpu.dma_semaphore, #tpu.memory_space<semaphore_mem>>) src(%dma_wait3A_466 : memref<2x128xi32, #tpu.memory_space<hbm>>) dst(%dma_wait3A_462 : memref<2x128xi32, #tpu.memory_space<vmem>>)
        tpu.yield
      }) : () -> ()
      %dma_start3A_382 = arith.constant 0 : i32
      %dma_start3A_383 = arith.constant 0 : i32
      %dma_start3A_384 = arith.constant 0 : i32
      %dma_start3A_385 = arith.constant 0 : i32
      %dma_start3A_386 = arith.constant 0 : i32
      %dma_start3A_387 = tpu.memref_slice %arg6[%dma_start3A_384, %dma_start3A_385, %dma_start3A_386] : memref<3x128x128xf32, #tpu.memory_space<vmem>> -> memref<1x128x128xf32, #tpu.memory_space<vmem>>
      %dma_start3A_388 = tpu.memref_squeeze %dma_start3A_387 : memref<1x128x128xf32, #tpu.memory_space<vmem>> -> memref<128x128xf32, #tpu.memory_space<vmem>>
      %dma_start3A_389 = arith.constant 0 : i32
      %dma_start3A_390 = tpu.memref_slice %arg5[%dma_start3A_382, %dma_start3A_383, %dma_start3A_389] : memref<3x2x128xi32, #tpu.memory_space<vmem>> -> memref<1x1x128xi32, #tpu.memory_space<vmem>>
      %dma_start3A_391 = tpu.memref_squeeze %dma_start3A_390 : memref<1x1x128xi32, #tpu.memory_space<vmem>> -> memref<128xi32, #tpu.memory_space<vmem>>
      %dma_start3A_392 = arith.constant 0 : i32
      %dma_start3A_393 = arith.constant 0 : i32
      %dma_start3A_394 = tpu.memref_slice %arg2[%dma_start3A_392, %dma_start3A_393] : memref<10000x128xf32, #tpu.memory_space<hbm>> -> memref<10000x128xf32, #tpu.memory_space<hbm>>
      tpu.enqueue_indirect_dma source(%dma_start3A_394 : memref<10000x128xf32, #tpu.memory_space<hbm>>) target(%dma_start3A_388 : memref<128x128xf32, #tpu.memory_space<vmem>>) offsets(%dma_start3A_391 : memref<128xi32, #tpu.memory_space<vmem>>) semaphore(%arg8 : memref<!tpu.dma_semaphore, #tpu.memory_space<semaphore_mem>>)
      %dma_wait3A_395 = arith.constant 0 : i32
      %dma_wait3A_396 = arith.constant 0 : i32
      %dma_wait3A_397 = arith.constant 0 : i32
      %dma_wait3A_398 = arith.constant 0 : i32
      %dma_wait3A_399 = arith.constant 0 : i32
      %dma_wait3A_400 = tpu.memref_slice %arg6[%dma_wait3A_397, %dma_wait3A_398, %dma_wait3A_399] : memref<3x128x128xf32, #tpu.memory_space<vmem>> -> memref<1x128x128xf32, #tpu.memory_space<vmem>>
      %dma_wait3A_401 = tpu.memref_squeeze %dma_wait3A_400 : memref<1x128x128xf32, #tpu.memory_space<vmem>> -> memref<128x128xf32, #tpu.memory_space<vmem>>
      %dma_wait3A_402 = arith.constant 0 : i32
      %dma_wait3A_403 = tpu.memref_slice %arg5[%dma_wait3A_395, %dma_wait3A_396, %dma_wait3A_402] : memref<3x2x128xi32, #tpu.memory_space<vmem>> -> memref<1x1x128xi32, #tpu.memory_space<vmem>>
      %dma_wait3A_404 = tpu.memref_squeeze %dma_wait3A_403 : memref<1x1x128xi32, #tpu.memory_space<vmem>> -> memref<128xi32, #tpu.memory_space<vmem>>
      %dma_wait3A_405 = arith.constant 0 : i32
      %dma_wait3A_406 = arith.constant 0 : i32
      %dma_wait3A_407 = tpu.memref_slice %arg2[%dma_wait3A_405, %dma_wait3A_406] : memref<10000x128xf32, #tpu.memory_space<hbm>> -> memref<10000x128xf32, #tpu.memory_space<hbm>>
      tpu.wait_indirect_dma semaphore(%arg8 : memref<!tpu.dma_semaphore, #tpu.memory_space<semaphore_mem>>) src(%dma_wait3A_407 : memref<10000x128xf32, #tpu.memory_space<hbm>>) dst(%dma_wait3A_401 : memref<128x128xf32, #tpu.memory_space<vmem>>)
      %dma_start3A_408 = arith.constant 0 : i32
      %dma_start3A_409 = arith.constant 0 : i32
      %dma_start3A_410 = arith.constant 1 : i32
      %dma_start3A_411 = arith.constant 0 : i32
      %dma_start3A_412 = arith.constant 0 : i32
      %dma_start3A_413 = tpu.memref_slice %arg6[%dma_start3A_408, %dma_start3A_411, %dma_start3A_412] : memref<3x128x128xf32, #tpu.memory_space<vmem>> -> memref<1x128x128xf32, #tpu.memory_space<vmem>>
      %dma_start3A_414 = tpu.memref_squeeze %dma_start3A_413 : memref<1x128x128xf32, #tpu.memory_space<vmem>> -> memref<128x128xf32, #tpu.memory_space<vmem>>
      %dma_start3A_415 = arith.constant 0 : i32
      %dma_start3A_416 = tpu.memref_slice %arg5[%dma_start3A_409, %dma_start3A_410, %dma_start3A_415] : memref<3x2x128xi32, #tpu.memory_space<vmem>> -> memref<1x1x128xi32, #tpu.memory_space<vmem>>
      %dma_start3A_417 = tpu.memref_squeeze %dma_start3A_416 : memref<1x1x128xi32, #tpu.memory_space<vmem>> -> memref<128xi32, #tpu.memory_space<vmem>>
      %dma_start3A_418 = arith.constant 0 : i32
      %dma_start3A_419 = arith.constant 0 : i32
      %dma_start3A_420 = tpu.memref_slice %arg7[%dma_start3A_418, %dma_start3A_419] : memref<10000x128xf32, #tpu.memory_space<vmem_shared>> -> memref<10000x128xf32, #tpu.memory_space<vmem_shared>>
      tpu.enqueue_indirect_dma source(%dma_start3A_414 : memref<128x128xf32, #tpu.memory_space<vmem>>) target(%dma_start3A_420 : memref<10000x128xf32, #tpu.memory_space<vmem_shared>>) offsets(%dma_start3A_417 : memref<128xi32, #tpu.memory_space<vmem>>) semaphore(%arg11 : memref<!tpu.dma_semaphore, #tpu.memory_space<semaphore_mem>>) {add = true}
      %dma_wait3A_421 = arith.constant 0 : i32
      %dma_wait3A_422 = arith.constant 0 : i32
      %dma_wait3A_423 = arith.constant 1 : i32
      %dma_wait3A_424 = arith.constant 0 : i32
      %dma_wait3A_425 = arith.constant 0 : i32
      %dma_wait3A_426 = tpu.memref_slice %arg6[%dma_wait3A_421, %dma_wait3A_424, %dma_wait3A_425] : memref<3x128x128xf32, #tpu.memory_space<vmem>> -> memref<1x128x128xf32, #tpu.memory_space<vmem>>
      %dma_wait3A_427 = tpu.memref_squeeze %dma_wait3A_426 : memref<1x128x128xf32, #tpu.memory_space<vmem>> -> memref<128x128xf32, #tpu.memory_space<vmem>>
      %dma_wait3A_428 = arith.constant 0 : i32
      %dma_wait3A_429 = tpu.memref_slice %arg5[%dma_wait3A_422, %dma_wait3A_423, %dma_wait3A_428] : memref<3x2x128xi32, #tpu.memory_space<vmem>> -> memref<1x1x128xi32, #tpu.memory_space<vmem>>
      %dma_wait3A_430 = tpu.memref_squeeze %dma_wait3A_429 : memref<1x1x128xi32, #tpu.memory_space<vmem>> -> memref<128xi32, #tpu.memory_space<vmem>>
      %dma_wait3A_431 = arith.constant 0 : i32
      %dma_wait3A_432 = arith.constant 0 : i32
      %dma_wait3A_433 = tpu.memref_slice %arg7[%dma_wait3A_431, %dma_wait3A_432] : memref<10000x128xf32, #tpu.memory_space<vmem_shared>> -> memref<10000x128xf32, #tpu.memory_space<vmem_shared>>
      tpu.wait_indirect_dma semaphore(%arg11 : memref<!tpu.dma_semaphore, #tpu.memory_space<semaphore_mem>>) src(%dma_wait3A_427 : memref<128x128xf32, #tpu.memory_space<vmem>>) dst(%dma_wait3A_433 : memref<10000x128xf32, #tpu.memory_space<vmem_shared>>)
    } else {
    }
    %barrier3A_366 = arith.constant 0 : index
    tpu.barrier barrier_id(%barrier3A_366)
    %mul3A_367 = arith.constant 624 : i32
    %mul3A_368 = arith.muli %arg1, %mul3A_367 : i32
    %mul3A_369 = arith.constant 10000 : i32
    %mul3A_370 = arith.muli %arg0, %mul3A_369 : i32
    %mul3A_371 = arith.constant 624 : i32
    %mul3A_372 = arith.muli %arg1, %mul3A_371 : i32
    %add3A_373 = arith.addi %mul3A_370, %mul3A_372 : i32
    "tpu.region"() ({
      %run_scoped3A_379 = tpu.sem_alloc : memref<!tpu.dma_semaphore, #tpu.memory_space<semaphore_mem>>
      %dma_start3A_380 = arith.constant 0 : i32
      %dma_start3A_381 = tpu.memref_slice %arg4[%add3A_373, %dma_start3A_380] : memref<20000x128xf32, #tpu.memory_space<hbm>> -> memref<624x128xf32, #tpu.memory_space<hbm>>
      %dma_start3A_382 = arith.constant 0 : i32
      %dma_start3A_383 = tpu.memref_slice %arg7[%mul3A_368, %dma_start3A_382] : memref<10000x128xf32, #tpu.memory_space<vmem_shared>> -> memref<624x128xf32, #tpu.memory_space<vmem_shared>>
      tpu.enqueue_dma source(%dma_start3A_383 : memref<624x128xf32, #tpu.memory_space<vmem_shared>>) target(%dma_start3A_381 : memref<624x128xf32, #tpu.memory_space<hbm>>) target_semaphore(%run_scoped3A_379 : memref<!tpu.dma_semaphore, #tpu.memory_space<semaphore_mem>>)
      %dma_wait3A_384 = arith.constant 0 : i32
      %dma_wait3A_385 = tpu.memref_slice %arg4[%add3A_373, %dma_wait3A_384] : memref<20000x128xf32, #tpu.memory_space<hbm>> -> memref<624x128xf32, #tpu.memory_space<hbm>>
      %dma_wait3A_386 = arith.constant 0 : i32
      %dma_wait3A_387 = tpu.memref_slice %arg7[%mul3A_368, %dma_wait3A_386] : memref<10000x128xf32, #tpu.memory_space<vmem_shared>> -> memref<624x128xf32, #tpu.memory_space<vmem_shared>>
      tpu.wait_dma2 semaphore(%run_scoped3A_379 : memref<!tpu.dma_semaphore, #tpu.memory_space<semaphore_mem>>) src(%dma_wait3A_387 : memref<624x128xf32, #tpu.memory_space<vmem_shared>>) dst(%dma_wait3A_385 : memref<624x128xf32, #tpu.memory_space<hbm>>)
      tpu.yield
    }) : () -> ()
    %eq3A_374 = arith.constant 15 : i32
    %eq3A_375 = arith.cmpi eq, %arg1, %eq3A_374 : i32
    %convert_element_type3A_376 = arith.extui %eq3A_375 : i1 to i32
    %cond3A_377 = arith.constant 0 : i32
    %cond3A_378 = arith.cmpi ne, %convert_element_type3A_376, %cond3A_377 : i32
    scf.if %cond3A_378 {
      %mul3A_379 = arith.constant 10000 : i32
      %mul3A_380 = arith.muli %arg0, %mul3A_379 : i32
      %add3A_381 = arith.constant 9984 : i32
      %add3A_382 = arith.addi %mul3A_380, %add3A_381 : i32
      "tpu.region"() ({
        %run_scoped3A_383 = tpu.sem_alloc : memref<!tpu.dma_semaphore, #tpu.memory_space<semaphore_mem>>
        %dma_start3A_384 = arith.constant 0 : i32
        %dma_start3A_385 = tpu.memref_slice %arg4[%add3A_382, %dma_start3A_384] : memref<20000x128xf32, #tpu.memory_space<hbm>> -> memref<16x128xf32, #tpu.memory_space<hbm>>
        %dma_start3A_386 = arith.constant 9984 : i32
        %dma_start3A_387 = arith.constant 0 : i32
        %dma_start3A_388 = tpu.memref_slice %arg7[%dma_start3A_386, %dma_start3A_387] : memref<10000x128xf32, #tpu.memory_space<vmem_shared>> -> memref<16x128xf32, #tpu.memory_space<vmem_shared>>
        tpu.enqueue_dma source(%dma_start3A_388 : memref<16x128xf32, #tpu.memory_space<vmem_shared>>) target(%dma_start3A_385 : memref<16x128xf32, #tpu.memory_space<hbm>>) target_semaphore(%run_scoped3A_383 : memref<!tpu.dma_semaphore, #tpu.memory_space<semaphore_mem>>)
        %dma_wait3A_389 = arith.constant 0 : i32
        %dma_wait3A_390 = tpu.memref_slice %arg4[%add3A_382, %dma_wait3A_389] : memref<20000x128xf32, #tpu.memory_space<hbm>> -> memref<16x128xf32, #tpu.memory_space<hbm>>
        %dma_wait3A_391 = arith.constant 9984 : i32
        %dma_wait3A_392 = arith.constant 0 : i32
        %dma_wait3A_393 = tpu.memref_slice %arg7[%dma_wait3A_391, %dma_wait3A_392] : memref<10000x128xf32, #tpu.memory_space<vmem_shared>> -> memref<16x128xf32, #tpu.memory_space<vmem_shared>>
        tpu.wait_dma2 semaphore(%run_scoped3A_383 : memref<!tpu.dma_semaphore, #tpu.memory_space<semaphore_mem>>) src(%dma_wait3A_393 : memref<16x128xf32, #tpu.memory_space<vmem_shared>>) dst(%dma_wait3A_390 : memref<16x128xf32, #tpu.memory_space<hbm>>)
        tpu.yield
      }) : () -> ()
    } else {
    }
    return
  }
}

#map = affine_map<(d0, d1) -> (0, 0)>
#map1 = affine_map<(d0, d1) -> (0, 0, 0)>
module attributes {stable_mosaic.version = 14 : i64} {
  func.func @segsum(%arg0: i32, %arg1: i32, %arg2: memref<10000x128xf32, #tpu.memory_space<hbm>>, %arg3: memref<2500x2x128xi32, #tpu.memory_space<hbm>>, %arg4: memref<20000x128xf32, #tpu.memory_space<hbm>>, %arg5: memref<3x2x128xi32, #tpu.memory_space<vmem>>, %arg6: memref<3x128x128xf32, #tpu.memory_space<vmem>>, %arg7: memref<10000x128xf32, #tpu.memory_space<vmem_shared>>, %arg8: memref<!tpu.dma_semaphore, #tpu.memory_space<semaphore_mem>>, %arg9: memref<!tpu.dma_semaphore, #tpu.memory_space<semaphore_mem>>, %arg10: memref<!tpu.dma_semaphore, #tpu.memory_space<semaphore_mem>>, %arg11: memref<!tpu.dma_semaphore, #tpu.memory_space<semaphore_mem>>, %arg12: memref<!tpu.dma_semaphore, #tpu.memory_space<semaphore_mem>>, %arg13: memref<!tpu.dma_semaphore, #tpu.memory_space<semaphore_mem>>) attributes {dimension_semantics = [#tpu.dimension_semantics<core_parallel>, #tpu.dimension_semantics<subcore_parallel>], iteration_bounds = array<i64: 2, 16>, scalar_prefetch = 0 : i64, scratch_operands = 9 : i64, tpu.core_type = #tpu.core_type<sc_vector_subcore>, window_params = [{transform_indices = #map}, {transform_indices = #map1}, {transform_indices = #map}]} {
    %mul3A = arith.constant 16 : i32
    %mul3A_0 = arith.muli %arg0, %mul3A : i32
    %add3A = arith.addi %mul3A_0, %arg1 : i32
    %scan3A = arith.constant 0 : i32
    %scan3A_1 = arith.constant 0 : i32
    %scan3A_2 = arith.constant 128 : i32
    %scan3A_3 = arith.addi %scan3A_1, %scan3A_2 : i32
    %scan3A_4 = arith.constant 1 : i32
    scf.for %scan3A_379 = %scan3A_1 to %scan3A_3 step %scan3A_4  : i32 {
      %broadcast_in_dim3A = arith.constant 0.000000e+00 : f32
      %broadcast_in_dim3A_380 = vector.broadcast %broadcast_in_dim3A : f32 to vector<16xf32>
      %swap3A = arith.constant 0 : i32
      %swap3A_381 = arith.index_cast %swap3A : i32 to index
      %swap3A_382 = arith.index_cast %scan3A_379 : i32 to index
      %swap3A_383 = arith.constant 0 : index
      %swap3A_384 = tpu.vector_load %arg6[%swap3A_381, %swap3A_382, %swap3A_383] {strides = array<i32>} : memref<3x128x128xf32, #tpu.memory_space<vmem>>, vector<1x1x16xf32>,
      %swap3A_385 = vector.shape_cast %swap3A_384 : vector<1x1x16xf32> to vector<16xf32>
      %swap3A_386 = vector.shape_cast %broadcast_in_dim3A_380 : vector<16xf32> to vector<1x1x16xf32>
      tpu.vector_store %arg6[%swap3A_381, %swap3A_382, %swap3A_383], %swap3A_386 {strides = array<i32>} : memref<3x128x128xf32, #tpu.memory_space<vmem>>, vector<1x1x16xf32>,
      %broadcast_in_dim3A_387 = arith.constant 0.000000e+00 : f32
      %broadcast_in_dim3A_388 = vector.broadcast %broadcast_in_dim3A_387 : f32 to vector<16xf32>
      %swap3A_389 = arith.constant 0 : i32
      %swap3A_390 = arith.index_cast %swap3A_389 : i32 to index
      %swap3A_391 = arith.index_cast %scan3A_379 : i32 to index
      %swap3A_392 = arith.constant 16 : index
      %swap3A_393 = tpu.vector_load %arg6[%swap3A_390, %swap3A_391, %swap3A_392] {strides = array<i32>} : memref<3x128x128xf32, #tpu.memory_space<vmem>>, vector<1x1x16xf32>,
      %swap3A_394 = vector.shape_cast %swap3A_393 : vector<1x1x16xf32> to vector<16xf32>
      %swap3A_395 = vector.shape_cast %broadcast_in_dim3A_388 : vector<16xf32> to vector<1x1x16xf32>
      tpu.vector_store %arg6[%swap3A_390, %swap3A_391, %swap3A_392], %swap3A_395 {strides = array<i32>} : memref<3x128x128xf32, #tpu.memory_space<vmem>>, vector<1x1x16xf32>,
      %broadcast_in_dim3A_396 = arith.constant 0.000000e+00 : f32
      %broadcast_in_dim3A_397 = vector.broadcast %broadcast_in_dim3A_396 : f32 to vector<16xf32>
      %swap3A_398 = arith.constant 0 : i32
      %swap3A_399 = arith.index_cast %swap3A_398 : i32 to index
      %swap3A_400 = arith.index_cast %scan3A_379 : i32 to index
      %swap3A_401 = arith.constant 32 : index
      %swap3A_402 = tpu.vector_load %arg6[%swap3A_399, %swap3A_400, %swap3A_401] {strides = array<i32>} : memref<3x128x128xf32, #tpu.memory_space<vmem>>, vector<1x1x16xf32>,
      %swap3A_403 = vector.shape_cast %swap3A_402 : vector<1x1x16xf32> to vector<16xf32>
      %swap3A_404 = vector.shape_cast %broadcast_in_dim3A_397 : vector<16xf32> to vector<1x1x16xf32>
      tpu.vector_store %arg6[%swap3A_399, %swap3A_400, %swap3A_401], %swap3A_404 {strides = array<i32>} : memref<3x128x128xf32, #tpu.memory_space<vmem>>, vector<1x1x16xf32>,
      %broadcast_in_dim3A_405 = arith.constant 0.000000e+00 : f32
      %broadcast_in_dim3A_406 = vector.broadcast %broadcast_in_dim3A_405 : f32 to vector<16xf32>
      %swap3A_407 = arith.constant 0 : i32
      %swap3A_408 = arith.index_cast %swap3A_407 : i32 to index
      %swap3A_409 = arith.index_cast %scan3A_379 : i32 to index
      %swap3A_410 = arith.constant 48 : index
      %swap3A_411 = tpu.vector_load %arg6[%swap3A_408, %swap3A_409, %swap3A_410] {strides = array<i32>} : memref<3x128x128xf32, #tpu.memory_space<vmem>>, vector<1x1x16xf32>,
      %swap3A_412 = vector.shape_cast %swap3A_411 : vector<1x1x16xf32> to vector<16xf32>
      %swap3A_413 = vector.shape_cast %broadcast_in_dim3A_406 : vector<16xf32> to vector<1x1x16xf32>
      tpu.vector_store %arg6[%swap3A_408, %swap3A_409, %swap3A_410], %swap3A_413 {strides = array<i32>} : memref<3x128x128xf32, #tpu.memory_space<vmem>>, vector<1x1x16xf32>,
      %broadcast_in_dim3A_414 = arith.constant 0.000000e+00 : f32
      %broadcast_in_dim3A_415 = vector.broadcast %broadcast_in_dim3A_414 : f32 to vector<16xf32>
      %swap3A_416 = arith.constant 0 : i32
      %swap3A_417 = arith.index_cast %swap3A_416 : i32 to index
      %swap3A_418 = arith.index_cast %scan3A_379 : i32 to index
      %swap3A_419 = arith.constant 64 : index
      %swap3A_420 = tpu.vector_load %arg6[%swap3A_417, %swap3A_418, %swap3A_419] {strides = array<i32>} : memref<3x128x128xf32, #tpu.memory_space<vmem>>, vector<1x1x16xf32>,
      %swap3A_421 = vector.shape_cast %swap3A_420 : vector<1x1x16xf32> to vector<16xf32>
      %swap3A_422 = vector.shape_cast %broadcast_in_dim3A_415 : vector<16xf32> to vector<1x1x16xf32>
      tpu.vector_store %arg6[%swap3A_417, %swap3A_418, %swap3A_419], %swap3A_422 {strides = array<i32>} : memref<3x128x128xf32, #tpu.memory_space<vmem>>, vector<1x1x16xf32>,
      %broadcast_in_dim3A_423 = arith.constant 0.000000e+00 : f32
      %broadcast_in_dim3A_424 = vector.broadcast %broadcast_in_dim3A_423 : f32 to vector<16xf32>
      %swap3A_425 = arith.constant 0 : i32
      %swap3A_426 = arith.index_cast %swap3A_425 : i32 to index
      %swap3A_427 = arith.index_cast %scan3A_379 : i32 to index
      %swap3A_428 = arith.constant 80 : index
      %swap3A_429 = tpu.vector_load %arg6[%swap3A_426, %swap3A_427, %swap3A_428] {strides = array<i32>} : memref<3x128x128xf32, #tpu.memory_space<vmem>>, vector<1x1x16xf32>,
      %swap3A_430 = vector.shape_cast %swap3A_429 : vector<1x1x16xf32> to vector<16xf32>
      %swap3A_431 = vector.shape_cast %broadcast_in_dim3A_424 : vector<16xf32> to vector<1x1x16xf32>
      tpu.vector_store %arg6[%swap3A_426, %swap3A_427, %swap3A_428], %swap3A_431 {strides = array<i32>} : memref<3x128x128xf32, #tpu.memory_space<vmem>>, vector<1x1x16xf32>,
      %broadcast_in_dim3A_432 = arith.constant 0.000000e+00 : f32
      %broadcast_in_dim3A_433 = vector.broadcast %broadcast_in_dim3A_432 : f32 to vector<16xf32>
      %swap3A_434 = arith.constant 0 : i32
      %swap3A_435 = arith.index_cast %swap3A_434 : i32 to index
      %swap3A_436 = arith.index_cast %scan3A_379 : i32 to index
      %swap3A_437 = arith.constant 96 : index
      %swap3A_438 = tpu.vector_load %arg6[%swap3A_435, %swap3A_436, %swap3A_437] {strides = array<i32>} : memref<3x128x128xf32, #tpu.memory_space<vmem>>, vector<1x1x16xf32>,
      %swap3A_439 = vector.shape_cast %swap3A_438 : vector<1x1x16xf32> to vector<16xf32>
      %swap3A_440 = vector.shape_cast %broadcast_in_dim3A_433 : vector<16xf32> to vector<1x1x16xf32>
      tpu.vector_store %arg6[%swap3A_435, %swap3A_436, %swap3A_437], %swap3A_440 {strides = array<i32>} : memref<3x128x128xf32, #tpu.memory_space<vmem>>, vector<1x1x16xf32>,
      %broadcast_in_dim3A_441 = arith.constant 0.000000e+00 : f32
      %broadcast_in_dim3A_442 = vector.broadcast %broadcast_in_dim3A_441 : f32 to vector<16xf32>
      %swap3A_443 = arith.constant 0 : i32
      %swap3A_444 = arith.index_cast %swap3A_443 : i32 to index
      %swap3A_445 = arith.index_cast %scan3A_379 : i32 to index
      %swap3A_446 = arith.constant 112 : index
      %swap3A_447 = tpu.vector_load %arg6[%swap3A_444, %swap3A_445, %swap3A_446] {strides = array<i32>} : memref<3x128x128xf32, #tpu.memory_space<vmem>>, vector<1x1x16xf32>,
      %swap3A_448 = vector.shape_cast %swap3A_447 : vector<1x1x16xf32> to vector<16xf32>
      %swap3A_449 = vector.shape_cast %broadcast_in_dim3A_442 : vector<16xf32> to vector<1x1x16xf32>
      tpu.vector_store %arg6[%swap3A_444, %swap3A_445, %swap3A_446], %swap3A_449 {strides = array<i32>} : memref<3x128x128xf32, #tpu.memory_space<vmem>>, vector<1x1x16xf32>,
    }
    %scan3A_5 = arith.constant 128 : i32
    %mul3A_6 = arith.constant 624 : i32
    %mul3A_7 = arith.muli %arg1, %mul3A_6 : i32
    %scan3A_8 = arith.constant 0 : i32
    %scan3A_9 = arith.constant 0 : i32
    %scan3A_10 = arith.constant 4 : i32
    %scan3A_11 = arith.addi %scan3A_9, %scan3A_10 : i32
    %scan3A_12 = arith.constant 1 : i32
    scf.for %scan3A_379 = %scan3A_9 to %scan3A_11 step %scan3A_12  : i32 {
      %mul3A_380 = arith.constant 128 : i32
      %mul3A_381 = arith.muli %scan3A_379, %mul3A_380 : i32
      %add3A_382 = arith.addi %mul3A_7, %mul3A_381 : i32
      %run_scoped3A_383 = arith.constant 0 : i32
      "tpu.region"() ({
        %run_scoped3A_384 = tpu.sem_alloc : memref<!tpu.dma_semaphore, #tpu.memory_space<semaphore_mem>>
        %dma_start3A_385 = arith.constant 0 : i32
        %dma_start3A_386 = arith.constant 0 : i32
        %dma_start3A_387 = tpu.memref_slice %arg6[%run_scoped3A_383, %dma_start3A_385, %dma_start3A_386] : memref<3x128x128xf32, #tpu.memory_space<vmem>> -> memref<1x128x128xf32, #tpu.memory_space<vmem>>
        %dma_start3A_388 = tpu.memref_squeeze %dma_start3A_387 : memref<1x128x128xf32, #tpu.memory_space<vmem>> -> memref<128x128xf32, #tpu.memory_space<vmem>>
        %dma_start3A_389 = arith.constant 0 : i32
        %dma_start3A_390 = tpu.memref_slice %arg7[%add3A_382, %dma_start3A_389] : memref<10000x128xf32, #tpu.memory_space<vmem_shared>> -> memref<128x128xf32, #tpu.memory_space<vmem_shared>>
        %dma_start3A_391 = arith.constant 0 : i32
        %dma_start3A_392 = tpu.memref_slice %arg7[%add3A_382, %dma_start3A_391] : memref<10000x128xf32, #tpu.memory_space<vmem_shared>> -> memref<128x128xf32, #tpu.memory_space<vmem_shared>>
        %dma_start3A_393 = arith.constant 0 : i32
        %dma_start3A_394 = arith.constant 0 : i32
        %dma_start3A_395 = tpu.memref_slice %arg6[%run_scoped3A_383, %dma_start3A_393, %dma_start3A_394] : memref<3x128x128xf32, #tpu.memory_space<vmem>> -> memref<1x128x128xf32, #tpu.memory_space<vmem>>
        %dma_start3A_396 = tpu.memref_squeeze %dma_start3A_395 : memref<1x128x128xf32, #tpu.memory_space<vmem>> -> memref<128x128xf32, #tpu.memory_space<vmem>>
        tpu.enqueue_dma source(%dma_start3A_396 : memref<128x128xf32, #tpu.memory_space<vmem>>) target(%dma_start3A_392 : memref<128x128xf32, #tpu.memory_space<vmem_shared>>) target_semaphore(%run_scoped3A_384 : memref<!tpu.dma_semaphore, #tpu.memory_space<semaphore_mem>>)
        %dma_wait3A_397 = arith.constant 0 : i32
        %dma_wait3A_398 = arith.constant 0 : i32
        %dma_wait3A_399 = tpu.memref_slice %arg6[%run_scoped3A_383, %dma_wait3A_397, %dma_wait3A_398] : memref<3x128x128xf32, #tpu.memory_space<vmem>> -> memref<1x128x128xf32, #tpu.memory_space<vmem>>
        %dma_wait3A_400 = tpu.memref_squeeze %dma_wait3A_399 : memref<1x128x128xf32, #tpu.memory_space<vmem>> -> memref<128x128xf32, #tpu.memory_space<vmem>>
        %dma_wait3A_401 = arith.constant 0 : i32
        %dma_wait3A_402 = tpu.memref_slice %arg7[%add3A_382, %dma_wait3A_401] : memref<10000x128xf32, #tpu.memory_space<vmem_shared>> -> memref<128x128xf32, #tpu.memory_space<vmem_shared>>
        %dma_wait3A_403 = arith.constant 0 : i32
        %dma_wait3A_404 = tpu.memref_slice %arg7[%add3A_382, %dma_wait3A_403] : memref<10000x128xf32, #tpu.memory_space<vmem_shared>> -> memref<128x128xf32, #tpu.memory_space<vmem_shared>>
        %dma_wait3A_405 = arith.constant 0 : i32
        %dma_wait3A_406 = arith.constant 0 : i32
        %dma_wait3A_407 = tpu.memref_slice %arg6[%run_scoped3A_383, %dma_wait3A_405, %dma_wait3A_406] : memref<3x128x128xf32, #tpu.memory_space<vmem>> -> memref<1x128x128xf32, #tpu.memory_space<vmem>>
        %dma_wait3A_408 = tpu.memref_squeeze %dma_wait3A_407 : memref<1x128x128xf32, #tpu.memory_space<vmem>> -> memref<128x128xf32, #tpu.memory_space<vmem>>
        tpu.wait_dma2 semaphore(%run_scoped3A_384 : memref<!tpu.dma_semaphore, #tpu.memory_space<semaphore_mem>>) src(%dma_wait3A_408 : memref<128x128xf32, #tpu.memory_space<vmem>>) dst(%dma_wait3A_404 : memref<128x128xf32, #tpu.memory_space<vmem_shared>>)
        tpu.yield
      }) : () -> ()
    }
    %scan3A_13 = arith.constant 4 : i32
    %add3A_14 = arith.constant 512 : i32
    %add3A_15 = arith.addi %mul3A_7, %add3A_14 : i32
    %run_scoped3A = arith.constant 0 : i32
    "tpu.region"() ({
      %run_scoped3A_379 = tpu.sem_alloc : memref<!tpu.dma_semaphore, #tpu.memory_space<semaphore_mem>>
      %dma_start3A_380 = arith.constant 0 : i32
      %dma_start3A_381 = arith.constant 0 : i32
      %dma_start3A_382 = tpu.memref_slice %arg6[%run_scoped3A, %dma_start3A_380, %dma_start3A_381] : memref<3x128x128xf32, #tpu.memory_space<vmem>> -> memref<1x112x128xf32, #tpu.memory_space<vmem>>
      %dma_start3A_383 = tpu.memref_squeeze %dma_start3A_382 : memref<1x112x128xf32, #tpu.memory_space<vmem>> -> memref<112x128xf32, #tpu.memory_space<vmem>>
      %dma_start3A_384 = arith.constant 0 : i32
      %dma_start3A_385 = tpu.memref_slice %arg7[%add3A_15, %dma_start3A_384] : memref<10000x128xf32, #tpu.memory_space<vmem_shared>> -> memref<112x128xf32, #tpu.memory_space<vmem_shared>>
      %dma_start3A_386 = arith.constant 0 : i32
      %dma_start3A_387 = tpu.memref_slice %arg7[%add3A_15, %dma_start3A_386] : memref<10000x128xf32, #tpu.memory_space<vmem_shared>> -> memref<112x128xf32, #tpu.memory_space<vmem_shared>>
      %dma_start3A_388 = arith.constant 0 : i32
      %dma_start3A_389 = arith.constant 0 : i32
      %dma_start3A_390 = tpu.memref_slice %arg6[%run_scoped3A, %dma_start3A_388, %dma_start3A_389] : memref<3x128x128xf32, #tpu.memory_space<vmem>> -> memref<1x112x128xf32, #tpu.memory_space<vmem>>
      %dma_start3A_391 = tpu.memref_squeeze %dma_start3A_390 : memref<1x112x128xf32, #tpu.memory_space<vmem>> -> memref<112x128xf32, #tpu.memory_space<vmem>>
      tpu.enqueue_dma source(%dma_start3A_391 : memref<112x128xf32, #tpu.memory_space<vmem>>) target(%dma_start3A_387 : memref<112x128xf32, #tpu.memory_space<vmem_shared>>) target_semaphore(%run_scoped3A_379 : memref<!tpu.dma_semaphore, #tpu.memory_space<semaphore_mem>>)
      %dma_wait3A_392 = arith.constant 0 : i32
      %dma_wait3A_393 = arith.constant 0 : i32
      %dma_wait3A_394 = tpu.memref_slice %arg6[%run_scoped3A, %dma_wait3A_392, %dma_wait3A_393] : memref<3x128x128xf32, #tpu.memory_space<vmem>> -> memref<1x112x128xf32, #tpu.memory_space<vmem>>
      %dma_wait3A_395 = tpu.memref_squeeze %dma_wait3A_394 : memref<1x112x128xf32, #tpu.memory_space<vmem>> -> memref<112x128xf32, #tpu.memory_space<vmem>>
      %dma_wait3A_396 = arith.constant 0 : i32
      %dma_wait3A_397 = tpu.memref_slice %arg7[%add3A_15, %dma_wait3A_396] : memref<10000x128xf32, #tpu.memory_space<vmem_shared>> -> memref<112x128xf32, #tpu.memory_space<vmem_shared>>
      %dma_wait3A_398 = arith.constant 0 : i32
      %dma_wait3A_399 = tpu.memref_slice %arg7[%add3A_15, %dma_wait3A_398] : memref<10000x128xf32, #tpu.memory_space<vmem_shared>> -> memref<112x128xf32, #tpu.memory_space<vmem_shared>>
      %dma_wait3A_400 = arith.constant 0 : i32
      %dma_wait3A_401 = arith.constant 0 : i32
      %dma_wait3A_402 = tpu.memref_slice %arg6[%run_scoped3A, %dma_wait3A_400, %dma_wait3A_401] : memref<3x128x128xf32, #tpu.memory_space<vmem>> -> memref<1x112x128xf32, #tpu.memory_space<vmem>>
      %dma_wait3A_403 = tpu.memref_squeeze %dma_wait3A_402 : memref<1x112x128xf32, #tpu.memory_space<vmem>> -> memref<112x128xf32, #tpu.memory_space<vmem>>
      tpu.wait_dma2 semaphore(%run_scoped3A_379 : memref<!tpu.dma_semaphore, #tpu.memory_space<semaphore_mem>>) src(%dma_wait3A_403 : memref<112x128xf32, #tpu.memory_space<vmem>>) dst(%dma_wait3A_399 : memref<112x128xf32, #tpu.memory_space<vmem_shared>>)
      tpu.yield
    }) : () -> ()
    %eq3A = arith.constant 15 : i32
    %eq3A_16 = arith.cmpi eq, %arg1, %eq3A : i32
    %convert_element_type3A = arith.extui %eq3A_16 : i1 to i32
    %cond3A = arith.constant 0 : i32
    %cond3A_17 = arith.cmpi ne, %convert_element_type3A, %cond3A : i32
    scf.if %cond3A_17 {
      %run_scoped3A_379 = arith.constant 0 : i32
      "tpu.region"() ({
        %run_scoped3A_380 = tpu.sem_alloc : memref<!tpu.dma_semaphore, #tpu.memory_space<semaphore_mem>>
        %dma_start3A_381 = arith.constant 0 : i32
        %dma_start3A_382 = arith.constant 0 : i32
        %dma_start3A_383 = tpu.memref_slice %arg6[%run_scoped3A_379, %dma_start3A_381, %dma_start3A_382] : memref<3x128x128xf32, #tpu.memory_space<vmem>> -> memref<1x16x128xf32, #tpu.memory_space<vmem>>
        %dma_start3A_384 = tpu.memref_squeeze %dma_start3A_383 : memref<1x16x128xf32, #tpu.memory_space<vmem>> -> memref<16x128xf32, #tpu.memory_space<vmem>>
        %dma_start3A_385 = arith.constant 9984 : i32
        %dma_start3A_386 = arith.constant 0 : i32
        %dma_start3A_387 = tpu.memref_slice %arg7[%dma_start3A_385, %dma_start3A_386] : memref<10000x128xf32, #tpu.memory_space<vmem_shared>> -> memref<16x128xf32, #tpu.memory_space<vmem_shared>>
        %dma_start3A_388 = arith.constant 9984 : i32
        %dma_start3A_389 = arith.constant 0 : i32
        %dma_start3A_390 = tpu.memref_slice %arg7[%dma_start3A_388, %dma_start3A_389] : memref<10000x128xf32, #tpu.memory_space<vmem_shared>> -> memref<16x128xf32, #tpu.memory_space<vmem_shared>>
        %dma_start3A_391 = arith.constant 0 : i32
        %dma_start3A_392 = arith.constant 0 : i32
        %dma_start3A_393 = tpu.memref_slice %arg6[%run_scoped3A_379, %dma_start3A_391, %dma_start3A_392] : memref<3x128x128xf32, #tpu.memory_space<vmem>> -> memref<1x16x128xf32, #tpu.memory_space<vmem>>
        %dma_start3A_394 = tpu.memref_squeeze %dma_start3A_393 : memref<1x16x128xf32, #tpu.memory_space<vmem>> -> memref<16x128xf32, #tpu.memory_space<vmem>>
        tpu.enqueue_dma source(%dma_start3A_394 : memref<16x128xf32, #tpu.memory_space<vmem>>) target(%dma_start3A_390 : memref<16x128xf32, #tpu.memory_space<vmem_shared>>) target_semaphore(%run_scoped3A_380 : memref<!tpu.dma_semaphore, #tpu.memory_space<semaphore_mem>>)
        %dma_wait3A_395 = arith.constant 0 : i32
        %dma_wait3A_396 = arith.constant 0 : i32
        %dma_wait3A_397 = tpu.memref_slice %arg6[%run_scoped3A_379, %dma_wait3A_395, %dma_wait3A_396] : memref<3x128x128xf32, #tpu.memory_space<vmem>> -> memref<1x16x128xf32, #tpu.memory_space<vmem>>
        %dma_wait3A_398 = tpu.memref_squeeze %dma_wait3A_397 : memref<1x16x128xf32, #tpu.memory_space<vmem>> -> memref<16x128xf32, #tpu.memory_space<vmem>>
        %dma_wait3A_399 = arith.constant 9984 : i32
        %dma_wait3A_400 = arith.constant 0 : i32
        %dma_wait3A_401 = tpu.memref_slice %arg7[%dma_wait3A_399, %dma_wait3A_400] : memref<10000x128xf32, #tpu.memory_space<vmem_shared>> -> memref<16x128xf32, #tpu.memory_space<vmem_shared>>
        %dma_wait3A_402 = arith.constant 9984 : i32
        %dma_wait3A_403 = arith.constant 0 : i32
        %dma_wait3A_404 = tpu.memref_slice %arg7[%dma_wait3A_402, %dma_wait3A_403] : memref<10000x128xf32, #tpu.memory_space<vmem_shared>> -> memref<16x128xf32, #tpu.memory_space<vmem_shared>>
        %dma_wait3A_405 = arith.constant 0 : i32
        %dma_wait3A_406 = arith.constant 0 : i32
        %dma_wait3A_407 = tpu.memref_slice %arg6[%run_scoped3A_379, %dma_wait3A_405, %dma_wait3A_406] : memref<3x128x128xf32, #tpu.memory_space<vmem>> -> memref<1x16x128xf32, #tpu.memory_space<vmem>>
        %dma_wait3A_408 = tpu.memref_squeeze %dma_wait3A_407 : memref<1x16x128xf32, #tpu.memory_space<vmem>> -> memref<16x128xf32, #tpu.memory_space<vmem>>
        tpu.wait_dma2 semaphore(%run_scoped3A_380 : memref<!tpu.dma_semaphore, #tpu.memory_space<semaphore_mem>>) src(%dma_wait3A_408 : memref<16x128xf32, #tpu.memory_space<vmem>>) dst(%dma_wait3A_404 : memref<16x128xf32, #tpu.memory_space<vmem_shared>>)
        tpu.yield
      }) : () -> ()
    } else {
    }
    %barrier3A = arith.constant 0 : index
    tpu.barrier barrier_id(%barrier3A)
    %mul3A_18 = arith.constant 78 : i32
    %mul3A_19 = arith.muli %add3A, %mul3A_18 : i32
    %add3A_20 = arith.constant 0 : i32
    %add3A_21 = arith.addi %mul3A_19, %add3A_20 : i32
    %run_scoped3A_22 = arith.constant 0 : i32
    "tpu.region"() ({
      %run_scoped3A_379 = tpu.sem_alloc : memref<!tpu.dma_semaphore, #tpu.memory_space<semaphore_mem>>
      %dma_start3A_380 = arith.constant 0 : i32
      %dma_start3A_381 = arith.constant 0 : i32
      %dma_start3A_382 = tpu.memref_slice %arg5[%run_scoped3A_22, %dma_start3A_380, %dma_start3A_381] : memref<3x2x128xi32, #tpu.memory_space<vmem>> -> memref<1x2x128xi32, #tpu.memory_space<vmem>>
      %dma_start3A_383 = tpu.memref_squeeze %dma_start3A_382 : memref<1x2x128xi32, #tpu.memory_space<vmem>> -> memref<2x128xi32, #tpu.memory_space<vmem>>
      %dma_start3A_384 = arith.constant 0 : i32
      %dma_start3A_385 = arith.constant 0 : i32
      %dma_start3A_386 = tpu.memref_slice %arg3[%add3A_21, %dma_start3A_384, %dma_start3A_385] : memref<2500x2x128xi32, #tpu.memory_space<hbm>> -> memref<1x2x128xi32, #tpu.memory_space<hbm>>
      %dma_start3A_387 = tpu.memref_squeeze %dma_start3A_386 : memref<1x2x128xi32, #tpu.memory_space<hbm>> -> memref<2x128xi32, #tpu.memory_space<hbm>>
      %dma_start3A_388 = arith.constant 0 : i32
      %dma_start3A_389 = arith.constant 0 : i32
      %dma_start3A_390 = tpu.memref_slice %arg5[%run_scoped3A_22, %dma_start3A_388, %dma_start3A_389] : memref<3x2x128xi32, #tpu.memory_space<vmem>> -> memref<1x2x128xi32, #tpu.memory_space<vmem>>
      %dma_start3A_391 = tpu.memref_squeeze %dma_start3A_390 : memref<1x2x128xi32, #tpu.memory_space<vmem>> -> memref<2x128xi32, #tpu.memory_space<vmem>>
      %dma_start3A_392 = arith.constant 0 : i32
      %dma_start3A_393 = arith.constant 0 : i32
      %dma_start3A_394 = tpu.memref_slice %arg3[%add3A_21, %dma_start3A_392, %dma_start3A_393] : memref<2500x2x128xi32, #tpu.memory_space<hbm>> -> memref<1x2x128xi32, #tpu.memory_space<hbm>>
      %dma_start3A_395 = tpu.memref_squeeze %dma_start3A_394 : memref<1x2x128xi32, #tpu.memory_space<hbm>> -> memref<2x128xi32, #tpu.memory_space<hbm>>
      tpu.enqueue_dma source(%dma_start3A_395 : memref<2x128xi32, #tpu.memory_space<hbm>>) target(%dma_start3A_391 : memref<2x128xi32, #tpu.memory_space<vmem>>) target_semaphore(%run_scoped3A_379 : memref<!tpu.dma_semaphore, #tpu.memory_space<semaphore_mem>>)
      %dma_wait3A_396 = arith.constant 0 : i32
      %dma_wait3A_397 = arith.constant 0 : i32
      %dma_wait3A_398 = tpu.memref_slice %arg5[%run_scoped3A_22, %dma_wait3A_396, %dma_wait3A_397] : memref<3x2x128xi32, #tpu.memory_space<vmem>> -> memref<1x2x128xi32, #tpu.memory_space<vmem>>
      %dma_wait3A_399 = tpu.memref_squeeze %dma_wait3A_398 : memref<1x2x128xi32, #tpu.memory_space<vmem>> -> memref<2x128xi32, #tpu.memory_space<vmem>>
      %dma_wait3A_400 = arith.constant 0 : i32
      %dma_wait3A_401 = arith.constant 0 : i32
      %dma_wait3A_402 = tpu.memref_slice %arg3[%add3A_21, %dma_wait3A_400, %dma_wait3A_401] : memref<2500x2x128xi32, #tpu.memory_space<hbm>> -> memref<1x2x128xi32, #tpu.memory_space<hbm>>
      %dma_wait3A_403 = tpu.memref_squeeze %dma_wait3A_402 : memref<1x2x128xi32, #tpu.memory_space<hbm>> -> memref<2x128xi32, #tpu.memory_space<hbm>>
      %dma_wait3A_404 = arith.constant 0 : i32
      %dma_wait3A_405 = arith.constant 0 : i32
      %dma_wait3A_406 = tpu.memref_slice %arg5[%run_scoped3A_22, %dma_wait3A_404, %dma_wait3A_405] : memref<3x2x128xi32, #tpu.memory_space<vmem>> -> memref<1x2x128xi32, #tpu.memory_space<vmem>>
      %dma_wait3A_407 = tpu.memref_squeeze %dma_wait3A_406 : memref<1x2x128xi32, #tpu.memory_space<vmem>> -> memref<2x128xi32, #tpu.memory_space<vmem>>
      %dma_wait3A_408 = arith.constant 0 : i32
      %dma_wait3A_409 = arith.constant 0 : i32
      %dma_wait3A_410 = tpu.memref_slice %arg3[%add3A_21, %dma_wait3A_408, %dma_wait3A_409] : memref<2500x2x128xi32, #tpu.memory_space<hbm>> -> memref<1x2x128xi32, #tpu.memory_space<hbm>>
      %dma_wait3A_411 = tpu.memref_squeeze %dma_wait3A_410 : memref<1x2x128xi32, #tpu.memory_space<hbm>> -> memref<2x128xi32, #tpu.memory_space<hbm>>
      tpu.wait_dma2 semaphore(%run_scoped3A_379 : memref<!tpu.dma_semaphore, #tpu.memory_space<semaphore_mem>>) src(%dma_wait3A_411 : memref<2x128xi32, #tpu.memory_space<hbm>>) dst(%dma_wait3A_407 : memref<2x128xi32, #tpu.memory_space<vmem>>)
      tpu.yield
    }) : () -> ()
    %dma_start3A = arith.constant 0 : i32
    %dma_start3A_23 = arith.constant 0 : i32
    %dma_start3A_24 = arith.constant 0 : i32
    %dma_start3A_25 = arith.constant 0 : i32
    %dma_start3A_26 = arith.constant 0 : i32
    %dma_start3A_27 = tpu.memref_slice %arg6[%dma_start3A_24, %dma_start3A_25, %dma_start3A_26] : memref<3x128x128xf32, #tpu.memory_space<vmem>> -> memref<1x128x128xf32, #tpu.memory_space<vmem>>
    %dma_start3A_28 = tpu.memref_squeeze %dma_start3A_27 : memref<1x128x128xf32, #tpu.memory_space<vmem>> -> memref<128x128xf32, #tpu.memory_space<vmem>>
    %dma_start3A_29 = arith.constant 0 : i32
    %dma_start3A_30 = tpu.memref_slice %arg5[%dma_start3A, %dma_start3A_23, %dma_start3A_29] : memref<3x2x128xi32, #tpu.memory_space<vmem>> -> memref<1x1x128xi32, #tpu.memory_space<vmem>>
    %dma_start3A_31 = tpu.memref_squeeze %dma_start3A_30 : memref<1x1x128xi32, #tpu.memory_space<vmem>> -> memref<128xi32, #tpu.memory_space<vmem>>
    %dma_start3A_32 = arith.constant 0 : i32
    %dma_start3A_33 = arith.constant 0 : i32
    %dma_start3A_34 = tpu.memref_slice %arg2[%dma_start3A_32, %dma_start3A_33] : memref<10000x128xf32, #tpu.memory_space<hbm>> -> memref<10000x128xf32, #tpu.memory_space<hbm>>
    tpu.enqueue_indirect_dma source(%dma_start3A_34 : memref<10000x128xf32, #tpu.memory_space<hbm>>) target(%dma_start3A_28 : memref<128x128xf32, #tpu.memory_space<vmem>>) offsets(%dma_start3A_31 : memref<128xi32, #tpu.memory_space<vmem>>) semaphore(%arg8 : memref<!tpu.dma_semaphore, #tpu.memory_space<semaphore_mem>>)
    %add3A_35 = arith.constant 1 : i32
    %add3A_36 = arith.addi %mul3A_19, %add3A_35 : i32
    %run_scoped3A_37 = arith.constant 1 : i32
    "tpu.region"() ({
      %run_scoped3A_379 = tpu.sem_alloc : memref<!tpu.dma_semaphore, #tpu.memory_space<semaphore_mem>>
      %dma_start3A_380 = arith.constant 0 : i32
      %dma_start3A_381 = arith.constant 0 : i32
      %dma_start3A_382 = tpu.memref_slice %arg5[%run_scoped3A_37, %dma_start3A_380, %dma_start3A_381] : memref<3x2x128xi32, #tpu.memory_space<vmem>> -> memref<1x2x128xi32, #tpu.memory_space<vmem>>
      %dma_start3A_383 = tpu.memref_squeeze %dma_start3A_382 : memref<1x2x128xi32, #tpu.memory_space<vmem>> -> memref<2x128xi32, #tpu.memory_space<vmem>>
      %dma_start3A_384 = arith.constant 0 : i32
      %dma_start3A_385 = arith.constant 0 : i32
      %dma_start3A_386 = tpu.memref_slice %arg3[%add3A_36, %dma_start3A_384, %dma_start3A_385] : memref<2500x2x128xi32, #tpu.memory_space<hbm>> -> memref<1x2x128xi32, #tpu.memory_space<hbm>>
      %dma_start3A_387 = tpu.memref_squeeze %dma_start3A_386 : memref<1x2x128xi32, #tpu.memory_space<hbm>> -> memref<2x128xi32, #tpu.memory_space<hbm>>
      %dma_start3A_388 = arith.constant 0 : i32
      %dma_start3A_389 = arith.constant 0 : i32
      %dma_start3A_390 = tpu.memref_slice %arg5[%run_scoped3A_37, %dma_start3A_388, %dma_start3A_389] : memref<3x2x128xi32, #tpu.memory_space<vmem>> -> memref<1x2x128xi32, #tpu.memory_space<vmem>>
      %dma_start3A_391 = tpu.memref_squeeze %dma_start3A_390 : memref<1x2x128xi32, #tpu.memory_space<vmem>> -> memref<2x128xi32, #tpu.memory_space<vmem>>
      %dma_start3A_392 = arith.constant 0 : i32
      %dma_start3A_393 = arith.constant 0 : i32
      %dma_start3A_394 = tpu.memref_slice %arg3[%add3A_36, %dma_start3A_392, %dma_start3A_393] : memref<2500x2x128xi32, #tpu.memory_space<hbm>> -> memref<1x2x128xi32, #tpu.memory_space<hbm>>
      %dma_start3A_395 = tpu.memref_squeeze %dma_start3A_394 : memref<1x2x128xi32, #tpu.memory_space<hbm>> -> memref<2x128xi32, #tpu.memory_space<hbm>>
      tpu.enqueue_dma source(%dma_start3A_395 : memref<2x128xi32, #tpu.memory_space<hbm>>) target(%dma_start3A_391 : memref<2x128xi32, #tpu.memory_space<vmem>>) target_semaphore(%run_scoped3A_379 : memref<!tpu.dma_semaphore, #tpu.memory_space<semaphore_mem>>)
      %dma_wait3A_396 = arith.constant 0 : i32
      %dma_wait3A_397 = arith.constant 0 : i32
      %dma_wait3A_398 = tpu.memref_slice %arg5[%run_scoped3A_37, %dma_wait3A_396, %dma_wait3A_397] : memref<3x2x128xi32, #tpu.memory_space<vmem>> -> memref<1x2x128xi32, #tpu.memory_space<vmem>>
      %dma_wait3A_399 = tpu.memref_squeeze %dma_wait3A_398 : memref<1x2x128xi32, #tpu.memory_space<vmem>> -> memref<2x128xi32, #tpu.memory_space<vmem>>
      %dma_wait3A_400 = arith.constant 0 : i32
      %dma_wait3A_401 = arith.constant 0 : i32
      %dma_wait3A_402 = tpu.memref_slice %arg3[%add3A_36, %dma_wait3A_400, %dma_wait3A_401] : memref<2500x2x128xi32, #tpu.memory_space<hbm>> -> memref<1x2x128xi32, #tpu.memory_space<hbm>>
      %dma_wait3A_403 = tpu.memref_squeeze %dma_wait3A_402 : memref<1x2x128xi32, #tpu.memory_space<hbm>> -> memref<2x128xi32, #tpu.memory_space<hbm>>
      %dma_wait3A_404 = arith.constant 0 : i32
      %dma_wait3A_405 = arith.constant 0 : i32
      %dma_wait3A_406 = tpu.memref_slice %arg5[%run_scoped3A_37, %dma_wait3A_404, %dma_wait3A_405] : memref<3x2x128xi32, #tpu.memory_space<vmem>> -> memref<1x2x128xi32, #tpu.memory_space<vmem>>
      %dma_wait3A_407 = tpu.memref_squeeze %dma_wait3A_406 : memref<1x2x128xi32, #tpu.memory_space<vmem>> -> memref<2x128xi32, #tpu.memory_space<vmem>>
      %dma_wait3A_408 = arith.constant 0 : i32
      %dma_wait3A_409 = arith.constant 0 : i32
      %dma_wait3A_410 = tpu.memref_slice %arg3[%add3A_36, %dma_wait3A_408, %dma_wait3A_409] : memref<2500x2x128xi32, #tpu.memory_space<hbm>> -> memref<1x2x128xi32, #tpu.memory_space<hbm>>
      %dma_wait3A_411 = tpu.memref_squeeze %dma_wait3A_410 : memref<1x2x128xi32, #tpu.memory_space<hbm>> -> memref<2x128xi32, #tpu.memory_space<hbm>>
      tpu.wait_dma2 semaphore(%run_scoped3A_379 : memref<!tpu.dma_semaphore, #tpu.memory_space<semaphore_mem>>) src(%dma_wait3A_411 : memref<2x128xi32, #tpu.memory_space<hbm>>) dst(%dma_wait3A_407 : memref<2x128xi32, #tpu.memory_space<vmem>>)
      tpu.yield
    }) : () -> ()
    %dma_start3A_38 = arith.constant 1 : i32
    %dma_start3A_39 = arith.constant 0 : i32
    %dma_start3A_40 = arith.constant 1 : i32
    %dma_start3A_41 = arith.constant 0 : i32
    %dma_start3A_42 = arith.constant 0 : i32
    %dma_start3A_43 = tpu.memref_slice %arg6[%dma_start3A_40, %dma_start3A_41, %dma_start3A_42] : memref<3x128x128xf32, #tpu.memory_space<vmem>> -> memref<1x128x128xf32, #tpu.memory_space<vmem>>
    %dma_start3A_44 = tpu.memref_squeeze %dma_start3A_43 : memref<1x128x128xf32, #tpu.memory_space<vmem>> -> memref<128x128xf32, #tpu.memory_space<vmem>>
    %dma_start3A_45 = arith.constant 0 : i32
    %dma_start3A_46 = tpu.memref_slice %arg5[%dma_start3A_38, %dma_start3A_39, %dma_start3A_45] : memref<3x2x128xi32, #tpu.memory_space<vmem>> -> memref<1x1x128xi32, #tpu.memory_space<vmem>>
    %dma_start3A_47 = tpu.memref_squeeze %dma_start3A_46 : memref<1x1x128xi32, #tpu.memory_space<vmem>> -> memref<128xi32, #tpu.memory_space<vmem>>
    %dma_start3A_48 = arith.constant 0 : i32
    %dma_start3A_49 = arith.constant 0 : i32
    %dma_start3A_50 = tpu.memref_slice %arg2[%dma_start3A_48, %dma_start3A_49] : memref<10000x128xf32, #tpu.memory_space<hbm>> -> memref<10000x128xf32, #tpu.memory_space<hbm>>
    tpu.enqueue_indirect_dma source(%dma_start3A_50 : memref<10000x128xf32, #tpu.memory_space<hbm>>) target(%dma_start3A_44 : memref<128x128xf32, #tpu.memory_space<vmem>>) offsets(%dma_start3A_47 : memref<128xi32, #tpu.memory_space<vmem>>) semaphore(%arg9 : memref<!tpu.dma_semaphore, #tpu.memory_space<semaphore_mem>>)
    %add3A_51 = arith.constant 0 : i32
    %add3A_52 = arith.addi %mul3A_19, %add3A_51 : i32
    %add3A_53 = arith.constant 2 : i32
    %add3A_54 = arith.addi %add3A_52, %add3A_53 : i32
    %run_scoped3A_55 = arith.constant 2 : i32
    "tpu.region"() ({
      %run_scoped3A_379 = tpu.sem_alloc : memref<!tpu.dma_semaphore, #tpu.memory_space<semaphore_mem>>
      %dma_start3A_380 = arith.constant 0 : i32
      %dma_start3A_381 = arith.constant 0 : i32
      %dma_start3A_382 = tpu.memref_slice %arg5[%run_scoped3A_55, %dma_start3A_380, %dma_start3A_381] : memref<3x2x128xi32, #tpu.memory_space<vmem>> -> memref<1x2x128xi32, #tpu.memory_space<vmem>>
      %dma_start3A_383 = tpu.memref_squeeze %dma_start3A_382 : memref<1x2x128xi32, #tpu.memory_space<vmem>> -> memref<2x128xi32, #tpu.memory_space<vmem>>
      %dma_start3A_384 = arith.constant 0 : i32
      %dma_start3A_385 = arith.constant 0 : i32
      %dma_start3A_386 = tpu.memref_slice %arg3[%add3A_54, %dma_start3A_384, %dma_start3A_385] : memref<2500x2x128xi32, #tpu.memory_space<hbm>> -> memref<1x2x128xi32, #tpu.memory_space<hbm>>
      %dma_start3A_387 = tpu.memref_squeeze %dma_start3A_386 : memref<1x2x128xi32, #tpu.memory_space<hbm>> -> memref<2x128xi32, #tpu.memory_space<hbm>>
      %dma_start3A_388 = arith.constant 0 : i32
      %dma_start3A_389 = arith.constant 0 : i32
      %dma_start3A_390 = tpu.memref_slice %arg5[%run_scoped3A_55, %dma_start3A_388, %dma_start3A_389] : memref<3x2x128xi32, #tpu.memory_space<vmem>> -> memref<1x2x128xi32, #tpu.memory_space<vmem>>
      %dma_start3A_391 = tpu.memref_squeeze %dma_start3A_390 : memref<1x2x128xi32, #tpu.memory_space<vmem>> -> memref<2x128xi32, #tpu.memory_space<vmem>>
      %dma_start3A_392 = arith.constant 0 : i32
      %dma_start3A_393 = arith.constant 0 : i32
      %dma_start3A_394 = tpu.memref_slice %arg3[%add3A_54, %dma_start3A_392, %dma_start3A_393] : memref<2500x2x128xi32, #tpu.memory_space<hbm>> -> memref<1x2x128xi32, #tpu.memory_space<hbm>>
      %dma_start3A_395 = tpu.memref_squeeze %dma_start3A_394 : memref<1x2x128xi32, #tpu.memory_space<hbm>> -> memref<2x128xi32, #tpu.memory_space<hbm>>
      tpu.enqueue_dma source(%dma_start3A_395 : memref<2x128xi32, #tpu.memory_space<hbm>>) target(%dma_start3A_391 : memref<2x128xi32, #tpu.memory_space<vmem>>) target_semaphore(%run_scoped3A_379 : memref<!tpu.dma_semaphore, #tpu.memory_space<semaphore_mem>>)
      %dma_wait3A_396 = arith.constant 0 : i32
      %dma_wait3A_397 = arith.constant 0 : i32
      %dma_wait3A_398 = tpu.memref_slice %arg5[%run_scoped3A_55, %dma_wait3A_396, %dma_wait3A_397] : memref<3x2x128xi32, #tpu.memory_space<vmem>> -> memref<1x2x128xi32, #tpu.memory_space<vmem>>
      %dma_wait3A_399 = tpu.memref_squeeze %dma_wait3A_398 : memref<1x2x128xi32, #tpu.memory_space<vmem>> -> memref<2x128xi32, #tpu.memory_space<vmem>>
      %dma_wait3A_400 = arith.constant 0 : i32
      %dma_wait3A_401 = arith.constant 0 : i32
      %dma_wait3A_402 = tpu.memref_slice %arg3[%add3A_54, %dma_wait3A_400, %dma_wait3A_401] : memref<2500x2x128xi32, #tpu.memory_space<hbm>> -> memref<1x2x128xi32, #tpu.memory_space<hbm>>
      %dma_wait3A_403 = tpu.memref_squeeze %dma_wait3A_402 : memref<1x2x128xi32, #tpu.memory_space<hbm>> -> memref<2x128xi32, #tpu.memory_space<hbm>>
      %dma_wait3A_404 = arith.constant 0 : i32
      %dma_wait3A_405 = arith.constant 0 : i32
      %dma_wait3A_406 = tpu.memref_slice %arg5[%run_scoped3A_55, %dma_wait3A_404, %dma_wait3A_405] : memref<3x2x128xi32, #tpu.memory_space<vmem>> -> memref<1x2x128xi32, #tpu.memory_space<vmem>>
      %dma_wait3A_407 = tpu.memref_squeeze %dma_wait3A_406 : memref<1x2x128xi32, #tpu.memory_space<vmem>> -> memref<2x128xi32, #tpu.memory_space<vmem>>
      %dma_wait3A_408 = arith.constant 0 : i32
      %dma_wait3A_409 = arith.constant 0 : i32
      %dma_wait3A_410 = tpu.memref_slice %arg3[%add3A_54, %dma_wait3A_408, %dma_wait3A_409] : memref<2500x2x128xi32, #tpu.memory_space<hbm>> -> memref<1x2x128xi32, #tpu.memory_space<hbm>>
      %dma_wait3A_411 = tpu.memref_squeeze %dma_wait3A_410 : memref<1x2x128xi32, #tpu.memory_space<hbm>> -> memref<2x128xi32, #tpu.memory_space<hbm>>
      tpu.wait_dma2 semaphore(%run_scoped3A_379 : memref<!tpu.dma_semaphore, #tpu.memory_space<semaphore_mem>>) src(%dma_wait3A_411 : memref<2x128xi32, #tpu.memory_space<hbm>>) dst(%dma_wait3A_407 : memref<2x128xi32, #tpu.memory_space<vmem>>)
      tpu.yield
    }) : () -> ()
    %dma_start3A_56 = arith.constant 2 : i32
    %dma_start3A_57 = arith.constant 0 : i32
    %dma_start3A_58 = arith.constant 2 : i32
    %dma_start3A_59 = arith.constant 0 : i32
    %dma_start3A_60 = arith.constant 0 : i32
    %dma_start3A_61 = tpu.memref_slice %arg6[%dma_start3A_58, %dma_start3A_59, %dma_start3A_60] : memref<3x128x128xf32, #tpu.memory_space<vmem>> -> memref<1x128x128xf32, #tpu.memory_space<vmem>>
    %dma_start3A_62 = tpu.memref_squeeze %dma_start3A_61 : memref<1x128x128xf32, #tpu.memory_space<vmem>> -> memref<128x128xf32, #tpu.memory_space<vmem>>
    %dma_start3A_63 = arith.constant 0 : i32
    %dma_start3A_64 = tpu.memref_slice %arg5[%dma_start3A_56, %dma_start3A_57, %dma_start3A_63] : memref<3x2x128xi32, #tpu.memory_space<vmem>> -> memref<1x1x128xi32, #tpu.memory_space<vmem>>
    %dma_start3A_65 = tpu.memref_squeeze %dma_start3A_64 : memref<1x1x128xi32, #tpu.memory_space<vmem>> -> memref<128xi32, #tpu.memory_space<vmem>>
    %dma_start3A_66 = arith.constant 0 : i32
    %dma_start3A_67 = arith.constant 0 : i32
    %dma_start3A_68 = tpu.memref_slice %arg2[%dma_start3A_66, %dma_start3A_67] : memref<10000x128xf32, #tpu.memory_space<hbm>> -> memref<10000x128xf32, #tpu.memory_space<hbm>>
    tpu.enqueue_indirect_dma source(%dma_start3A_68 : memref<10000x128xf32, #tpu.memory_space<hbm>>) target(%dma_start3A_62 : memref<128x128xf32, #tpu.memory_space<vmem>>) offsets(%dma_start3A_65 : memref<128xi32, #tpu.memory_space<vmem>>) semaphore(%arg10 : memref<!tpu.dma_semaphore, #tpu.memory_space<semaphore_mem>>)
    %dma_wait3A = arith.constant 0 : i32
    %dma_wait3A_69 = arith.constant 0 : i32
    %dma_wait3A_70 = arith.constant 0 : i32
    %dma_wait3A_71 = arith.constant 0 : i32
    %dma_wait3A_72 = arith.constant 0 : i32
    %dma_wait3A_73 = tpu.memref_slice %arg6[%dma_wait3A_70, %dma_wait3A_71, %dma_wait3A_72] : memref<3x128x128xf32, #tpu.memory_space<vmem>> -> memref<1x128x128xf32, #tpu.memory_space<vmem>>
    %dma_wait3A_74 = tpu.memref_squeeze %dma_wait3A_73 : memref<1x128x128xf32, #tpu.memory_space<vmem>> -> memref<128x128xf32, #tpu.memory_space<vmem>>
    %dma_wait3A_75 = arith.constant 0 : i32
    %dma_wait3A_76 = tpu.memref_slice %arg5[%dma_wait3A, %dma_wait3A_69, %dma_wait3A_75] : memref<3x2x128xi32, #tpu.memory_space<vmem>> -> memref<1x1x128xi32, #tpu.memory_space<vmem>>
    %dma_wait3A_77 = tpu.memref_squeeze %dma_wait3A_76 : memref<1x1x128xi32, #tpu.memory_space<vmem>> -> memref<128xi32, #tpu.memory_space<vmem>>
    %dma_wait3A_78 = arith.constant 0 : i32
    %dma_wait3A_79 = arith.constant 0 : i32
    %dma_wait3A_80 = tpu.memref_slice %arg2[%dma_wait3A_78, %dma_wait3A_79] : memref<10000x128xf32, #tpu.memory_space<hbm>> -> memref<10000x128xf32, #tpu.memory_space<hbm>>
    tpu.wait_indirect_dma semaphore(%arg8 : memref<!tpu.dma_semaphore, #tpu.memory_space<semaphore_mem>>) src(%dma_wait3A_80 : memref<10000x128xf32, #tpu.memory_space<hbm>>) dst(%dma_wait3A_74 : memref<128x128xf32, #tpu.memory_space<vmem>>)
    %dma_start3A_81 = arith.constant 0 : i32
    %dma_start3A_82 = arith.constant 0 : i32
    %dma_start3A_83 = arith.constant 1 : i32
    %dma_start3A_84 = arith.constant 0 : i32
    %dma_start3A_85 = arith.constant 0 : i32
    %dma_start3A_86 = tpu.memref_slice %arg6[%dma_start3A_81, %dma_start3A_84, %dma_start3A_85] : memref<3x128x128xf32, #tpu.memory_space<vmem>> -> memref<1x128x128xf32, #tpu.memory_space<vmem>>
    %dma_start3A_87 = tpu.memref_squeeze %dma_start3A_86 : memref<1x128x128xf32, #tpu.memory_space<vmem>> -> memref<128x128xf32, #tpu.memory_space<vmem>>
    %dma_start3A_88 = arith.constant 0 : i32
    %dma_start3A_89 = tpu.memref_slice %arg5[%dma_start3A_82, %dma_start3A_83, %dma_start3A_88] : memref<3x2x128xi32, #tpu.memory_space<vmem>> -> memref<1x1x128xi32, #tpu.memory_space<vmem>>
    %dma_start3A_90 = tpu.memref_squeeze %dma_start3A_89 : memref<1x1x128xi32, #tpu.memory_space<vmem>> -> memref<128xi32, #tpu.memory_space<vmem>>
    %dma_start3A_91 = arith.constant 0 : i32
    %dma_start3A_92 = arith.constant 0 : i32
    %dma_start3A_93 = tpu.memref_slice %arg7[%dma_start3A_91, %dma_start3A_92] : memref<10000x128xf32, #tpu.memory_space<vmem_shared>> -> memref<10000x128xf32, #tpu.memory_space<vmem_shared>>
    tpu.enqueue_indirect_dma source(%dma_start3A_87 : memref<128x128xf32, #tpu.memory_space<vmem>>) target(%dma_start3A_93 : memref<10000x128xf32, #tpu.memory_space<vmem_shared>>) offsets(%dma_start3A_90 : memref<128xi32, #tpu.memory_space<vmem>>) semaphore(%arg11 : memref<!tpu.dma_semaphore, #tpu.memory_space<semaphore_mem>>) {add = true}
    %dma_wait3A_94 = arith.constant 0 : i32
    %dma_wait3A_95 = arith.constant 0 : i32
    %dma_wait3A_96 = arith.constant 1 : i32
    %dma_wait3A_97 = arith.constant 0 : i32
    %dma_wait3A_98 = arith.constant 0 : i32
    %dma_wait3A_99 = tpu.memref_slice %arg6[%dma_wait3A_94, %dma_wait3A_97, %dma_wait3A_98] : memref<3x128x128xf32, #tpu.memory_space<vmem>> -> memref<1x128x128xf32, #tpu.memory_space<vmem>>
    %dma_wait3A_100 = tpu.memref_squeeze %dma_wait3A_99 : memref<1x128x128xf32, #tpu.memory_space<vmem>> -> memref<128x128xf32, #tpu.memory_space<vmem>>
    %dma_wait3A_101 = arith.constant 0 : i32
    %dma_wait3A_102 = tpu.memref_slice %arg5[%dma_wait3A_95, %dma_wait3A_96, %dma_wait3A_101] : memref<3x2x128xi32, #tpu.memory_space<vmem>> -> memref<1x1x128xi32, #tpu.memory_space<vmem>>
    %dma_wait3A_103 = tpu.memref_squeeze %dma_wait3A_102 : memref<1x1x128xi32, #tpu.memory_space<vmem>> -> memref<128xi32, #tpu.memory_space<vmem>>
    %dma_wait3A_104 = arith.constant 0 : i32
    %dma_wait3A_105 = arith.constant 0 : i32
    %dma_wait3A_106 = tpu.memref_slice %arg7[%dma_wait3A_104, %dma_wait3A_105] : memref<10000x128xf32, #tpu.memory_space<vmem_shared>> -> memref<10000x128xf32, #tpu.memory_space<vmem_shared>>
    tpu.wait_indirect_dma semaphore(%arg11 : memref<!tpu.dma_semaphore, #tpu.memory_space<semaphore_mem>>) src(%dma_wait3A_100 : memref<128x128xf32, #tpu.memory_space<vmem>>) dst(%dma_wait3A_106 : memref<10000x128xf32, #tpu.memory_space<vmem_shared>>)
    %add3A_107 = arith.constant 1 : i32
    %add3A_108 = arith.addi %mul3A_19, %add3A_107 : i32
    %add3A_109 = arith.constant 2 : i32
    %add3A_110 = arith.addi %add3A_108, %add3A_109 : i32
    %run_scoped3A_111 = arith.constant 0 : i32
    "tpu.region"() ({
      %run_scoped3A_379 = tpu.sem_alloc : memref<!tpu.dma_semaphore, #tpu.memory_space<semaphore_mem>>
      %dma_start3A_380 = arith.constant 0 : i32
      %dma_start3A_381 = arith.constant 0 : i32
      %dma_start3A_382 = tpu.memref_slice %arg5[%run_scoped3A_111, %dma_start3A_380, %dma_start3A_381] : memref<3x2x128xi32, #tpu.memory_space<vmem>> -> memref<1x2x128xi32, #tpu.memory_space<vmem>>
      %dma_start3A_383 = tpu.memref_squeeze %dma_start3A_382 : memref<1x2x128xi32, #tpu.memory_space<vmem>> -> memref<2x128xi32, #tpu.memory_space<vmem>>
      %dma_start3A_384 = arith.constant 0 : i32
      %dma_start3A_385 = arith.constant 0 : i32
      %dma_start3A_386 = tpu.memref_slice %arg3[%add3A_110, %dma_start3A_384, %dma_start3A_385] : memref<2500x2x128xi32, #tpu.memory_space<hbm>> -> memref<1x2x128xi32, #tpu.memory_space<hbm>>
      %dma_start3A_387 = tpu.memref_squeeze %dma_start3A_386 : memref<1x2x128xi32, #tpu.memory_space<hbm>> -> memref<2x128xi32, #tpu.memory_space<hbm>>
      %dma_start3A_388 = arith.constant 0 : i32
      %dma_start3A_389 = arith.constant 0 : i32
      %dma_start3A_390 = tpu.memref_slice %arg5[%run_scoped3A_111, %dma_start3A_388, %dma_start3A_389] : memref<3x2x128xi32, #tpu.memory_space<vmem>> -> memref<1x2x128xi32, #tpu.memory_space<vmem>>
      %dma_start3A_391 = tpu.memref_squeeze %dma_start3A_390 : memref<1x2x128xi32, #tpu.memory_space<vmem>> -> memref<2x128xi32, #tpu.memory_space<vmem>>
      %dma_start3A_392 = arith.constant 0 : i32
      %dma_start3A_393 = arith.constant 0 : i32
      %dma_start3A_394 = tpu.memref_slice %arg3[%add3A_110, %dma_start3A_392, %dma_start3A_393] : memref<2500x2x128xi32, #tpu.memory_space<hbm>> -> memref<1x2x128xi32, #tpu.memory_space<hbm>>
      %dma_start3A_395 = tpu.memref_squeeze %dma_start3A_394 : memref<1x2x128xi32, #tpu.memory_space<hbm>> -> memref<2x128xi32, #tpu.memory_space<hbm>>
      tpu.enqueue_dma source(%dma_start3A_395 : memref<2x128xi32, #tpu.memory_space<hbm>>) target(%dma_start3A_391 : memref<2x128xi32, #tpu.memory_space<vmem>>) target_semaphore(%run_scoped3A_379 : memref<!tpu.dma_semaphore, #tpu.memory_space<semaphore_mem>>)
      %dma_wait3A_396 = arith.constant 0 : i32
      %dma_wait3A_397 = arith.constant 0 : i32
      %dma_wait3A_398 = tpu.memref_slice %arg5[%run_scoped3A_111, %dma_wait3A_396, %dma_wait3A_397] : memref<3x2x128xi32, #tpu.memory_space<vmem>> -> memref<1x2x128xi32, #tpu.memory_space<vmem>>
      %dma_wait3A_399 = tpu.memref_squeeze %dma_wait3A_398 : memref<1x2x128xi32, #tpu.memory_space<vmem>> -> memref<2x128xi32, #tpu.memory_space<vmem>>
      %dma_wait3A_400 = arith.constant 0 : i32
      %dma_wait3A_401 = arith.constant 0 : i32
      %dma_wait3A_402 = tpu.memref_slice %arg3[%add3A_110, %dma_wait3A_400, %dma_wait3A_401] : memref<2500x2x128xi32, #tpu.memory_space<hbm>> -> memref<1x2x128xi32, #tpu.memory_space<hbm>>
      %dma_wait3A_403 = tpu.memref_squeeze %dma_wait3A_402 : memref<1x2x128xi32, #tpu.memory_space<hbm>> -> memref<2x128xi32, #tpu.memory_space<hbm>>
      %dma_wait3A_404 = arith.constant 0 : i32
      %dma_wait3A_405 = arith.constant 0 : i32
      %dma_wait3A_406 = tpu.memref_slice %arg5[%run_scoped3A_111, %dma_wait3A_404, %dma_wait3A_405] : memref<3x2x128xi32, #tpu.memory_space<vmem>> -> memref<1x2x128xi32, #tpu.memory_space<vmem>>
      %dma_wait3A_407 = tpu.memref_squeeze %dma_wait3A_406 : memref<1x2x128xi32, #tpu.memory_space<vmem>> -> memref<2x128xi32, #tpu.memory_space<vmem>>
      %dma_wait3A_408 = arith.constant 0 : i32
      %dma_wait3A_409 = arith.constant 0 : i32
      %dma_wait3A_410 = tpu.memref_slice %arg3[%add3A_110, %dma_wait3A_408, %dma_wait3A_409] : memref<2500x2x128xi32, #tpu.memory_space<hbm>> -> memref<1x2x128xi32, #tpu.memory_space<hbm>>
      %dma_wait3A_411 = tpu.memref_squeeze %dma_wait3A_410 : memref<1x2x128xi32, #tpu.memory_space<hbm>> -> memref<2x128xi32, #tpu.memory_space<hbm>>
      tpu.wait_dma2 semaphore(%run_scoped3A_379 : memref<!tpu.dma_semaphore, #tpu.memory_space<semaphore_mem>>) src(%dma_wait3A_411 : memref<2x128xi32, #tpu.memory_space<hbm>>) dst(%dma_wait3A_407 : memref<2x128xi32, #tpu.memory_space<vmem>>)
      tpu.yield
    }) : () -> ()
    %dma_start3A_112 = arith.constant 0 : i32
    %dma_start3A_113 = arith.constant 0 : i32
    %dma_start3A_114 = arith.constant 0 : i32
    %dma_start3A_115 = arith.constant 0 : i32
    %dma_start3A_116 = arith.constant 0 : i32
    %dma_start3A_117 = tpu.memref_slice %arg6[%dma_start3A_114, %dma_start3A_115, %dma_start3A_116] : memref<3x128x128xf32, #tpu.memory_space<vmem>> -> memref<1x128x128xf32, #tpu.memory_space<vmem>>
    %dma_start3A_118 = tpu.memref_squeeze %dma_start3A_117 : memref<1x128x128xf32, #tpu.memory_space<vmem>> -> memref<128x128xf32, #tpu.memory_space<vmem>>
    %dma_start3A_119 = arith.constant 0 : i32
    %dma_start3A_120 = tpu.memref_slice %arg5[%dma_start3A_112, %dma_start3A_113, %dma_start3A_119] : memref<3x2x128xi32, #tpu.memory_space<vmem>> -> memref<1x1x128xi32, #tpu.memory_space<vmem>>
    %dma_start3A_121 = tpu.memref_squeeze %dma_start3A_120 : memref<1x1x128xi32, #tpu.memory_space<vmem>> -> memref<128xi32, #tpu.memory_space<vmem>>
    %dma_start3A_122 = arith.constant 0 : i32
    %dma_start3A_123 = arith.constant 0 : i32
    %dma_start3A_124 = tpu.memref_slice %arg2[%dma_start3A_122, %dma_start3A_123] : memref<10000x128xf32, #tpu.memory_space<hbm>> -> memref<10000x128xf32, #tpu.memory_space<hbm>>
    tpu.enqueue_indirect_dma source(%dma_start3A_124 : memref<10000x128xf32, #tpu.memory_space<hbm>>) target(%dma_start3A_118 : memref<128x128xf32, #tpu.memory_space<vmem>>) offsets(%dma_start3A_121 : memref<128xi32, #tpu.memory_space<vmem>>) semaphore(%arg8 : memref<!tpu.dma_semaphore, #tpu.memory_space<semaphore_mem>>)
    %dma_wait3A_125 = arith.constant 1 : i32
    %dma_wait3A_126 = arith.constant 0 : i32
    %dma_wait3A_127 = arith.constant 1 : i32
    %dma_wait3A_128 = arith.constant 0 : i32
    %dma_wait3A_129 = arith.constant 0 : i32
    %dma_wait3A_130 = tpu.memref_slice %arg6[%dma_wait3A_127, %dma_wait3A_128, %dma_wait3A_129] : memref<3x128x128xf32, #tpu.memory_space<vmem>> -> memref<1x128x128xf32, #tpu.memory_space<vmem>>
    %dma_wait3A_131 = tpu.memref_squeeze %dma_wait3A_130 : memref<1x128x128xf32, #tpu.memory_space<vmem>> -> memref<128x128xf32, #tpu.memory_space<vmem>>
    %dma_wait3A_132 = arith.constant 0 : i32
    %dma_wait3A_133 = tpu.memref_slice %arg5[%dma_wait3A_125, %dma_wait3A_126, %dma_wait3A_132] : memref<3x2x128xi32, #tpu.memory_space<vmem>> -> memref<1x1x128xi32, #tpu.memory_space<vmem>>
    %dma_wait3A_134 = tpu.memref_squeeze %dma_wait3A_133 : memref<1x1x128xi32, #tpu.memory_space<vmem>> -> memref<128xi32, #tpu.memory_space<vmem>>
    %dma_wait3A_135 = arith.constant 0 : i32
    %dma_wait3A_136 = arith.constant 0 : i32
    %dma_wait3A_137 = tpu.memref_slice %arg2[%dma_wait3A_135, %dma_wait3A_136] : memref<10000x128xf32, #tpu.memory_space<hbm>> -> memref<10000x128xf32, #tpu.memory_space<hbm>>
    tpu.wait_indirect_dma semaphore(%arg9 : memref<!tpu.dma_semaphore, #tpu.memory_space<semaphore_mem>>) src(%dma_wait3A_137 : memref<10000x128xf32, #tpu.memory_space<hbm>>) dst(%dma_wait3A_131 : memref<128x128xf32, #tpu.memory_space<vmem>>)
    %dma_start3A_138 = arith.constant 1 : i32
    %dma_start3A_139 = arith.constant 1 : i32
    %dma_start3A_140 = arith.constant 1 : i32
    %dma_start3A_141 = arith.constant 0 : i32
    %dma_start3A_142 = arith.constant 0 : i32
    %dma_start3A_143 = tpu.memref_slice %arg6[%dma_start3A_138, %dma_start3A_141, %dma_start3A_142] : memref<3x128x128xf32, #tpu.memory_space<vmem>> -> memref<1x128x128xf32, #tpu.memory_space<vmem>>
    %dma_start3A_144 = tpu.memref_squeeze %dma_start3A_143 : memref<1x128x128xf32, #tpu.memory_space<vmem>> -> memref<128x128xf32, #tpu.memory_space<vmem>>
    %dma_start3A_145 = arith.constant 0 : i32
    %dma_start3A_146 = tpu.memref_slice %arg5[%dma_start3A_139, %dma_start3A_140, %dma_start3A_145] : memref<3x2x128xi32, #tpu.memory_space<vmem>> -> memref<1x1x128xi32, #tpu.memory_space<vmem>>
    %dma_start3A_147 = tpu.memref_squeeze %dma_start3A_146 : memref<1x1x128xi32, #tpu.memory_space<vmem>> -> memref<128xi32, #tpu.memory_space<vmem>>
    %dma_start3A_148 = arith.constant 0 : i32
    %dma_start3A_149 = arith.constant 0 : i32
    %dma_start3A_150 = tpu.memref_slice %arg7[%dma_start3A_148, %dma_start3A_149] : memref<10000x128xf32, #tpu.memory_space<vmem_shared>> -> memref<10000x128xf32, #tpu.memory_space<vmem_shared>>
    tpu.enqueue_indirect_dma source(%dma_start3A_144 : memref<128x128xf32, #tpu.memory_space<vmem>>) target(%dma_start3A_150 : memref<10000x128xf32, #tpu.memory_space<vmem_shared>>) offsets(%dma_start3A_147 : memref<128xi32, #tpu.memory_space<vmem>>) semaphore(%arg12 : memref<!tpu.dma_semaphore, #tpu.memory_space<semaphore_mem>>) {add = true}
    %dma_wait3A_151 = arith.constant 1 : i32
    %dma_wait3A_152 = arith.constant 1 : i32
    %dma_wait3A_153 = arith.constant 1 : i32
    %dma_wait3A_154 = arith.constant 0 : i32
    %dma_wait3A_155 = arith.constant 0 : i32
    %dma_wait3A_156 = tpu.memref_slice %arg6[%dma_wait3A_151, %dma_wait3A_154, %dma_wait3A_155] : memref<3x128x128xf32, #tpu.memory_space<vmem>> -> memref<1x128x128xf32, #tpu.memory_space<vmem>>
    %dma_wait3A_157 = tpu.memref_squeeze %dma_wait3A_156 : memref<1x128x128xf32, #tpu.memory_space<vmem>> -> memref<128x128xf32, #tpu.memory_space<vmem>>
    %dma_wait3A_158 = arith.constant 0 : i32
    %dma_wait3A_159 = tpu.memref_slice %arg5[%dma_wait3A_152, %dma_wait3A_153, %dma_wait3A_158] : memref<3x2x128xi32, #tpu.memory_space<vmem>> -> memref<1x1x128xi32, #tpu.memory_space<vmem>>
    %dma_wait3A_160 = tpu.memref_squeeze %dma_wait3A_159 : memref<1x1x128xi32, #tpu.memory_space<vmem>> -> memref<128xi32, #tpu.memory_space<vmem>>
    %dma_wait3A_161 = arith.constant 0 : i32
    %dma_wait3A_162 = arith.constant 0 : i32
    %dma_wait3A_163 = tpu.memref_slice %arg7[%dma_wait3A_161, %dma_wait3A_162] : memref<10000x128xf32, #tpu.memory_space<vmem_shared>> -> memref<10000x128xf32, #tpu.memory_space<vmem_shared>>
    tpu.wait_indirect_dma semaphore(%arg12 : memref<!tpu.dma_semaphore, #tpu.memory_space<semaphore_mem>>) src(%dma_wait3A_157 : memref<128x128xf32, #tpu.memory_space<vmem>>) dst(%dma_wait3A_163 : memref<10000x128xf32, #tpu.memory_space<vmem_shared>>)
    %add3A_164 = arith.constant 2 : i32
    %add3A_165 = arith.addi %mul3A_19, %add3A_164 : i32
    %add3A_166 = arith.constant 2 : i32
    %add3A_167 = arith.addi %add3A_165, %add3A_166 : i32
    %run_scoped3A_168 = arith.constant 1 : i32
    "tpu.region"() ({
      %run_scoped3A_379 = tpu.sem_alloc : memref<!tpu.dma_semaphore, #tpu.memory_space<semaphore_mem>>
      %dma_start3A_380 = arith.constant 0 : i32
      %dma_start3A_381 = arith.constant 0 : i32
      %dma_start3A_382 = tpu.memref_slice %arg5[%run_scoped3A_168, %dma_start3A_380, %dma_start3A_381] : memref<3x2x128xi32, #tpu.memory_space<vmem>> -> memref<1x2x128xi32, #tpu.memory_space<vmem>>
      %dma_start3A_383 = tpu.memref_squeeze %dma_start3A_382 : memref<1x2x128xi32, #tpu.memory_space<vmem>> -> memref<2x128xi32, #tpu.memory_space<vmem>>
      %dma_start3A_384 = arith.constant 0 : i32
      %dma_start3A_385 = arith.constant 0 : i32
      %dma_start3A_386 = tpu.memref_slice %arg3[%add3A_167, %dma_start3A_384, %dma_start3A_385] : memref<2500x2x128xi32, #tpu.memory_space<hbm>> -> memref<1x2x128xi32, #tpu.memory_space<hbm>>
      %dma_start3A_387 = tpu.memref_squeeze %dma_start3A_386 : memref<1x2x128xi32, #tpu.memory_space<hbm>> -> memref<2x128xi32, #tpu.memory_space<hbm>>
      %dma_start3A_388 = arith.constant 0 : i32
      %dma_start3A_389 = arith.constant 0 : i32
      %dma_start3A_390 = tpu.memref_slice %arg5[%run_scoped3A_168, %dma_start3A_388, %dma_start3A_389] : memref<3x2x128xi32, #tpu.memory_space<vmem>> -> memref<1x2x128xi32, #tpu.memory_space<vmem>>
      %dma_start3A_391 = tpu.memref_squeeze %dma_start3A_390 : memref<1x2x128xi32, #tpu.memory_space<vmem>> -> memref<2x128xi32, #tpu.memory_space<vmem>>
      %dma_start3A_392 = arith.constant 0 : i32
      %dma_start3A_393 = arith.constant 0 : i32
      %dma_start3A_394 = tpu.memref_slice %arg3[%add3A_167, %dma_start3A_392, %dma_start3A_393] : memref<2500x2x128xi32, #tpu.memory_space<hbm>> -> memref<1x2x128xi32, #tpu.memory_space<hbm>>
      %dma_start3A_395 = tpu.memref_squeeze %dma_start3A_394 : memref<1x2x128xi32, #tpu.memory_space<hbm>> -> memref<2x128xi32, #tpu.memory_space<hbm>>
      tpu.enqueue_dma source(%dma_start3A_395 : memref<2x128xi32, #tpu.memory_space<hbm>>) target(%dma_start3A_391 : memref<2x128xi32, #tpu.memory_space<vmem>>) target_semaphore(%run_scoped3A_379 : memref<!tpu.dma_semaphore, #tpu.memory_space<semaphore_mem>>)
      %dma_wait3A_396 = arith.constant 0 : i32
      %dma_wait3A_397 = arith.constant 0 : i32
      %dma_wait3A_398 = tpu.memref_slice %arg5[%run_scoped3A_168, %dma_wait3A_396, %dma_wait3A_397] : memref<3x2x128xi32, #tpu.memory_space<vmem>> -> memref<1x2x128xi32, #tpu.memory_space<vmem>>
      %dma_wait3A_399 = tpu.memref_squeeze %dma_wait3A_398 : memref<1x2x128xi32, #tpu.memory_space<vmem>> -> memref<2x128xi32, #tpu.memory_space<vmem>>
      %dma_wait3A_400 = arith.constant 0 : i32
      %dma_wait3A_401 = arith.constant 0 : i32
      %dma_wait3A_402 = tpu.memref_slice %arg3[%add3A_167, %dma_wait3A_400, %dma_wait3A_401] : memref<2500x2x128xi32, #tpu.memory_space<hbm>> -> memref<1x2x128xi32, #tpu.memory_space<hbm>>
      %dma_wait3A_403 = tpu.memref_squeeze %dma_wait3A_402 : memref<1x2x128xi32, #tpu.memory_space<hbm>> -> memref<2x128xi32, #tpu.memory_space<hbm>>
      %dma_wait3A_404 = arith.constant 0 : i32
      %dma_wait3A_405 = arith.constant 0 : i32
      %dma_wait3A_406 = tpu.memref_slice %arg5[%run_scoped3A_168, %dma_wait3A_404, %dma_wait3A_405] : memref<3x2x128xi32, #tpu.memory_space<vmem>> -> memref<1x2x128xi32, #tpu.memory_space<vmem>>
      %dma_wait3A_407 = tpu.memref_squeeze %dma_wait3A_406 : memref<1x2x128xi32, #tpu.memory_space<vmem>> -> memref<2x128xi32, #tpu.memory_space<vmem>>
      %dma_wait3A_408 = arith.constant 0 : i32
      %dma_wait3A_409 = arith.constant 0 : i32
      %dma_wait3A_410 = tpu.memref_slice %arg3[%add3A_167, %dma_wait3A_408, %dma_wait3A_409] : memref<2500x2x128xi32, #tpu.memory_space<hbm>> -> memref<1x2x128xi32, #tpu.memory_space<hbm>>
      %dma_wait3A_411 = tpu.memref_squeeze %dma_wait3A_410 : memref<1x2x128xi32, #tpu.memory_space<hbm>> -> memref<2x128xi32, #tpu.memory_space<hbm>>
      tpu.wait_dma2 semaphore(%run_scoped3A_379 : memref<!tpu.dma_semaphore, #tpu.memory_space<semaphore_mem>>) src(%dma_wait3A_411 : memref<2x128xi32, #tpu.memory_space<hbm>>) dst(%dma_wait3A_407 : memref<2x128xi32, #tpu.memory_space<vmem>>)
      tpu.yield
    }) : () -> ()
    %dma_start3A_169 = arith.constant 1 : i32
    %dma_start3A_170 = arith.constant 0 : i32
    %dma_start3A_171 = arith.constant 1 : i32
    %dma_start3A_172 = arith.constant 0 : i32
    %dma_start3A_173 = arith.constant 0 : i32
    %dma_start3A_174 = tpu.memref_slice %arg6[%dma_start3A_171, %dma_start3A_172, %dma_start3A_173] : memref<3x128x128xf32, #tpu.memory_space<vmem>> -> memref<1x128x128xf32, #tpu.memory_space<vmem>>
    %dma_start3A_175 = tpu.memref_squeeze %dma_start3A_174 : memref<1x128x128xf32, #tpu.memory_space<vmem>> -> memref<128x128xf32, #tpu.memory_space<vmem>>
    %dma_start3A_176 = arith.constant 0 : i32
    %dma_start3A_177 = tpu.memref_slice %arg5[%dma_start3A_169, %dma_start3A_170, %dma_start3A_176] : memref<3x2x128xi32, #tpu.memory_space<vmem>> -> memref<1x1x128xi32, #tpu.memory_space<vmem>>
    %dma_start3A_178 = tpu.memref_squeeze %dma_start3A_177 : memref<1x1x128xi32, #tpu.memory_space<vmem>> -> memref<128xi32, #tpu.memory_space<vmem>>
    %dma_start3A_179 = arith.constant 0 : i32
    %dma_start3A_180 = arith.constant 0 : i32
    %dma_start3A_181 = tpu.memref_slice %arg2[%dma_start3A_179, %dma_start3A_180] : memref<10000x128xf32, #tpu.memory_space<hbm>> -> memref<10000x128xf32, #tpu.memory_space<hbm>>
    tpu.enqueue_indirect_dma source(%dma_start3A_181 : memref<10000x128xf32, #tpu.memory_space<hbm>>) target(%dma_start3A_175 : memref<128x128xf32, #tpu.memory_space<vmem>>) offsets(%dma_start3A_178 : memref<128xi32, #tpu.memory_space<vmem>>) semaphore(%arg9 : memref<!tpu.dma_semaphore, #tpu.memory_space<semaphore_mem>>)
    %dma_wait3A_182 = arith.constant 2 : i32
    %dma_wait3A_183 = arith.constant 0 : i32
    %dma_wait3A_184 = arith.constant 2 : i32
    %dma_wait3A_185 = arith.constant 0 : i32
    %dma_wait3A_186 = arith.constant 0 : i32
    %dma_wait3A_187 = tpu.memref_slice %arg6[%dma_wait3A_184, %dma_wait3A_185, %dma_wait3A_186] : memref<3x128x128xf32, #tpu.memory_space<vmem>> -> memref<1x128x128xf32, #tpu.memory_space<vmem>>
    %dma_wait3A_188 = tpu.memref_squeeze %dma_wait3A_187 : memref<1x128x128xf32, #tpu.memory_space<vmem>> -> memref<128x128xf32, #tpu.memory_space<vmem>>
    %dma_wait3A_189 = arith.constant 0 : i32
    %dma_wait3A_190 = tpu.memref_slice %arg5[%dma_wait3A_182, %dma_wait3A_183, %dma_wait3A_189] : memref<3x2x128xi32, #tpu.memory_space<vmem>> -> memref<1x1x128xi32, #tpu.memory_space<vmem>>
    %dma_wait3A_191 = tpu.memref_squeeze %dma_wait3A_190 : memref<1x1x128xi32, #tpu.memory_space<vmem>> -> memref<128xi32, #tpu.memory_space<vmem>>
    %dma_wait3A_192 = arith.constant 0 : i32
    %dma_wait3A_193 = arith.constant 0 : i32
    %dma_wait3A_194 = tpu.memref_slice %arg2[%dma_wait3A_192, %dma_wait3A_193] : memref<10000x128xf32, #tpu.memory_space<hbm>> -> memref<10000x128xf32, #tpu.memory_space<hbm>>
    tpu.wait_indirect_dma semaphore(%arg10 : memref<!tpu.dma_semaphore, #tpu.memory_space<semaphore_mem>>) src(%dma_wait3A_194 : memref<10000x128xf32, #tpu.memory_space<hbm>>) dst(%dma_wait3A_188 : memref<128x128xf32, #tpu.memory_space<vmem>>)
    %dma_start3A_195 = arith.constant 2 : i32
    %dma_start3A_196 = arith.constant 2 : i32
    %dma_start3A_197 = arith.constant 1 : i32
    %dma_start3A_198 = arith.constant 0 : i32
    %dma_start3A_199 = arith.constant 0 : i32
    %dma_start3A_200 = tpu.memref_slice %arg6[%dma_start3A_195, %dma_start3A_198, %dma_start3A_199] : memref<3x128x128xf32, #tpu.memory_space<vmem>> -> memref<1x128x128xf32, #tpu.memory_space<vmem>>
    %dma_start3A_201 = tpu.memref_squeeze %dma_start3A_200 : memref<1x128x128xf32, #tpu.memory_space<vmem>> -> memref<128x128xf32, #tpu.memory_space<vmem>>
    %dma_start3A_202 = arith.constant 0 : i32
    %dma_start3A_203 = tpu.memref_slice %arg5[%dma_start3A_196, %dma_start3A_197, %dma_start3A_202] : memref<3x2x128xi32, #tpu.memory_space<vmem>> -> memref<1x1x128xi32, #tpu.memory_space<vmem>>
    %dma_start3A_204 = tpu.memref_squeeze %dma_start3A_203 : memref<1x1x128xi32, #tpu.memory_space<vmem>> -> memref<128xi32, #tpu.memory_space<vmem>>
    %dma_start3A_205 = arith.constant 0 : i32
    %dma_start3A_206 = arith.constant 0 : i32
    %dma_start3A_207 = tpu.memref_slice %arg7[%dma_start3A_205, %dma_start3A_206] : memref<10000x128xf32, #tpu.memory_space<vmem_shared>> -> memref<10000x128xf32, #tpu.memory_space<vmem_shared>>
    tpu.enqueue_indirect_dma source(%dma_start3A_201 : memref<128x128xf32, #tpu.memory_space<vmem>>) target(%dma_start3A_207 : memref<10000x128xf32, #tpu.memory_space<vmem_shared>>) offsets(%dma_start3A_204 : memref<128xi32, #tpu.memory_space<vmem>>) semaphore(%arg13 : memref<!tpu.dma_semaphore, #tpu.memory_space<semaphore_mem>>) {add = true}
    %scan3A_208 = arith.constant 0 : i32
    %scan3A_209 = arith.constant 0 : i32
    %scan3A_210 = arith.constant 24 : i32
    %scan3A_211 = arith.addi %scan3A_209, %scan3A_210 : i32
    %scan3A_212 = arith.constant 1 : i32
    scf.for %scan3A_379 = %scan3A_209 to %scan3A_211 step %scan3A_212  : i32 {
      %mul3A_380 = arith.constant 3 : i32
      %mul3A_381 = arith.muli %scan3A_379, %mul3A_380 : i32
      %add3A_382 = arith.constant 3 : i32
      %add3A_383 = arith.addi %add3A_382, %mul3A_381 : i32
      %add3A_384 = arith.constant 0 : i32
      %add3A_385 = arith.addi %add3A_383, %add3A_384 : i32
      %dma_wait3A_386 = arith.constant 2 : i32
      %dma_wait3A_387 = arith.constant 2 : i32
      %dma_wait3A_388 = arith.constant 1 : i32
      %dma_wait3A_389 = arith.constant 0 : i32
      %dma_wait3A_390 = arith.constant 0 : i32
      %dma_wait3A_391 = tpu.memref_slice %arg6[%dma_wait3A_386, %dma_wait3A_389, %dma_wait3A_390] : memref<3x128x128xf32, #tpu.memory_space<vmem>> -> memref<1x128x128xf32, #tpu.memory_space<vmem>>
      %dma_wait3A_392 = tpu.memref_squeeze %dma_wait3A_391 : memref<1x128x128xf32, #tpu.memory_space<vmem>> -> memref<128x128xf32, #tpu.memory_space<vmem>>
      %dma_wait3A_393 = arith.constant 0 : i32
      %dma_wait3A_394 = tpu.memref_slice %arg5[%dma_wait3A_387, %dma_wait3A_388, %dma_wait3A_393] : memref<3x2x128xi32, #tpu.memory_space<vmem>> -> memref<1x1x128xi32, #tpu.memory_space<vmem>>
      %dma_wait3A_395 = tpu.memref_squeeze %dma_wait3A_394 : memref<1x1x128xi32, #tpu.memory_space<vmem>> -> memref<128xi32, #tpu.memory_space<vmem>>
      %dma_wait3A_396 = arith.constant 0 : i32
      %dma_wait3A_397 = arith.constant 0 : i32
      %dma_wait3A_398 = tpu.memref_slice %arg7[%dma_wait3A_396, %dma_wait3A_397] : memref<10000x128xf32, #tpu.memory_space<vmem_shared>> -> memref<10000x128xf32, #tpu.memory_space<vmem_shared>>
      tpu.wait_indirect_dma semaphore(%arg13 : memref<!tpu.dma_semaphore, #tpu.memory_space<semaphore_mem>>) src(%dma_wait3A_392 : memref<128x128xf32, #tpu.memory_space<vmem>>) dst(%dma_wait3A_398 : memref<10000x128xf32, #tpu.memory_space<vmem_shared>>)
      %add3A_399 = arith.addi %mul3A_19, %add3A_385 : i32
      %add3A_400 = arith.constant 2 : i32
      %add3A_401 = arith.addi %add3A_399, %add3A_400 : i32
      %run_scoped3A_402 = arith.constant 2 : i32
      "tpu.region"() ({
        %run_scoped3A_566 = tpu.sem_alloc : memref<!tpu.dma_semaphore, #tpu.memory_space<semaphore_mem>>
        %dma_start3A_567 = arith.constant 0 : i32
        %dma_start3A_568 = arith.constant 0 : i32
        %dma_start3A_569 = tpu.memref_slice %arg5[%run_scoped3A_402, %dma_start3A_567, %dma_start3A_568] : memref<3x2x128xi32, #tpu.memory_space<vmem>> -> memref<1x2x128xi32, #tpu.memory_space<vmem>>
        %dma_start3A_570 = tpu.memref_squeeze %dma_start3A_569 : memref<1x2x128xi32, #tpu.memory_space<vmem>> -> memref<2x128xi32, #tpu.memory_space<vmem>>
        %dma_start3A_571 = arith.constant 0 : i32
        %dma_start3A_572 = arith.constant 0 : i32
        %dma_start3A_573 = tpu.memref_slice %arg3[%add3A_401, %dma_start3A_571, %dma_start3A_572] : memref<2500x2x128xi32, #tpu.memory_space<hbm>> -> memref<1x2x128xi32, #tpu.memory_space<hbm>>
        %dma_start3A_574 = tpu.memref_squeeze %dma_start3A_573 : memref<1x2x128xi32, #tpu.memory_space<hbm>> -> memref<2x128xi32, #tpu.memory_space<hbm>>
        %dma_start3A_575 = arith.constant 0 : i32
        %dma_start3A_576 = arith.constant 0 : i32
        %dma_start3A_577 = tpu.memref_slice %arg5[%run_scoped3A_402, %dma_start3A_575, %dma_start3A_576] : memref<3x2x128xi32, #tpu.memory_space<vmem>> -> memref<1x2x128xi32, #tpu.memory_space<vmem>>
        %dma_start3A_578 = tpu.memref_squeeze %dma_start3A_577 : memref<1x2x128xi32, #tpu.memory_space<vmem>> -> memref<2x128xi32, #tpu.memory_space<vmem>>
        %dma_start3A_579 = arith.constant 0 : i32
        %dma_start3A_580 = arith.constant 0 : i32
        %dma_start3A_581 = tpu.memref_slice %arg3[%add3A_401, %dma_start3A_579, %dma_start3A_580] : memref<2500x2x128xi32, #tpu.memory_space<hbm>> -> memref<1x2x128xi32, #tpu.memory_space<hbm>>
        %dma_start3A_582 = tpu.memref_squeeze %dma_start3A_581 : memref<1x2x128xi32, #tpu.memory_space<hbm>> -> memref<2x128xi32, #tpu.memory_space<hbm>>
        tpu.enqueue_dma source(%dma_start3A_582 : memref<2x128xi32, #tpu.memory_space<hbm>>) target(%dma_start3A_578 : memref<2x128xi32, #tpu.memory_space<vmem>>) target_semaphore(%run_scoped3A_566 : memref<!tpu.dma_semaphore, #tpu.memory_space<semaphore_mem>>)
        %dma_wait3A_583 = arith.constant 0 : i32
        %dma_wait3A_584 = arith.constant 0 : i32
        %dma_wait3A_585 = tpu.memref_slice %arg5[%run_scoped3A_402, %dma_wait3A_583, %dma_wait3A_584] : memref<3x2x128xi32, #tpu.memory_space<vmem>> -> memref<1x2x128xi32, #tpu.memory_space<vmem>>
        %dma_wait3A_586 = tpu.memref_squeeze %dma_wait3A_585 : memref<1x2x128xi32, #tpu.memory_space<vmem>> -> memref<2x128xi32, #tpu.memory_space<vmem>>
        %dma_wait3A_587 = arith.constant 0 : i32
        %dma_wait3A_588 = arith.constant 0 : i32
        %dma_wait3A_589 = tpu.memref_slice %arg3[%add3A_401, %dma_wait3A_587, %dma_wait3A_588] : memref<2500x2x128xi32, #tpu.memory_space<hbm>> -> memref<1x2x128xi32, #tpu.memory_space<hbm>>
        %dma_wait3A_590 = tpu.memref_squeeze %dma_wait3A_589 : memref<1x2x128xi32, #tpu.memory_space<hbm>> -> memref<2x128xi32, #tpu.memory_space<hbm>>
        %dma_wait3A_591 = arith.constant 0 : i32
        %dma_wait3A_592 = arith.constant 0 : i32
        %dma_wait3A_593 = tpu.memref_slice %arg5[%run_scoped3A_402, %dma_wait3A_591, %dma_wait3A_592] : memref<3x2x128xi32, #tpu.memory_space<vmem>> -> memref<1x2x128xi32, #tpu.memory_space<vmem>>
        %dma_wait3A_594 = tpu.memref_squeeze %dma_wait3A_593 : memref<1x2x128xi32, #tpu.memory_space<vmem>> -> memref<2x128xi32, #tpu.memory_space<vmem>>
        %dma_wait3A_595 = arith.constant 0 : i32
        %dma_wait3A_596 = arith.constant 0 : i32
        %dma_wait3A_597 = tpu.memref_slice %arg3[%add3A_401, %dma_wait3A_595, %dma_wait3A_596] : memref<2500x2x128xi32, #tpu.memory_space<hbm>> -> memref<1x2x128xi32, #tpu.memory_space<hbm>>
        %dma_wait3A_598 = tpu.memref_squeeze %dma_wait3A_597 : memref<1x2x128xi32, #tpu.memory_space<hbm>> -> memref<2x128xi32, #tpu.memory_space<hbm>>
        tpu.wait_dma2 semaphore(%run_scoped3A_566 : memref<!tpu.dma_semaphore, #tpu.memory_space<semaphore_mem>>) src(%dma_wait3A_598 : memref<2x128xi32, #tpu.memory_space<hbm>>) dst(%dma_wait3A_594 : memref<2x128xi32, #tpu.memory_space<vmem>>)
        tpu.yield
      }) : () -> ()
      %dma_start3A_403 = arith.constant 2 : i32
      %dma_start3A_404 = arith.constant 0 : i32
      %dma_start3A_405 = arith.constant 2 : i32
      %dma_start3A_406 = arith.constant 0 : i32
      %dma_start3A_407 = arith.constant 0 : i32
      %dma_start3A_408 = tpu.memref_slice %arg6[%dma_start3A_405, %dma_start3A_406, %dma_start3A_407] : memref<3x128x128xf32, #tpu.memory_space<vmem>> -> memref<1x128x128xf32, #tpu.memory_space<vmem>>
      %dma_start3A_409 = tpu.memref_squeeze %dma_start3A_408 : memref<1x128x128xf32, #tpu.memory_space<vmem>> -> memref<128x128xf32, #tpu.memory_space<vmem>>
      %dma_start3A_410 = arith.constant 0 : i32
      %dma_start3A_411 = tpu.memref_slice %arg5[%dma_start3A_403, %dma_start3A_404, %dma_start3A_410] : memref<3x2x128xi32, #tpu.memory_space<vmem>> -> memref<1x1x128xi32, #tpu.memory_space<vmem>>
      %dma_start3A_412 = tpu.memref_squeeze %dma_start3A_411 : memref<1x1x128xi32, #tpu.memory_space<vmem>> -> memref<128xi32, #tpu.memory_space<vmem>>
      %dma_start3A_413 = arith.constant 0 : i32
      %dma_start3A_414 = arith.constant 0 : i32
      %dma_start3A_415 = tpu.memref_slice %arg2[%dma_start3A_413, %dma_start3A_414] : memref<10000x128xf32, #tpu.memory_space<hbm>> -> memref<10000x128xf32, #tpu.memory_space<hbm>>
      tpu.enqueue_indirect_dma source(%dma_start3A_415 : memref<10000x128xf32, #tpu.memory_space<hbm>>) target(%dma_start3A_409 : memref<128x128xf32, #tpu.memory_space<vmem>>) offsets(%dma_start3A_412 : memref<128xi32, #tpu.memory_space<vmem>>) semaphore(%arg10 : memref<!tpu.dma_semaphore, #tpu.memory_space<semaphore_mem>>)
      %dma_wait3A_416 = arith.constant 0 : i32
      %dma_wait3A_417 = arith.constant 0 : i32
      %dma_wait3A_418 = arith.constant 0 : i32
      %dma_wait3A_419 = arith.constant 0 : i32
      %dma_wait3A_420 = arith.constant 0 : i32
      %dma_wait3A_421 = tpu.memref_slice %arg6[%dma_wait3A_418, %dma_wait3A_419, %dma_wait3A_420] : memref<3x128x128xf32, #tpu.memory_space<vmem>> -> memref<1x128x128xf32, #tpu.memory_space<vmem>>
      %dma_wait3A_422 = tpu.memref_squeeze %dma_wait3A_421 : memref<1x128x128xf32, #tpu.memory_space<vmem>> -> memref<128x128xf32, #tpu.memory_space<vmem>>
      %dma_wait3A_423 = arith.constant 0 : i32
      %dma_wait3A_424 = tpu.memref_slice %arg5[%dma_wait3A_416, %dma_wait3A_417, %dma_wait3A_423] : memref<3x2x128xi32, #tpu.memory_space<vmem>> -> memref<1x1x128xi32, #tpu.memory_space<vmem>>
      %dma_wait3A_425 = tpu.memref_squeeze %dma_wait3A_424 : memref<1x1x128xi32, #tpu.memory_space<vmem>> -> memref<128xi32, #tpu.memory_space<vmem>>
      %dma_wait3A_426 = arith.constant 0 : i32
      %dma_wait3A_427 = arith.constant 0 : i32
      %dma_wait3A_428 = tpu.memref_slice %arg2[%dma_wait3A_426, %dma_wait3A_427] : memref<10000x128xf32, #tpu.memory_space<hbm>> -> memref<10000x128xf32, #tpu.memory_space<hbm>>
      tpu.wait_indirect_dma semaphore(%arg8 : memref<!tpu.dma_semaphore, #tpu.memory_space<semaphore_mem>>) src(%dma_wait3A_428 : memref<10000x128xf32, #tpu.memory_space<hbm>>) dst(%dma_wait3A_422 : memref<128x128xf32, #tpu.memory_space<vmem>>)
      %dma_start3A_429 = arith.constant 0 : i32
      %dma_start3A_430 = arith.constant 0 : i32
      %dma_start3A_431 = arith.constant 1 : i32
      %dma_start3A_432 = arith.constant 0 : i32
      %dma_start3A_433 = arith.constant 0 : i32
      %dma_start3A_434 = tpu.memref_slice %arg6[%dma_start3A_429, %dma_start3A_432, %dma_start3A_433] : memref<3x128x128xf32, #tpu.memory_space<vmem>> -> memref<1x128x128xf32, #tpu.memory_space<vmem>>
      %dma_start3A_435 = tpu.memref_squeeze %dma_start3A_434 : memref<1x128x128xf32, #tpu.memory_space<vmem>> -> memref<128x128xf32, #tpu.memory_space<vmem>>
      %dma_start3A_436 = arith.constant 0 : i32
      %dma_start3A_437 = tpu.memref_slice %arg5[%dma_start3A_430, %dma_start3A_431, %dma_start3A_436] : memref<3x2x128xi32, #tpu.memory_space<vmem>> -> memref<1x1x128xi32, #tpu.memory_space<vmem>>
      %dma_start3A_438 = tpu.memref_squeeze %dma_start3A_437 : memref<1x1x128xi32, #tpu.memory_space<vmem>> -> memref<128xi32, #tpu.memory_space<vmem>>
      %dma_start3A_439 = arith.constant 0 : i32
      %dma_start3A_440 = arith.constant 0 : i32
      %dma_start3A_441 = tpu.memref_slice %arg7[%dma_start3A_439, %dma_start3A_440] : memref<10000x128xf32, #tpu.memory_space<vmem_shared>> -> memref<10000x128xf32, #tpu.memory_space<vmem_shared>>
      tpu.enqueue_indirect_dma source(%dma_start3A_435 : memref<128x128xf32, #tpu.memory_space<vmem>>) target(%dma_start3A_441 : memref<10000x128xf32, #tpu.memory_space<vmem_shared>>) offsets(%dma_start3A_438 : memref<128xi32, #tpu.memory_space<vmem>>) semaphore(%arg11 : memref<!tpu.dma_semaphore, #tpu.memory_space<semaphore_mem>>) {add = true}
      %mul3A_442 = arith.constant 3 : i32
      %mul3A_443 = arith.muli %scan3A_379, %mul3A_442 : i32
      %add3A_444 = arith.constant 3 : i32
      %add3A_445 = arith.addi %add3A_444, %mul3A_443 : i32
      %add3A_446 = arith.constant 1 : i32
      %add3A_447 = arith.addi %add3A_445, %add3A_446 : i32
      %dma_wait3A_448 = arith.constant 0 : i32
      %dma_wait3A_449 = arith.constant 0 : i32
      %dma_wait3A_450 = arith.constant 1 : i32
      %dma_wait3A_451 = arith.constant 0 : i32
      %dma_wait3A_452 = arith.constant 0 : i32
      %dma_wait3A_453 = tpu.memref_slice %arg6[%dma_wait3A_448, %dma_wait3A_451, %dma_wait3A_452] : memref<3x128x128xf32, #tpu.memory_space<vmem>> -> memref<1x128x128xf32, #tpu.memory_space<vmem>>
      %dma_wait3A_454 = tpu.memref_squeeze %dma_wait3A_453 : memref<1x128x128xf32, #tpu.memory_space<vmem>> -> memref<128x128xf32, #tpu.memory_space<vmem>>
      %dma_wait3A_455 = arith.constant 0 : i32
      %dma_wait3A_456 = tpu.memref_slice %arg5[%dma_wait3A_449, %dma_wait3A_450, %dma_wait3A_455] : memref<3x2x128xi32, #tpu.memory_space<vmem>> -> memref<1x1x128xi32, #tpu.memory_space<vmem>>
      %dma_wait3A_457 = tpu.memref_squeeze %dma_wait3A_456 : memref<1x1x128xi32, #tpu.memory_space<vmem>> -> memref<128xi32, #tpu.memory_space<vmem>>
      %dma_wait3A_458 = arith.constant 0 : i32
      %dma_wait3A_459 = arith.constant 0 : i32
      %dma_wait3A_460 = tpu.memref_slice %arg7[%dma_wait3A_458, %dma_wait3A_459] : memref<10000x128xf32, #tpu.memory_space<vmem_shared>> -> memref<10000x128xf32, #tpu.memory_space<vmem_shared>>
      tpu.wait_indirect_dma semaphore(%arg11 : memref<!tpu.dma_semaphore, #tpu.memory_space<semaphore_mem>>) src(%dma_wait3A_454 : memref<128x128xf32, #tpu.memory_space<vmem>>) dst(%dma_wait3A_460 : memref<10000x128xf32, #tpu.memory_space<vmem_shared>>)
      %add3A_461 = arith.addi %mul3A_19, %add3A_447 : i32
      %add3A_462 = arith.constant 2 : i32
      %add3A_463 = arith.addi %add3A_461, %add3A_462 : i32
      %run_scoped3A_464 = arith.constant 0 : i32
      "tpu.region"() ({
        %run_scoped3A_566 = tpu.sem_alloc : memref<!tpu.dma_semaphore, #tpu.memory_space<semaphore_mem>>
        %dma_start3A_567 = arith.constant 0 : i32
        %dma_start3A_568 = arith.constant 0 : i32
        %dma_start3A_569 = tpu.memref_slice %arg5[%run_scoped3A_464, %dma_start3A_567, %dma_start3A_568] : memref<3x2x128xi32, #tpu.memory_space<vmem>> -> memref<1x2x128xi32, #tpu.memory_space<vmem>>
        %dma_start3A_570 = tpu.memref_squeeze %dma_start3A_569 : memref<1x2x128xi32, #tpu.memory_space<vmem>> -> memref<2x128xi32, #tpu.memory_space<vmem>>
        %dma_start3A_571 = arith.constant 0 : i32
        %dma_start3A_572 = arith.constant 0 : i32
        %dma_start3A_573 = tpu.memref_slice %arg3[%add3A_463, %dma_start3A_571, %dma_start3A_572] : memref<2500x2x128xi32, #tpu.memory_space<hbm>> -> memref<1x2x128xi32, #tpu.memory_space<hbm>>
        %dma_start3A_574 = tpu.memref_squeeze %dma_start3A_573 : memref<1x2x128xi32, #tpu.memory_space<hbm>> -> memref<2x128xi32, #tpu.memory_space<hbm>>
        %dma_start3A_575 = arith.constant 0 : i32
        %dma_start3A_576 = arith.constant 0 : i32
        %dma_start3A_577 = tpu.memref_slice %arg5[%run_scoped3A_464, %dma_start3A_575, %dma_start3A_576] : memref<3x2x128xi32, #tpu.memory_space<vmem>> -> memref<1x2x128xi32, #tpu.memory_space<vmem>>
        %dma_start3A_578 = tpu.memref_squeeze %dma_start3A_577 : memref<1x2x128xi32, #tpu.memory_space<vmem>> -> memref<2x128xi32, #tpu.memory_space<vmem>>
        %dma_start3A_579 = arith.constant 0 : i32
        %dma_start3A_580 = arith.constant 0 : i32
        %dma_start3A_581 = tpu.memref_slice %arg3[%add3A_463, %dma_start3A_579, %dma_start3A_580] : memref<2500x2x128xi32, #tpu.memory_space<hbm>> -> memref<1x2x128xi32, #tpu.memory_space<hbm>>
        %dma_start3A_582 = tpu.memref_squeeze %dma_start3A_581 : memref<1x2x128xi32, #tpu.memory_space<hbm>> -> memref<2x128xi32, #tpu.memory_space<hbm>>
        tpu.enqueue_dma source(%dma_start3A_582 : memref<2x128xi32, #tpu.memory_space<hbm>>) target(%dma_start3A_578 : memref<2x128xi32, #tpu.memory_space<vmem>>) target_semaphore(%run_scoped3A_566 : memref<!tpu.dma_semaphore, #tpu.memory_space<semaphore_mem>>)
        %dma_wait3A_583 = arith.constant 0 : i32
        %dma_wait3A_584 = arith.constant 0 : i32
        %dma_wait3A_585 = tpu.memref_slice %arg5[%run_scoped3A_464, %dma_wait3A_583, %dma_wait3A_584] : memref<3x2x128xi32, #tpu.memory_space<vmem>> -> memref<1x2x128xi32, #tpu.memory_space<vmem>>
        %dma_wait3A_586 = tpu.memref_squeeze %dma_wait3A_585 : memref<1x2x128xi32, #tpu.memory_space<vmem>> -> memref<2x128xi32, #tpu.memory_space<vmem>>
        %dma_wait3A_587 = arith.constant 0 : i32
        %dma_wait3A_588 = arith.constant 0 : i32
        %dma_wait3A_589 = tpu.memref_slice %arg3[%add3A_463, %dma_wait3A_587, %dma_wait3A_588] : memref<2500x2x128xi32, #tpu.memory_space<hbm>> -> memref<1x2x128xi32, #tpu.memory_space<hbm>>
        %dma_wait3A_590 = tpu.memref_squeeze %dma_wait3A_589 : memref<1x2x128xi32, #tpu.memory_space<hbm>> -> memref<2x128xi32, #tpu.memory_space<hbm>>
        %dma_wait3A_591 = arith.constant 0 : i32
        %dma_wait3A_592 = arith.constant 0 : i32
        %dma_wait3A_593 = tpu.memref_slice %arg5[%run_scoped3A_464, %dma_wait3A_591, %dma_wait3A_592] : memref<3x2x128xi32, #tpu.memory_space<vmem>> -> memref<1x2x128xi32, #tpu.memory_space<vmem>>
        %dma_wait3A_594 = tpu.memref_squeeze %dma_wait3A_593 : memref<1x2x128xi32, #tpu.memory_space<vmem>> -> memref<2x128xi32, #tpu.memory_space<vmem>>
        %dma_wait3A_595 = arith.constant 0 : i32
        %dma_wait3A_596 = arith.constant 0 : i32
        %dma_wait3A_597 = tpu.memref_slice %arg3[%add3A_463, %dma_wait3A_595, %dma_wait3A_596] : memref<2500x2x128xi32, #tpu.memory_space<hbm>> -> memref<1x2x128xi32, #tpu.memory_space<hbm>>
        %dma_wait3A_598 = tpu.memref_squeeze %dma_wait3A_597 : memref<1x2x128xi32, #tpu.memory_space<hbm>> -> memref<2x128xi32, #tpu.memory_space<hbm>>
        tpu.wait_dma2 semaphore(%run_scoped3A_566 : memref<!tpu.dma_semaphore, #tpu.memory_space<semaphore_mem>>) src(%dma_wait3A_598 : memref<2x128xi32, #tpu.memory_space<hbm>>) dst(%dma_wait3A_594 : memref<2x128xi32, #tpu.memory_space<vmem>>)
        tpu.yield
      }) : () -> ()
      %dma_start3A_465 = arith.constant 0 : i32
      %dma_start3A_466 = arith.constant 0 : i32
      %dma_start3A_467 = arith.constant 0 : i32
      %dma_start3A_468 = arith.constant 0 : i32
      %dma_start3A_469 = arith.constant 0 : i32
      %dma_start3A_470 = tpu.memref_slice %arg6[%dma_start3A_467, %dma_start3A_468, %dma_start3A_469] : memref<3x128x128xf32, #tpu.memory_space<vmem>> -> memref<1x128x128xf32, #tpu.memory_space<vmem>>
      %dma_start3A_471 = tpu.memref_squeeze %dma_start3A_470 : memref<1x128x128xf32, #tpu.memory_space<vmem>> -> memref<128x128xf32, #tpu.memory_space<vmem>>
      %dma_start3A_472 = arith.constant 0 : i32
      %dma_start3A_473 = tpu.memref_slice %arg5[%dma_start3A_465, %dma_start3A_466, %dma_start3A_472] : memref<3x2x128xi32, #tpu.memory_space<vmem>> -> memref<1x1x128xi32, #tpu.memory_space<vmem>>
      %dma_start3A_474 = tpu.memref_squeeze %dma_start3A_473 : memref<1x1x128xi32, #tpu.memory_space<vmem>> -> memref<128xi32, #tpu.memory_space<vmem>>
      %dma_start3A_475 = arith.constant 0 : i32
      %dma_start3A_476 = arith.constant 0 : i32
      %dma_start3A_477 = tpu.memref_slice %arg2[%dma_start3A_475, %dma_start3A_476] : memref<10000x128xf32, #tpu.memory_space<hbm>> -> memref<10000x128xf32, #tpu.memory_space<hbm>>
      tpu.enqueue_indirect_dma source(%dma_start3A_477 : memref<10000x128xf32, #tpu.memory_space<hbm>>) target(%dma_start3A_471 : memref<128x128xf32, #tpu.memory_space<vmem>>) offsets(%dma_start3A_474 : memref<128xi32, #tpu.memory_space<vmem>>) semaphore(%arg8 : memref<!tpu.dma_semaphore, #tpu.memory_space<semaphore_mem>>)
      %dma_wait3A_478 = arith.constant 1 : i32
      %dma_wait3A_479 = arith.constant 0 : i32
      %dma_wait3A_480 = arith.constant 1 : i32
      %dma_wait3A_481 = arith.constant 0 : i32
      %dma_wait3A_482 = arith.constant 0 : i32
      %dma_wait3A_483 = tpu.memref_slice %arg6[%dma_wait3A_480, %dma_wait3A_481, %dma_wait3A_482] : memref<3x128x128xf32, #tpu.memory_space<vmem>> -> memref<1x128x128xf32, #tpu.memory_space<vmem>>
      %dma_wait3A_484 = tpu.memref_squeeze %dma_wait3A_483 : memref<1x128x128xf32, #tpu.memory_space<vmem>> -> memref<128x128xf32, #tpu.memory_space<vmem>>
      %dma_wait3A_485 = arith.constant 0 : i32
      %dma_wait3A_486 = tpu.memref_slice %arg5[%dma_wait3A_478, %dma_wait3A_479, %dma_wait3A_485] : memref<3x2x128xi32, #tpu.memory_space<vmem>> -> memref<1x1x128xi32, #tpu.memory_space<vmem>>
      %dma_wait3A_487 = tpu.memref_squeeze %dma_wait3A_486 : memref<1x1x128xi32, #tpu.memory_space<vmem>> -> memref<128xi32, #tpu.memory_space<vmem>>
      %dma_wait3A_488 = arith.constant 0 : i32
      %dma_wait3A_489 = arith.constant 0 : i32
      %dma_wait3A_490 = tpu.memref_slice %arg2[%dma_wait3A_488, %dma_wait3A_489] : memref<10000x128xf32, #tpu.memory_space<hbm>> -> memref<10000x128xf32, #tpu.memory_space<hbm>>
      tpu.wait_indirect_dma semaphore(%arg9 : memref<!tpu.dma_semaphore, #tpu.memory_space<semaphore_mem>>) src(%dma_wait3A_490 : memref<10000x128xf32, #tpu.memory_space<hbm>>) dst(%dma_wait3A_484 : memref<128x128xf32, #tpu.memory_space<vmem>>)
      %dma_start3A_491 = arith.constant 1 : i32
      %dma_start3A_492 = arith.constant 1 : i32
      %dma_start3A_493 = arith.constant 1 : i32
      %dma_start3A_494 = arith.constant 0 : i32
      %dma_start3A_495 = arith.constant 0 : i32
      %dma_start3A_496 = tpu.memref_slice %arg6[%dma_start3A_491, %dma_start3A_494, %dma_start3A_495] : memref<3x128x128xf32, #tpu.memory_space<vmem>> -> memref<1x128x128xf32, #tpu.memory_space<vmem>>
      %dma_start3A_497 = tpu.memref_squeeze %dma_start3A_496 : memref<1x128x128xf32, #tpu.memory_space<vmem>> -> memref<128x128xf32, #tpu.memory_space<vmem>>
      %dma_start3A_498 = arith.constant 0 : i32
      %dma_start3A_499 = tpu.memref_slice %arg5[%dma_start3A_492, %dma_start3A_493, %dma_start3A_498] : memref<3x2x128xi32, #tpu.memory_space<vmem>> -> memref<1x1x128xi32, #tpu.memory_space<vmem>>
      %dma_start3A_500 = tpu.memref_squeeze %dma_start3A_499 : memref<1x1x128xi32, #tpu.memory_space<vmem>> -> memref<128xi32, #tpu.memory_space<vmem>>
      %dma_start3A_501 = arith.constant 0 : i32
      %dma_start3A_502 = arith.constant 0 : i32
      %dma_start3A_503 = tpu.memref_slice %arg7[%dma_start3A_501, %dma_start3A_502] : memref<10000x128xf32, #tpu.memory_space<vmem_shared>> -> memref<10000x128xf32, #tpu.memory_space<vmem_shared>>
      tpu.enqueue_indirect_dma source(%dma_start3A_497 : memref<128x128xf32, #tpu.memory_space<vmem>>) target(%dma_start3A_503 : memref<10000x128xf32, #tpu.memory_space<vmem_shared>>) offsets(%dma_start3A_500 : memref<128xi32, #tpu.memory_space<vmem>>) semaphore(%arg12 : memref<!tpu.dma_semaphore, #tpu.memory_space<semaphore_mem>>) {add = true}
      %mul3A_504 = arith.constant 3 : i32
      %mul3A_505 = arith.muli %scan3A_379, %mul3A_504 : i32
      %add3A_506 = arith.constant 3 : i32
      %add3A_507 = arith.addi %add3A_506, %mul3A_505 : i32
      %add3A_508 = arith.constant 2 : i32
      %add3A_509 = arith.addi %add3A_507, %add3A_508 : i32
      %dma_wait3A_510 = arith.constant 1 : i32
      %dma_wait3A_511 = arith.constant 1 : i32
      %dma_wait3A_512 = arith.constant 1 : i32
      %dma_wait3A_513 = arith.constant 0 : i32
      %dma_wait3A_514 = arith.constant 0 : i32
      %dma_wait3A_515 = tpu.memref_slice %arg6[%dma_wait3A_510, %dma_wait3A_513, %dma_wait3A_514] : memref<3x128x128xf32, #tpu.memory_space<vmem>> -> memref<1x128x128xf32, #tpu.memory_space<vmem>>
      %dma_wait3A_516 = tpu.memref_squeeze %dma_wait3A_515 : memref<1x128x128xf32, #tpu.memory_space<vmem>> -> memref<128x128xf32, #tpu.memory_space<vmem>>
      %dma_wait3A_517 = arith.constant 0 : i32
      %dma_wait3A_518 = tpu.memref_slice %arg5[%dma_wait3A_511, %dma_wait3A_512, %dma_wait3A_517] : memref<3x2x128xi32, #tpu.memory_space<vmem>> -> memref<1x1x128xi32, #tpu.memory_space<vmem>>
      %dma_wait3A_519 = tpu.memref_squeeze %dma_wait3A_518 : memref<1x1x128xi32, #tpu.memory_space<vmem>> -> memref<128xi32, #tpu.memory_space<vmem>>
      %dma_wait3A_520 = arith.constant 0 : i32
      %dma_wait3A_521 = arith.constant 0 : i32
      %dma_wait3A_522 = tpu.memref_slice %arg7[%dma_wait3A_520, %dma_wait3A_521] : memref<10000x128xf32, #tpu.memory_space<vmem_shared>> -> memref<10000x128xf32, #tpu.memory_space<vmem_shared>>
      tpu.wait_indirect_dma semaphore(%arg12 : memref<!tpu.dma_semaphore, #tpu.memory_space<semaphore_mem>>) src(%dma_wait3A_516 : memref<128x128xf32, #tpu.memory_space<vmem>>) dst(%dma_wait3A_522 : memref<10000x128xf32, #tpu.memory_space<vmem_shared>>)
      %add3A_523 = arith.addi %mul3A_19, %add3A_509 : i32
      %add3A_524 = arith.constant 2 : i32
      %add3A_525 = arith.addi %add3A_523, %add3A_524 : i32
      %run_scoped3A_526 = arith.constant 1 : i32
      "tpu.region"() ({
        %run_scoped3A_566 = tpu.sem_alloc : memref<!tpu.dma_semaphore, #tpu.memory_space<semaphore_mem>>
        %dma_start3A_567 = arith.constant 0 : i32
        %dma_start3A_568 = arith.constant 0 : i32
        %dma_start3A_569 = tpu.memref_slice %arg5[%run_scoped3A_526, %dma_start3A_567, %dma_start3A_568] : memref<3x2x128xi32, #tpu.memory_space<vmem>> -> memref<1x2x128xi32, #tpu.memory_space<vmem>>
        %dma_start3A_570 = tpu.memref_squeeze %dma_start3A_569 : memref<1x2x128xi32, #tpu.memory_space<vmem>> -> memref<2x128xi32, #tpu.memory_space<vmem>>
        %dma_start3A_571 = arith.constant 0 : i32
        %dma_start3A_572 = arith.constant 0 : i32
        %dma_start3A_573 = tpu.memref_slice %arg3[%add3A_525, %dma_start3A_571, %dma_start3A_572] : memref<2500x2x128xi32, #tpu.memory_space<hbm>> -> memref<1x2x128xi32, #tpu.memory_space<hbm>>
        %dma_start3A_574 = tpu.memref_squeeze %dma_start3A_573 : memref<1x2x128xi32, #tpu.memory_space<hbm>> -> memref<2x128xi32, #tpu.memory_space<hbm>>
        %dma_start3A_575 = arith.constant 0 : i32
        %dma_start3A_576 = arith.constant 0 : i32
        %dma_start3A_577 = tpu.memref_slice %arg5[%run_scoped3A_526, %dma_start3A_575, %dma_start3A_576] : memref<3x2x128xi32, #tpu.memory_space<vmem>> -> memref<1x2x128xi32, #tpu.memory_space<vmem>>
        %dma_start3A_578 = tpu.memref_squeeze %dma_start3A_577 : memref<1x2x128xi32, #tpu.memory_space<vmem>> -> memref<2x128xi32, #tpu.memory_space<vmem>>
        %dma_start3A_579 = arith.constant 0 : i32
        %dma_start3A_580 = arith.constant 0 : i32
        %dma_start3A_581 = tpu.memref_slice %arg3[%add3A_525, %dma_start3A_579, %dma_start3A_580] : memref<2500x2x128xi32, #tpu.memory_space<hbm>> -> memref<1x2x128xi32, #tpu.memory_space<hbm>>
        %dma_start3A_582 = tpu.memref_squeeze %dma_start3A_581 : memref<1x2x128xi32, #tpu.memory_space<hbm>> -> memref<2x128xi32, #tpu.memory_space<hbm>>
        tpu.enqueue_dma source(%dma_start3A_582 : memref<2x128xi32, #tpu.memory_space<hbm>>) target(%dma_start3A_578 : memref<2x128xi32, #tpu.memory_space<vmem>>) target_semaphore(%run_scoped3A_566 : memref<!tpu.dma_semaphore, #tpu.memory_space<semaphore_mem>>)
        %dma_wait3A_583 = arith.constant 0 : i32
        %dma_wait3A_584 = arith.constant 0 : i32
        %dma_wait3A_585 = tpu.memref_slice %arg5[%run_scoped3A_526, %dma_wait3A_583, %dma_wait3A_584] : memref<3x2x128xi32, #tpu.memory_space<vmem>> -> memref<1x2x128xi32, #tpu.memory_space<vmem>>
        %dma_wait3A_586 = tpu.memref_squeeze %dma_wait3A_585 : memref<1x2x128xi32, #tpu.memory_space<vmem>> -> memref<2x128xi32, #tpu.memory_space<vmem>>
        %dma_wait3A_587 = arith.constant 0 : i32
        %dma_wait3A_588 = arith.constant 0 : i32
        %dma_wait3A_589 = tpu.memref_slice %arg3[%add3A_525, %dma_wait3A_587, %dma_wait3A_588] : memref<2500x2x128xi32, #tpu.memory_space<hbm>> -> memref<1x2x128xi32, #tpu.memory_space<hbm>>
        %dma_wait3A_590 = tpu.memref_squeeze %dma_wait3A_589 : memref<1x2x128xi32, #tpu.memory_space<hbm>> -> memref<2x128xi32, #tpu.memory_space<hbm>>
        %dma_wait3A_591 = arith.constant 0 : i32
        %dma_wait3A_592 = arith.constant 0 : i32
        %dma_wait3A_593 = tpu.memref_slice %arg5[%run_scoped3A_526, %dma_wait3A_591, %dma_wait3A_592] : memref<3x2x128xi32, #tpu.memory_space<vmem>> -> memref<1x2x128xi32, #tpu.memory_space<vmem>>
        %dma_wait3A_594 = tpu.memref_squeeze %dma_wait3A_593 : memref<1x2x128xi32, #tpu.memory_space<vmem>> -> memref<2x128xi32, #tpu.memory_space<vmem>>
        %dma_wait3A_595 = arith.constant 0 : i32
        %dma_wait3A_596 = arith.constant 0 : i32
        %dma_wait3A_597 = tpu.memref_slice %arg3[%add3A_525, %dma_wait3A_595, %dma_wait3A_596] : memref<2500x2x128xi32, #tpu.memory_space<hbm>> -> memref<1x2x128xi32, #tpu.memory_space<hbm>>
        %dma_wait3A_598 = tpu.memref_squeeze %dma_wait3A_597 : memref<1x2x128xi32, #tpu.memory_space<hbm>> -> memref<2x128xi32, #tpu.memory_space<hbm>>
        tpu.wait_dma2 semaphore(%run_scoped3A_566 : memref<!tpu.dma_semaphore, #tpu.memory_space<semaphore_mem>>) src(%dma_wait3A_598 : memref<2x128xi32, #tpu.memory_space<hbm>>) dst(%dma_wait3A_594 : memref<2x128xi32, #tpu.memory_space<vmem>>)
        tpu.yield
      }) : () -> ()
      %dma_start3A_527 = arith.constant 1 : i32
      %dma_start3A_528 = arith.constant 0 : i32
      %dma_start3A_529 = arith.constant 1 : i32
      %dma_start3A_530 = arith.constant 0 : i32
      %dma_start3A_531 = arith.constant 0 : i32
      %dma_start3A_532 = tpu.memref_slice %arg6[%dma_start3A_529, %dma_start3A_530, %dma_start3A_531] : memref<3x128x128xf32, #tpu.memory_space<vmem>> -> memref<1x128x128xf32, #tpu.memory_space<vmem>>
      %dma_start3A_533 = tpu.memref_squeeze %dma_start3A_532 : memref<1x128x128xf32, #tpu.memory_space<vmem>> -> memref<128x128xf32, #tpu.memory_space<vmem>>
      %dma_start3A_534 = arith.constant 0 : i32
      %dma_start3A_535 = tpu.memref_slice %arg5[%dma_start3A_527, %dma_start3A_528, %dma_start3A_534] : memref<3x2x128xi32, #tpu.memory_space<vmem>> -> memref<1x1x128xi32, #tpu.memory_space<vmem>>
      %dma_start3A_536 = tpu.memref_squeeze %dma_start3A_535 : memref<1x1x128xi32, #tpu.memory_space<vmem>> -> memref<128xi32, #tpu.memory_space<vmem>>
      %dma_start3A_537 = arith.constant 0 : i32
      %dma_start3A_538 = arith.constant 0 : i32
      %dma_start3A_539 = tpu.memref_slice %arg2[%dma_start3A_537, %dma_start3A_538] : memref<10000x128xf32, #tpu.memory_space<hbm>> -> memref<10000x128xf32, #tpu.memory_space<hbm>>
      tpu.enqueue_indirect_dma source(%dma_start3A_539 : memref<10000x128xf32, #tpu.memory_space<hbm>>) target(%dma_start3A_533 : memref<128x128xf32, #tpu.memory_space<vmem>>) offsets(%dma_start3A_536 : memref<128xi32, #tpu.memory_space<vmem>>) semaphore(%arg9 : memref<!tpu.dma_semaphore, #tpu.memory_space<semaphore_mem>>)
      %dma_wait3A_540 = arith.constant 2 : i32
      %dma_wait3A_541 = arith.constant 0 : i32
      %dma_wait3A_542 = arith.constant 2 : i32
      %dma_wait3A_543 = arith.constant 0 : i32
      %dma_wait3A_544 = arith.constant 0 : i32
      %dma_wait3A_545 = tpu.memref_slice %arg6[%dma_wait3A_542, %dma_wait3A_543, %dma_wait3A_544] : memref<3x128x128xf32, #tpu.memory_space<vmem>> -> memref<1x128x128xf32, #tpu.memory_space<vmem>>
      %dma_wait3A_546 = tpu.memref_squeeze %dma_wait3A_545 : memref<1x128x128xf32, #tpu.memory_space<vmem>> -> memref<128x128xf32, #tpu.memory_space<vmem>>
      %dma_wait3A_547 = arith.constant 0 : i32
      %dma_wait3A_548 = tpu.memref_slice %arg5[%dma_wait3A_540, %dma_wait3A_541, %dma_wait3A_547] : memref<3x2x128xi32, #tpu.memory_space<vmem>> -> memref<1x1x128xi32, #tpu.memory_space<vmem>>
      %dma_wait3A_549 = tpu.memref_squeeze %dma_wait3A_548 : memref<1x1x128xi32, #tpu.memory_space<vmem>> -> memref<128xi32, #tpu.memory_space<vmem>>
      %dma_wait3A_550 = arith.constant 0 : i32
      %dma_wait3A_551 = arith.constant 0 : i32
      %dma_wait3A_552 = tpu.memref_slice %arg2[%dma_wait3A_550, %dma_wait3A_551] : memref<10000x128xf32, #tpu.memory_space<hbm>> -> memref<10000x128xf32, #tpu.memory_space<hbm>>
      tpu.wait_indirect_dma semaphore(%arg10 : memref<!tpu.dma_semaphore, #tpu.memory_space<semaphore_mem>>) src(%dma_wait3A_552 : memref<10000x128xf32, #tpu.memory_space<hbm>>) dst(%dma_wait3A_546 : memref<128x128xf32, #tpu.memory_space<vmem>>)
      %dma_start3A_553 = arith.constant 2 : i32
      %dma_start3A_554 = arith.constant 2 : i32
      %dma_start3A_555 = arith.constant 1 : i32
      %dma_start3A_556 = arith.constant 0 : i32
      %dma_start3A_557 = arith.constant 0 : i32
      %dma_start3A_558 = tpu.memref_slice %arg6[%dma_start3A_553, %dma_start3A_556, %dma_start3A_557] : memref<3x128x128xf32, #tpu.memory_space<vmem>> -> memref<1x128x128xf32, #tpu.memory_space<vmem>>
      %dma_start3A_559 = tpu.memref_squeeze %dma_start3A_558 : memref<1x128x128xf32, #tpu.memory_space<vmem>> -> memref<128x128xf32, #tpu.memory_space<vmem>>
      %dma_start3A_560 = arith.constant 0 : i32
      %dma_start3A_561 = tpu.memref_slice %arg5[%dma_start3A_554, %dma_start3A_555, %dma_start3A_560] : memref<3x2x128xi32, #tpu.memory_space<vmem>> -> memref<1x1x128xi32, #tpu.memory_space<vmem>>
      %dma_start3A_562 = tpu.memref_squeeze %dma_start3A_561 : memref<1x1x128xi32, #tpu.memory_space<vmem>> -> memref<128xi32, #tpu.memory_space<vmem>>
      %dma_start3A_563 = arith.constant 0 : i32
      %dma_start3A_564 = arith.constant 0 : i32
      %dma_start3A_565 = tpu.memref_slice %arg7[%dma_start3A_563, %dma_start3A_564] : memref<10000x128xf32, #tpu.memory_space<vmem_shared>> -> memref<10000x128xf32, #tpu.memory_space<vmem_shared>>
      tpu.enqueue_indirect_dma source(%dma_start3A_559 : memref<128x128xf32, #tpu.memory_space<vmem>>) target(%dma_start3A_565 : memref<10000x128xf32, #tpu.memory_space<vmem_shared>>) offsets(%dma_start3A_562 : memref<128xi32, #tpu.memory_space<vmem>>) semaphore(%arg13 : memref<!tpu.dma_semaphore, #tpu.memory_space<semaphore_mem>>) {add = true}
    }
    %scan3A_213 = arith.constant 24 : i32
    %dma_wait3A_214 = arith.constant 2 : i32
    %dma_wait3A_215 = arith.constant 2 : i32
    %dma_wait3A_216 = arith.constant 1 : i32
    %dma_wait3A_217 = arith.constant 0 : i32
    %dma_wait3A_218 = arith.constant 0 : i32
    %dma_wait3A_219 = tpu.memref_slice %arg6[%dma_wait3A_214, %dma_wait3A_217, %dma_wait3A_218] : memref<3x128x128xf32, #tpu.memory_space<vmem>> -> memref<1x128x128xf32, #tpu.memory_space<vmem>>
    %dma_wait3A_220 = tpu.memref_squeeze %dma_wait3A_219 : memref<1x128x128xf32, #tpu.memory_space<vmem>> -> memref<128x128xf32, #tpu.memory_space<vmem>>
    %dma_wait3A_221 = arith.constant 0 : i32
    %dma_wait3A_222 = tpu.memref_slice %arg5[%dma_wait3A_215, %dma_wait3A_216, %dma_wait3A_221] : memref<3x2x128xi32, #tpu.memory_space<vmem>> -> memref<1x1x128xi32, #tpu.memory_space<vmem>>
    %dma_wait3A_223 = tpu.memref_squeeze %dma_wait3A_222 : memref<1x1x128xi32, #tpu.memory_space<vmem>> -> memref<128xi32, #tpu.memory_space<vmem>>
    %dma_wait3A_224 = arith.constant 0 : i32
    %dma_wait3A_225 = arith.constant 0 : i32
    %dma_wait3A_226 = tpu.memref_slice %arg7[%dma_wait3A_224, %dma_wait3A_225] : memref<10000x128xf32, #tpu.memory_space<vmem_shared>> -> memref<10000x128xf32, #tpu.memory_space<vmem_shared>>
    tpu.wait_indirect_dma semaphore(%arg13 : memref<!tpu.dma_semaphore, #tpu.memory_space<semaphore_mem>>) src(%dma_wait3A_220 : memref<128x128xf32, #tpu.memory_space<vmem>>) dst(%dma_wait3A_226 : memref<10000x128xf32, #tpu.memory_space<vmem_shared>>)
    %add3A_227 = arith.constant 75 : i32
    %add3A_228 = arith.addi %mul3A_19, %add3A_227 : i32
    %add3A_229 = arith.constant 2 : i32
    %add3A_230 = arith.addi %add3A_228, %add3A_229 : i32
    %run_scoped3A_231 = arith.constant 2 : i32
    "tpu.region"() ({
      %run_scoped3A_379 = tpu.sem_alloc : memref<!tpu.dma_semaphore, #tpu.memory_space<semaphore_mem>>
      %dma_start3A_380 = arith.constant 0 : i32
      %dma_start3A_381 = arith.constant 0 : i32
      %dma_start3A_382 = tpu.memref_slice %arg5[%run_scoped3A_231, %dma_start3A_380, %dma_start3A_381] : memref<3x2x128xi32, #tpu.memory_space<vmem>> -> memref<1x2x128xi32, #tpu.memory_space<vmem>>
      %dma_start3A_383 = tpu.memref_squeeze %dma_start3A_382 : memref<1x2x128xi32, #tpu.memory_space<vmem>> -> memref<2x128xi32, #tpu.memory_space<vmem>>
      %dma_start3A_384 = arith.constant 0 : i32
      %dma_start3A_385 = arith.constant 0 : i32
      %dma_start3A_386 = tpu.memref_slice %arg3[%add3A_230, %dma_start3A_384, %dma_start3A_385] : memref<2500x2x128xi32, #tpu.memory_space<hbm>> -> memref<1x2x128xi32, #tpu.memory_space<hbm>>
      %dma_start3A_387 = tpu.memref_squeeze %dma_start3A_386 : memref<1x2x128xi32, #tpu.memory_space<hbm>> -> memref<2x128xi32, #tpu.memory_space<hbm>>
      %dma_start3A_388 = arith.constant 0 : i32
      %dma_start3A_389 = arith.constant 0 : i32
      %dma_start3A_390 = tpu.memref_slice %arg5[%run_scoped3A_231, %dma_start3A_388, %dma_start3A_389] : memref<3x2x128xi32, #tpu.memory_space<vmem>> -> memref<1x2x128xi32, #tpu.memory_space<vmem>>
      %dma_start3A_391 = tpu.memref_squeeze %dma_start3A_390 : memref<1x2x128xi32, #tpu.memory_space<vmem>> -> memref<2x128xi32, #tpu.memory_space<vmem>>
      %dma_start3A_392 = arith.constant 0 : i32
      %dma_start3A_393 = arith.constant 0 : i32
      %dma_start3A_394 = tpu.memref_slice %arg3[%add3A_230, %dma_start3A_392, %dma_start3A_393] : memref<2500x2x128xi32, #tpu.memory_space<hbm>> -> memref<1x2x128xi32, #tpu.memory_space<hbm>>
      %dma_start3A_395 = tpu.memref_squeeze %dma_start3A_394 : memref<1x2x128xi32, #tpu.memory_space<hbm>> -> memref<2x128xi32, #tpu.memory_space<hbm>>
      tpu.enqueue_dma source(%dma_start3A_395 : memref<2x128xi32, #tpu.memory_space<hbm>>) target(%dma_start3A_391 : memref<2x128xi32, #tpu.memory_space<vmem>>) target_semaphore(%run_scoped3A_379 : memref<!tpu.dma_semaphore, #tpu.memory_space<semaphore_mem>>)
      %dma_wait3A_396 = arith.constant 0 : i32
      %dma_wait3A_397 = arith.constant 0 : i32
      %dma_wait3A_398 = tpu.memref_slice %arg5[%run_scoped3A_231, %dma_wait3A_396, %dma_wait3A_397] : memref<3x2x128xi32, #tpu.memory_space<vmem>> -> memref<1x2x128xi32, #tpu.memory_space<vmem>>
      %dma_wait3A_399 = tpu.memref_squeeze %dma_wait3A_398 : memref<1x2x128xi32, #tpu.memory_space<vmem>> -> memref<2x128xi32, #tpu.memory_space<vmem>>
      %dma_wait3A_400 = arith.constant 0 : i32
      %dma_wait3A_401 = arith.constant 0 : i32
      %dma_wait3A_402 = tpu.memref_slice %arg3[%add3A_230, %dma_wait3A_400, %dma_wait3A_401] : memref<2500x2x128xi32, #tpu.memory_space<hbm>> -> memref<1x2x128xi32, #tpu.memory_space<hbm>>
      %dma_wait3A_403 = tpu.memref_squeeze %dma_wait3A_402 : memref<1x2x128xi32, #tpu.memory_space<hbm>> -> memref<2x128xi32, #tpu.memory_space<hbm>>
      %dma_wait3A_404 = arith.constant 0 : i32
      %dma_wait3A_405 = arith.constant 0 : i32
      %dma_wait3A_406 = tpu.memref_slice %arg5[%run_scoped3A_231, %dma_wait3A_404, %dma_wait3A_405] : memref<3x2x128xi32, #tpu.memory_space<vmem>> -> memref<1x2x128xi32, #tpu.memory_space<vmem>>
      %dma_wait3A_407 = tpu.memref_squeeze %dma_wait3A_406 : memref<1x2x128xi32, #tpu.memory_space<vmem>> -> memref<2x128xi32, #tpu.memory_space<vmem>>
      %dma_wait3A_408 = arith.constant 0 : i32
      %dma_wait3A_409 = arith.constant 0 : i32
      %dma_wait3A_410 = tpu.memref_slice %arg3[%add3A_230, %dma_wait3A_408, %dma_wait3A_409] : memref<2500x2x128xi32, #tpu.memory_space<hbm>> -> memref<1x2x128xi32, #tpu.memory_space<hbm>>
      %dma_wait3A_411 = tpu.memref_squeeze %dma_wait3A_410 : memref<1x2x128xi32, #tpu.memory_space<hbm>> -> memref<2x128xi32, #tpu.memory_space<hbm>>
      tpu.wait_dma2 semaphore(%run_scoped3A_379 : memref<!tpu.dma_semaphore, #tpu.memory_space<semaphore_mem>>) src(%dma_wait3A_411 : memref<2x128xi32, #tpu.memory_space<hbm>>) dst(%dma_wait3A_407 : memref<2x128xi32, #tpu.memory_space<vmem>>)
      tpu.yield
    }) : () -> ()
    %dma_start3A_232 = arith.constant 2 : i32
    %dma_start3A_233 = arith.constant 0 : i32
    %dma_start3A_234 = arith.constant 2 : i32
    %dma_start3A_235 = arith.constant 0 : i32
    %dma_start3A_236 = arith.constant 0 : i32
    %dma_start3A_237 = tpu.memref_slice %arg6[%dma_start3A_234, %dma_start3A_235, %dma_start3A_236] : memref<3x128x128xf32, #tpu.memory_space<vmem>> -> memref<1x128x128xf32, #tpu.memory_space<vmem>>
    %dma_start3A_238 = tpu.memref_squeeze %dma_start3A_237 : memref<1x128x128xf32, #tpu.memory_space<vmem>> -> memref<128x128xf32, #tpu.memory_space<vmem>>
    %dma_start3A_239 = arith.constant 0 : i32
    %dma_start3A_240 = tpu.memref_slice %arg5[%dma_start3A_232, %dma_start3A_233, %dma_start3A_239] : memref<3x2x128xi32, #tpu.memory_space<vmem>> -> memref<1x1x128xi32, #tpu.memory_space<vmem>>
    %dma_start3A_241 = tpu.memref_squeeze %dma_start3A_240 : memref<1x1x128xi32, #tpu.memory_space<vmem>> -> memref<128xi32, #tpu.memory_space<vmem>>
    %dma_start3A_242 = arith.constant 0 : i32
    %dma_start3A_243 = arith.constant 0 : i32
    %dma_start3A_244 = tpu.memref_slice %arg2[%dma_start3A_242, %dma_start3A_243] : memref<10000x128xf32, #tpu.memory_space<hbm>> -> memref<10000x128xf32, #tpu.memory_space<hbm>>
    tpu.enqueue_indirect_dma source(%dma_start3A_244 : memref<10000x128xf32, #tpu.memory_space<hbm>>) target(%dma_start3A_238 : memref<128x128xf32, #tpu.memory_space<vmem>>) offsets(%dma_start3A_241 : memref<128xi32, #tpu.memory_space<vmem>>) semaphore(%arg10 : memref<!tpu.dma_semaphore, #tpu.memory_space<semaphore_mem>>)
    %dma_wait3A_245 = arith.constant 0 : i32
    %dma_wait3A_246 = arith.constant 0 : i32
    %dma_wait3A_247 = arith.constant 0 : i32
    %dma_wait3A_248 = arith.constant 0 : i32
    %dma_wait3A_249 = arith.constant 0 : i32
    %dma_wait3A_250 = tpu.memref_slice %arg6[%dma_wait3A_247, %dma_wait3A_248, %dma_wait3A_249] : memref<3x128x128xf32, #tpu.memory_space<vmem>> -> memref<1x128x128xf32, #tpu.memory_space<vmem>>
    %dma_wait3A_251 = tpu.memref_squeeze %dma_wait3A_250 : memref<1x128x128xf32, #tpu.memory_space<vmem>> -> memref<128x128xf32, #tpu.memory_space<vmem>>
    %dma_wait3A_252 = arith.constant 0 : i32
    %dma_wait3A_253 = tpu.memref_slice %arg5[%dma_wait3A_245, %dma_wait3A_246, %dma_wait3A_252] : memref<3x2x128xi32, #tpu.memory_space<vmem>> -> memref<1x1x128xi32, #tpu.memory_space<vmem>>
    %dma_wait3A_254 = tpu.memref_squeeze %dma_wait3A_253 : memref<1x1x128xi32, #tpu.memory_space<vmem>> -> memref<128xi32, #tpu.memory_space<vmem>>
    %dma_wait3A_255 = arith.constant 0 : i32
    %dma_wait3A_256 = arith.constant 0 : i32
    %dma_wait3A_257 = tpu.memref_slice %arg2[%dma_wait3A_255, %dma_wait3A_256] : memref<10000x128xf32, #tpu.memory_space<hbm>> -> memref<10000x128xf32, #tpu.memory_space<hbm>>
    tpu.wait_indirect_dma semaphore(%arg8 : memref<!tpu.dma_semaphore, #tpu.memory_space<semaphore_mem>>) src(%dma_wait3A_257 : memref<10000x128xf32, #tpu.memory_space<hbm>>) dst(%dma_wait3A_251 : memref<128x128xf32, #tpu.memory_space<vmem>>)
    %dma_start3A_258 = arith.constant 0 : i32
    %dma_start3A_259 = arith.constant 0 : i32
    %dma_start3A_260 = arith.constant 1 : i32
    %dma_start3A_261 = arith.constant 0 : i32
    %dma_start3A_262 = arith.constant 0 : i32
    %dma_start3A_263 = tpu.memref_slice %arg6[%dma_start3A_258, %dma_start3A_261, %dma_start3A_262] : memref<3x128x128xf32, #tpu.memory_space<vmem>> -> memref<1x128x128xf32, #tpu.memory_space<vmem>>
    %dma_start3A_264 = tpu.memref_squeeze %dma_start3A_263 : memref<1x128x128xf32, #tpu.memory_space<vmem>> -> memref<128x128xf32, #tpu.memory_space<vmem>>
    %dma_start3A_265 = arith.constant 0 : i32
    %dma_start3A_266 = tpu.memref_slice %arg5[%dma_start3A_259, %dma_start3A_260, %dma_start3A_265] : memref<3x2x128xi32, #tpu.memory_space<vmem>> -> memref<1x1x128xi32, #tpu.memory_space<vmem>>
    %dma_start3A_267 = tpu.memref_squeeze %dma_start3A_266 : memref<1x1x128xi32, #tpu.memory_space<vmem>> -> memref<128xi32, #tpu.memory_space<vmem>>
    %dma_start3A_268 = arith.constant 0 : i32
    %dma_start3A_269 = arith.constant 0 : i32
    %dma_start3A_270 = tpu.memref_slice %arg7[%dma_start3A_268, %dma_start3A_269] : memref<10000x128xf32, #tpu.memory_space<vmem_shared>> -> memref<10000x128xf32, #tpu.memory_space<vmem_shared>>
    tpu.enqueue_indirect_dma source(%dma_start3A_264 : memref<128x128xf32, #tpu.memory_space<vmem>>) target(%dma_start3A_270 : memref<10000x128xf32, #tpu.memory_space<vmem_shared>>) offsets(%dma_start3A_267 : memref<128xi32, #tpu.memory_space<vmem>>) semaphore(%arg11 : memref<!tpu.dma_semaphore, #tpu.memory_space<semaphore_mem>>) {add = true}
    %dma_wait3A_271 = arith.constant 0 : i32
    %dma_wait3A_272 = arith.constant 0 : i32
    %dma_wait3A_273 = arith.constant 1 : i32
    %dma_wait3A_274 = arith.constant 0 : i32
    %dma_wait3A_275 = arith.constant 0 : i32
    %dma_wait3A_276 = tpu.memref_slice %arg6[%dma_wait3A_271, %dma_wait3A_274, %dma_wait3A_275] : memref<3x128x128xf32, #tpu.memory_space<vmem>> -> memref<1x128x128xf32, #tpu.memory_space<vmem>>
    %dma_wait3A_277 = tpu.memref_squeeze %dma_wait3A_276 : memref<1x128x128xf32, #tpu.memory_space<vmem>> -> memref<128x128xf32, #tpu.memory_space<vmem>>
    %dma_wait3A_278 = arith.constant 0 : i32
    %dma_wait3A_279 = tpu.memref_slice %arg5[%dma_wait3A_272, %dma_wait3A_273, %dma_wait3A_278] : memref<3x2x128xi32, #tpu.memory_space<vmem>> -> memref<1x1x128xi32, #tpu.memory_space<vmem>>
    %dma_wait3A_280 = tpu.memref_squeeze %dma_wait3A_279 : memref<1x1x128xi32, #tpu.memory_space<vmem>> -> memref<128xi32, #tpu.memory_space<vmem>>
    %dma_wait3A_281 = arith.constant 0 : i32
    %dma_wait3A_282 = arith.constant 0 : i32
    %dma_wait3A_283 = tpu.memref_slice %arg7[%dma_wait3A_281, %dma_wait3A_282] : memref<10000x128xf32, #tpu.memory_space<vmem_shared>> -> memref<10000x128xf32, #tpu.memory_space<vmem_shared>>
    tpu.wait_indirect_dma semaphore(%arg11 : memref<!tpu.dma_semaphore, #tpu.memory_space<semaphore_mem>>) src(%dma_wait3A_277 : memref<128x128xf32, #tpu.memory_space<vmem>>) dst(%dma_wait3A_283 : memref<10000x128xf32, #tpu.memory_space<vmem_shared>>)
    %dma_wait3A_284 = arith.constant 1 : i32
    %dma_wait3A_285 = arith.constant 0 : i32
    %dma_wait3A_286 = arith.constant 1 : i32
    %dma_wait3A_287 = arith.constant 0 : i32
    %dma_wait3A_288 = arith.constant 0 : i32
    %dma_wait3A_289 = tpu.memref_slice %arg6[%dma_wait3A_286, %dma_wait3A_287, %dma_wait3A_288] : memref<3x128x128xf32, #tpu.memory_space<vmem>> -> memref<1x128x128xf32, #tpu.memory_space<vmem>>
    %dma_wait3A_290 = tpu.memref_squeeze %dma_wait3A_289 : memref<1x128x128xf32, #tpu.memory_space<vmem>> -> memref<128x128xf32, #tpu.memory_space<vmem>>
    %dma_wait3A_291 = arith.constant 0 : i32
    %dma_wait3A_292 = tpu.memref_slice %arg5[%dma_wait3A_284, %dma_wait3A_285, %dma_wait3A_291] : memref<3x2x128xi32, #tpu.memory_space<vmem>> -> memref<1x1x128xi32, #tpu.memory_space<vmem>>
    %dma_wait3A_293 = tpu.memref_squeeze %dma_wait3A_292 : memref<1x1x128xi32, #tpu.memory_space<vmem>> -> memref<128xi32, #tpu.memory_space<vmem>>
    %dma_wait3A_294 = arith.constant 0 : i32
    %dma_wait3A_295 = arith.constant 0 : i32
    %dma_wait3A_296 = tpu.memref_slice %arg2[%dma_wait3A_294, %dma_wait3A_295] : memref<10000x128xf32, #tpu.memory_space<hbm>> -> memref<10000x128xf32, #tpu.memory_space<hbm>>
    tpu.wait_indirect_dma semaphore(%arg9 : memref<!tpu.dma_semaphore, #tpu.memory_space<semaphore_mem>>) src(%dma_wait3A_296 : memref<10000x128xf32, #tpu.memory_space<hbm>>) dst(%dma_wait3A_290 : memref<128x128xf32, #tpu.memory_space<vmem>>)
    %dma_start3A_297 = arith.constant 1 : i32
    %dma_start3A_298 = arith.constant 1 : i32
    %dma_start3A_299 = arith.constant 1 : i32
    %dma_start3A_300 = arith.constant 0 : i32
    %dma_start3A_301 = arith.constant 0 : i32
    %dma_start3A_302 = tpu.memref_slice %arg6[%dma_start3A_297, %dma_start3A_300, %dma_start3A_301] : memref<3x128x128xf32, #tpu.memory_space<vmem>> -> memref<1x128x128xf32, #tpu.memory_space<vmem>>
    %dma_start3A_303 = tpu.memref_squeeze %dma_start3A_302 : memref<1x128x128xf32, #tpu.memory_space<vmem>> -> memref<128x128xf32, #tpu.memory_space<vmem>>
    %dma_start3A_304 = arith.constant 0 : i32
    %dma_start3A_305 = tpu.memref_slice %arg5[%dma_start3A_298, %dma_start3A_299, %dma_start3A_304] : memref<3x2x128xi32, #tpu.memory_space<vmem>> -> memref<1x1x128xi32, #tpu.memory_space<vmem>>
    %dma_start3A_306 = tpu.memref_squeeze %dma_start3A_305 : memref<1x1x128xi32, #tpu.memory_space<vmem>> -> memref<128xi32, #tpu.memory_space<vmem>>
    %dma_start3A_307 = arith.constant 0 : i32
    %dma_start3A_308 = arith.constant 0 : i32
    %dma_start3A_309 = tpu.memref_slice %arg7[%dma_start3A_307, %dma_start3A_308] : memref<10000x128xf32, #tpu.memory_space<vmem_shared>> -> memref<10000x128xf32, #tpu.memory_space<vmem_shared>>
    tpu.enqueue_indirect_dma source(%dma_start3A_303 : memref<128x128xf32, #tpu.memory_space<vmem>>) target(%dma_start3A_309 : memref<10000x128xf32, #tpu.memory_space<vmem_shared>>) offsets(%dma_start3A_306 : memref<128xi32, #tpu.memory_space<vmem>>) semaphore(%arg12 : memref<!tpu.dma_semaphore, #tpu.memory_space<semaphore_mem>>) {add = true}
    %dma_wait3A_310 = arith.constant 1 : i32
    %dma_wait3A_311 = arith.constant 1 : i32
    %dma_wait3A_312 = arith.constant 1 : i32
    %dma_wait3A_313 = arith.constant 0 : i32
    %dma_wait3A_314 = arith.constant 0 : i32
    %dma_wait3A_315 = tpu.memref_slice %arg6[%dma_wait3A_310, %dma_wait3A_313, %dma_wait3A_314] : memref<3x128x128xf32, #tpu.memory_space<vmem>> -> memref<1x128x128xf32, #tpu.memory_space<vmem>>
    %dma_wait3A_316 = tpu.memref_squeeze %dma_wait3A_315 : memref<1x128x128xf32, #tpu.memory_space<vmem>> -> memref<128x128xf32, #tpu.memory_space<vmem>>
    %dma_wait3A_317 = arith.constant 0 : i32
    %dma_wait3A_318 = tpu.memref_slice %arg5[%dma_wait3A_311, %dma_wait3A_312, %dma_wait3A_317] : memref<3x2x128xi32, #tpu.memory_space<vmem>> -> memref<1x1x128xi32, #tpu.memory_space<vmem>>
    %dma_wait3A_319 = tpu.memref_squeeze %dma_wait3A_318 : memref<1x1x128xi32, #tpu.memory_space<vmem>> -> memref<128xi32, #tpu.memory_space<vmem>>
    %dma_wait3A_320 = arith.constant 0 : i32
    %dma_wait3A_321 = arith.constant 0 : i32
    %dma_wait3A_322 = tpu.memref_slice %arg7[%dma_wait3A_320, %dma_wait3A_321] : memref<10000x128xf32, #tpu.memory_space<vmem_shared>> -> memref<10000x128xf32, #tpu.memory_space<vmem_shared>>
    tpu.wait_indirect_dma semaphore(%arg12 : memref<!tpu.dma_semaphore, #tpu.memory_space<semaphore_mem>>) src(%dma_wait3A_316 : memref<128x128xf32, #tpu.memory_space<vmem>>) dst(%dma_wait3A_322 : memref<10000x128xf32, #tpu.memory_space<vmem_shared>>)
    %dma_wait3A_323 = arith.constant 2 : i32
    %dma_wait3A_324 = arith.constant 0 : i32
    %dma_wait3A_325 = arith.constant 2 : i32
    %dma_wait3A_326 = arith.constant 0 : i32
    %dma_wait3A_327 = arith.constant 0 : i32
    %dma_wait3A_328 = tpu.memref_slice %arg6[%dma_wait3A_325, %dma_wait3A_326, %dma_wait3A_327] : memref<3x128x128xf32, #tpu.memory_space<vmem>> -> memref<1x128x128xf32, #tpu.memory_space<vmem>>
    %dma_wait3A_329 = tpu.memref_squeeze %dma_wait3A_328 : memref<1x128x128xf32, #tpu.memory_space<vmem>> -> memref<128x128xf32, #tpu.memory_space<vmem>>
    %dma_wait3A_330 = arith.constant 0 : i32
    %dma_wait3A_331 = tpu.memref_slice %arg5[%dma_wait3A_323, %dma_wait3A_324, %dma_wait3A_330] : memref<3x2x128xi32, #tpu.memory_space<vmem>> -> memref<1x1x128xi32, #tpu.memory_space<vmem>>
    %dma_wait3A_332 = tpu.memref_squeeze %dma_wait3A_331 : memref<1x1x128xi32, #tpu.memory_space<vmem>> -> memref<128xi32, #tpu.memory_space<vmem>>
    %dma_wait3A_333 = arith.constant 0 : i32
    %dma_wait3A_334 = arith.constant 0 : i32
    %dma_wait3A_335 = tpu.memref_slice %arg2[%dma_wait3A_333, %dma_wait3A_334] : memref<10000x128xf32, #tpu.memory_space<hbm>> -> memref<10000x128xf32, #tpu.memory_space<hbm>>
    tpu.wait_indirect_dma semaphore(%arg10 : memref<!tpu.dma_semaphore, #tpu.memory_space<semaphore_mem>>) src(%dma_wait3A_335 : memref<10000x128xf32, #tpu.memory_space<hbm>>) dst(%dma_wait3A_329 : memref<128x128xf32, #tpu.memory_space<vmem>>)
    %dma_start3A_336 = arith.constant 2 : i32
    %dma_start3A_337 = arith.constant 2 : i32
    %dma_start3A_338 = arith.constant 1 : i32
    %dma_start3A_339 = arith.constant 0 : i32
    %dma_start3A_340 = arith.constant 0 : i32
    %dma_start3A_341 = tpu.memref_slice %arg6[%dma_start3A_336, %dma_start3A_339, %dma_start3A_340] : memref<3x128x128xf32, #tpu.memory_space<vmem>> -> memref<1x128x128xf32, #tpu.memory_space<vmem>>
    %dma_start3A_342 = tpu.memref_squeeze %dma_start3A_341 : memref<1x128x128xf32, #tpu.memory_space<vmem>> -> memref<128x128xf32, #tpu.memory_space<vmem>>
    %dma_start3A_343 = arith.constant 0 : i32
    %dma_start3A_344 = tpu.memref_slice %arg5[%dma_start3A_337, %dma_start3A_338, %dma_start3A_343] : memref<3x2x128xi32, #tpu.memory_space<vmem>> -> memref<1x1x128xi32, #tpu.memory_space<vmem>>
    %dma_start3A_345 = tpu.memref_squeeze %dma_start3A_344 : memref<1x1x128xi32, #tpu.memory_space<vmem>> -> memref<128xi32, #tpu.memory_space<vmem>>
    %dma_start3A_346 = arith.constant 0 : i32
    %dma_start3A_347 = arith.constant 0 : i32
    %dma_start3A_348 = tpu.memref_slice %arg7[%dma_start3A_346, %dma_start3A_347] : memref<10000x128xf32, #tpu.memory_space<vmem_shared>> -> memref<10000x128xf32, #tpu.memory_space<vmem_shared>>
    tpu.enqueue_indirect_dma source(%dma_start3A_342 : memref<128x128xf32, #tpu.memory_space<vmem>>) target(%dma_start3A_348 : memref<10000x128xf32, #tpu.memory_space<vmem_shared>>) offsets(%dma_start3A_345 : memref<128xi32, #tpu.memory_space<vmem>>) semaphore(%arg13 : memref<!tpu.dma_semaphore, #tpu.memory_space<semaphore_mem>>) {add = true}
    %dma_wait3A_349 = arith.constant 2 : i32
    %dma_wait3A_350 = arith.constant 2 : i32
    %dma_wait3A_351 = arith.constant 1 : i32
    %dma_wait3A_352 = arith.constant 0 : i32
    %dma_wait3A_353 = arith.constant 0 : i32
    %dma_wait3A_354 = tpu.memref_slice %arg6[%dma_wait3A_349, %dma_wait3A_352, %dma_wait3A_353] : memref<3x128x128xf32, #tpu.memory_space<vmem>> -> memref<1x128x128xf32, #tpu.memory_space<vmem>>
    %dma_wait3A_355 = tpu.memref_squeeze %dma_wait3A_354 : memref<1x128x128xf32, #tpu.memory_space<vmem>> -> memref<128x128xf32, #tpu.memory_space<vmem>>
    %dma_wait3A_356 = arith.constant 0 : i32
    %dma_wait3A_357 = tpu.memref_slice %arg5[%dma_wait3A_350, %dma_wait3A_351, %dma_wait3A_356] : memref<3x2x128xi32, #tpu.memory_space<vmem>> -> memref<1x1x128xi32, #tpu.memory_space<vmem>>
    %dma_wait3A_358 = tpu.memref_squeeze %dma_wait3A_357 : memref<1x1x128xi32, #tpu.memory_space<vmem>> -> memref<128xi32, #tpu.memory_space<vmem>>
    %dma_wait3A_359 = arith.constant 0 : i32
    %dma_wait3A_360 = arith.constant 0 : i32
    %dma_wait3A_361 = tpu.memref_slice %arg7[%dma_wait3A_359, %dma_wait3A_360] : memref<10000x128xf32, #tpu.memory_space<vmem_shared>> -> memref<10000x128xf32, #tpu.memory_space<vmem_shared>>
    tpu.wait_indirect_dma semaphore(%arg13 : memref<!tpu.dma_semaphore, #tpu.memory_space<semaphore_mem>>) src(%dma_wait3A_355 : memref<128x128xf32, #tpu.memory_space<vmem>>) dst(%dma_wait3A_361 : memref<10000x128xf32, #tpu.memory_space<vmem_shared>>)
    %lt3A = arith.constant 4 : i32
    %lt3A_362 = arith.cmpi slt, %add3A, %lt3A : i32
    %convert_element_type3A_363 = arith.extui %lt3A_362 : i1 to i32
    %cond3A_364 = arith.constant 0 : i32
    %cond3A_365 = arith.cmpi ne, %convert_element_type3A_363, %cond3A_364 : i32
    scf.if %cond3A_365 {
      %add3A_379 = arith.constant 2496 : i32
      %add3A_380 = arith.addi %add3A_379, %add3A : i32
      %run_scoped3A_381 = arith.constant 0 : i32
      "tpu.region"() ({
        %run_scoped3A_434 = tpu.sem_alloc : memref<!tpu.dma_semaphore, #tpu.memory_space<semaphore_mem>>
        %dma_start3A_435 = arith.constant 0 : i32
        %dma_start3A_436 = arith.constant 0 : i32
        %dma_start3A_437 = tpu.memref_slice %arg5[%run_scoped3A_381, %dma_start3A_435, %dma_start3A_436] : memref<3x2x128xi32, #tpu.memory_space<vmem>> -> memref<1x2x128xi32, #tpu.memory_space<vmem>>
        %dma_start3A_438 = tpu.memref_squeeze %dma_start3A_437 : memref<1x2x128xi32, #tpu.memory_space<vmem>> -> memref<2x128xi32, #tpu.memory_space<vmem>>
        %dma_start3A_439 = arith.constant 0 : i32
        %dma_start3A_440 = arith.constant 0 : i32
        %dma_start3A_441 = tpu.memref_slice %arg3[%add3A_380, %dma_start3A_439, %dma_start3A_440] : memref<2500x2x128xi32, #tpu.memory_space<hbm>> -> memref<1x2x128xi32, #tpu.memory_space<hbm>>
        %dma_start3A_442 = tpu.memref_squeeze %dma_start3A_441 : memref<1x2x128xi32, #tpu.memory_space<hbm>> -> memref<2x128xi32, #tpu.memory_space<hbm>>
        %dma_start3A_443 = arith.constant 0 : i32
        %dma_start3A_444 = arith.constant 0 : i32
        %dma_start3A_445 = tpu.memref_slice %arg5[%run_scoped3A_381, %dma_start3A_443, %dma_start3A_444] : memref<3x2x128xi32, #tpu.memory_space<vmem>> -> memref<1x2x128xi32, #tpu.memory_space<vmem>>
        %dma_start3A_446 = tpu.memref_squeeze %dma_start3A_445 : memref<1x2x128xi32, #tpu.memory_space<vmem>> -> memref<2x128xi32, #tpu.memory_space<vmem>>
        %dma_start3A_447 = arith.constant 0 : i32
        %dma_start3A_448 = arith.constant 0 : i32
        %dma_start3A_449 = tpu.memref_slice %arg3[%add3A_380, %dma_start3A_447, %dma_start3A_448] : memref<2500x2x128xi32, #tpu.memory_space<hbm>> -> memref<1x2x128xi32, #tpu.memory_space<hbm>>
        %dma_start3A_450 = tpu.memref_squeeze %dma_start3A_449 : memref<1x2x128xi32, #tpu.memory_space<hbm>> -> memref<2x128xi32, #tpu.memory_space<hbm>>
        tpu.enqueue_dma source(%dma_start3A_450 : memref<2x128xi32, #tpu.memory_space<hbm>>) target(%dma_start3A_446 : memref<2x128xi32, #tpu.memory_space<vmem>>) target_semaphore(%run_scoped3A_434 : memref<!tpu.dma_semaphore, #tpu.memory_space<semaphore_mem>>)
        %dma_wait3A_451 = arith.constant 0 : i32
        %dma_wait3A_452 = arith.constant 0 : i32
        %dma_wait3A_453 = tpu.memref_slice %arg5[%run_scoped3A_381, %dma_wait3A_451, %dma_wait3A_452] : memref<3x2x128xi32, #tpu.memory_space<vmem>> -> memref<1x2x128xi32, #tpu.memory_space<vmem>>
        %dma_wait3A_454 = tpu.memref_squeeze %dma_wait3A_453 : memref<1x2x128xi32, #tpu.memory_space<vmem>> -> memref<2x128xi32, #tpu.memory_space<vmem>>
        %dma_wait3A_455 = arith.constant 0 : i32
        %dma_wait3A_456 = arith.constant 0 : i32
        %dma_wait3A_457 = tpu.memref_slice %arg3[%add3A_380, %dma_wait3A_455, %dma_wait3A_456] : memref<2500x2x128xi32, #tpu.memory_space<hbm>> -> memref<1x2x128xi32, #tpu.memory_space<hbm>>
        %dma_wait3A_458 = tpu.memref_squeeze %dma_wait3A_457 : memref<1x2x128xi32, #tpu.memory_space<hbm>> -> memref<2x128xi32, #tpu.memory_space<hbm>>
        %dma_wait3A_459 = arith.constant 0 : i32
        %dma_wait3A_460 = arith.constant 0 : i32
        %dma_wait3A_461 = tpu.memref_slice %arg5[%run_scoped3A_381, %dma_wait3A_459, %dma_wait3A_460] : memref<3x2x128xi32, #tpu.memory_space<vmem>> -> memref<1x2x128xi32, #tpu.memory_space<vmem>>
        %dma_wait3A_462 = tpu.memref_squeeze %dma_wait3A_461 : memref<1x2x128xi32, #tpu.memory_space<vmem>> -> memref<2x128xi32, #tpu.memory_space<vmem>>
        %dma_wait3A_463 = arith.constant 0 : i32
        %dma_wait3A_464 = arith.constant 0 : i32
        %dma_wait3A_465 = tpu.memref_slice %arg3[%add3A_380, %dma_wait3A_463, %dma_wait3A_464] : memref<2500x2x128xi32, #tpu.memory_space<hbm>> -> memref<1x2x128xi32, #tpu.memory_space<hbm>>
        %dma_wait3A_466 = tpu.memref_squeeze %dma_wait3A_465 : memref<1x2x128xi32, #tpu.memory_space<hbm>> -> memref<2x128xi32, #tpu.memory_space<hbm>>
        tpu.wait_dma2 semaphore(%run_scoped3A_434 : memref<!tpu.dma_semaphore, #tpu.memory_space<semaphore_mem>>) src(%dma_wait3A_466 : memref<2x128xi32, #tpu.memory_space<hbm>>) dst(%dma_wait3A_462 : memref<2x128xi32, #tpu.memory_space<vmem>>)
        tpu.yield
      }) : () -> ()
      %dma_start3A_382 = arith.constant 0 : i32
      %dma_start3A_383 = arith.constant 0 : i32
      %dma_start3A_384 = arith.constant 0 : i32
      %dma_start3A_385 = arith.constant 0 : i32
      %dma_start3A_386 = arith.constant 0 : i32
      %dma_start3A_387 = tpu.memref_slice %arg6[%dma_start3A_384, %dma_start3A_385, %dma_start3A_386] : memref<3x128x128xf32, #tpu.memory_space<vmem>> -> memref<1x128x128xf32, #tpu.memory_space<vmem>>
      %dma_start3A_388 = tpu.memref_squeeze %dma_start3A_387 : memref<1x128x128xf32, #tpu.memory_space<vmem>> -> memref<128x128xf32, #tpu.memory_space<vmem>>
      %dma_start3A_389 = arith.constant 0 : i32
      %dma_start3A_390 = tpu.memref_slice %arg5[%dma_start3A_382, %dma_start3A_383, %dma_start3A_389] : memref<3x2x128xi32, #tpu.memory_space<vmem>> -> memref<1x1x128xi32, #tpu.memory_space<vmem>>
      %dma_start3A_391 = tpu.memref_squeeze %dma_start3A_390 : memref<1x1x128xi32, #tpu.memory_space<vmem>> -> memref<128xi32, #tpu.memory_space<vmem>>
      %dma_start3A_392 = arith.constant 0 : i32
      %dma_start3A_393 = arith.constant 0 : i32
      %dma_start3A_394 = tpu.memref_slice %arg2[%dma_start3A_392, %dma_start3A_393] : memref<10000x128xf32, #tpu.memory_space<hbm>> -> memref<10000x128xf32, #tpu.memory_space<hbm>>
      tpu.enqueue_indirect_dma source(%dma_start3A_394 : memref<10000x128xf32, #tpu.memory_space<hbm>>) target(%dma_start3A_388 : memref<128x128xf32, #tpu.memory_space<vmem>>) offsets(%dma_start3A_391 : memref<128xi32, #tpu.memory_space<vmem>>) semaphore(%arg8 : memref<!tpu.dma_semaphore, #tpu.memory_space<semaphore_mem>>)
      %dma_wait3A_395 = arith.constant 0 : i32
      %dma_wait3A_396 = arith.constant 0 : i32
      %dma_wait3A_397 = arith.constant 0 : i32
      %dma_wait3A_398 = arith.constant 0 : i32
      %dma_wait3A_399 = arith.constant 0 : i32
      %dma_wait3A_400 = tpu.memref_slice %arg6[%dma_wait3A_397, %dma_wait3A_398, %dma_wait3A_399] : memref<3x128x128xf32, #tpu.memory_space<vmem>> -> memref<1x128x128xf32, #tpu.memory_space<vmem>>
      %dma_wait3A_401 = tpu.memref_squeeze %dma_wait3A_400 : memref<1x128x128xf32, #tpu.memory_space<vmem>> -> memref<128x128xf32, #tpu.memory_space<vmem>>
      %dma_wait3A_402 = arith.constant 0 : i32
      %dma_wait3A_403 = tpu.memref_slice %arg5[%dma_wait3A_395, %dma_wait3A_396, %dma_wait3A_402] : memref<3x2x128xi32, #tpu.memory_space<vmem>> -> memref<1x1x128xi32, #tpu.memory_space<vmem>>
      %dma_wait3A_404 = tpu.memref_squeeze %dma_wait3A_403 : memref<1x1x128xi32, #tpu.memory_space<vmem>> -> memref<128xi32, #tpu.memory_space<vmem>>
      %dma_wait3A_405 = arith.constant 0 : i32
      %dma_wait3A_406 = arith.constant 0 : i32
      %dma_wait3A_407 = tpu.memref_slice %arg2[%dma_wait3A_405, %dma_wait3A_406] : memref<10000x128xf32, #tpu.memory_space<hbm>> -> memref<10000x128xf32, #tpu.memory_space<hbm>>
      tpu.wait_indirect_dma semaphore(%arg8 : memref<!tpu.dma_semaphore, #tpu.memory_space<semaphore_mem>>) src(%dma_wait3A_407 : memref<10000x128xf32, #tpu.memory_space<hbm>>) dst(%dma_wait3A_401 : memref<128x128xf32, #tpu.memory_space<vmem>>)
      %dma_start3A_408 = arith.constant 0 : i32
      %dma_start3A_409 = arith.constant 0 : i32
      %dma_start3A_410 = arith.constant 1 : i32
      %dma_start3A_411 = arith.constant 0 : i32
      %dma_start3A_412 = arith.constant 0 : i32
      %dma_start3A_413 = tpu.memref_slice %arg6[%dma_start3A_408, %dma_start3A_411, %dma_start3A_412] : memref<3x128x128xf32, #tpu.memory_space<vmem>> -> memref<1x128x128xf32, #tpu.memory_space<vmem>>
      %dma_start3A_414 = tpu.memref_squeeze %dma_start3A_413 : memref<1x128x128xf32, #tpu.memory_space<vmem>> -> memref<128x128xf32, #tpu.memory_space<vmem>>
      %dma_start3A_415 = arith.constant 0 : i32
      %dma_start3A_416 = tpu.memref_slice %arg5[%dma_start3A_409, %dma_start3A_410, %dma_start3A_415] : memref<3x2x128xi32, #tpu.memory_space<vmem>> -> memref<1x1x128xi32, #tpu.memory_space<vmem>>
      %dma_start3A_417 = tpu.memref_squeeze %dma_start3A_416 : memref<1x1x128xi32, #tpu.memory_space<vmem>> -> memref<128xi32, #tpu.memory_space<vmem>>
      %dma_start3A_418 = arith.constant 0 : i32
      %dma_start3A_419 = arith.constant 0 : i32
      %dma_start3A_420 = tpu.memref_slice %arg7[%dma_start3A_418, %dma_start3A_419] : memref<10000x128xf32, #tpu.memory_space<vmem_shared>> -> memref<10000x128xf32, #tpu.memory_space<vmem_shared>>
      tpu.enqueue_indirect_dma source(%dma_start3A_414 : memref<128x128xf32, #tpu.memory_space<vmem>>) target(%dma_start3A_420 : memref<10000x128xf32, #tpu.memory_space<vmem_shared>>) offsets(%dma_start3A_417 : memref<128xi32, #tpu.memory_space<vmem>>) semaphore(%arg11 : memref<!tpu.dma_semaphore, #tpu.memory_space<semaphore_mem>>) {add = true}
      %dma_wait3A_421 = arith.constant 0 : i32
      %dma_wait3A_422 = arith.constant 0 : i32
      %dma_wait3A_423 = arith.constant 1 : i32
      %dma_wait3A_424 = arith.constant 0 : i32
      %dma_wait3A_425 = arith.constant 0 : i32
      %dma_wait3A_426 = tpu.memref_slice %arg6[%dma_wait3A_421, %dma_wait3A_424, %dma_wait3A_425] : memref<3x128x128xf32, #tpu.memory_space<vmem>> -> memref<1x128x128xf32, #tpu.memory_space<vmem>>
      %dma_wait3A_427 = tpu.memref_squeeze %dma_wait3A_426 : memref<1x128x128xf32, #tpu.memory_space<vmem>> -> memref<128x128xf32, #tpu.memory_space<vmem>>
      %dma_wait3A_428 = arith.constant 0 : i32
      %dma_wait3A_429 = tpu.memref_slice %arg5[%dma_wait3A_422, %dma_wait3A_423, %dma_wait3A_428] : memref<3x2x128xi32, #tpu.memory_space<vmem>> -> memref<1x1x128xi32, #tpu.memory_space<vmem>>
      %dma_wait3A_430 = tpu.memref_squeeze %dma_wait3A_429 : memref<1x1x128xi32, #tpu.memory_space<vmem>> -> memref<128xi32, #tpu.memory_space<vmem>>
      %dma_wait3A_431 = arith.constant 0 : i32
      %dma_wait3A_432 = arith.constant 0 : i32
      %dma_wait3A_433 = tpu.memref_slice %arg7[%dma_wait3A_431, %dma_wait3A_432] : memref<10000x128xf32, #tpu.memory_space<vmem_shared>> -> memref<10000x128xf32, #tpu.memory_space<vmem_shared>>
      tpu.wait_indirect_dma semaphore(%arg11 : memref<!tpu.dma_semaphore, #tpu.memory_space<semaphore_mem>>) src(%dma_wait3A_427 : memref<128x128xf32, #tpu.memory_space<vmem>>) dst(%dma_wait3A_433 : memref<10000x128xf32, #tpu.memory_space<vmem_shared>>)
    } else {
    }
    %barrier3A_366 = arith.constant 0 : index
    tpu.barrier barrier_id(%barrier3A_366)
    %mul3A_367 = arith.constant 624 : i32
    %mul3A_368 = arith.muli %arg1, %mul3A_367 : i32
    %mul3A_369 = arith.constant 10000 : i32
    %mul3A_370 = arith.muli %arg0, %mul3A_369 : i32
    %mul3A_371 = arith.constant 624 : i32
    %mul3A_372 = arith.muli %arg1, %mul3A_371 : i32
    %add3A_373 = arith.addi %mul3A_370, %mul3A_372 : i32
    "tpu.region"() ({
      %run_scoped3A_379 = tpu.sem_alloc : memref<!tpu.dma_semaphore, #tpu.memory_space<semaphore_mem>>
      %dma_start3A_380 = arith.constant 0 : i32
      %dma_start3A_381 = tpu.memref_slice %arg4[%add3A_373, %dma_start3A_380] : memref<20000x128xf32, #tpu.memory_space<hbm>> -> memref<624x128xf32, #tpu.memory_space<hbm>>
      %dma_start3A_382 = arith.constant 0 : i32
      %dma_start3A_383 = tpu.memref_slice %arg7[%mul3A_368, %dma_start3A_382] : memref<10000x128xf32, #tpu.memory_space<vmem_shared>> -> memref<624x128xf32, #tpu.memory_space<vmem_shared>>
      tpu.enqueue_dma source(%dma_start3A_383 : memref<624x128xf32, #tpu.memory_space<vmem_shared>>) target(%dma_start3A_381 : memref<624x128xf32, #tpu.memory_space<hbm>>) target_semaphore(%run_scoped3A_379 : memref<!tpu.dma_semaphore, #tpu.memory_space<semaphore_mem>>)
      %dma_wait3A_384 = arith.constant 0 : i32
      %dma_wait3A_385 = tpu.memref_slice %arg4[%add3A_373, %dma_wait3A_384] : memref<20000x128xf32, #tpu.memory_space<hbm>> -> memref<624x128xf32, #tpu.memory_space<hbm>>
      %dma_wait3A_386 = arith.constant 0 : i32
      %dma_wait3A_387 = tpu.memref_slice %arg7[%mul3A_368, %dma_wait3A_386] : memref<10000x128xf32, #tpu.memory_space<vmem_shared>> -> memref<624x128xf32, #tpu.memory_space<vmem_shared>>
      tpu.wait_dma2 semaphore(%run_scoped3A_379 : memref<!tpu.dma_semaphore, #tpu.memory_space<semaphore_mem>>) src(%dma_wait3A_387 : memref<624x128xf32, #tpu.memory_space<vmem_shared>>) dst(%dma_wait3A_385 : memref<624x128xf32, #tpu.memory_space<hbm>>)
      tpu.yield
    }) : () -> ()
    %eq3A_374 = arith.constant 15 : i32
    %eq3A_375 = arith.cmpi eq, %arg1, %eq3A_374 : i32
    %convert_element_type3A_376 = arith.extui %eq3A_375 : i1 to i32
    %cond3A_377 = arith.constant 0 : i32
    %cond3A_378 = arith.cmpi ne, %convert_element_type3A_376, %cond3A_377 : i32
    scf.if %cond3A_378 {
      %mul3A_379 = arith.constant 10000 : i32
      %mul3A_380 = arith.muli %arg0, %mul3A_379 : i32
      %add3A_381 = arith.constant 9984 : i32
      %add3A_382 = arith.addi %mul3A_380, %add3A_381 : i32
      "tpu.region"() ({
        %run_scoped3A_383 = tpu.sem_alloc : memref<!tpu.dma_semaphore, #tpu.memory_space<semaphore_mem>>
        %dma_start3A_384 = arith.constant 0 : i32
        %dma_start3A_385 = tpu.memref_slice %arg4[%add3A_382, %dma_start3A_384] : memref<20000x128xf32, #tpu.memory_space<hbm>> -> memref<16x128xf32, #tpu.memory_space<hbm>>
        %dma_start3A_386 = arith.constant 9984 : i32
        %dma_start3A_387 = arith.constant 0 : i32
        %dma_start3A_388 = tpu.memref_slice %arg7[%dma_start3A_386, %dma_start3A_387] : memref<10000x128xf32, #tpu.memory_space<vmem_shared>> -> memref<16x128xf32, #tpu.memory_space<vmem_shared>>
        tpu.enqueue_dma source(%dma_start3A_388 : memref<16x128xf32, #tpu.memory_space<vmem_shared>>) target(%dma_start3A_385 : memref<16x128xf32, #tpu.memory_space<hbm>>) target_semaphore(%run_scoped3A_383 : memref<!tpu.dma_semaphore, #tpu.memory_space<semaphore_mem>>)
        %dma_wait3A_389 = arith.constant 0 : i32
        %dma_wait3A_390 = tpu.memref_slice %arg4[%add3A_382, %dma_wait3A_389] : memref<20000x128xf32, #tpu.memory_space<hbm>> -> memref<16x128xf32, #tpu.memory_space<hbm>>
        %dma_wait3A_391 = arith.constant 9984 : i32
        %dma_wait3A_392 = arith.constant 0 : i32
        %dma_wait3A_393 = tpu.memref_slice %arg7[%dma_wait3A_391, %dma_wait3A_392] : memref<10000x128xf32, #tpu.memory_space<vmem_shared>> -> memref<16x128xf32, #tpu.memory_space<vmem_shared>>
        tpu.wait_dma2 semaphore(%run_scoped3A_383 : memref<!tpu.dma_semaphore, #tpu.memory_space<semaphore_mem>>) src(%dma_wait3A_393 : memref<16x128xf32, #tpu.memory_space<vmem_shared>>) dst(%dma_wait3A_390 : memref<16x128xf32, #tpu.memory_space<hbm>>)
        tpu.yield
      }) : () -> ()
    } else {
    }
    return
  }
}

module attributes {stable_mosaic.version = 14 : i64} {
  func.func @_mid_body(%arg0: i32, %arg1: memref<2000x128xf32, #tpu.memory_space<vmem>>, %arg2: memref<2000x128xf32, #tpu.memory_space<vmem>>, %arg3: memref<2000x64xf32, #tpu.memory_space<vmem>>, %arg4: memref<128x64xf32, #tpu.memory_space<vmem>>, %arg5: memref<2000x128xf32, #tpu.memory_space<vmem>>) attributes {dimension_semantics = [#tpu.dimension_semantics<arbitrary>], iteration_bounds = array<i64: 5>, scalar_prefetch = 0 : i64, scratch_operands = 0 : i64, tpu.core_type = #tpu.core_type<tc>, window_params = [{transform_indices = @transform_0, window_bounds = array<i64: 2000, 128>}, {transform_indices = @transform_1, window_bounds = array<i64: 2000, 128>}, {transform_indices = @transform_2, window_bounds = array<i64: 2000, 64>}, {pipeline_mode = #tpu.pipeline_mode<synchronous>, transform_indices = @transform_3, window_bounds = array<i64: 128, 64>}, {transform_indices = @transform_4, window_bounds = array<i64: 2000, 128>}]} {
    %get3A = arith.constant 0 : index
    %get3A_0 = arith.constant 0 : index
    %get3A_1 = vector.load %arg1[%get3A, %get3A_0] : memref<2000x128xf32, #tpu.memory_space<vmem>>, vector<2000x128xf32>
    %get3A_2 = arith.constant 0 : index
    %get3A_3 = arith.constant 0 : index
    %get3A_4 = vector.load %arg2[%get3A_2, %get3A_3] : memref<2000x128xf32, #tpu.memory_space<vmem>>, vector<2000x128xf32>
    %add3A = arith.addf %get3A_1, %get3A_4 : vector<2000x128xf32>
    %get3A_5 = arith.constant 0 : index
    %get3A_6 = arith.constant 0 : index
    %get3A_7 = vector.load %arg4[%get3A_5, %get3A_6] : memref<128x64xf32, #tpu.memory_space<vmem>>, vector<128x64xf32>
    %dot_general3A = arith.constant dense<0.000000e+00> : vector<2000x64xf32>
    %dot_general3A_8 = tpu.matmul %add3A, %get3A_7, %dot_general3A {dimension_numbers = #tpu.dot_dimension_numbers<[1], [0], [0], [1], [0, 0, 1, 1], [], []>, transpose_lhs_hint = false} : vector<2000x128xf32>, vector<128x64xf32>, vector<2000x64xf32> -> vector<2000x64xf32>
    %get3A_9 = arith.constant 0 : index
    %get3A_10 = arith.constant 0 : index
    %get3A_11 = vector.load %arg3[%get3A_9, %get3A_10] : memref<2000x64xf32, #tpu.memory_space<vmem>>, vector<2000x64xf32>
    %add3A_12 = arith.addf %dot_general3A_8, %get3A_11 : vector<2000x64xf32>
    %max3A = arith.constant 0.000000e+00 : f32
    %max3A_13 = vector.broadcast %max3A : f32 to vector<2000x64xf32>
    %max3A_14 = arith.maximumf %add3A_12, %max3A_13 : vector<2000x64xf32>
    %broadcast_in_dim3A = arith.constant 0.000000e+00 : f32
    %broadcast_in_dim3A_15 = vector.broadcast %broadcast_in_dim3A : f32 to vector<2000x64xf32>
    %concatenate3A = tpu.concatenate %max3A_14, %broadcast_in_dim3A_15 in 1 : vector<2000x64xf32>, vector<2000x64xf32> -> vector<2000x128xf32>
    %swap3A = arith.constant 0 : index
    %swap3A_16 = arith.constant 0 : index
    %swap3A_17 = vector.load %arg5[%swap3A, %swap3A_16] : memref<2000x128xf32, #tpu.memory_space<vmem>>, vector<2000x128xf32>
    tpu.vector_store %arg5[%swap3A, %swap3A_16], %concatenate3A {strides = array<i32>} : memref<2000x128xf32, #tpu.memory_space<vmem>>, vector<2000x128xf32>,
    return
  }
  func.func @transform_0(%arg0: i32) -> (i32, i32) {
    %add3A = arith.constant 0 : i32
    %add3A_0 = arith.addi %arg0, %add3A : i32
    %c0_i32 = arith.constant 0 : i32
    %c0_i32_1 = arith.constant 0 : i32
    return %add3A_0, %c0_i32 : i32, i32
  }
  func.func @transform_1(%arg0: i32) -> (i32, i32) {
    %add3A = arith.constant 5 : i32
    %add3A_0 = arith.addi %arg0, %add3A : i32
    %c0_i32 = arith.constant 0 : i32
    %c0_i32_1 = arith.constant 0 : i32
    return %add3A_0, %c0_i32 : i32, i32
  }
  func.func @transform_2(%arg0: i32) -> (i32, i32) {
    %add3A = arith.constant 0 : i32
    %add3A_0 = arith.addi %arg0, %add3A : i32
    %c0_i32 = arith.constant 0 : i32
    %c0_i32_1 = arith.constant 0 : i32
    return %add3A_0, %c0_i32 : i32, i32
  }
  func.func @transform_3(%arg0: i32) -> (i32, i32) {
    %c0_i32 = arith.constant 0 : i32
    %c0_i32_0 = arith.constant 0 : i32
    %c0_i32_1 = arith.constant 0 : i32
    return %c0_i32, %c0_i32_0 : i32, i32
  }
  func.func @transform_4(%arg0: i32) -> (i32, i32) {
    %add3A = arith.constant 0 : i32
    %add3A_0 = arith.addi %arg0, %add3A : i32
    %c0_i32 = arith.constant 0 : i32
    %c0_i32_1 = arith.constant 0 : i32
    return %add3A_0, %c0_i32 : i32, i32
  }
}

module attributes {stable_mosaic.version = 14 : i64} {
  func.func @_lin_body(%arg0: i32, %arg1: memref<2000x128xf32, #tpu.memory_space<vmem>>, %arg2: memref<128x64xf32, #tpu.memory_space<vmem>>, %arg3: memref<1x64xf32, #tpu.memory_space<vmem>>, %arg4: memref<2000x64xf32, #tpu.memory_space<vmem>>) attributes {dimension_semantics = [#tpu.dimension_semantics<arbitrary>], iteration_bounds = array<i64: 5>, scalar_prefetch = 0 : i64, scratch_operands = 0 : i64, tpu.core_type = #tpu.core_type<tc>, window_params = [{transform_indices = @transform_0, window_bounds = array<i64: 2000, 128>}, {pipeline_mode = #tpu.pipeline_mode<synchronous>, transform_indices = @transform_1, window_bounds = array<i64: 128, 64>}, {pipeline_mode = #tpu.pipeline_mode<synchronous>, transform_indices = @transform_2, window_bounds = array<i64: 1, 64>}, {transform_indices = @transform_3, window_bounds = array<i64: 2000, 64>}]} {
    %get3A = arith.constant 0 : index
    %get3A_0 = arith.constant 0 : index
    %get3A_1 = vector.load %arg1[%get3A, %get3A_0] : memref<2000x128xf32, #tpu.memory_space<vmem>>, vector<2000x128xf32>
    %get3A_2 = arith.constant 0 : index
    %get3A_3 = arith.constant 0 : index
    %get3A_4 = vector.load %arg2[%get3A_2, %get3A_3] : memref<128x64xf32, #tpu.memory_space<vmem>>, vector<128x64xf32>
    %dot_general3A = arith.constant dense<0.000000e+00> : vector<2000x64xf32>
    %dot_general3A_5 = tpu.matmul %get3A_1, %get3A_4, %dot_general3A {dimension_numbers = #tpu.dot_dimension_numbers<[1], [0], [0], [1], [0, 0, 1, 1], [], []>, transpose_lhs_hint = false} : vector<2000x128xf32>, vector<128x64xf32>, vector<2000x64xf32> -> vector<2000x64xf32>
    %get3A_6 = arith.constant 0 : index
    %get3A_7 = arith.constant 0 : index
    %get3A_8 = vector.load %arg3[%get3A_6, %get3A_7] : memref<1x64xf32, #tpu.memory_space<vmem>>, vector<1x64xf32>
    %add3A = vector.broadcast %get3A_8 : vector<1x64xf32> to vector<2000x64xf32>
    %add3A_9 = arith.addf %dot_general3A_5, %add3A : vector<2000x64xf32>
    %swap3A = arith.constant 0 : index
    %swap3A_10 = arith.constant 0 : index
    %swap3A_11 = vector.load %arg4[%swap3A, %swap3A_10] : memref<2000x64xf32, #tpu.memory_space<vmem>>, vector<2000x64xf32>
    tpu.vector_store %arg4[%swap3A, %swap3A_10], %add3A_9 {strides = array<i32>} : memref<2000x64xf32, #tpu.memory_space<vmem>>, vector<2000x64xf32>,
    return
  }
  func.func @transform_0(%arg0: i32) -> (i32, i32) {
    %add3A = arith.constant 0 : i32
    %add3A_0 = arith.addi %arg0, %add3A : i32
    %c0_i32 = arith.constant 0 : i32
    %c0_i32_1 = arith.constant 0 : i32
    return %add3A_0, %c0_i32 : i32, i32
  }
  func.func @transform_1(%arg0: i32) -> (i32, i32) {
    %c0_i32 = arith.constant 0 : i32
    %c0_i32_0 = arith.constant 0 : i32
    %c0_i32_1 = arith.constant 0 : i32
    return %c0_i32, %c0_i32_0 : i32, i32
  }
  func.func @transform_2(%arg0: i32) -> (i32, i32) {
    %c0_i32 = arith.constant 0 : i32
    %c0_i32_0 = arith.constant 0 : i32
    %c0_i32_1 = arith.constant 0 : i32
    return %c0_i32, %c0_i32_0 : i32, i32
  }
  func.func @transform_3(%arg0: i32) -> (i32, i32) {
    %add3A = arith.constant 0 : i32
    %add3A_0 = arith.addi %arg0, %add3A : i32
    %c0_i32 = arith.constant 0 : i32
    %c0_i32_1 = arith.constant 0 : i32
    return %add3A_0, %c0_i32 : i32, i32
  }
}

module attributes {stable_mosaic.version = 14 : i64} {
  func.func @_r2_body(%arg0: i32, %arg1: memref<2000x128xf32, #tpu.memory_space<vmem>>, %arg2: memref<64x41xf32, #tpu.memory_space<vmem>>, %arg3: memref<1x41xf32, #tpu.memory_space<vmem>>, %arg4: memref<2000x41xf32, #tpu.memory_space<vmem>>) attributes {dimension_semantics = [#tpu.dimension_semantics<arbitrary>], iteration_bounds = array<i64: 5>, scalar_prefetch = 0 : i64, scratch_operands = 0 : i64, tpu.core_type = #tpu.core_type<tc>, window_params = [{transform_indices = @transform_0, window_bounds = array<i64: 2000, 128>}, {pipeline_mode = #tpu.pipeline_mode<synchronous>, transform_indices = @transform_1, window_bounds = array<i64: 64, 41>}, {pipeline_mode = #tpu.pipeline_mode<synchronous>, transform_indices = @transform_2, window_bounds = array<i64: 1, 41>}, {transform_indices = @transform_3, window_bounds = array<i64: 2000, 41>}]} {
    %get3A = arith.constant 0 : index
    %get3A_0 = arith.constant 0 : index
    %get3A_1 = vector.load %arg1[%get3A, %get3A_0] : memref<2000x128xf32, #tpu.memory_space<vmem>>, vector<2000x128xf32>
    %slice3A = vector.extract_strided_slice %get3A_1 {offsets = [0, 0], sizes = [2000, 64], strides = [1, 1]} : vector<2000x128xf32> to vector<2000x64xf32>
    %get3A_2 = arith.constant 0 : index
    %get3A_3 = arith.constant 0 : index
    %get3A_4 = vector.load %arg2[%get3A_2, %get3A_3] : memref<64x41xf32, #tpu.memory_space<vmem>>, vector<64x41xf32>
    %dot_general3A = arith.constant dense<0.000000e+00> : vector<2000x41xf32>
    %dot_general3A_5 = tpu.matmul %slice3A, %get3A_4, %dot_general3A {dimension_numbers = #tpu.dot_dimension_numbers<[1], [0], [0], [1], [0, 0, 1, 1], [], []>, transpose_lhs_hint = false} : vector<2000x64xf32>, vector<64x41xf32>, vector<2000x41xf32> -> vector<2000x41xf32>
    %get3A_6 = arith.constant 0 : index
    %get3A_7 = arith.constant 0 : index
    %get3A_8 = vector.load %arg3[%get3A_6, %get3A_7] : memref<1x41xf32, #tpu.memory_space<vmem>>, vector<1x41xf32>
    %add3A = vector.broadcast %get3A_8 : vector<1x41xf32> to vector<2000x41xf32>
    %add3A_9 = arith.addf %dot_general3A_5, %add3A : vector<2000x41xf32>
    %swap3A = arith.constant 0 : index
    %swap3A_10 = arith.constant 0 : index
    %swap3A_11 = vector.load %arg4[%swap3A, %swap3A_10] : memref<2000x41xf32, #tpu.memory_space<vmem>>, vector<2000x41xf32>
    tpu.vector_store %arg4[%swap3A, %swap3A_10], %add3A_9 {strides = array<i32>} : memref<2000x41xf32, #tpu.memory_space<vmem>>, vector<2000x41xf32>,
    return
  }
  func.func @transform_0(%arg0: i32) -> (i32, i32) {
    %add3A = arith.constant 0 : i32
    %add3A_0 = arith.addi %arg0, %add3A : i32
    %c0_i32 = arith.constant 0 : i32
    %c0_i32_1 = arith.constant 0 : i32
    return %add3A_0, %c0_i32 : i32, i32
  }
  func.func @transform_1(%arg0: i32) -> (i32, i32) {
    %c0_i32 = arith.constant 0 : i32
    %c0_i32_0 = arith.constant 0 : i32
    %c0_i32_1 = arith.constant 0 : i32
    return %c0_i32, %c0_i32_0 : i32, i32
  }
  func.func @transform_2(%arg0: i32) -> (i32, i32) {
    %c0_i32 = arith.constant 0 : i32
    %c0_i32_0 = arith.constant 0 : i32
    %c0_i32_1 = arith.constant 0 : i32
    return %c0_i32, %c0_i32_0 : i32, i32
  }
  func.func @transform_3(%arg0: i32) -> (i32, i32) {
    %add3A = arith.constant 0 : i32
    %add3A_0 = arith.addi %arg0, %add3A : i32
    %c0_i32 = arith.constant 0 : i32
    %c0_i32_1 = arith.constant 0 : i32
    return %add3A_0, %c0_i32 : i32, i32
  }
}

module attributes {stable_mosaic.version = 14 : i64} {
  func.func @_out_body(%arg0: i32, %arg1: memref<2000x128xf32, #tpu.memory_space<vmem>>, %arg2: memref<2000x128xf32, #tpu.memory_space<vmem>>, %arg3: memref<2000x41xf32, #tpu.memory_space<vmem>>, %arg4: memref<64x41xf32, #tpu.memory_space<vmem>>, %arg5: memref<2000x41xf32, #tpu.memory_space<vmem>>) attributes {dimension_semantics = [#tpu.dimension_semantics<arbitrary>], iteration_bounds = array<i64: 5>, scalar_prefetch = 0 : i64, scratch_operands = 0 : i64, tpu.core_type = #tpu.core_type<tc>, window_params = [{transform_indices = @transform_0, window_bounds = array<i64: 2000, 128>}, {transform_indices = @transform_1, window_bounds = array<i64: 2000, 128>}, {transform_indices = @transform_2, window_bounds = array<i64: 2000, 41>}, {pipeline_mode = #tpu.pipeline_mode<synchronous>, transform_indices = @transform_3, window_bounds = array<i64: 64, 41>}, {transform_indices = @transform_4, window_bounds = array<i64: 2000, 41>}]} {
    %get3A = arith.constant 0 : index
    %get3A_0 = arith.constant 0 : index
    %get3A_1 = vector.load %arg1[%get3A, %get3A_0] : memref<2000x128xf32, #tpu.memory_space<vmem>>, vector<2000x128xf32>
    %get3A_2 = arith.constant 0 : index
    %get3A_3 = arith.constant 0 : index
    %get3A_4 = vector.load %arg2[%get3A_2, %get3A_3] : memref<2000x128xf32, #tpu.memory_space<vmem>>, vector<2000x128xf32>
    %add3A = arith.addf %get3A_1, %get3A_4 : vector<2000x128xf32>
    %slice3A = vector.extract_strided_slice %add3A {offsets = [0, 0], sizes = [2000, 64], strides = [1, 1]} : vector<2000x128xf32> to vector<2000x64xf32>
    %get3A_5 = arith.constant 0 : index
    %get3A_6 = arith.constant 0 : index
    %get3A_7 = vector.load %arg4[%get3A_5, %get3A_6] : memref<64x41xf32, #tpu.memory_space<vmem>>, vector<64x41xf32>
    %dot_general3A = arith.constant dense<0.000000e+00> : vector<2000x41xf32>
    %dot_general3A_8 = tpu.matmul %slice3A, %get3A_7, %dot_general3A {dimension_numbers = #tpu.dot_dimension_numbers<[1], [0], [0], [1], [0, 0, 1, 1], [], []>, transpose_lhs_hint = false} : vector<2000x64xf32>, vector<64x41xf32>, vector<2000x41xf32> -> vector<2000x41xf32>
    %get3A_9 = arith.constant 0 : index
    %get3A_10 = arith.constant 0 : index
    %get3A_11 = vector.load %arg3[%get3A_9, %get3A_10] : memref<2000x41xf32, #tpu.memory_space<vmem>>, vector<2000x41xf32>
    %add3A_12 = arith.addf %dot_general3A_8, %get3A_11 : vector<2000x41xf32>
    %reduce_max3A = arith.constant dense<0xFF800000> : vector<2000xf32>
    %reduce_max3A_13 = vector.multi_reduction <maximumf>, %add3A_12, %reduce_max3A [1] : vector<2000x41xf32> to vector<2000xf32>
    %broadcast_in_dim3A = vector.shape_cast %reduce_max3A_13 : vector<2000xf32> to vector<2000x1xf32>
    %sub3A = vector.broadcast %broadcast_in_dim3A : vector<2000x1xf32> to vector<2000x41xf32>
    %sub3A_14 = arith.subf %add3A_12, %sub3A : vector<2000x41xf32>
    %exp3A = math.exp %sub3A_14 : vector<2000x41xf32>
    %reduce_sum3A = arith.constant dense<0.000000e+00> : vector<2000xf32>
    %reduce_sum3A_15 = vector.multi_reduction <add>, %exp3A, %reduce_sum3A [1] : vector<2000x41xf32> to vector<2000xf32>
    %broadcast_in_dim3A_16 = vector.shape_cast %reduce_sum3A_15 : vector<2000xf32> to vector<2000x1xf32>
    %log3A = math.log %broadcast_in_dim3A_16 : vector<2000x1xf32>
    %add3A_17 = arith.addf %broadcast_in_dim3A, %log3A : vector<2000x1xf32>
    %sub3A_18 = vector.broadcast %add3A_17 : vector<2000x1xf32> to vector<2000x41xf32>
    %sub3A_19 = arith.subf %add3A_12, %sub3A_18 : vector<2000x41xf32>
    %swap3A = arith.constant 0 : index
    %swap3A_20 = arith.constant 0 : index
    %swap3A_21 = vector.load %arg5[%swap3A, %swap3A_20] : memref<2000x41xf32, #tpu.memory_space<vmem>>, vector<2000x41xf32>
    tpu.vector_store %arg5[%swap3A, %swap3A_20], %sub3A_19 {strides = array<i32>} : memref<2000x41xf32, #tpu.memory_space<vmem>>, vector<2000x41xf32>,
    return
  }
  func.func @transform_0(%arg0: i32) -> (i32, i32) {
    %add3A = arith.constant 0 : i32
    %add3A_0 = arith.addi %arg0, %add3A : i32
    %c0_i32 = arith.constant 0 : i32
    %c0_i32_1 = arith.constant 0 : i32
    return %add3A_0, %c0_i32 : i32, i32
  }
  func.func @transform_1(%arg0: i32) -> (i32, i32) {
    %add3A = arith.constant 5 : i32
    %add3A_0 = arith.addi %arg0, %add3A : i32
    %c0_i32 = arith.constant 0 : i32
    %c0_i32_1 = arith.constant 0 : i32
    return %add3A_0, %c0_i32 : i32, i32
  }
  func.func @transform_2(%arg0: i32) -> (i32, i32) {
    %add3A = arith.constant 0 : i32
    %add3A_0 = arith.addi %arg0, %add3A : i32
    %c0_i32 = arith.constant 0 : i32
    %c0_i32_1 = arith.constant 0 : i32
    return %add3A_0, %c0_i32 : i32, i32
  }
  func.func @transform_3(%arg0: i32) -> (i32, i32) {
    %c0_i32 = arith.constant 0 : i32
    %c0_i32_0 = arith.constant 0 : i32
    %c0_i32_1 = arith.constant 0 : i32
    return %c0_i32, %c0_i32_0 : i32, i32
  }
  func.func @transform_4(%arg0: i32) -> (i32, i32) {
    %add3A = arith.constant 0 : i32
    %add3A_0 = arith.addi %arg0, %add3A : i32
    %c0_i32 = arith.constant 0 : i32
    %c0_i32_1 = arith.constant 0 : i32
    return %add3A_0, %c0_i32 : i32, i32
  }
}

</mosaic_0001>

<sc_bundles>
// kernel: kernel.11.cloned.1.call-start
scs
__scs_entry_jumppad:
0x0: {  	(pc) =	sbr.rel $0x88, $3  }
0x1: {  	(tag) =	ssettag $0x0;
	lr =	simm.s32 $0x1  }
0x2: {  	[smem:$0x3F99] =	sst lr;
	_ =	strace $0xD0000000  }
0x3: {  	_ = 	snop  }
0x4: {  	_ = 	snop  }
0x5: {  	_ = 	snop  }
0x6: {  	_ = 	snop  }
0x7: {  	_ = 	snop  }
__scs_overlays_trampoline_lowered:
0x8: {  	[smem:$0x3FA8] =	sst s0  }
0x9: {  	[smem:$0x3FA9] =	sst s1  }
0xa: {  	[smem:$0x3FAA] =	sst s2  }
0xb: {  	[smem:$0x3FAB] =	sst s3  }
0xc: {  	[smem:$0x3FAC] =	sst s4  }
0xd: {  	[smem:$0x3FAD] =	sst s5  }
0xe: {  	[smem:$0x3FAE] =	sst s6  }
0xf: {  	[smem:$0x3FAF] =	sst s7  }
0x10: {  	[smem:$0x3FB0] =	sst s8  }
0x11: {  	[smem:$0x3FB1] =	sst s9;
	s0 =	simm.s32 @!p0 $0x0  }
0x12: {  	s1 =	sld [smem:$0x3F97];
	s0 =	simm.s32 @p0 $0x1  }
0x13: {  	[smem:$0x3FB2] =	sst s0;
	s0 =	simm.s32 @!p1 $0x0  }
0x14: {  	s2 =	sld [smem:$0x3F96];
	s0 =	simm.s32 @p1 $0x1  }
0x15: {  	[smem:$0x3FB3] =	sst s0;
	s0 =	simm.s32 @!p2 $0x0  }
0x16: {  	s3 =	sld [smem:$0x3FDB];
	s0 =	simm.s32 @p2 $0x1  }
0x17: {  	s4 =	simm.s32 $0x1BF5;
	[smem:$0x3FB5] =	sst s0  }
0x18: {  	s0 =	sld [smem:$0x3F98];
	_ =	swait.ge [sflag:s4], $0x0  }
0x19: {  	s7 =	sld [smem:$0x3F99]  }
0x1a: {  	s8 =	sadd.s32 $0xFFFFE003, lr  }
0x1b: {  	s9 =	sadd.s32 $0xFFFFFEF7, lr;
	s5 =	simm.s32 $0xFFFFFFFF;
	p2 =	slt.u32 s8, $0xFFFFF086  }
0x1c: {  	p1 =	slt.u32 s9, $0xF7A;
	s5 =	simm.s32 @!p2 $0x0  }
0x1d: {  	s5 =	simm.s32 @p1 $0x1;
	p0 =	seq.s32 s7, s2  }
0x1e: {  	s7 =	smul.u32 @!p0 $0xF7A, s2;
	p2 =	seq.s32 @!p0 s5, $0x0  }
0x1f: {  	s9 =	smul.u32 $0xF7A, s1;
	s8 =	simm.s32 @!p0 $0x1BF5;
	p2 =	por !p2, p0  }
0x20: {  	[sflag:s8] =	ssyncset.s32 @!p0 $0xFFFFF086;
	s6 =	sadd.s32 @!p0 s3, s7;
	s7 =	simm.s32 @!p0 $0x108  }
0x21: {  	s3 =	sadd.s32 s3, s9;
	s6 =	sadd.s32 @!p0 $0x88, s6;
	s7 =	simm.s32 @p2 $0x1082  }
0x22: {  	[simem:s7], [sflag:s8] =	dma.local @!p0 [hbm:s6], $0xF7A  }
0x23: {  	s9 =	sor.u32 $0xD0000000, s2;
	s6 =	simm.s32 $0x108;
	_ =	swait.ge @!p0 [sflag:s8], $0x0  }
0x24: {  	s3 =	sadd.s32 $0x88, s3;
	s6 =	simm.s32 @!p1 $0x1082;
	[sflag:s4] =	ssyncset.s32 $0xFFFFF086  }
0x25: {  	[simem:s6], [sflag:s4] =	dma.local [hbm:s3], $0xF7A  }
0x26: {  	[smem:$0x3F99] =	sst s1;
	(tag) =	ssettag s2;
	_ =	strace s9  }
0x27: {  	s1 =	sld [smem:$0x3FA9]  }
0x28: {  	s2 =	sld [smem:$0x3FAA]  }
0x29: {  	s4 =	sld [smem:$0x3FAC]  }
0x2a: {  	p0 =	seq.s32 s5, $0x0;
	s5 =	sld [smem:$0x3FAD]  }
0x2b: {  	s6 =	sld [smem:$0x3FAE]  }
0x2c: {  	s7 =	sld [smem:$0x3FAF]  }
0x2d: {  	s3 =	simm.s32 $0x108;
	s8 =	sld [smem:$0x3FB0]  }
0x2e: {  	s3 =	simm.s32 @!p0 $0x1082;
	s9 =	sld [smem:$0x3FB1]  }
0x2f: {  	lr =	sadd.s32 s0, s3;
	s0 =	sld [smem:$0x3FA8]  }
0x30: {  	s3 =	sld [smem:$0x3FAB]  }
0x31: {  	[smem:$0x3FB4] =	sst s10  }
0x32: {  	s10 =	sld [smem:$0x3FB2];
	_ =	sdelay $0x3  }
0x33: {  	p0 =	seq.s32 s10, $0x1;
	s10 =	sld [smem:$0x3FB4];
	_ =	sdelay $0x3  }
0x34: {  	[smem:$0x3FB4] =	sst s10  }
0x35: {  	s10 =	sld [smem:$0x3FB3];
	_ =	sdelay $0x3  }
0x36: {  	p1 =	seq.s32 s10, $0x1;
	s10 =	sld [smem:$0x3FB4];
	_ =	sdelay $0x3  }
0x37: {  	[smem:$0x3FB4] =	sst s10  }
0x38: {  	s10 =	sld [smem:$0x3FB5]  }
0x39: {  	_ = 	snop;
	(pc) =	sbr.ind lr, $3  }
0x3a: {  	_ = 	snop  }
0x3b: {  	_ = 	snop  }
0x3c: {  	p2 =	seq.s32 s10, $0x1;
	s10 =	sld [smem:$0x3FB4]  }
0x3d: {  	_ =	shalt  }
0x3e: {  	_ =	shalt  }
0x3f: {  	_ =	shalt  }
0x40: {  	_ =	shalt  }
0x41: {  	_ =	shalt  }
0x42: {  	_ =	shalt  }
0x43: {  	_ =	shalt  }
0x44: {  	_ =	shalt  }
0x45: {  	_ =	shalt  }
0x46: {  	_ =	shalt  }
0x47: {  	_ =	shalt  }
0x48: {  	_ =	shalt  }
0x49: {  	_ =	shalt  }
0x4a: {  	_ =	shalt  }
0x4b: {  	_ =	shalt  }
0x4c: {  	_ =	shalt  }
0x4d: {  	_ =	shalt  }
0x4e: {  	_ =	shalt  }
0x4f: {  	_ =	shalt  }
0x50: {  	_ =	shalt  }
0x51: {  	_ =	shalt  }
0x52: {  	_ =	shalt  }
0x53: {  	_ =	shalt  }
0x54: {  	_ =	shalt  }
0x55: {  	_ =	shalt  }
0x56: {  	_ =	shalt  }
0x57: {  	_ =	shalt  }
0x58: {  	_ =	shalt  }
0x59: {  	_ =	shalt  }
0x5a: {  	_ =	shalt  }
0x5b: {  	_ =	shalt  }
0x5c: {  	_ =	shalt  }
0x5d: {  	_ =	shalt  }
0x5e: {  	_ =	shalt  }
0x5f: {  	_ =	shalt  }
0x60: {  	_ =	shalt  }
0x61: {  	_ =	shalt  }
0x62: {  	_ =	shalt  }
0x63: {  	_ =	shalt  }
0x64: {  	_ =	shalt  }
0x65: {  	_ =	shalt  }
0x66: {  	_ =	shalt  }
0x67: {  	_ =	shalt  }
0x68: {  	_ =	shalt  }
0x69: {  	_ =	shalt  }
0x6a: {  	_ =	shalt  }
0x6b: {  	_ =	shalt  }
0x6c: {  	_ =	shalt  }
0x6d: {  	_ =	shalt  }
0x6e: {  	_ =	shalt  }
0x6f: {  	_ =	shalt  }
0x70: {  	_ =	shalt  }
0x71: {  	_ =	shalt  }
0x72: {  	_ =	shalt  }
0x73: {  	_ =	shalt  }
0x74: {  	_ =	shalt  }
0x75: {  	_ =	shalt  }
0x76: {  	_ =	shalt  }
0x77: {  	_ =	shalt  }
0x78: {  	_ =	shalt  }
0x79: {  	_ =	shalt  }
0x7a: {  	_ =	shalt  }
0x7b: {  	_ =	shalt  }
0x7c: {  	_ =	shalt  }
0x7d: {  	_ =	shalt  }
0x7e: {  	_ =	shalt  }
0x7f: {  	_ =	shalt  }
0x80: {  	_ =	shalt  }
0x81: {  	_ =	shalt  }
0x82: {  	_ =	shalt  }
0x83: {  	_ =	shalt  }
0x84: {  	_ =	shalt  }
0x85: {  	_ =	shalt  }
0x86: {  	_ =	shalt  }
0x87: {  	_ =	shalt  }
.Lfunc_end0:
.L_simem_size_0:
called_computation.1_lowered:
.L_overlay_start_0:
0x88: {  	s2 =	sld [smem:$0x3FD9]  }
0x89: {  	s3 =	sld [smem:$0x3FFE];
	_ =	sdelay $0x1  }
0x8a: {  	s1 =	srdreg.scid  }
0x8b: {  	s0 =	sand.u32 $0x1, s1  }
0x8c: {  	s17 =	sshll.u32 s0, $0xA;
	s2 =	sadd.s32 s3, s2  }
0x8d: {  	s2 =	sadd.s32 s2, s17  }
0x8e: {  	[smem:$0x3FC0] =	sst s2  }
0x8f: {  	_ = 	snop  }
0x90: {  	s2 =	sld [smem:$0x3FC8];
	(tm) =	ssettm $0x1  }
0x91: {  	s18 =	sld [smem:$0x3FFB];
	_ =	sdelay $0x3  }
0x92: {  	_ =	strace s18  }
0x93: {  	s3 =	sld [smem:$0x3FFC];
	_ =	sdelay $0x3  }
0x94: {  	_ =	strace s3  }
0x95: {  	s3 =	sld [smem:$0x3FFD];
	_ =	sdelay $0x3  }
0x96: {  	_ =	strace s3  }
0x97: {  	_ =	strace $0x8FFFFFFF  }
0x98: {  	s19 =	sld [smem:$0x3FDB];
	_ =	sdelay $0x1  }
0x99: {  	s4 =	simm.s32 $_scs_section_size  }
0x9a: {  	s5 =	simm.s32 $_size__tile_overlayer_lowered;
	s6 =	simm.s32 $_tile_overlayer_lowered  }
0x9b: {  	s22 =	simm.s32 $0x1BFF;
	s21 =	sshll.u32 s6, $0x1;
	s3 =	sadd.s32 s4, s19  }
0x9c: {  	s7 =	simm.s32 $0x0;
	s20 =	sshll.u32 s5, $0x1;
	s5 =	sadd.s32 s21, s3  }
0x9d: {  	[timem:s7], [sflag:s22] =	dma.local [hbm:s5], s20  }
0x9e: {  	_ =	swait.ge [sflag:s22], s20  }
0x9f: {  	s4 =	ssub.s32 $0x0, s20;
	[sflag:s22] =	ssyncset.done $0x0  }
0xa0: {  	[sflag:s22] =	ssyncadd.s32 s4;
	_ =	sdelay $0x1  }
0xa1: {  	s23 =	simm.s32 $0x1B8B  }
0xa2: {  	_ =	swait.ge [sflag:s23], $0x1  }
0xa3: {  	[sflag:s23] =	ssyncset.done $0x0  }
0xa4: {  	s25 =	simm.s32 $0x1B8E;
	s24 =	sld [smem:$0x3FFE];
	[sflag:s23] =	ssyncadd.s32 $0xFFFFFFFF  }
0xa5: {  	s26 =	simm.s32 $execute0_lowered;
	[smem:$0x3FD2] =	sst s25  }
0xa6: {  	s5 =	sshll.u32 s26, $0x1;
	_ =	strace $0x80000049;
	[dreg:$0x1] =	wrdreg $0xFFFFFFFF  }
0xa7: {  	s28 =	simm.s32 $_size_execute0_lowered;
	s3 =	sadd.s32 s3, s5;
	[dreg:$0x0] =	wrdreg $0x0  }
0xa8: {  	s5 =	sshll.u32 s28, $0x1;
	[dreg:$0x2] =	wrdreg s3  }
0xa9: {  	[dreg:$0x3] =	wrdreg s5  }
0xaa: {  	[dreg:$0x4] =	wrdreg $0xC0  }
0xab: {  	_ =	task [dreg:s7], $0x5FFFF  }
0xac: {  	[dreg:$0x1] =	wrdreg $0xFFFFFFFF  }
0xad: {  	[dreg:$0x0] =	wrdreg $0x60  }
0xae: {  	[dreg:$0x2] =	wrdreg s24  }
0xaf: {  	[dreg:$0x3] =	wrdreg s2  }
0xb0: {  	[dreg:$0x4] =	wrdreg $0xC3000  }
0xb1: {  	[dreg:$0x5] =	wrdreg $0x9  }
0xb2: {  	_ =	task.clear_ibuf [dreg:s7], $0x6FFFF;
	_ =	strace $0x90000049  }
0xb3: {  	s29 =	simm.s32 $0x9;
	_ =	strace $0x8000004B  }
0xb4: {  	_ =	swait.ge [sflag:s29], $0x1  }
0xb5: {  	[sflag:s29] =	ssyncadd.s32 $0xFFFFFFFF  }
0xb6: {  	_ =	strace $0x9000004B  }
0xb7: {  	_ =	sfence  }
0xb8: {  	s30 =	sld [smem:$0x0];
	_ =	sdelay $0x2  }
0xb9: {  	s31 =	sshll.u32 s1, $0xD;
	s1 =	sshrl.u32 s1, $0x2  }
0xba: {  	s3 =	sand.u32 $0x4000, s31;
	s1 =	sadd.s32 s1, s30  }
0xbb: {  	s0 =	sor.u32 s3, s0;
	s1 =	sshll.u32 s1, $0x11  }
0xbc: {  	s0 =	sor.u32 s1, s0  }
0xbd: {  	s0 =	sadd.s32 $0x8F2B, s0  }
0xbe: {  	[sflag:s0] =	ssyncadd.remote.s32 $0x1  }
0xbf: {  	_ =	sfence.sel $0xFFFF  }
0xc0: {  	[dreg:$0x0] =	wrdreg $0xFFFFFFFF;
	(pc) =	sbr.abs _section_cstart, $3  }
0xc1: {  	[dreg:$0x1] =	wrdreg $0xFFFFFFFF  }
0xc2: {  	_ =	task.clear_ibuf [dreg:s7], $0x2FFFF;
	_ =	strace $0x9FFFFFFF  }
0xc3: {  	(tm) =	ssettm $0x7FFFFFFF  }
tec
execute0_lowered:
.L_overlay_start_1:
0x0: {  	(tag) =	ssettag $0x1  }
0x1: {  	s0 =	rddreg [dreg:$0x0]  }
0x2: {  	s3 =	rddreg [dreg:$0x1]  }
0x3: {  	s1 =	rddreg [dreg:$0x2];
	s2 =	simm.s32 $0x0  }
0x4: {  	s4 =	srdreg.scid;
	s14 =	stileid.u32;
	s28 =	simm.s32 $0x200  }
0x5: {  	s29 =	simm.s32 $0x8300;
	s30 =	simm.s32 $0x1;
	s17 =	smul.u32 $0x4E000, s14  }
0x6: {  	s31 =	simm.s32 $0x4;
	[smem:$0x7FF] =	sst s2;
	s11 =	smul.u32 $0x2700, s14  }
0x7: {  	s6 =	sand.u32 $0x1, s4;
	s4 =	sadd.s32 $0x1E00, s0;
	s26 =	smul.u32 $0x9C0, s14  }
0x8: {  	s0 =	sadd.s32 $0x29000, s0;
	s22 =	sshll.u32 s14, $0x5;
	s13 =	smul.u32 $0x138800, s6  }
0x9: {  	p0 =	sne.s32 s14, $0xF;
	s5 =	sshll.u32 s6, $0x4;
	s23 =	smul.u32 $0x27100, s6  }
0xa: {  	s7 =	ssub.s32 $0x2, s6;
	s6 =	smul.u32 $0x9C00, s6;
	s9 =	sor.u32 s14, s5  }
0xb: {  	_ =	strace $0x8000004A;
	s8 =	sshrl.u32 s7, $0x1;
	s10 =	smul.u32 $0x4E00, s9  }
0xc: {  	s5 =	sshrl.u32 s17, $0x2;
	s7 =	ssub.s32 s7, s8;
	s18 =	smul.u32 $0x9C0, s9  }
0xd: {  	s5 =	sadd.s32 s5, s1;
	s8 =	sadd.s32 $0x138000, s1;
	s25 =	sshrl.u32 s13, $0x3  }
0xe: {  	s11 =	sadd.s32 s11, s23;
	s23 =	simm.s32 $0x7;
	p1 =	sgt.u32 s9, $0x3  }
0xf: {  	s9 =	simm.s32 $0x3;
	s12 =	sadd.s32 $0x10000, s5;
	s17 =	smax.u32 s7, $0x1  }
0x10: {  	s10 =	sshrl.u32 s10, $0x3;
	[dreg:$0x4] =	wrdreg s12;
	s19 =	sadd.s32 s3, s18  }
0x11: {  	s10 =	sadd.s32 s3, s10;
	[dreg:$0x5] =	wrdreg s19;
	s12 =	sadd.s32 $0x20, s19  }
0x12: {  	s18 =	sadd.s32 $0x4000, s5;
	[dreg:$0x6] =	wrdreg s12;
	s20 =	sadd.s32 $0x40, s10  }
0x13: {  	s19 =	sadd.s32 $0x8000, s5;
	s21 =	sadd.s32 $0x60, s10;
	[dreg:$0x7] =	wrdreg s20  }
0x14: {  	s15 =	sadd.s32 $0x80, s10;
	s12 =	sadd.s32 s22, s3;
	[dreg:$0x8] =	wrdreg s21  }
0x15: {  	s10 =	sadd.s32 $0x9A0, s10;
	s3 =	sadd.s32 s6, s3;
	[dreg:$0x9] =	wrdreg s15  }
0x16: {  	s22 =	simm.s32 $0x300;
	s6 =	simm.s32 $0x5;
	[dreg:$0xa] =	wrdreg s10  }
0x17: {  	s24 =	sadd.s32 $0x13800, s12;
	s10 =	sadd.s32 s0, s25;
	s15 =	sadd.s32 s0, s11  }
0x18: {  	s20 =	sadd.s32 $0xC000, s5;
	s21 =	sadd.s32 s26, s3;
	s25 =	simm.s32 $0x100  }
0x19: {  	s26 =	simm.s32 $0x4300;
	s0 =	simm.s32 $0x2;
	s3 =	simm.s32 $0x180  }
0x1a: {  	s11 =	simm.s32 $0x6;
	s12 =	simm.s32 $0x0;
	[dreg:$0xb] =	wrdreg s24  }
0x1b: {  	v0 =	vimm.f32 $0.0e+00;
	s16 =	sadd.s32 $0x27000, s10;
	s24 =	simm.s32 $0x80;
	s10 =	simm.s32 $0x280  }
.LBB2_1:
0x1c: {  	s7 =	simm.s32 $0x0;
	s13 =	simm.s32 $0x200  }
.LBB2_2:
0x1d: {  	p2 =	sne.s32 s13, $0xFE00;
	[tilespmem:s7+$0x370] =	vst v0  }
0x1e: {  	[tilespmem:s7+$0x300] =	vst v0  }
0x1f: {  	[tilespmem:s7+$0x310] =	vst v0  }
.Ltmp0:
0x20: {  	[tilespmem:s7+$0x320] =	vst v0;
	(pc) =	sbr.rel @p2 .LBB2_2-.Ltmp0, $4  }
0x21: {  	[tilespmem:s7+$0x330] =	vst v0  }
0x22: {  	[tilespmem:s7+$0x340] =	vst v0  }
0x23: {  	[tilespmem:s7+$0x350] =	vst v0  }
0x24: {  	[tilespmem:s7+$0x360] =	vst v0;
	s7 =	sshra.s32 s13, $0x2;
	s13 =	sadd.s32 $0x200, s13  }
0x25: {  	[tilespmem:s7+$0x370] =	vst v0  }
0x26: {  	[tilespmem:s7+$0x300] =	vst v0  }
0x27: {  	[tilespmem:s7+$0x310] =	vst v0  }
0x28: {  	[tilespmem:s7+$0x320] =	vst v0  }
0x29: {  	[tilespmem:s7+$0x330] =	vst v0  }
0x2a: {  	[tilespmem:s7+$0x340] =	vst v0  }
0x2b: {  	[tilespmem:s7+$0x350] =	vst v0  }
0x2c: {  	[tilespmem:s7+$0x360] =	vst v0  }
0x2d: {  	[spmem:s5] =	stream.linear.scatter [tilespmem:s22], [sflag:$0x7], $0x4000, $0x38;
	[tilespmem:$0x1FB80] =	vst v63  }
0x2e: {  	_ =	swait.ge [sflag:s23], $0x4000  }
0x2f: {  	[sflag:s23] =	ssyncset.done $0x0  }
0x30: {  	[sflag:s23] =	ssyncadd.s32 $0xFFFFC000  }
0x31: {  	[spmem:s18] =	stream.linear.scatter [tilespmem:s22], [sflag:$0x7], $0x4000, $0x38;
	[tilespmem:$0x1FB80] =	vst v63  }
0x32: {  	_ =	swait.ge [sflag:s23], $0x4000  }
0x33: {  	[sflag:s23] =	ssyncset.done $0x0  }
0x34: {  	[sflag:s23] =	ssyncadd.s32 $0xFFFFC000  }
0x35: {  	[spmem:s19] =	stream.linear.scatter [tilespmem:s22], [sflag:$0x7], $0x4000, $0x38;
	[tilespmem:$0x1FB80] =	vst v63  }
0x36: {  	_ =	swait.ge [sflag:s23], $0x4000  }
0x37: {  	[sflag:s23] =	ssyncset.done $0x0  }
0x38: {  	[sflag:s23] =	ssyncadd.s32 $0xFFFFC000  }
0x39: {  	[spmem:s20] =	stream.linear.scatter [tilespmem:s22], [sflag:$0x7], $0x4000, $0x38;
	[tilespmem:$0x1FB80] =	vst v63  }
0x3a: {  	_ =	swait.ge [sflag:s23], $0x4000  }
0x3b: {  	[sflag:s23] =	ssyncset.done $0x0  }
0x3c: {  	s14 =	rddreg [dreg:$0x4];
	[sflag:s23] =	ssyncadd.s32 $0xFFFFC000  }
0x3d: {  	[spmem:s14] =	stream.linear.scatter [tilespmem:s22], [sflag:$0x7], $0x3800, $0x38;
	[tilespmem:$0x1FB80] =	vst v63  }
0x3e: {  	_ =	swait.ge [sflag:s23], $0x3800  }
0x3f: {  	[sflag:s23] =	ssyncset.done $0x0  }
0x40: {  	s7 =	simm.s32 @!p0 $0x300;
	[sflag:s23] =	ssyncadd.s32 $0xFFFFC800  }
0x41: {  	[spmem:s8] =	stream.linear.scatter @!p0 [tilespmem:s7], [sflag:$0x7], $0x800, $0x38;
	[tilespmem:$0x1FB80] =	vst v63  }
0x42: {  	s7 =	simm.s32 @!p0 $0x7  }
0x43: {  	_ =	swait.ge @!p0 [sflag:s7], $0x800  }
0x44: {  	[sflag:s7] =	ssyncset.done @!p0 $0x0  }
0x45: {  	[sflag:s7] =	ssyncadd.s32 @!p0 $0xFFFFF800  }
0x46: {  	[bflag:$0x0] =	sbarrier.arrive $0xFFFF  }
0x47: {  	s13 =	rddreg [dreg:$0x5]  }
0x48: {  	[tilespmem:s2], [sflag:$0x7] =	stream.linear.gather [hbm4b:s13+s2], $0x100, $0x38;
	[tilespmem:$0x1FB80] =	vst v63  }
0x49: {  	_ =	swait.ge [sflag:s23], $0x100  }
0x4a: {  	[sflag:s23] =	ssyncset.done $0x0  }
0x4b: {  	[sflag:s23] =	ssyncadd.s32 $0xFFFFFF00  }
0x4c: {  	[tilespmem:s22], [sflag:$0x1] =	stream.indirect.gather [hbm4b:s4+s24], $0x80, s2, s24, $0xb8;
	[tilespmem:$0x1FB80] =	vst v63  }
0x4d: {  	s14 =	rddreg [dreg:$0x6]  }
0x4e: {  	[tilespmem:s25], [sflag:$0x7] =	stream.linear.gather [hbm4b:s14+s2], $0x100, $0x38;
	[tilespmem:$0x1FB80] =	vst v63  }
0x4f: {  	_ =	swait.ge [sflag:s23], $0x100  }
0x50: {  	[sflag:s23] =	ssyncset.done $0x0  }
0x51: {  	[sflag:s23] =	ssyncadd.s32 $0xFFFFFF00  }
0x52: {  	[tilespmem:s26], [sflag:$0x2] =	stream.indirect.gather [hbm4b:s4+s24], $0x80, s25, s24, $0xb8;
	[tilespmem:$0x1FB80] =	vst v63  }
0x53: {  	s13 =	rddreg [dreg:$0x7]  }
0x54: {  	[tilespmem:s28], [sflag:$0x7] =	stream.linear.gather [hbm4b:s13+s2], $0x100, $0x38;
	[tilespmem:$0x1FB80] =	vst v63  }
0x55: {  	_ =	swait.ge [sflag:s23], $0x100  }
0x56: {  	[sflag:s23] =	ssyncset.done $0x0  }
0x57: {  	[sflag:s23] =	ssyncadd.s32 $0xFFFFFF00  }
0x58: {  	[tilespmem:s29], [sflag:$0x3] =	stream.indirect.gather [hbm4b:s4+s24], $0x80, s28, s24, $0xb8;
	[tilespmem:$0x1FB80] =	vst v63  }
0x59: {  	_ =	swait.ge [sflag:s30], $0x4000  }
0x5a: {  	[sflag:s30] =	ssyncset.done $0x0  }
0x5b: {  	[sflag:s30] =	ssyncadd.s32 $0xFFFFC000  }
0x5c: {  	[spmem:s1] =	stream.indirect.scatter.add.f32 [tilespmem:s22], [sflag:$0x4], $0x80, s24, s24, $0xb8;
	[tilespmem:$0x1FB80] =	vst v63  }
0x5d: {  	_ =	swait.ge [sflag:s31], $0x4000  }
0x5e: {  	[sflag:s31] =	ssyncset.done $0x0  }
0x5f: {  	s14 =	rddreg [dreg:$0x8];
	[sflag:s31] =	ssyncadd.s32 $0xFFFFC000  }
0x60: {  	[tilespmem:s2], [sflag:$0x7] =	stream.linear.gather [hbm4b:s14+s2], $0x100, $0x38;
	[tilespmem:$0x1FB80] =	vst v63  }
0x61: {  	_ =	swait.ge [sflag:s23], $0x100  }
0x62: {  	[sflag:s23] =	ssyncset.done $0x0  }
0x63: {  	[sflag:s23] =	ssyncadd.s32 $0xFFFFFF00  }
0x64: {  	[tilespmem:s22], [sflag:$0x1] =	stream.indirect.gather [hbm4b:s4+s24], $0x80, s2, s24, $0xb8;
	[tilespmem:$0x1FB80] =	vst v63  }
0x65: {  	_ =	swait.ge [sflag:s0], $0x4000  }
0x66: {  	[sflag:s0] =	ssyncset.done $0x0  }
0x67: {  	[sflag:s0] =	ssyncadd.s32 $0xFFFFC000  }
0x68: {  	[spmem:s1] =	stream.indirect.scatter.add.f32 [tilespmem:s26], [sflag:$0x5], $0x80, s3, s24, $0xb8;
	[tilespmem:$0x1FB80] =	vst v63  }
0x69: {  	_ =	swait.ge [sflag:s6], $0x4000  }
0x6a: {  	[sflag:s6] =	ssyncset.done $0x0  }
0x6b: {  	s13 =	rddreg [dreg:$0x9];
	[sflag:s6] =	ssyncadd.s32 $0xFFFFC000  }
0x6c: {  	[tilespmem:s25], [sflag:$0x7] =	stream.linear.gather [hbm4b:s13+s2], $0x100, $0x38;
	[tilespmem:$0x1FB80] =	vst v63  }
0x6d: {  	_ =	swait.ge [sflag:s23], $0x100  }
0x6e: {  	[sflag:s23] =	ssyncset.done $0x0  }
0x6f: {  	[sflag:s23] =	ssyncadd.s32 $0xFFFFFF00  }
0x70: {  	[tilespmem:s26], [sflag:$0x2] =	stream.indirect.gather [hbm4b:s4+s24], $0x80, s25, s24, $0xb8;
	[tilespmem:$0x1FB80] =	vst v63  }
0x71: {  	_ =	swait.ge [sflag:s9], $0x4000  }
0x72: {  	[sflag:s9] =	ssyncset.done $0x0  }
0x73: {  	[sflag:s9] =	ssyncadd.s32 $0xFFFFC000  }
0x74: {  	[spmem:s1] =	stream.indirect.scatter.add.f32 [tilespmem:s29], [sflag:$0x6], $0x80, s10, s24, $0xb8;
	[tilespmem:$0x1FB80] =	vst v63  }
0x75: {  	_ =	swait.ge [sflag:s11], $0x4000  }
0x76: {  	s7 =	sadd.s32 $0xFFFFF700, s21;
	[sflag:s11] =	ssyncset.done $0x0  }
0x77: {  	s13 =	sadd.s32 $0x9A0, s7;
	[sflag:s11] =	ssyncadd.s32 $0xFFFFC000  }
0x78: {  	[tilespmem:s28], [sflag:$0x7] =	stream.linear.gather [hbm4b:s13+s2], $0x100, $0x38;
	[tilespmem:$0x1FB80] =	vst v63  }
0x79: {  	_ =	swait.ge [sflag:s23], $0x100  }
0x7a: {  	[sflag:s23] =	ssyncset.done $0x0  }
0x7b: {  	[sflag:s23] =	ssyncadd.s32 $0xFFFFFF00  }
0x7c: {  	[tilespmem:s29], [sflag:$0x3] =	stream.indirect.gather [hbm4b:s4+s24], $0x80, s28, s24, $0xb8;
	[tilespmem:$0x1FB80] =	vst v63  }
0x7d: {  	_ =	swait.ge [sflag:s30], $0x4000  }
0x7e: {  	[sflag:s30] =	ssyncset.done $0x0  }
0x7f: {  	[sflag:s30] =	ssyncadd.s32 $0xFFFFC000  }
0x80: {  	[spmem:s1] =	stream.indirect.scatter.add.f32 [tilespmem:s22], [sflag:$0x4], $0x80, s24, s24, $0xb8;
	[tilespmem:$0x1FB80] =	vst v63  }
0x81: {  	_ =	swait.ge [sflag:s31], $0x4000  }
0x82: {  	[sflag:s31] =	ssyncset.done $0x0  }
0x83: {  	s14 =	sadd.s32 $0x9C0, s7;
	[sflag:s31] =	ssyncadd.s32 $0xFFFFC000  }
0x84: {  	[tilespmem:s2], [sflag:$0x7] =	stream.linear.gather [hbm4b:s14+s2], $0x100, $0x38;
	[tilespmem:$0x1FB80] =	vst v63  }
0x85: {  	_ =	swait.ge [sflag:s23], $0x100  }
0x86: {  	[sflag:s23] =	ssyncset.done $0x0  }
0x87: {  	[sflag:s23] =	ssyncadd.s32 $0xFFFFFF00  }
0x88: {  	[tilespmem:s22], [sflag:$0x1] =	stream.indirect.gather [hbm4b:s4+s24], $0x80, s2, s24, $0xb8;
	[tilespmem:$0x1FB80] =	vst v63  }
0x89: {  	_ =	swait.ge [sflag:s0], $0x4000  }
0x8a: {  	[sflag:s0] =	ssyncset.done $0x0  }
0x8b: {  	[sflag:s0] =	ssyncadd.s32 $0xFFFFC000  }
0x8c: {  	[spmem:s1] =	stream.indirect.scatter.add.f32 [tilespmem:s26], [sflag:$0x5], $0x80, s3, s24, $0xb8;
	[tilespmem:$0x1FB80] =	vst v63  }
0x8d: {  	_ =	swait.ge [sflag:s6], $0x4000  }
0x8e: {  	[sflag:s6] =	ssyncset.done $0x0  }
0x8f: {  	s7 =	sadd.s32 $0x9E0, s7;
	[sflag:s6] =	ssyncadd.s32 $0xFFFFC000  }
0x90: {  	[tilespmem:s25], [sflag:$0x7] =	stream.linear.gather [hbm4b:s7+s2], $0x100, $0x38;
	[tilespmem:$0x1FB80] =	vst v63  }
0x91: {  	_ =	swait.ge [sflag:s23], $0x100  }
0x92: {  	[sflag:s23] =	ssyncset.done $0x0  }
0x93: {  	[sflag:s23] =	ssyncadd.s32 $0xFFFFFF00  }
0x94: {  	[tilespmem:s26], [sflag:$0x2] =	stream.indirect.gather [hbm4b:s4+s24], $0x80, s25, s24, $0xb8;
	[tilespmem:$0x1FB80] =	vst v63  }
0x95: {  	_ =	swait.ge [sflag:s9], $0x4000  }
0x96: {  	[sflag:s9] =	ssyncset.done $0x0  }
0x97: {  	s7 =	simm.s32 $0xFFFFF760;
	[sflag:s9] =	ssyncadd.s32 $0xFFFFC000  }
.LBB2_4:
0x98: {  	[spmem:s1] =	stream.indirect.scatter.add.f32 [tilespmem:s29], [sflag:$0x6], $0x80, s10, s24, $0xb8;
	[tilespmem:$0x1FB80] =	vst v63  }
0x99: {  	s13 =	smov.u32 s7  }
0x9a: {  	p2 =	sne.s32 s7, $0xFFFFFFA0;
	s7 =	sadd.s32 $0x60, s7;
	_ =	swait.ge [sflag:s11], $0x4000  }
0x9b: {  	s13 =	sadd.s32 s13, s21;
	[sflag:s11] =	ssyncset.done $0x0  }
0x9c: {  	s14 =	sadd.s32 $0x9A0, s13;
	[sflag:s11] =	ssyncadd.s32 $0xFFFFC000  }
0x9d: {  	[tilespmem:s28], [sflag:$0x7] =	stream.linear.gather [hbm4b:s14+s2], $0x100, $0x38;
	[tilespmem:$0x1FB80] =	vst v63  }
0x9e: {  	_ =	swait.ge [sflag:s23], $0x100  }
0x9f: {  	[sflag:s23] =	ssyncset.done $0x0  }
0xa0: {  	[sflag:s23] =	ssyncadd.s32 $0xFFFFFF00  }
0xa1: {  	[tilespmem:s29], [sflag:$0x3] =	stream.indirect.gather [hbm4b:s4+s24], $0x80, s28, s24, $0xb8;
	[tilespmem:$0x1FB80] =	vst v63  }
0xa2: {  	_ =	swait.ge [sflag:s30], $0x4000  }
0xa3: {  	[sflag:s30] =	ssyncset.done $0x0  }
0xa4: {  	[sflag:s30] =	ssyncadd.s32 $0xFFFFC000  }
0xa5: {  	[spmem:s1] =	stream.indirect.scatter.add.f32 [tilespmem:s22], [sflag:$0x4], $0x80, s24, s24, $0xb8;
	[tilespmem:$0x1FB80] =	vst v63  }
0xa6: {  	_ =	swait.ge [sflag:s31], $0x4000  }
0xa7: {  	[sflag:s31] =	ssyncset.done $0x0  }
0xa8: {  	s14 =	sadd.s32 $0x9C0, s13;
	[sflag:s31] =	ssyncadd.s32 $0xFFFFC000  }
0xa9: {  	[tilespmem:s2], [sflag:$0x7] =	stream.linear.gather [hbm4b:s14+s2], $0x100, $0x38;
	[tilespmem:$0x1FB80] =	vst v63  }
0xaa: {  	_ =	swait.ge [sflag:s23], $0x100  }
0xab: {  	[sflag:s23] =	ssyncset.done $0x0  }
0xac: {  	[sflag:s23] =	ssyncadd.s32 $0xFFFFFF00  }
0xad: {  	[tilespmem:s22], [sflag:$0x1] =	stream.indirect.gather [hbm4b:s4+s24], $0x80, s2, s24, $0xb8;
	[tilespmem:$0x1FB80] =	vst v63  }
0xae: {  	_ =	swait.ge [sflag:s0], $0x4000  }
0xaf: {  	[sflag:s0] =	ssyncset.done $0x0  }
0xb0: {  	[sflag:s0] =	ssyncadd.s32 $0xFFFFC000  }
0xb1: {  	[spmem:s1] =	stream.indirect.scatter.add.f32 [tilespmem:s26], [sflag:$0x5], $0x80, s3, s24, $0xb8;
	[tilespmem:$0x1FB80] =	vst v63  }
0xb2: {  	_ =	swait.ge [sflag:s6], $0x4000  }
0xb3: {  	[sflag:s6] =	ssyncset.done $0x0  }
0xb4: {  	s13 =	sadd.s32 $0x9E0, s13;
	[sflag:s6] =	ssyncadd.s32 $0xFFFFC000  }
0xb5: {  	[tilespmem:s25], [sflag:$0x7] =	stream.linear.gather [hbm4b:s13+s2], $0x100, $0x38;
	[tilespmem:$0x1FB80] =	vst v63  }
0xb6: {  	_ =	swait.ge [sflag:s23], $0x100  }
0xb7: {  	[sflag:s23] =	ssyncset.done $0x0  }
.Ltmp1:
0xb8: {  	[sflag:s23] =	ssyncadd.s32 $0xFFFFFF00;
	(pc) =	sbr.rel @p2 .LBB2_4-.Ltmp1, $4  }
0xb9: {  	[tilespmem:s26], [sflag:$0x2] =	stream.indirect.gather [hbm4b:s4+s24], $0x80, s25, s24, $0xb8;
	[tilespmem:$0x1FB80] =	vst v63  }
0xba: {  	_ =	swait.ge [sflag:s9], $0x4000  }
0xbb: {  	[sflag:s9] =	ssyncset.done $0x0  }
0xbc: {  	[sflag:s9] =	ssyncadd.s32 $0xFFFFC000  }
0xbd: {  	[spmem:s1] =	stream.indirect.scatter.add.f32 [tilespmem:s29], [sflag:$0x6], $0x80, s10, s24, $0xb8;
	[tilespmem:$0x1FB80] =	vst v63  }
0xbe: {  	_ =	swait.ge [sflag:s11], $0x4000  }
0xbf: {  	[sflag:s11] =	ssyncset.done $0x0  }
0xc0: {  	s7 =	rddreg [dreg:$0xa];
	[sflag:s11] =	ssyncadd.s32 $0xFFFFC000  }
0xc1: {  	[tilespmem:s28], [sflag:$0x7] =	stream.linear.gather [hbm4b:s7+s2], $0x100, $0x38;
	[tilespmem:$0x1FB80] =	vst v63  }
0xc2: {  	_ =	swait.ge [sflag:s23], $0x100  }
0xc3: {  	[sflag:s23] =	ssyncset.done $0x0  }
0xc4: {  	[sflag:s23] =	ssyncadd.s32 $0xFFFFFF00  }
0xc5: {  	[tilespmem:s29], [sflag:$0x3] =	stream.indirect.gather [hbm4b:s4+s24], $0x80, s28, s24, $0xb8;
	[tilespmem:$0x1FB80] =	vst v63  }
0xc6: {  	_ =	swait.ge [sflag:s30], $0x4000  }
0xc7: {  	[sflag:s30] =	ssyncset.done $0x0  }
0xc8: {  	[sflag:s30] =	ssyncadd.s32 $0xFFFFC000  }
0xc9: {  	[spmem:s1] =	stream.indirect.scatter.add.f32 [tilespmem:s22], [sflag:$0x4], $0x80, s24, s24, $0xb8;
	[tilespmem:$0x1FB80] =	vst v63  }
0xca: {  	_ =	swait.ge [sflag:s31], $0x4000  }
0xcb: {  	[sflag:s31] =	ssyncset.done $0x0  }
0xcc: {  	[sflag:s31] =	ssyncadd.s32 $0xFFFFC000  }
0xcd: {  	_ =	swait.ge [sflag:s0], $0x4000  }
0xce: {  	[sflag:s0] =	ssyncset.done $0x0  }
0xcf: {  	[sflag:s0] =	ssyncadd.s32 $0xFFFFC000  }
0xd0: {  	[spmem:s1] =	stream.indirect.scatter.add.f32 [tilespmem:s26], [sflag:$0x5], $0x80, s3, s24, $0xb8;
	[tilespmem:$0x1FB80] =	vst v63  }
0xd1: {  	_ =	swait.ge [sflag:s6], $0x4000  }
0xd2: {  	[sflag:s6] =	ssyncset.done $0x0  }
0xd3: {  	[sflag:s6] =	ssyncadd.s32 $0xFFFFC000  }
0xd4: {  	_ =	swait.ge [sflag:s9], $0x4000  }
0xd5: {  	[sflag:s9] =	ssyncset.done $0x0  }
0xd6: {  	[sflag:s9] =	ssyncadd.s32 $0xFFFFC000  }
0xd7: {  	[spmem:s1] =	stream.indirect.scatter.add.f32 [tilespmem:s29], [sflag:$0x6], $0x80, s10, s24, $0xb8;
	[tilespmem:$0x1FB80] =	vst v63  }
0xd8: {  	_ =	swait.ge [sflag:s11], $0x4000  }
0xd9: {  	[sflag:s11] =	ssyncset.done $0x0  }
0xda: {  	s7 =	simm.s32 @!p1 $0x0;
	s13 =	rddreg [dreg:$0xb];
	[sflag:s11] =	ssyncadd.s32 $0xFFFFC000  }
0xdb: {  	[tilespmem:s7], [sflag:$0x7] =	stream.linear.gather @!p1 [hbm4b:s13+s7], $0x100, $0x38;
	[tilespmem:$0x1FB80] =	vst v63  }
0xdc: {  	s13 =	simm.s32 @!p1 $0x7  }
0xdd: {  	_ =	swait.ge @!p1 [sflag:s13], $0x100  }
0xde: {  	[sflag:s13] =	ssyncset.done @!p1 $0x0  }
0xdf: {  	s14 =	simm.s32 @!p1 $0x300;
	[sflag:s13] =	ssyncadd.s32 @!p1 $0xFFFFFF00;
	s13 =	simm.s32 @!p1 $0x80  }
0xe0: {  	[tilespmem:s14], [sflag:$0x1] =	stream.indirect.gather @!p1 [hbm4b:s4+s13], $0x80, s7, s13, $0xb8;
	[tilespmem:$0x1FB80] =	vst v63  }
0xe1: {  	s7 =	simm.s32 @!p1 $0x1  }
0xe2: {  	_ =	swait.ge @!p1 [sflag:s7], $0x4000  }
0xe3: {  	[sflag:s7] =	ssyncset.done @!p1 $0x0  }
0xe4: {  	[sflag:s7] =	ssyncadd.s32 @!p1 $0xFFFFC000;
	s7 =	simm.s32 @!p1 $0x4  }
0xe5: {  	[spmem:s1] =	stream.indirect.scatter.add.f32 @!p1 [tilespmem:s14], [sflag:$0x4], $0x80, s13, s13, $0xb8;
	[tilespmem:$0x1FB80] =	vst v63  }
0xe6: {  	_ =	swait.ge @!p1 [sflag:s7], $0x4000  }
0xe7: {  	s13 =	stileid.u32;
	[sflag:s7] =	ssyncset.done @!p1 $0x0  }
0xe8: {  	[sflag:s7] =	ssyncadd.s32 @!p1 $0xFFFFC000;
	s7 =	sshll.u32 s13, $0x6  }
0xe9: {  	s14 =	sshrl.u32 s5, $0x3;
	[bflag:$0x0] =	sbarrier.arrive $0xFFFF;
	s7 =	sor.u32 $0x1C07, s7  }
0xea: {  	[hbm:s15], [sflag:s7] =	dma.local [spmem:s14], $0x2700  }
0xeb: {  	_ =	swait.ge [sflag:s23], $0x2700  }
0xec: {  	s12 =	sadd.s32 $0x1, s12;
	[sflag:s23] =	ssyncset.done $0x0  }
0xed: {  	p2 =	sne.s32 s12, s17;
	s13 =	sshrl.u32 @!p0 s8, $0x3;
	[sflag:s23] =	ssyncadd.s32 $0xFFFFD900  }
0xee: {  	[hbm:s16], [sflag:s7] =	dma.local @!p0 [spmem:s13], $0x100  }
.Ltmp2:
0xef: {  	_ = 	snop;
	(pc) =	sbr.rel @p2 .LBB2_1-.Ltmp2, $4  }
0xf0: {  	s7 =	simm.s32 @!p0 $0x7  }
0xf1: {  	_ =	swait.ge @!p0 [sflag:s7], $0x100  }
0xf2: {  	[sflag:s7] =	ssyncset.done @!p0 $0x0  }
0xf3: {  	[sflag:s7] =	ssyncadd.s32 @!p0 $0xFFFFFF00  }
0xf4: {  	_ =	sfence.sel $0x180000  }
0xf5: {  	[bflag:$0x0] =	sbarrier.arrive $0xFFFF  }
0xf6: {  	_ =	strace $0x9000004A  }
0xf7: {  	s0 =	stileid.u32;
	[bflag:$0x2] =	sbarrier.arrive $0xFFFF  }
0xf8: {  	p0 =	sne.s32 s0, $0x0;
	s0 =	rddreg [dreg:$0x3]  }
0xf9: {  	s0 =	sadd.s32 @!p0 $0x100000, s0  }
0xfa: {  	[sflag:s0] =	ssyncadd.tile.s32 @!p0 $0x1;
	_ =	shalt  }
.Lfunc_end2:
_tile_overlayer_lowered:
.L_overlay_start_2:
0xfb: {  	(tag) =	ssettag $0x2  }
0xfc: {  	s0 =	rddreg [dreg:$0x0];
	s2 =	stileid.u32  }
0xfd: {  	s1 =	rddreg [dreg:$0x1];
	p0 =	sne.s32 s2, $0x0  }
0xfe: {  	s3 =	rddreg [dreg:$0x2];
	[bflag:$0x3] =	sbarrier.arrive $0xFFFF;
	s2 =	simm.s32 @!p0 $0x1C07  }
0xff: {  	[timem:s3], [sflag:s2] =	dma.local @!p0 [hbm:s0], s1  }
0x100: {  	s0 =	simm.s32 @!p0 $0x7  }
0x101: {  	_ =	swait.ge @!p0 [sflag:s0], s1  }
0x102: {  	s1 =	ssub.s32 @!p0 $0x0, s1;
	[sflag:s0] =	ssyncset.done @!p0 $0x0  }
0x103: {  	[sflag:s0] =	ssyncadd.s32 @!p0 s1  }
0x104: {  	[bflag:$0x3] =	sbarrier.arrive $0xFFFF  }
0x105: {  	_ =	shalt  }

// kernel: kernel.8.cloned.1.call-start
scs
__scs_entry_jumppad:
0x0: {  	(pc) =	sbr.rel $0x88, $3  }
0x1: {  	(tag) =	ssettag $0x0;
	lr =	simm.s32 $0x1  }
0x2: {  	[smem:$0x3F99] =	sst lr;
	_ =	strace $0xD0000000  }
0x3: {  	_ = 	snop  }
0x4: {  	_ = 	snop  }
0x5: {  	_ = 	snop  }
0x6: {  	_ = 	snop  }
0x7: {  	_ = 	snop  }
__scs_overlays_trampoline_lowered:
0x8: {  	[smem:$0x3FA8] =	sst s0  }
0x9: {  	[smem:$0x3FA9] =	sst s1  }
0xa: {  	[smem:$0x3FAA] =	sst s2  }
0xb: {  	[smem:$0x3FAB] =	sst s3  }
0xc: {  	[smem:$0x3FAC] =	sst s4  }
0xd: {  	[smem:$0x3FAD] =	sst s5  }
0xe: {  	[smem:$0x3FAE] =	sst s6  }
0xf: {  	[smem:$0x3FAF] =	sst s7  }
0x10: {  	[smem:$0x3FB0] =	sst s8  }
0x11: {  	[smem:$0x3FB1] =	sst s9;
	s0 =	simm.s32 @!p0 $0x0  }
0x12: {  	s1 =	sld [smem:$0x3F97];
	s0 =	simm.s32 @p0 $0x1  }
0x13: {  	[smem:$0x3FB2] =	sst s0;
	s0 =	simm.s32 @!p1 $0x0  }
0x14: {  	s2 =	sld [smem:$0x3F96];
	s0 =	simm.s32 @p1 $0x1  }
0x15: {  	[smem:$0x3FB3] =	sst s0;
	s0 =	simm.s32 @!p2 $0x0  }
0x16: {  	s3 =	sld [smem:$0x3FDB];
	s0 =	simm.s32 @p2 $0x1  }
0x17: {  	s4 =	simm.s32 $0x1BF5;
	[smem:$0x3FB5] =	sst s0  }
0x18: {  	s0 =	sld [smem:$0x3F98];
	_ =	swait.ge [sflag:s4], $0x0  }
0x19: {  	s7 =	sld [smem:$0x3F99]  }
0x1a: {  	s8 =	sadd.s32 $0xFFFFE003, lr  }
0x1b: {  	s9 =	sadd.s32 $0xFFFFFEF7, lr;
	s5 =	simm.s32 $0xFFFFFFFF;
	p2 =	slt.u32 s8, $0xFFFFF086  }
0x1c: {  	p1 =	slt.u32 s9, $0xF7A;
	s5 =	simm.s32 @!p2 $0x0  }
0x1d: {  	s5 =	simm.s32 @p1 $0x1;
	p0 =	seq.s32 s7, s2  }
0x1e: {  	s7 =	smul.u32 @!p0 $0xF7A, s2;
	p2 =	seq.s32 @!p0 s5, $0x0  }
0x1f: {  	s9 =	smul.u32 $0xF7A, s1;
	s8 =	simm.s32 @!p0 $0x1BF5;
	p2 =	por !p2, p0  }
0x20: {  	[sflag:s8] =	ssyncset.s32 @!p0 $0xFFFFF086;
	s6 =	sadd.s32 @!p0 s3, s7;
	s7 =	simm.s32 @!p0 $0x108  }
0x21: {  	s3 =	sadd.s32 s3, s9;
	s6 =	sadd.s32 @!p0 $0x88, s6;
	s7 =	simm.s32 @p2 $0x1082  }
0x22: {  	[simem:s7], [sflag:s8] =	dma.local @!p0 [hbm:s6], $0xF7A  }
0x23: {  	s9 =	sor.u32 $0xD0000000, s2;
	s6 =	simm.s32 $0x108;
	_ =	swait.ge @!p0 [sflag:s8], $0x0  }
0x24: {  	s3 =	sadd.s32 $0x88, s3;
	s6 =	simm.s32 @!p1 $0x1082;
	[sflag:s4] =	ssyncset.s32 $0xFFFFF086  }
0x25: {  	[simem:s6], [sflag:s4] =	dma.local [hbm:s3], $0xF7A  }
0x26: {  	[smem:$0x3F99] =	sst s1;
	(tag) =	ssettag s2;
	_ =	strace s9  }
0x27: {  	s1 =	sld [smem:$0x3FA9]  }
0x28: {  	s2 =	sld [smem:$0x3FAA]  }
0x29: {  	s4 =	sld [smem:$0x3FAC]  }
0x2a: {  	p0 =	seq.s32 s5, $0x0;
	s5 =	sld [smem:$0x3FAD]  }
0x2b: {  	s6 =	sld [smem:$0x3FAE]  }
0x2c: {  	s7 =	sld [smem:$0x3FAF]  }
0x2d: {  	s3 =	simm.s32 $0x108;
	s8 =	sld [smem:$0x3FB0]  }
0x2e: {  	s3 =	simm.s32 @!p0 $0x1082;
	s9 =	sld [smem:$0x3FB1]  }
0x2f: {  	lr =	sadd.s32 s0, s3;
	s0 =	sld [smem:$0x3FA8]  }
0x30: {  	s3 =	sld [smem:$0x3FAB]  }
0x31: {  	[smem:$0x3FB4] =	sst s10  }
0x32: {  	s10 =	sld [smem:$0x3FB2];
	_ =	sdelay $0x3  }
0x33: {  	p0 =	seq.s32 s10, $0x1;
	s10 =	sld [smem:$0x3FB4];
	_ =	sdelay $0x3  }
0x34: {  	[smem:$0x3FB4] =	sst s10  }
0x35: {  	s10 =	sld [smem:$0x3FB3];
	_ =	sdelay $0x3  }
0x36: {  	p1 =	seq.s32 s10, $0x1;
	s10 =	sld [smem:$0x3FB4];
	_ =	sdelay $0x3  }
0x37: {  	[smem:$0x3FB4] =	sst s10  }
0x38: {  	s10 =	sld [smem:$0x3FB5]  }
0x39: {  	_ = 	snop;
	(pc) =	sbr.ind lr, $3  }
0x3a: {  	_ = 	snop  }
0x3b: {  	_ = 	snop  }
0x3c: {  	p2 =	seq.s32 s10, $0x1;
	s10 =	sld [smem:$0x3FB4]  }
0x3d: {  	_ =	shalt  }
0x3e: {  	_ =	shalt  }
0x3f: {  	_ =	shalt  }
0x40: {  	_ =	shalt  }
0x41: {  	_ =	shalt  }
0x42: {  	_ =	shalt  }
0x43: {  	_ =	shalt  }
0x44: {  	_ =	shalt  }
0x45: {  	_ =	shalt  }
0x46: {  	_ =	shalt  }
0x47: {  	_ =	shalt  }
0x48: {  	_ =	shalt  }
0x49: {  	_ =	shalt  }
0x4a: {  	_ =	shalt  }
0x4b: {  	_ =	shalt  }
0x4c: {  	_ =	shalt  }
0x4d: {  	_ =	shalt  }
0x4e: {  	_ =	shalt  }
0x4f: {  	_ =	shalt  }
0x50: {  	_ =	shalt  }
0x51: {  	_ =	shalt  }
0x52: {  	_ =	shalt  }
0x53: {  	_ =	shalt  }
0x54: {  	_ =	shalt  }
0x55: {  	_ =	shalt  }
0x56: {  	_ =	shalt  }
0x57: {  	_ =	shalt  }
0x58: {  	_ =	shalt  }
0x59: {  	_ =	shalt  }
0x5a: {  	_ =	shalt  }
0x5b: {  	_ =	shalt  }
0x5c: {  	_ =	shalt  }
0x5d: {  	_ =	shalt  }
0x5e: {  	_ =	shalt  }
0x5f: {  	_ =	shalt  }
0x60: {  	_ =	shalt  }
0x61: {  	_ =	shalt  }
0x62: {  	_ =	shalt  }
0x63: {  	_ =	shalt  }
0x64: {  	_ =	shalt  }
0x65: {  	_ =	shalt  }
0x66: {  	_ =	shalt  }
0x67: {  	_ =	shalt  }
0x68: {  	_ =	shalt  }
0x69: {  	_ =	shalt  }
0x6a: {  	_ =	shalt  }
0x6b: {  	_ =	shalt  }
0x6c: {  	_ =	shalt  }
0x6d: {  	_ =	shalt  }
0x6e: {  	_ =	shalt  }
0x6f: {  	_ =	shalt  }
0x70: {  	_ =	shalt  }
0x71: {  	_ =	shalt  }
0x72: {  	_ =	shalt  }
0x73: {  	_ =	shalt  }
0x74: {  	_ =	shalt  }
0x75: {  	_ =	shalt  }
0x76: {  	_ =	shalt  }
0x77: {  	_ =	shalt  }
0x78: {  	_ =	shalt  }
0x79: {  	_ =	shalt  }
0x7a: {  	_ =	shalt  }
0x7b: {  	_ =	shalt  }
0x7c: {  	_ =	shalt  }
0x7d: {  	_ =	shalt  }
0x7e: {  	_ =	shalt  }
0x7f: {  	_ =	shalt  }
0x80: {  	_ =	shalt  }
0x81: {  	_ =	shalt  }
0x82: {  	_ =	shalt  }
0x83: {  	_ =	shalt  }
0x84: {  	_ =	shalt  }
0x85: {  	_ =	shalt  }
0x86: {  	_ =	shalt  }
0x87: {  	_ =	shalt  }
.Lfunc_end0:
.L_simem_size_0:
called_computation_lowered:
.L_overlay_start_0:
0x88: {  	s2 =	sld [smem:$0x3FD9]  }
0x89: {  	s3 =	sld [smem:$0x3FFE];
	_ =	sdelay $0x1  }
0x8a: {  	s1 =	srdreg.scid  }
0x8b: {  	s0 =	sand.u32 $0x1, s1  }
0x8c: {  	s17 =	sshll.u32 s0, $0xA;
	s2 =	sadd.s32 s3, s2  }
0x8d: {  	s2 =	sadd.s32 s2, s17  }
0x8e: {  	[smem:$0x3FC0] =	sst s2  }
0x8f: {  	_ = 	snop  }
0x90: {  	s2 =	sld [smem:$0x3FC9]  }
0x91: {  	s18 =	sld [smem:$0x3FC8];
	(tm) =	ssettm $0x1  }
0x92: {  	s4 =	sld [smem:$0x3FFB];
	_ =	sdelay $0x3  }
0x93: {  	_ =	strace s4  }
0x94: {  	s4 =	sld [smem:$0x3FFC];
	_ =	sdelay $0x3  }
0x95: {  	_ =	strace s4  }
0x96: {  	s4 =	sld [smem:$0x3FFD];
	_ =	sdelay $0x3  }
0x97: {  	_ =	strace s4  }
0x98: {  	_ =	strace $0x8FFFFFFF  }
0x99: {  	s19 =	sld [smem:$0x3FDB];
	_ =	sdelay $0x1  }
0x9a: {  	s5 =	simm.s32 $_scs_section_size  }
0x9b: {  	s6 =	simm.s32 $_size__tile_overlayer_lowered;
	s7 =	simm.s32 $_tile_overlayer_lowered  }
0x9c: {  	s22 =	simm.s32 $0x1BFF;
	s21 =	sshll.u32 s7, $0x1;
	s4 =	sadd.s32 s5, s19  }
0x9d: {  	s8 =	simm.s32 $0x0;
	s20 =	sshll.u32 s6, $0x1;
	s6 =	sadd.s32 s21, s4  }
0x9e: {  	[timem:s8], [sflag:s22] =	dma.local [hbm:s6], s20  }
0x9f: {  	_ =	swait.ge [sflag:s22], s20  }
0xa0: {  	s5 =	ssub.s32 $0x0, s20;
	[sflag:s22] =	ssyncset.done $0x0  }
0xa1: {  	[sflag:s22] =	ssyncadd.s32 s5;
	_ =	sdelay $0x1  }
0xa2: {  	s23 =	simm.s32 $0x1B8B  }
0xa3: {  	_ =	swait.ge [sflag:s23], $0x1  }
0xa4: {  	[sflag:s23] =	ssyncset.done $0x0  }
0xa5: {  	s25 =	simm.s32 $0x1B8E;
	s24 =	sld [smem:$0x3FFE];
	[sflag:s23] =	ssyncadd.s32 $0xFFFFFFFF  }
0xa6: {  	s26 =	simm.s32 $execute0_lowered;
	[smem:$0x3FD2] =	sst s25  }
0xa7: {  	s6 =	sshll.u32 s26, $0x1;
	_ =	strace $0x80000046;
	[dreg:$0x1] =	wrdreg $0xFFFFFFFF  }
0xa8: {  	s28 =	simm.s32 $_size_execute0_lowered;
	s4 =	sadd.s32 s4, s6;
	[dreg:$0x0] =	wrdreg $0x0  }
0xa9: {  	s6 =	sshll.u32 s28, $0x1;
	[dreg:$0x2] =	wrdreg s4  }
0xaa: {  	[dreg:$0x3] =	wrdreg s6  }
0xab: {  	[dreg:$0x4] =	wrdreg $0xC0  }
0xac: {  	_ =	task [dreg:s8], $0x5FFFF  }
0xad: {  	[dreg:$0x1] =	wrdreg $0xFFFFFFFF  }
0xae: {  	[dreg:$0x0] =	wrdreg $0x60  }
0xaf: {  	[dreg:$0x2] =	wrdreg s2  }
0xb0: {  	[dreg:$0x3] =	wrdreg s18  }
0xb1: {  	[dreg:$0x4] =	wrdreg s24  }
0xb2: {  	[dreg:$0x5] =	wrdreg $0xC3000  }
0xb3: {  	[dreg:$0x6] =	wrdreg $0x9  }
0xb4: {  	_ =	task.clear_ibuf [dreg:s8], $0x7FFFF;
	_ =	strace $0x90000046  }
0xb5: {  	s29 =	simm.s32 $0x9;
	_ =	strace $0x80000048  }
0xb6: {  	_ =	swait.ge [sflag:s29], $0x1  }
0xb7: {  	[sflag:s29] =	ssyncadd.s32 $0xFFFFFFFF  }
0xb8: {  	_ =	strace $0x90000048  }
0xb9: {  	_ =	sfence  }
0xba: {  	s30 =	sld [smem:$0x0];
	_ =	sdelay $0x2  }
0xbb: {  	s31 =	sshll.u32 s1, $0xD;
	s1 =	sshrl.u32 s1, $0x2  }
0xbc: {  	s3 =	sand.u32 $0x4000, s31;
	s1 =	sadd.s32 s1, s30  }
0xbd: {  	s0 =	sor.u32 s3, s0;
	s1 =	sshll.u32 s1, $0x11  }
0xbe: {  	s0 =	sor.u32 s1, s0  }
0xbf: {  	s0 =	sadd.s32 $0x8F2B, s0  }
0xc0: {  	[sflag:s0] =	ssyncadd.remote.s32 $0x1  }
0xc1: {  	_ =	sfence.sel $0xFFFF  }
0xc2: {  	[dreg:$0x0] =	wrdreg $0xFFFFFFFF;
	(pc) =	sbr.abs _section_cstart, $3  }
0xc3: {  	[dreg:$0x1] =	wrdreg $0xFFFFFFFF  }
0xc4: {  	_ =	task.clear_ibuf [dreg:s8], $0x2FFFF;
	_ =	strace $0x9FFFFFFF  }
0xc5: {  	(tm) =	ssettm $0x7FFFFFFF  }
tec
execute0_lowered:
.L_overlay_start_1:
0x0: {  	(tag) =	ssettag $0x1  }
0x1: {  	s1 =	rddreg [dreg:$0x0]  }
0x2: {  	s0 =	rddreg [dreg:$0x1]  }
0x3: {  	s4 =	rddreg [dreg:$0x2]  }
0x4: {  	s2 =	rddreg [dreg:$0x3]  }
0x5: {  	s3 =	simm.s32 $0x0;
	s5 =	srdreg.scid;
	s14 =	stileid.u32  }
0x6: {  	s28 =	simm.s32 $0x200;
	s29 =	simm.s32 $0x8300;
	s17 =	smul.u32 $0x4E000, s14  }
0x7: {  	s30 =	simm.s32 $0x1;
	s31 =	simm.s32 $0x4;
	s11 =	smul.u32 $0x2700, s14  }
0x8: {  	[smem:$0x7FF] =	sst s3;
	s6 =	sand.u32 $0x1, s5;
	s26 =	smul.u32 $0x9C0, s14  }
0x9: {  	s4 =	sadd.s32 $0x1E00, s4;
	s22 =	sshll.u32 s14, $0x5;
	s13 =	smul.u32 $0x138800, s6  }
0xa: {  	p0 =	sne.s32 s14, $0xF;
	s5 =	sshll.u32 s6, $0x4;
	s23 =	smul.u32 $0x27100, s6  }
0xb: {  	s7 =	ssub.s32 $0x2, s6;
	s6 =	smul.u32 $0x9C00, s6;
	s9 =	sor.u32 s14, s5  }
0xc: {  	_ =	strace $0x80000047;
	s8 =	sshrl.u32 s7, $0x1;
	s10 =	smul.u32 $0x4E00, s9  }
0xd: {  	s5 =	sshrl.u32 s17, $0x2;
	s7 =	ssub.s32 s7, s8;
	s18 =	smul.u32 $0x9C0, s9  }
0xe: {  	s5 =	sadd.s32 s5, s2;
	s8 =	sadd.s32 $0x138000, s2;
	s25 =	sshrl.u32 s13, $0x3  }
0xf: {  	s11 =	sadd.s32 s11, s23;
	s23 =	simm.s32 $0x7;
	p1 =	sgt.u32 s9, $0x3  }
0x10: {  	s9 =	simm.s32 $0x3;
	s12 =	sadd.s32 $0x10000, s5;
	s17 =	smax.u32 s7, $0x1  }
0x11: {  	s10 =	sshrl.u32 s10, $0x3;
	[dreg:$0x5] =	wrdreg s12;
	s19 =	sadd.s32 s0, s18  }
0x12: {  	s10 =	sadd.s32 s0, s10;
	[dreg:$0x6] =	wrdreg s19;
	s12 =	sadd.s32 $0x20, s19  }
0x13: {  	s18 =	sadd.s32 $0x4000, s5;
	[dreg:$0x7] =	wrdreg s12;
	s20 =	sadd.s32 $0x40, s10  }
0x14: {  	s19 =	sadd.s32 $0x8000, s5;
	s21 =	sadd.s32 $0x60, s10;
	[dreg:$0x8] =	wrdreg s20  }
0x15: {  	s15 =	sadd.s32 $0x80, s10;
	s12 =	sadd.s32 s22, s0;
	[dreg:$0x9] =	wrdreg s21  }
0x16: {  	s10 =	sadd.s32 $0x9A0, s10;
	s0 =	sadd.s32 s6, s0;
	[dreg:$0xa] =	wrdreg s15  }
0x17: {  	s22 =	simm.s32 $0x300;
	s6 =	simm.s32 $0x5;
	[dreg:$0xb] =	wrdreg s10  }
0x18: {  	s24 =	sadd.s32 $0x13800, s12;
	s10 =	sadd.s32 s4, s25;
	s15 =	sadd.s32 s4, s11  }
0x19: {  	s20 =	sadd.s32 $0xC000, s5;
	s21 =	sadd.s32 s26, s0;
	s25 =	simm.s32 $0x100  }
0x1a: {  	s26 =	simm.s32 $0x4300;
	s0 =	simm.s32 $0x2;
	s4 =	simm.s32 $0x180  }
0x1b: {  	s11 =	simm.s32 $0x6;
	s12 =	simm.s32 $0x0;
	[dreg:$0xc] =	wrdreg s24  }
0x1c: {  	v0 =	vimm.f32 $0.0e+00;
	s16 =	sadd.s32 $0x27000, s10;
	s24 =	simm.s32 $0x80;
	s10 =	simm.s32 $0x280  }
.LBB2_1:
0x1d: {  	s7 =	simm.s32 $0x0;
	s13 =	simm.s32 $0x200  }
.LBB2_2:
0x1e: {  	p2 =	sne.s32 s13, $0xFE00;
	[tilespmem:s7+$0x370] =	vst v0  }
0x1f: {  	[tilespmem:s7+$0x300] =	vst v0  }
0x20: {  	[tilespmem:s7+$0x310] =	vst v0  }
.Ltmp0:
0x21: {  	[tilespmem:s7+$0x320] =	vst v0;
	(pc) =	sbr.rel @p2 .LBB2_2-.Ltmp0, $4  }
0x22: {  	[tilespmem:s7+$0x330] =	vst v0  }
0x23: {  	[tilespmem:s7+$0x340] =	vst v0  }
0x24: {  	[tilespmem:s7+$0x350] =	vst v0  }
0x25: {  	[tilespmem:s7+$0x360] =	vst v0;
	s7 =	sshra.s32 s13, $0x2;
	s13 =	sadd.s32 $0x200, s13  }
0x26: {  	[tilespmem:s7+$0x370] =	vst v0  }
0x27: {  	[tilespmem:s7+$0x300] =	vst v0  }
0x28: {  	[tilespmem:s7+$0x310] =	vst v0  }
0x29: {  	[tilespmem:s7+$0x320] =	vst v0  }
0x2a: {  	[tilespmem:s7+$0x330] =	vst v0  }
0x2b: {  	[tilespmem:s7+$0x340] =	vst v0  }
0x2c: {  	[tilespmem:s7+$0x350] =	vst v0  }
0x2d: {  	[tilespmem:s7+$0x360] =	vst v0  }
0x2e: {  	[spmem:s5] =	stream.linear.scatter [tilespmem:s22], [sflag:$0x7], $0x4000, $0x38;
	[tilespmem:$0x1FB80] =	vst v63  }
0x2f: {  	_ =	swait.ge [sflag:s23], $0x4000  }
0x30: {  	[sflag:s23] =	ssyncset.done $0x0  }
0x31: {  	[sflag:s23] =	ssyncadd.s32 $0xFFFFC000  }
0x32: {  	[spmem:s18] =	stream.linear.scatter [tilespmem:s22], [sflag:$0x7], $0x4000, $0x38;
	[tilespmem:$0x1FB80] =	vst v63  }
0x33: {  	_ =	swait.ge [sflag:s23], $0x4000  }
0x34: {  	[sflag:s23] =	ssyncset.done $0x0  }
0x35: {  	[sflag:s23] =	ssyncadd.s32 $0xFFFFC000  }
0x36: {  	[spmem:s19] =	stream.linear.scatter [tilespmem:s22], [sflag:$0x7], $0x4000, $0x38;
	[tilespmem:$0x1FB80] =	vst v63  }
0x37: {  	_ =	swait.ge [sflag:s23], $0x4000  }
0x38: {  	[sflag:s23] =	ssyncset.done $0x0  }
0x39: {  	[sflag:s23] =	ssyncadd.s32 $0xFFFFC000  }
0x3a: {  	[spmem:s20] =	stream.linear.scatter [tilespmem:s22], [sflag:$0x7], $0x4000, $0x38;
	[tilespmem:$0x1FB80] =	vst v63  }
0x3b: {  	_ =	swait.ge [sflag:s23], $0x4000  }
0x3c: {  	[sflag:s23] =	ssyncset.done $0x0  }
0x3d: {  	s14 =	rddreg [dreg:$0x5];
	[sflag:s23] =	ssyncadd.s32 $0xFFFFC000  }
0x3e: {  	[spmem:s14] =	stream.linear.scatter [tilespmem:s22], [sflag:$0x7], $0x3800, $0x38;
	[tilespmem:$0x1FB80] =	vst v63  }
0x3f: {  	_ =	swait.ge [sflag:s23], $0x3800  }
0x40: {  	[sflag:s23] =	ssyncset.done $0x0  }
0x41: {  	s7 =	simm.s32 @!p0 $0x300;
	[sflag:s23] =	ssyncadd.s32 $0xFFFFC800  }
0x42: {  	[spmem:s8] =	stream.linear.scatter @!p0 [tilespmem:s7], [sflag:$0x7], $0x800, $0x38;
	[tilespmem:$0x1FB80] =	vst v63  }
0x43: {  	s7 =	simm.s32 @!p0 $0x7  }
0x44: {  	_ =	swait.ge @!p0 [sflag:s7], $0x800  }
0x45: {  	[sflag:s7] =	ssyncset.done @!p0 $0x0  }
0x46: {  	[sflag:s7] =	ssyncadd.s32 @!p0 $0xFFFFF800  }
0x47: {  	[bflag:$0x0] =	sbarrier.arrive $0xFFFF  }
0x48: {  	s13 =	rddreg [dreg:$0x6]  }
0x49: {  	[tilespmem:s3], [sflag:$0x7] =	stream.linear.gather [hbm4b:s13+s3], $0x100, $0x38;
	[tilespmem:$0x1FB80] =	vst v63  }
0x4a: {  	_ =	swait.ge [sflag:s23], $0x100  }
0x4b: {  	[sflag:s23] =	ssyncset.done $0x0  }
0x4c: {  	[sflag:s23] =	ssyncadd.s32 $0xFFFFFF00  }
0x4d: {  	[tilespmem:s22], [sflag:$0x1] =	stream.indirect.gather [hbm4b:s1+s24], $0x80, s3, s24, $0xb8;
	[tilespmem:$0x1FB80] =	vst v63  }
0x4e: {  	s14 =	rddreg [dreg:$0x7]  }
0x4f: {  	[tilespmem:s25], [sflag:$0x7] =	stream.linear.gather [hbm4b:s14+s3], $0x100, $0x38;
	[tilespmem:$0x1FB80] =	vst v63  }
0x50: {  	_ =	swait.ge [sflag:s23], $0x100  }
0x51: {  	[sflag:s23] =	ssyncset.done $0x0  }
0x52: {  	[sflag:s23] =	ssyncadd.s32 $0xFFFFFF00  }
0x53: {  	[tilespmem:s26], [sflag:$0x2] =	stream.indirect.gather [hbm4b:s1+s24], $0x80, s25, s24, $0xb8;
	[tilespmem:$0x1FB80] =	vst v63  }
0x54: {  	s13 =	rddreg [dreg:$0x8]  }
0x55: {  	[tilespmem:s28], [sflag:$0x7] =	stream.linear.gather [hbm4b:s13+s3], $0x100, $0x38;
	[tilespmem:$0x1FB80] =	vst v63  }
0x56: {  	_ =	swait.ge [sflag:s23], $0x100  }
0x57: {  	[sflag:s23] =	ssyncset.done $0x0  }
0x58: {  	[sflag:s23] =	ssyncadd.s32 $0xFFFFFF00  }
0x59: {  	[tilespmem:s29], [sflag:$0x3] =	stream.indirect.gather [hbm4b:s1+s24], $0x80, s28, s24, $0xb8;
	[tilespmem:$0x1FB80] =	vst v63  }
0x5a: {  	_ =	swait.ge [sflag:s30], $0x4000  }
0x5b: {  	[sflag:s30] =	ssyncset.done $0x0  }
0x5c: {  	[sflag:s30] =	ssyncadd.s32 $0xFFFFC000  }
0x5d: {  	[spmem:s2] =	stream.indirect.scatter.add.f32 [tilespmem:s22], [sflag:$0x4], $0x80, s24, s24, $0xb8;
	[tilespmem:$0x1FB80] =	vst v63  }
0x5e: {  	_ =	swait.ge [sflag:s31], $0x4000  }
0x5f: {  	[sflag:s31] =	ssyncset.done $0x0  }
0x60: {  	s14 =	rddreg [dreg:$0x9];
	[sflag:s31] =	ssyncadd.s32 $0xFFFFC000  }
0x61: {  	[tilespmem:s3], [sflag:$0x7] =	stream.linear.gather [hbm4b:s14+s3], $0x100, $0x38;
	[tilespmem:$0x1FB80] =	vst v63  }
0x62: {  	_ =	swait.ge [sflag:s23], $0x100  }
0x63: {  	[sflag:s23] =	ssyncset.done $0x0  }
0x64: {  	[sflag:s23] =	ssyncadd.s32 $0xFFFFFF00  }
0x65: {  	[tilespmem:s22], [sflag:$0x1] =	stream.indirect.gather [hbm4b:s1+s24], $0x80, s3, s24, $0xb8;
	[tilespmem:$0x1FB80] =	vst v63  }
0x66: {  	_ =	swait.ge [sflag:s0], $0x4000  }
0x67: {  	[sflag:s0] =	ssyncset.done $0x0  }
0x68: {  	[sflag:s0] =	ssyncadd.s32 $0xFFFFC000  }
0x69: {  	[spmem:s2] =	stream.indirect.scatter.add.f32 [tilespmem:s26], [sflag:$0x5], $0x80, s4, s24, $0xb8;
	[tilespmem:$0x1FB80] =	vst v63  }
0x6a: {  	_ =	swait.ge [sflag:s6], $0x4000  }
0x6b: {  	[sflag:s6] =	ssyncset.done $0x0  }
0x6c: {  	s13 =	rddreg [dreg:$0xa];
	[sflag:s6] =	ssyncadd.s32 $0xFFFFC000  }
0x6d: {  	[tilespmem:s25], [sflag:$0x7] =	stream.linear.gather [hbm4b:s13+s3], $0x100, $0x38;
	[tilespmem:$0x1FB80] =	vst v63  }
0x6e: {  	_ =	swait.ge [sflag:s23], $0x100  }
0x6f: {  	[sflag:s23] =	ssyncset.done $0x0  }
0x70: {  	[sflag:s23] =	ssyncadd.s32 $0xFFFFFF00  }
0x71: {  	[tilespmem:s26], [sflag:$0x2] =	stream.indirect.gather [hbm4b:s1+s24], $0x80, s25, s24, $0xb8;
	[tilespmem:$0x1FB80] =	vst v63  }
0x72: {  	_ =	swait.ge [sflag:s9], $0x4000  }
0x73: {  	[sflag:s9] =	ssyncset.done $0x0  }
0x74: {  	[sflag:s9] =	ssyncadd.s32 $0xFFFFC000  }
0x75: {  	[spmem:s2] =	stream.indirect.scatter.add.f32 [tilespmem:s29], [sflag:$0x6], $0x80, s10, s24, $0xb8;
	[tilespmem:$0x1FB80] =	vst v63  }
0x76: {  	_ =	swait.ge [sflag:s11], $0x4000  }
0x77: {  	s7 =	sadd.s32 $0xFFFFF700, s21;
	[sflag:s11] =	ssyncset.done $0x0  }
0x78: {  	s13 =	sadd.s32 $0x9A0, s7;
	[sflag:s11] =	ssyncadd.s32 $0xFFFFC000  }
0x79: {  	[tilespmem:s28], [sflag:$0x7] =	stream.linear.gather [hbm4b:s13+s3], $0x100, $0x38;
	[tilespmem:$0x1FB80] =	vst v63  }
0x7a: {  	_ =	swait.ge [sflag:s23], $0x100  }
0x7b: {  	[sflag:s23] =	ssyncset.done $0x0  }
0x7c: {  	[sflag:s23] =	ssyncadd.s32 $0xFFFFFF00  }
0x7d: {  	[tilespmem:s29], [sflag:$0x3] =	stream.indirect.gather [hbm4b:s1+s24], $0x80, s28, s24, $0xb8;
	[tilespmem:$0x1FB80] =	vst v63  }
0x7e: {  	_ =	swait.ge [sflag:s30], $0x4000  }
0x7f: {  	[sflag:s30] =	ssyncset.done $0x0  }
0x80: {  	[sflag:s30] =	ssyncadd.s32 $0xFFFFC000  }
0x81: {  	[spmem:s2] =	stream.indirect.scatter.add.f32 [tilespmem:s22], [sflag:$0x4], $0x80, s24, s24, $0xb8;
	[tilespmem:$0x1FB80] =	vst v63  }
0x82: {  	_ =	swait.ge [sflag:s31], $0x4000  }
0x83: {  	[sflag:s31] =	ssyncset.done $0x0  }
0x84: {  	s14 =	sadd.s32 $0x9C0, s7;
	[sflag:s31] =	ssyncadd.s32 $0xFFFFC000  }
0x85: {  	[tilespmem:s3], [sflag:$0x7] =	stream.linear.gather [hbm4b:s14+s3], $0x100, $0x38;
	[tilespmem:$0x1FB80] =	vst v63  }
0x86: {  	_ =	swait.ge [sflag:s23], $0x100  }
0x87: {  	[sflag:s23] =	ssyncset.done $0x0  }
0x88: {  	[sflag:s23] =	ssyncadd.s32 $0xFFFFFF00  }
0x89: {  	[tilespmem:s22], [sflag:$0x1] =	stream.indirect.gather [hbm4b:s1+s24], $0x80, s3, s24, $0xb8;
	[tilespmem:$0x1FB80] =	vst v63  }
0x8a: {  	_ =	swait.ge [sflag:s0], $0x4000  }
0x8b: {  	[sflag:s0] =	ssyncset.done $0x0  }
0x8c: {  	[sflag:s0] =	ssyncadd.s32 $0xFFFFC000  }
0x8d: {  	[spmem:s2] =	stream.indirect.scatter.add.f32 [tilespmem:s26], [sflag:$0x5], $0x80, s4, s24, $0xb8;
	[tilespmem:$0x1FB80] =	vst v63  }
0x8e: {  	_ =	swait.ge [sflag:s6], $0x4000  }
0x8f: {  	[sflag:s6] =	ssyncset.done $0x0  }
0x90: {  	s7 =	sadd.s32 $0x9E0, s7;
	[sflag:s6] =	ssyncadd.s32 $0xFFFFC000  }
0x91: {  	[tilespmem:s25], [sflag:$0x7] =	stream.linear.gather [hbm4b:s7+s3], $0x100, $0x38;
	[tilespmem:$0x1FB80] =	vst v63  }
0x92: {  	_ =	swait.ge [sflag:s23], $0x100  }
0x93: {  	[sflag:s23] =	ssyncset.done $0x0  }
0x94: {  	[sflag:s23] =	ssyncadd.s32 $0xFFFFFF00  }
0x95: {  	[tilespmem:s26], [sflag:$0x2] =	stream.indirect.gather [hbm4b:s1+s24], $0x80, s25, s24, $0xb8;
	[tilespmem:$0x1FB80] =	vst v63  }
0x96: {  	_ =	swait.ge [sflag:s9], $0x4000  }
0x97: {  	[sflag:s9] =	ssyncset.done $0x0  }
0x98: {  	s7 =	simm.s32 $0xFFFFF760;
	[sflag:s9] =	ssyncadd.s32 $0xFFFFC000  }
.LBB2_4:
0x99: {  	[spmem:s2] =	stream.indirect.scatter.add.f32 [tilespmem:s29], [sflag:$0x6], $0x80, s10, s24, $0xb8;
	[tilespmem:$0x1FB80] =	vst v63  }
0x9a: {  	s13 =	smov.u32 s7  }
0x9b: {  	p2 =	sne.s32 s7, $0xFFFFFFA0;
	s7 =	sadd.s32 $0x60, s7;
	_ =	swait.ge [sflag:s11], $0x4000  }
0x9c: {  	s13 =	sadd.s32 s13, s21;
	[sflag:s11] =	ssyncset.done $0x0  }
0x9d: {  	s14 =	sadd.s32 $0x9A0, s13;
	[sflag:s11] =	ssyncadd.s32 $0xFFFFC000  }
0x9e: {  	[tilespmem:s28], [sflag:$0x7] =	stream.linear.gather [hbm4b:s14+s3], $0x100, $0x38;
	[tilespmem:$0x1FB80] =	vst v63  }
0x9f: {  	_ =	swait.ge [sflag:s23], $0x100  }
0xa0: {  	[sflag:s23] =	ssyncset.done $0x0  }
0xa1: {  	[sflag:s23] =	ssyncadd.s32 $0xFFFFFF00  }
0xa2: {  	[tilespmem:s29], [sflag:$0x3] =	stream.indirect.gather [hbm4b:s1+s24], $0x80, s28, s24, $0xb8;
	[tilespmem:$0x1FB80] =	vst v63  }
0xa3: {  	_ =	swait.ge [sflag:s30], $0x4000  }
0xa4: {  	[sflag:s30] =	ssyncset.done $0x0  }
0xa5: {  	[sflag:s30] =	ssyncadd.s32 $0xFFFFC000  }
0xa6: {  	[spmem:s2] =	stream.indirect.scatter.add.f32 [tilespmem:s22], [sflag:$0x4], $0x80, s24, s24, $0xb8;
	[tilespmem:$0x1FB80] =	vst v63  }
0xa7: {  	_ =	swait.ge [sflag:s31], $0x4000  }
0xa8: {  	[sflag:s31] =	ssyncset.done $0x0  }
0xa9: {  	s14 =	sadd.s32 $0x9C0, s13;
	[sflag:s31] =	ssyncadd.s32 $0xFFFFC000  }
0xaa: {  	[tilespmem:s3], [sflag:$0x7] =	stream.linear.gather [hbm4b:s14+s3], $0x100, $0x38;
	[tilespmem:$0x1FB80] =	vst v63  }
0xab: {  	_ =	swait.ge [sflag:s23], $0x100  }
0xac: {  	[sflag:s23] =	ssyncset.done $0x0  }
0xad: {  	[sflag:s23] =	ssyncadd.s32 $0xFFFFFF00  }
0xae: {  	[tilespmem:s22], [sflag:$0x1] =	stream.indirect.gather [hbm4b:s1+s24], $0x80, s3, s24, $0xb8;
	[tilespmem:$0x1FB80] =	vst v63  }
0xaf: {  	_ =	swait.ge [sflag:s0], $0x4000  }
0xb0: {  	[sflag:s0] =	ssyncset.done $0x0  }
0xb1: {  	[sflag:s0] =	ssyncadd.s32 $0xFFFFC000  }
0xb2: {  	[spmem:s2] =	stream.indirect.scatter.add.f32 [tilespmem:s26], [sflag:$0x5], $0x80, s4, s24, $0xb8;
	[tilespmem:$0x1FB80] =	vst v63  }
0xb3: {  	_ =	swait.ge [sflag:s6], $0x4000  }
0xb4: {  	[sflag:s6] =	ssyncset.done $0x0  }
0xb5: {  	s13 =	sadd.s32 $0x9E0, s13;
	[sflag:s6] =	ssyncadd.s32 $0xFFFFC000  }
0xb6: {  	[tilespmem:s25], [sflag:$0x7] =	stream.linear.gather [hbm4b:s13+s3], $0x100, $0x38;
	[tilespmem:$0x1FB80] =	vst v63  }
0xb7: {  	_ =	swait.ge [sflag:s23], $0x100  }
0xb8: {  	[sflag:s23] =	ssyncset.done $0x0  }
.Ltmp1:
0xb9: {  	[sflag:s23] =	ssyncadd.s32 $0xFFFFFF00;
	(pc) =	sbr.rel @p2 .LBB2_4-.Ltmp1, $4  }
0xba: {  	[tilespmem:s26], [sflag:$0x2] =	stream.indirect.gather [hbm4b:s1+s24], $0x80, s25, s24, $0xb8;
	[tilespmem:$0x1FB80] =	vst v63  }
0xbb: {  	_ =	swait.ge [sflag:s9], $0x4000  }
0xbc: {  	[sflag:s9] =	ssyncset.done $0x0  }
0xbd: {  	[sflag:s9] =	ssyncadd.s32 $0xFFFFC000  }
0xbe: {  	[spmem:s2] =	stream.indirect.scatter.add.f32 [tilespmem:s29], [sflag:$0x6], $0x80, s10, s24, $0xb8;
	[tilespmem:$0x1FB80] =	vst v63  }
0xbf: {  	_ =	swait.ge [sflag:s11], $0x4000  }
0xc0: {  	[sflag:s11] =	ssyncset.done $0x0  }
0xc1: {  	s7 =	rddreg [dreg:$0xb];
	[sflag:s11] =	ssyncadd.s32 $0xFFFFC000  }
0xc2: {  	[tilespmem:s28], [sflag:$0x7] =	stream.linear.gather [hbm4b:s7+s3], $0x100, $0x38;
	[tilespmem:$0x1FB80] =	vst v63  }
0xc3: {  	_ =	swait.ge [sflag:s23], $0x100  }
0xc4: {  	[sflag:s23] =	ssyncset.done $0x0  }
0xc5: {  	[sflag:s23] =	ssyncadd.s32 $0xFFFFFF00  }
0xc6: {  	[tilespmem:s29], [sflag:$0x3] =	stream.indirect.gather [hbm4b:s1+s24], $0x80, s28, s24, $0xb8;
	[tilespmem:$0x1FB80] =	vst v63  }
0xc7: {  	_ =	swait.ge [sflag:s30], $0x4000  }
0xc8: {  	[sflag:s30] =	ssyncset.done $0x0  }
0xc9: {  	[sflag:s30] =	ssyncadd.s32 $0xFFFFC000  }
0xca: {  	[spmem:s2] =	stream.indirect.scatter.add.f32 [tilespmem:s22], [sflag:$0x4], $0x80, s24, s24, $0xb8;
	[tilespmem:$0x1FB80] =	vst v63  }
0xcb: {  	_ =	swait.ge [sflag:s31], $0x4000  }
0xcc: {  	[sflag:s31] =	ssyncset.done $0x0  }
0xcd: {  	[sflag:s31] =	ssyncadd.s32 $0xFFFFC000  }
0xce: {  	_ =	swait.ge [sflag:s0], $0x4000  }
0xcf: {  	[sflag:s0] =	ssyncset.done $0x0  }
0xd0: {  	[sflag:s0] =	ssyncadd.s32 $0xFFFFC000  }
0xd1: {  	[spmem:s2] =	stream.indirect.scatter.add.f32 [tilespmem:s26], [sflag:$0x5], $0x80, s4, s24, $0xb8;
	[tilespmem:$0x1FB80] =	vst v63  }
0xd2: {  	_ =	swait.ge [sflag:s6], $0x4000  }
0xd3: {  	[sflag:s6] =	ssyncset.done $0x0  }
0xd4: {  	[sflag:s6] =	ssyncadd.s32 $0xFFFFC000  }
0xd5: {  	_ =	swait.ge [sflag:s9], $0x4000  }
0xd6: {  	[sflag:s9] =	ssyncset.done $0x0  }
0xd7: {  	[sflag:s9] =	ssyncadd.s32 $0xFFFFC000  }
0xd8: {  	[spmem:s2] =	stream.indirect.scatter.add.f32 [tilespmem:s29], [sflag:$0x6], $0x80, s10, s24, $0xb8;
	[tilespmem:$0x1FB80] =	vst v63  }
0xd9: {  	_ =	swait.ge [sflag:s11], $0x4000  }
0xda: {  	[sflag:s11] =	ssyncset.done $0x0  }
0xdb: {  	s7 =	simm.s32 @!p1 $0x0;
	s13 =	rddreg [dreg:$0xc];
	[sflag:s11] =	ssyncadd.s32 $0xFFFFC000  }
0xdc: {  	[tilespmem:s7], [sflag:$0x7] =	stream.linear.gather @!p1 [hbm4b:s13+s7], $0x100, $0x38;
	[tilespmem:$0x1FB80] =	vst v63  }
0xdd: {  	s13 =	simm.s32 @!p1 $0x7  }
0xde: {  	_ =	swait.ge @!p1 [sflag:s13], $0x100  }
0xdf: {  	[sflag:s13] =	ssyncset.done @!p1 $0x0  }
0xe0: {  	s14 =	simm.s32 @!p1 $0x300;
	[sflag:s13] =	ssyncadd.s32 @!p1 $0xFFFFFF00;
	s13 =	simm.s32 @!p1 $0x80  }
0xe1: {  	[tilespmem:s14], [sflag:$0x1] =	stream.indirect.gather @!p1 [hbm4b:s1+s13], $0x80, s7, s13, $0xb8;
	[tilespmem:$0x1FB80] =	vst v63  }
0xe2: {  	s7 =	simm.s32 @!p1 $0x1  }
0xe3: {  	_ =	swait.ge @!p1 [sflag:s7], $0x4000  }
0xe4: {  	[sflag:s7] =	ssyncset.done @!p1 $0x0  }
0xe5: {  	[sflag:s7] =	ssyncadd.s32 @!p1 $0xFFFFC000;
	s7 =	simm.s32 @!p1 $0x4  }
0xe6: {  	[spmem:s2] =	stream.indirect.scatter.add.f32 @!p1 [tilespmem:s14], [sflag:$0x4], $0x80, s13, s13, $0xb8;
	[tilespmem:$0x1FB80] =	vst v63  }
0xe7: {  	_ =	swait.ge @!p1 [sflag:s7], $0x4000  }
0xe8: {  	s13 =	stileid.u32;
	[sflag:s7] =	ssyncset.done @!p1 $0x0  }
0xe9: {  	[sflag:s7] =	ssyncadd.s32 @!p1 $0xFFFFC000;
	s7 =	sshll.u32 s13, $0x6  }
0xea: {  	s14 =	sshrl.u32 s5, $0x3;
	[bflag:$0x0] =	sbarrier.arrive $0xFFFF;
	s7 =	sor.u32 $0x1C07, s7  }
0xeb: {  	[hbm:s15], [sflag:s7] =	dma.local [spmem:s14], $0x2700  }
0xec: {  	_ =	swait.ge [sflag:s23], $0x2700  }
0xed: {  	s12 =	sadd.s32 $0x1, s12;
	[sflag:s23] =	ssyncset.done $0x0  }
0xee: {  	p2 =	sne.s32 s12, s17;
	s13 =	sshrl.u32 @!p0 s8, $0x3;
	[sflag:s23] =	ssyncadd.s32 $0xFFFFD900  }
0xef: {  	[hbm:s16], [sflag:s7] =	dma.local @!p0 [spmem:s13], $0x100  }
.Ltmp2:
0xf0: {  	_ = 	snop;
	(pc) =	sbr.rel @p2 .LBB2_1-.Ltmp2, $4  }
0xf1: {  	s7 =	simm.s32 @!p0 $0x7  }
0xf2: {  	_ =	swait.ge @!p0 [sflag:s7], $0x100  }
0xf3: {  	[sflag:s7] =	ssyncset.done @!p0 $0x0  }
0xf4: {  	[sflag:s7] =	ssyncadd.s32 @!p0 $0xFFFFFF00  }
0xf5: {  	_ =	sfence.sel $0x180000  }
0xf6: {  	[bflag:$0x0] =	sbarrier.arrive $0xFFFF  }
0xf7: {  	_ =	strace $0x90000047  }
0xf8: {  	s0 =	stileid.u32;
	[bflag:$0x2] =	sbarrier.arrive $0xFFFF  }
0xf9: {  	p0 =	sne.s32 s0, $0x0;
	s0 =	rddreg [dreg:$0x4]  }
0xfa: {  	s0 =	sadd.s32 @!p0 $0x100000, s0  }
0xfb: {  	[sflag:s0] =	ssyncadd.tile.s32 @!p0 $0x1;
	_ =	shalt  }
.Lfunc_end2:
_tile_overlayer_lowered:
.L_overlay_start_2:
0xfc: {  	(tag) =	ssettag $0x2  }
0xfd: {  	s0 =	rddreg [dreg:$0x0];
	s2 =	stileid.u32  }
0xfe: {  	s1 =	rddreg [dreg:$0x1];
	p0 =	sne.s32 s2, $0x0  }
0xff: {  	s3 =	rddreg [dreg:$0x2];
	[bflag:$0x3] =	sbarrier.arrive $0xFFFF;
	s2 =	simm.s32 @!p0 $0x1C07  }
0x100: {  	[timem:s3], [sflag:s2] =	dma.local @!p0 [hbm:s0], s1  }
0x101: {  	s0 =	simm.s32 @!p0 $0x7  }
0x102: {  	_ =	swait.ge @!p0 [sflag:s0], s1  }
0x103: {  	s1 =	ssub.s32 @!p0 $0x0, s1;
	[sflag:s0] =	ssyncset.done @!p0 $0x0  }
0x104: {  	[sflag:s0] =	ssyncadd.s32 @!p0 s1  }
0x105: {  	[bflag:$0x3] =	sbarrier.arrive $0xFFFF  }
0x106: {  	_ =	shalt  }

</sc_bundles>
